<compile_context>
chip_gen: v7x
topology: tpu7x:2x2x1
jax: 0.10.2.dev20260603
libtpu: 0.0.44.dev20260713+nightly
codegen_flags: <defaults>
</compile_context>

<pallas_src>
import functools

import jax
import jax.numpy as jnp
from jax import lax
from jax.experimental import pallas as pl
from jax.experimental.pallas import tpu as pltpu
from jax.experimental.pallas import tpu_sc as plsc

D_EMBED = 64
EMB_SCALE = 8.0
NUM_WORKERS = 32
BT = 128
HIST = 200
NBUF = 4
LANES = 16


def _sc_embed(idx4, emb_table):
    mesh = plsc.VectorSubcoreMesh(core_axis_name="c", subcore_axis_name="s")

    row_buf = pltpu.VMEM((BT, D_EMBED), jnp.float32)
    t_buf = pltpu.VMEM((D_EMBED, BT + 1), jnp.float32)
    scratch = (
        [pltpu.VMEM((HIST // 8, 8, BT), jnp.int32)]
        + [row_buf] * NBUF
        + [t_buf] * NBUF
        + [pltpu.SemaphoreType.DMA] * (2 * NBUF)
    )

    @functools.partial(
        pl.kernel,
        mesh=mesh,
        out_type=jax.ShapeDtypeStruct(
            (HIST, 8, NUM_WORKERS, 8, BT), jnp.float32
        ),
        scratch_types=scratch,
        compiler_params=pltpu.CompilerParams(
            use_tc_tiling_on_sc=False,
            needs_layout_passes=False,
            skip_device_barrier=True,
        ),
    )
    def k(idx_hbm, table_hbm, out_hbm, idx_v, *bufs):
        rbufs = bufs[:NBUF]
        tbufs = bufs[NBUF : 2 * NBUF]
        gsems = bufs[2 * NBUF : 3 * NBUF]
        ssems = bufs[3 * NBUF :]

        wid = lax.axis_index("s") * 2 + lax.axis_index("c")
        pltpu.sync_copy(idx_hbm.at[:, wid], idx_v)

        iota = lax.iota(jnp.int32, LANES)
        dvecs = [iota + 16 * q for q in range(D_EMBED // LANES)]

        def gather(h, b):
            pltpu.async_copy(
                table_hbm.at[idx_v.at[h >> 3, h & 7]], rbufs[b], gsems[b]
            )

        def gather_wait(h, b):
            pltpu.make_async_copy(
                table_hbm.at[idx_v.at[h >> 3, h & 7]], rbufs[b], gsems[b]
            ).wait()

        def store(h, b):
            for dt in range(8):
                pltpu.async_copy(
                    tbufs[b].at[pl.ds(dt * 8, 8), pl.ds(0, BT)],
                    out_hbm.at[h, dt, wid],
                    ssems[b],
                )

        def store_wait(h, b):
            for dt in range(8):
                pltpu.make_async_copy(
                    tbufs[b].at[pl.ds(dt * 8, 8), pl.ds(0, BT)],
                    out_hbm.at[h, dt, wid],
                    ssems[b],
                ).wait()

        def transpose_scale(b):
            r, t = rbufs[b], tbufs[b]

            @plsc.parallel_loop(0, BT, 1, unroll=8)
            def body(i):
                bvec = jnp.full((LANES,), 0, jnp.int32) + i
                for q in range(D_EMBED // LANES):
                    vals = r[i, pl.ds(16 * q, LANES)] * EMB_SCALE
                    plsc.store_scatter(t, [dvecs[q], bvec], vals)

        for b in range(NBUF):
            gather(b, b)

        rounds = HIST // NBUF

        def visit(rnd, carry):
            for b in range(NBUF):
                h = rnd * NBUF + b
                gather_wait(h, b)

                @pl.when(rnd > 0)
                def _():
                    store_wait(h - NBUF, b)

                transpose_scale(b)
                store(h, b)

                @pl.when(rnd < rounds - 1)
                def _():
                    gather(h + NBUF, b)

            return carry

        lax.fori_loop(0, rounds, visit, 0)

        for b in range(NBUF):
            store_wait(HIST - NBUF + b, b)

    return k(idx4, emb_table)


def kernel(inp, emb_table):
    batch, hist = inp.shape
    idx4 = inp.reshape(NUM_WORKERS, BT, hist // 8, 8).transpose(2, 0, 3, 1)
    out5 = _sc_embed(idx4, emb_table)
    out = out5.transpose(2, 4, 0, 1, 3).reshape(batch, hist, D_EMBED)
    return out

# --- scband reference (transcript-rebuilt; emitter-appended) ---
"""Pipeline reference for scband-adaptive-embedding-42795054137416 (READ-ONLY COPY).

The authoritative reference and input builder live on the scoring server;
editing this copy changes nothing except your own understanding.
"""

import jax, jax.numpy as jnp
import numpy as np

N_TOKEN = 1000000
D_EMBED = 64
D_PROJ = 64
EMB_SCALE = D_PROJ ** 0.5
BATCH = 4096
HIST = 200


def setup_inputs(seed: int = 0) -> dict:
    key = jax.random.key(seed)
    k_idx, k_tab = jax.random.split(key)
    inp = jax.random.randint(k_idx, (BATCH, HIST), 0, N_TOKEN, dtype=jnp.int32)
    emb_table = jax.random.normal(k_tab, (N_TOKEN, D_EMBED), dtype=jnp.float32) * 0.02
    # padding_idx=0: nn.Embedding initializes the padding row to zeros
    emb_table = emb_table.at[0].set(0.0)
    return {"inp": inp, "emb_table": emb_table}


def reference(inp, emb_table):
    # embed = self.emb_layers[0](inp)  -> gather rows
    embed = jnp.take(emb_table, inp, axis=0)
    # d_proj == d_embed, so no projection is applied
    # embed.mul_(self.emb_scale)
    embed = embed * EMB_SCALE
    return embed

if __name__ == "__main__":
    import jax
    _d = setup_inputs()
    print(jax.jit(kernel)(*tuple(_d.values())))

</pallas_src>

<mosaic_0001>
#map = affine_map<(d0, d1) -> (0, 0, 0, 0)>
#map1 = affine_map<(d0, d1) -> (0, 0)>
#map2 = affine_map<(d0, d1) -> (0, 0, 0, 0, 0)>
module attributes {stable_mosaic.version = 14 : i64} {
  func.func @k(%arg0: i32, %arg1: i32, %arg2: memref<25x32x8x128xi32, #tpu.memory_space<hbm>>, %arg3: memref<1000000x64xf32, #tpu.memory_space<hbm>>, %arg4: memref<200x8x32x8x128xf32, #tpu.memory_space<hbm>>, %arg5: memref<25x8x128xi32, #tpu.memory_space<vmem>>, %arg6: memref<128x64xf32, #tpu.memory_space<vmem>>, %arg7: memref<128x64xf32, #tpu.memory_space<vmem>>, %arg8: memref<128x64xf32, #tpu.memory_space<vmem>>, %arg9: memref<128x64xf32, #tpu.memory_space<vmem>>, %arg10: memref<64x129xf32, #tpu.memory_space<vmem>>, %arg11: memref<64x129xf32, #tpu.memory_space<vmem>>, %arg12: memref<64x129xf32, #tpu.memory_space<vmem>>, %arg13: memref<64x129xf32, #tpu.memory_space<vmem>>, %arg14: memref<!tpu.dma_semaphore, #tpu.memory_space<semaphore_mem>>, %arg15: memref<!tpu.dma_semaphore, #tpu.memory_space<semaphore_mem>>, %arg16: memref<!tpu.dma_semaphore, #tpu.memory_space<semaphore_mem>>, %arg17: memref<!tpu.dma_semaphore, #tpu.memory_space<semaphore_mem>>, %arg18: memref<!tpu.dma_semaphore, #tpu.memory_space<semaphore_mem>>, %arg19: memref<!tpu.dma_semaphore, #tpu.memory_space<semaphore_mem>>, %arg20: memref<!tpu.dma_semaphore, #tpu.memory_space<semaphore_mem>>, %arg21: memref<!tpu.dma_semaphore, #tpu.memory_space<semaphore_mem>>) attributes {dimension_semantics = [#tpu.dimension_semantics<core_parallel>, #tpu.dimension_semantics<subcore_parallel>], iteration_bounds = array<i64: 2, 16>, scalar_prefetch = 0 : i64, scratch_operands = 17 : i64, tpu.core_type = #tpu.core_type<sc_vector_subcore>, window_params = [{transform_indices = #map}, {transform_indices = #map1}, {transform_indices = #map2}]} {
    %mul3A = arith.constant 2 : i32
    %mul3A_0 = arith.muli %arg1, %mul3A : i32
    %add3A = arith.addi %mul3A_0, %arg0 : i32
    "tpu.region"() ({
      %run_scoped3A = tpu.sem_alloc : memref<!tpu.dma_semaphore, #tpu.memory_space<semaphore_mem>>
      %dma_start3A_560 = arith.constant 0 : i32
      %dma_start3A_561 = arith.constant 0 : i32
      %dma_start3A_562 = arith.constant 0 : i32
      %dma_start3A_563 = tpu.memref_slice %arg2[%dma_start3A_560, %add3A, %dma_start3A_561, %dma_start3A_562] : memref<25x32x8x128xi32, #tpu.memory_space<hbm>> -> memref<25x1x8x128xi32, #tpu.memory_space<hbm>>
      %dma_start3A_564 = tpu.memref_squeeze %dma_start3A_563 : memref<25x1x8x128xi32, #tpu.memory_space<hbm>> -> memref<25x8x128xi32, #tpu.memory_space<hbm>>
      %dma_start3A_565 = arith.constant 0 : i32
      %dma_start3A_566 = arith.constant 0 : i32
      %dma_start3A_567 = arith.constant 0 : i32
      %dma_start3A_568 = tpu.memref_slice %arg2[%dma_start3A_565, %add3A, %dma_start3A_566, %dma_start3A_567] : memref<25x32x8x128xi32, #tpu.memory_space<hbm>> -> memref<25x1x8x128xi32, #tpu.memory_space<hbm>>
      %dma_start3A_569 = tpu.memref_squeeze %dma_start3A_568 : memref<25x1x8x128xi32, #tpu.memory_space<hbm>> -> memref<25x8x128xi32, #tpu.memory_space<hbm>>
      tpu.enqueue_dma source(%dma_start3A_569 : memref<25x8x128xi32, #tpu.memory_space<hbm>>) target(%arg5 : memref<25x8x128xi32, #tpu.memory_space<vmem>>) target_semaphore(%run_scoped3A : memref<!tpu.dma_semaphore, #tpu.memory_space<semaphore_mem>>)
      %dma_wait3A_570 = arith.constant 0 : i32
      %dma_wait3A_571 = arith.constant 0 : i32
      %dma_wait3A_572 = arith.constant 0 : i32
      %dma_wait3A_573 = tpu.memref_slice %arg2[%dma_wait3A_570, %add3A, %dma_wait3A_571, %dma_wait3A_572] : memref<25x32x8x128xi32, #tpu.memory_space<hbm>> -> memref<25x1x8x128xi32, #tpu.memory_space<hbm>>
      %dma_wait3A_574 = tpu.memref_squeeze %dma_wait3A_573 : memref<25x1x8x128xi32, #tpu.memory_space<hbm>> -> memref<25x8x128xi32, #tpu.memory_space<hbm>>
      %dma_wait3A_575 = arith.constant 0 : i32
      %dma_wait3A_576 = arith.constant 0 : i32
      %dma_wait3A_577 = arith.constant 0 : i32
      %dma_wait3A_578 = tpu.memref_slice %arg2[%dma_wait3A_575, %add3A, %dma_wait3A_576, %dma_wait3A_577] : memref<25x32x8x128xi32, #tpu.memory_space<hbm>> -> memref<25x1x8x128xi32, #tpu.memory_space<hbm>>
      %dma_wait3A_579 = tpu.memref_squeeze %dma_wait3A_578 : memref<25x1x8x128xi32, #tpu.memory_space<hbm>> -> memref<25x8x128xi32, #tpu.memory_space<hbm>>
      tpu.wait_dma2 semaphore(%run_scoped3A : memref<!tpu.dma_semaphore, #tpu.memory_space<semaphore_mem>>) src(%dma_wait3A_579 : memref<25x8x128xi32, #tpu.memory_space<hbm>>) dst(%arg5 : memref<25x8x128xi32, #tpu.memory_space<vmem>>)
      tpu.yield
    }) : () -> ()
    %iota3A = tpu.iota {dimensions = array<i32: 0>} : vector<16xi32>
    %add3A_1 = arith.constant 0 : i32
    %add3A_2 = vector.broadcast %add3A_1 : i32 to vector<16xi32>
    %add3A_3 = arith.addi %iota3A, %add3A_2 : vector<16xi32>
    %add3A_4 = arith.constant 16 : i32
    %add3A_5 = vector.broadcast %add3A_4 : i32 to vector<16xi32>
    %add3A_6 = arith.addi %iota3A, %add3A_5 : vector<16xi32>
    %add3A_7 = arith.constant 32 : i32
    %add3A_8 = vector.broadcast %add3A_7 : i32 to vector<16xi32>
    %add3A_9 = arith.addi %iota3A, %add3A_8 : vector<16xi32>
    %add3A_10 = arith.constant 48 : i32
    %add3A_11 = vector.broadcast %add3A_10 : i32 to vector<16xi32>
    %add3A_12 = arith.addi %iota3A, %add3A_11 : vector<16xi32>
    %dma_start3A = arith.constant 0 : i32
    %dma_start3A_13 = arith.constant 0 : i32
    %dma_start3A_14 = arith.constant 0 : i32
    %dma_start3A_15 = tpu.memref_slice %arg5[%dma_start3A, %dma_start3A_13, %dma_start3A_14] : memref<25x8x128xi32, #tpu.memory_space<vmem>> -> memref<1x1x128xi32, #tpu.memory_space<vmem>>
    %dma_start3A_16 = tpu.memref_squeeze %dma_start3A_15 : memref<1x1x128xi32, #tpu.memory_space<vmem>> -> memref<128xi32, #tpu.memory_space<vmem>>
    %dma_start3A_17 = arith.constant 0 : i32
    %dma_start3A_18 = arith.constant 0 : i32
    %dma_start3A_19 = tpu.memref_slice %arg3[%dma_start3A_17, %dma_start3A_18] : memref<1000000x64xf32, #tpu.memory_space<hbm>> -> memref<1000000x64xf32, #tpu.memory_space<hbm>>
    tpu.enqueue_indirect_dma source(%dma_start3A_19 : memref<1000000x64xf32, #tpu.memory_space<hbm>>) target(%arg6 : memref<128x64xf32, #tpu.memory_space<vmem>>) offsets(%dma_start3A_16 : memref<128xi32, #tpu.memory_space<vmem>>) semaphore(%arg14 : memref<!tpu.dma_semaphore, #tpu.memory_space<semaphore_mem>>)
    %dma_start3A_20 = arith.constant 0 : i32
    %dma_start3A_21 = arith.constant 1 : i32
    %dma_start3A_22 = arith.constant 0 : i32
    %dma_start3A_23 = tpu.memref_slice %arg5[%dma_start3A_20, %dma_start3A_21, %dma_start3A_22] : memref<25x8x128xi32, #tpu.memory_space<vmem>> -> memref<1x1x128xi32, #tpu.memory_space<vmem>>
    %dma_start3A_24 = tpu.memref_squeeze %dma_start3A_23 : memref<1x1x128xi32, #tpu.memory_space<vmem>> -> memref<128xi32, #tpu.memory_space<vmem>>
    %dma_start3A_25 = arith.constant 0 : i32
    %dma_start3A_26 = arith.constant 0 : i32
    %dma_start3A_27 = tpu.memref_slice %arg3[%dma_start3A_25, %dma_start3A_26] : memref<1000000x64xf32, #tpu.memory_space<hbm>> -> memref<1000000x64xf32, #tpu.memory_space<hbm>>
    tpu.enqueue_indirect_dma source(%dma_start3A_27 : memref<1000000x64xf32, #tpu.memory_space<hbm>>) target(%arg7 : memref<128x64xf32, #tpu.memory_space<vmem>>) offsets(%dma_start3A_24 : memref<128xi32, #tpu.memory_space<vmem>>) semaphore(%arg15 : memref<!tpu.dma_semaphore, #tpu.memory_space<semaphore_mem>>)
    %dma_start3A_28 = arith.constant 0 : i32
    %dma_start3A_29 = arith.constant 2 : i32
    %dma_start3A_30 = arith.constant 0 : i32
    %dma_start3A_31 = tpu.memref_slice %arg5[%dma_start3A_28, %dma_start3A_29, %dma_start3A_30] : memref<25x8x128xi32, #tpu.memory_space<vmem>> -> memref<1x1x128xi32, #tpu.memory_space<vmem>>
    %dma_start3A_32 = tpu.memref_squeeze %dma_start3A_31 : memref<1x1x128xi32, #tpu.memory_space<vmem>> -> memref<128xi32, #tpu.memory_space<vmem>>
    %dma_start3A_33 = arith.constant 0 : i32
    %dma_start3A_34 = arith.constant 0 : i32
    %dma_start3A_35 = tpu.memref_slice %arg3[%dma_start3A_33, %dma_start3A_34] : memref<1000000x64xf32, #tpu.memory_space<hbm>> -> memref<1000000x64xf32, #tpu.memory_space<hbm>>
    tpu.enqueue_indirect_dma source(%dma_start3A_35 : memref<1000000x64xf32, #tpu.memory_space<hbm>>) target(%arg8 : memref<128x64xf32, #tpu.memory_space<vmem>>) offsets(%dma_start3A_32 : memref<128xi32, #tpu.memory_space<vmem>>) semaphore(%arg16 : memref<!tpu.dma_semaphore, #tpu.memory_space<semaphore_mem>>)
    %dma_start3A_36 = arith.constant 0 : i32
    %dma_start3A_37 = arith.constant 3 : i32
    %dma_start3A_38 = arith.constant 0 : i32
    %dma_start3A_39 = tpu.memref_slice %arg5[%dma_start3A_36, %dma_start3A_37, %dma_start3A_38] : memref<25x8x128xi32, #tpu.memory_space<vmem>> -> memref<1x1x128xi32, #tpu.memory_space<vmem>>
    %dma_start3A_40 = tpu.memref_squeeze %dma_start3A_39 : memref<1x1x128xi32, #tpu.memory_space<vmem>> -> memref<128xi32, #tpu.memory_space<vmem>>
    %dma_start3A_41 = arith.constant 0 : i32
    %dma_start3A_42 = arith.constant 0 : i32
    %dma_start3A_43 = tpu.memref_slice %arg3[%dma_start3A_41, %dma_start3A_42] : memref<1000000x64xf32, #tpu.memory_space<hbm>> -> memref<1000000x64xf32, #tpu.memory_space<hbm>>
    tpu.enqueue_indirect_dma source(%dma_start3A_43 : memref<1000000x64xf32, #tpu.memory_space<hbm>>) target(%arg9 : memref<128x64xf32, #tpu.memory_space<vmem>>) offsets(%dma_start3A_40 : memref<128xi32, #tpu.memory_space<vmem>>) semaphore(%arg17 : memref<!tpu.dma_semaphore, #tpu.memory_space<semaphore_mem>>)
    %scan3A = arith.constant 0 : i32
    %scan3A_44 = arith.constant 0 : i32
    %scan3A_45 = arith.constant 50 : i32
    %scan3A_46 = arith.addi %scan3A_44, %scan3A_45 : i32
    %scan3A_47 = arith.constant 1 : i32
    scf.for %scan3A_560 = %scan3A_44 to %scan3A_46 step %scan3A_47  : i32 {
      %mul3A_561 = arith.constant 4 : i32
      %mul3A_562 = arith.muli %scan3A_560, %mul3A_561 : i32
      %add3A_563 = arith.constant 0 : i32
      %add3A_564 = arith.addi %mul3A_562, %add3A_563 : i32
      %shift_right_arithmetic3A = arith.constant 3 : i32
      %shift_right_arithmetic3A_565 = arith.shrsi %add3A_564, %shift_right_arithmetic3A : i32
      %and3A = arith.constant 7 : i32
      %and3A_566 = arith.andi %add3A_564, %and3A : i32
      %dma_wait3A_567 = arith.constant 0 : i32
      %dma_wait3A_568 = tpu.memref_slice %arg5[%shift_right_arithmetic3A_565, %and3A_566, %dma_wait3A_567] : memref<25x8x128xi32, #tpu.memory_space<vmem>> -> memref<1x1x128xi32, #tpu.memory_space<vmem>>
      %dma_wait3A_569 = tpu.memref_squeeze %dma_wait3A_568 : memref<1x1x128xi32, #tpu.memory_space<vmem>> -> memref<128xi32, #tpu.memory_space<vmem>>
      %dma_wait3A_570 = arith.constant 0 : i32
      %dma_wait3A_571 = arith.constant 0 : i32
      %dma_wait3A_572 = tpu.memref_slice %arg3[%dma_wait3A_570, %dma_wait3A_571] : memref<1000000x64xf32, #tpu.memory_space<hbm>> -> memref<1000000x64xf32, #tpu.memory_space<hbm>>
      tpu.wait_indirect_dma semaphore(%arg14 : memref<!tpu.dma_semaphore, #tpu.memory_space<semaphore_mem>>) src(%dma_wait3A_572 : memref<1000000x64xf32, #tpu.memory_space<hbm>>) dst(%arg6 : memref<128x64xf32, #tpu.memory_space<vmem>>)
      %gt3A = arith.constant 0 : i32
      %gt3A_573 = arith.cmpi sgt, %scan3A_560, %gt3A : i32
      %convert_element_type3A = arith.extui %gt3A_573 : i1 to i32
      %cond3A = arith.constant 0 : i32
      %cond3A_574 = arith.cmpi ne, %convert_element_type3A, %cond3A : i32
      scf.if %cond3A_574 {
        %sub3A = arith.constant 4 : i32
        %sub3A_1142 = arith.subi %add3A_564, %sub3A : i32
        %dma_wait3A_1143 = arith.constant 0 : i32
        %dma_wait3A_1144 = arith.constant 0 : i32
        %dma_wait3A_1145 = arith.constant 0 : i32
        %dma_wait3A_1146 = tpu.memref_slice %arg10[%dma_wait3A_1144, %dma_wait3A_1145] : memref<64x129xf32, #tpu.memory_space<vmem>> -> memref<8x128xf32, #tpu.memory_space<vmem>>
        %dma_wait3A_1147 = arith.constant 0 : i32
        %dma_wait3A_1148 = arith.constant 0 : i32
        %dma_wait3A_1149 = tpu.memref_slice %arg4[%sub3A_1142, %dma_wait3A_1143, %add3A, %dma_wait3A_1147, %dma_wait3A_1148] : memref<200x8x32x8x128xf32, #tpu.memory_space<hbm>> -> memref<1x1x1x8x128xf32, #tpu.memory_space<hbm>>
        %dma_wait3A_1150 = tpu.memref_squeeze %dma_wait3A_1149 : memref<1x1x1x8x128xf32, #tpu.memory_space<hbm>> -> memref<8x128xf32, #tpu.memory_space<hbm>>
        %dma_wait3A_1151 = arith.constant 0 : i32
        %dma_wait3A_1152 = arith.constant 0 : i32
        %dma_wait3A_1153 = tpu.memref_slice %arg4[%sub3A_1142, %dma_wait3A_1143, %add3A, %dma_wait3A_1151, %dma_wait3A_1152] : memref<200x8x32x8x128xf32, #tpu.memory_space<hbm>> -> memref<1x1x1x8x128xf32, #tpu.memory_space<hbm>>
        %dma_wait3A_1154 = tpu.memref_squeeze %dma_wait3A_1153 : memref<1x1x1x8x128xf32, #tpu.memory_space<hbm>> -> memref<8x128xf32, #tpu.memory_space<hbm>>
        %dma_wait3A_1155 = arith.constant 0 : i32
        %dma_wait3A_1156 = arith.constant 0 : i32
        %dma_wait3A_1157 = tpu.memref_slice %arg10[%dma_wait3A_1155, %dma_wait3A_1156] : memref<64x129xf32, #tpu.memory_space<vmem>> -> memref<8x128xf32, #tpu.memory_space<vmem>>
        tpu.wait_dma2 semaphore(%arg18 : memref<!tpu.dma_semaphore, #tpu.memory_space<semaphore_mem>>) src(%dma_wait3A_1157 : memref<8x128xf32, #tpu.memory_space<vmem>>) dst(%dma_wait3A_1154 : memref<8x128xf32, #tpu.memory_space<hbm>>)
        %dma_wait3A_1158 = arith.constant 1 : i32
        %dma_wait3A_1159 = arith.constant 8 : i32
        %dma_wait3A_1160 = arith.constant 0 : i32
        %dma_wait3A_1161 = tpu.memref_slice %arg10[%dma_wait3A_1159, %dma_wait3A_1160] : memref<64x129xf32, #tpu.memory_space<vmem>> -> memref<8x128xf32, #tpu.memory_space<vmem>>
        %dma_wait3A_1162 = arith.constant 0 : i32
        %dma_wait3A_1163 = arith.constant 0 : i32
        %dma_wait3A_1164 = tpu.memref_slice %arg4[%sub3A_1142, %dma_wait3A_1158, %add3A, %dma_wait3A_1162, %dma_wait3A_1163] : memref<200x8x32x8x128xf32, #tpu.memory_space<hbm>> -> memref<1x1x1x8x128xf32, #tpu.memory_space<hbm>>
        %dma_wait3A_1165 = tpu.memref_squeeze %dma_wait3A_1164 : memref<1x1x1x8x128xf32, #tpu.memory_space<hbm>> -> memref<8x128xf32, #tpu.memory_space<hbm>>
        %dma_wait3A_1166 = arith.constant 0 : i32
        %dma_wait3A_1167 = arith.constant 0 : i32
        %dma_wait3A_1168 = tpu.memref_slice %arg4[%sub3A_1142, %dma_wait3A_1158, %add3A, %dma_wait3A_1166, %dma_wait3A_1167] : memref<200x8x32x8x128xf32, #tpu.memory_space<hbm>> -> memref<1x1x1x8x128xf32, #tpu.memory_space<hbm>>
        %dma_wait3A_1169 = tpu.memref_squeeze %dma_wait3A_1168 : memref<1x1x1x8x128xf32, #tpu.memory_space<hbm>> -> memref<8x128xf32, #tpu.memory_space<hbm>>
        %dma_wait3A_1170 = arith.constant 8 : i32
        %dma_wait3A_1171 = arith.constant 0 : i32
        %dma_wait3A_1172 = tpu.memref_slice %arg10[%dma_wait3A_1170, %dma_wait3A_1171] : memref<64x129xf32, #tpu.memory_space<vmem>> -> memref<8x128xf32, #tpu.memory_space<vmem>>
        tpu.wait_dma2 semaphore(%arg18 : memref<!tpu.dma_semaphore, #tpu.memory_space<semaphore_mem>>) src(%dma_wait3A_1172 : memref<8x128xf32, #tpu.memory_space<vmem>>) dst(%dma_wait3A_1169 : memref<8x128xf32, #tpu.memory_space<hbm>>)
        %dma_wait3A_1173 = arith.constant 2 : i32
        %dma_wait3A_1174 = arith.constant 16 : i32
        %dma_wait3A_1175 = arith.constant 0 : i32
        %dma_wait3A_1176 = tpu.memref_slice %arg10[%dma_wait3A_1174, %dma_wait3A_1175] : memref<64x129xf32, #tpu.memory_space<vmem>> -> memref<8x128xf32, #tpu.memory_space<vmem>>
        %dma_wait3A_1177 = arith.constant 0 : i32
        %dma_wait3A_1178 = arith.constant 0 : i32
        %dma_wait3A_1179 = tpu.memref_slice %arg4[%sub3A_1142, %dma_wait3A_1173, %add3A, %dma_wait3A_1177, %dma_wait3A_1178] : memref<200x8x32x8x128xf32, #tpu.memory_space<hbm>> -> memref<1x1x1x8x128xf32, #tpu.memory_space<hbm>>
        %dma_wait3A_1180 = tpu.memref_squeeze %dma_wait3A_1179 : memref<1x1x1x8x128xf32, #tpu.memory_space<hbm>> -> memref<8x128xf32, #tpu.memory_space<hbm>>
        %dma_wait3A_1181 = arith.constant 0 : i32
        %dma_wait3A_1182 = arith.constant 0 : i32
        %dma_wait3A_1183 = tpu.memref_slice %arg4[%sub3A_1142, %dma_wait3A_1173, %add3A, %dma_wait3A_1181, %dma_wait3A_1182] : memref<200x8x32x8x128xf32, #tpu.memory_space<hbm>> -> memref<1x1x1x8x128xf32, #tpu.memory_space<hbm>>
        %dma_wait3A_1184 = tpu.memref_squeeze %dma_wait3A_1183 : memref<1x1x1x8x128xf32, #tpu.memory_space<hbm>> -> memref<8x128xf32, #tpu.memory_space<hbm>>
        %dma_wait3A_1185 = arith.constant 16 : i32
        %dma_wait3A_1186 = arith.constant 0 : i32
        %dma_wait3A_1187 = tpu.memref_slice %arg10[%dma_wait3A_1185, %dma_wait3A_1186] : memref<64x129xf32, #tpu.memory_space<vmem>> -> memref<8x128xf32, #tpu.memory_space<vmem>>
        tpu.wait_dma2 semaphore(%arg18 : memref<!tpu.dma_semaphore, #tpu.memory_space<semaphore_mem>>) src(%dma_wait3A_1187 : memref<8x128xf32, #tpu.memory_space<vmem>>) dst(%dma_wait3A_1184 : memref<8x128xf32, #tpu.memory_space<hbm>>)
        %dma_wait3A_1188 = arith.constant 3 : i32
        %dma_wait3A_1189 = arith.constant 24 : i32
        %dma_wait3A_1190 = arith.constant 0 : i32
        %dma_wait3A_1191 = tpu.memref_slice %arg10[%dma_wait3A_1189, %dma_wait3A_1190] : memref<64x129xf32, #tpu.memory_space<vmem>> -> memref<8x128xf32, #tpu.memory_space<vmem>>
        %dma_wait3A_1192 = arith.constant 0 : i32
        %dma_wait3A_1193 = arith.constant 0 : i32
        %dma_wait3A_1194 = tpu.memref_slice %arg4[%sub3A_1142, %dma_wait3A_1188, %add3A, %dma_wait3A_1192, %dma_wait3A_1193] : memref<200x8x32x8x128xf32, #tpu.memory_space<hbm>> -> memref<1x1x1x8x128xf32, #tpu.memory_space<hbm>>
        %dma_wait3A_1195 = tpu.memref_squeeze %dma_wait3A_1194 : memref<1x1x1x8x128xf32, #tpu.memory_space<hbm>> -> memref<8x128xf32, #tpu.memory_space<hbm>>
        %dma_wait3A_1196 = arith.constant 0 : i32
        %dma_wait3A_1197 = arith.constant 0 : i32
        %dma_wait3A_1198 = tpu.memref_slice %arg4[%sub3A_1142, %dma_wait3A_1188, %add3A, %dma_wait3A_1196, %dma_wait3A_1197] : memref<200x8x32x8x128xf32, #tpu.memory_space<hbm>> -> memref<1x1x1x8x128xf32, #tpu.memory_space<hbm>>
        %dma_wait3A_1199 = tpu.memref_squeeze %dma_wait3A_1198 : memref<1x1x1x8x128xf32, #tpu.memory_space<hbm>> -> memref<8x128xf32, #tpu.memory_space<hbm>>
        %dma_wait3A_1200 = arith.constant 24 : i32
        %dma_wait3A_1201 = arith.constant 0 : i32
        %dma_wait3A_1202 = tpu.memref_slice %arg10[%dma_wait3A_1200, %dma_wait3A_1201] : memref<64x129xf32, #tpu.memory_space<vmem>> -> memref<8x128xf32, #tpu.memory_space<vmem>>
        tpu.wait_dma2 semaphore(%arg18 : memref<!tpu.dma_semaphore, #tpu.memory_space<semaphore_mem>>) src(%dma_wait3A_1202 : memref<8x128xf32, #tpu.memory_space<vmem>>) dst(%dma_wait3A_1199 : memref<8x128xf32, #tpu.memory_space<hbm>>)
        %dma_wait3A_1203 = arith.constant 4 : i32
        %dma_wait3A_1204 = arith.constant 32 : i32
        %dma_wait3A_1205 = arith.constant 0 : i32
        %dma_wait3A_1206 = tpu.memref_slice %arg10[%dma_wait3A_1204, %dma_wait3A_1205] : memref<64x129xf32, #tpu.memory_space<vmem>> -> memref<8x128xf32, #tpu.memory_space<vmem>>
        %dma_wait3A_1207 = arith.constant 0 : i32
        %dma_wait3A_1208 = arith.constant 0 : i32
        %dma_wait3A_1209 = tpu.memref_slice %arg4[%sub3A_1142, %dma_wait3A_1203, %add3A, %dma_wait3A_1207, %dma_wait3A_1208] : memref<200x8x32x8x128xf32, #tpu.memory_space<hbm>> -> memref<1x1x1x8x128xf32, #tpu.memory_space<hbm>>
        %dma_wait3A_1210 = tpu.memref_squeeze %dma_wait3A_1209 : memref<1x1x1x8x128xf32, #tpu.memory_space<hbm>> -> memref<8x128xf32, #tpu.memory_space<hbm>>
        %dma_wait3A_1211 = arith.constant 0 : i32
        %dma_wait3A_1212 = arith.constant 0 : i32
        %dma_wait3A_1213 = tpu.memref_slice %arg4[%sub3A_1142, %dma_wait3A_1203, %add3A, %dma_wait3A_1211, %dma_wait3A_1212] : memref<200x8x32x8x128xf32, #tpu.memory_space<hbm>> -> memref<1x1x1x8x128xf32, #tpu.memory_space<hbm>>
        %dma_wait3A_1214 = tpu.memref_squeeze %dma_wait3A_1213 : memref<1x1x1x8x128xf32, #tpu.memory_space<hbm>> -> memref<8x128xf32, #tpu.memory_space<hbm>>
        %dma_wait3A_1215 = arith.constant 32 : i32
        %dma_wait3A_1216 = arith.constant 0 : i32
        %dma_wait3A_1217 = tpu.memref_slice %arg10[%dma_wait3A_1215, %dma_wait3A_1216] : memref<64x129xf32, #tpu.memory_space<vmem>> -> memref<8x128xf32, #tpu.memory_space<vmem>>
        tpu.wait_dma2 semaphore(%arg18 : memref<!tpu.dma_semaphore, #tpu.memory_space<semaphore_mem>>) src(%dma_wait3A_1217 : memref<8x128xf32, #tpu.memory_space<vmem>>) dst(%dma_wait3A_1214 : memref<8x128xf32, #tpu.memory_space<hbm>>)
        %dma_wait3A_1218 = arith.constant 5 : i32
        %dma_wait3A_1219 = arith.constant 40 : i32
        %dma_wait3A_1220 = arith.constant 0 : i32
        %dma_wait3A_1221 = tpu.memref_slice %arg10[%dma_wait3A_1219, %dma_wait3A_1220] : memref<64x129xf32, #tpu.memory_space<vmem>> -> memref<8x128xf32, #tpu.memory_space<vmem>>
        %dma_wait3A_1222 = arith.constant 0 : i32
        %dma_wait3A_1223 = arith.constant 0 : i32
        %dma_wait3A_1224 = tpu.memref_slice %arg4[%sub3A_1142, %dma_wait3A_1218, %add3A, %dma_wait3A_1222, %dma_wait3A_1223] : memref<200x8x32x8x128xf32, #tpu.memory_space<hbm>> -> memref<1x1x1x8x128xf32, #tpu.memory_space<hbm>>
        %dma_wait3A_1225 = tpu.memref_squeeze %dma_wait3A_1224 : memref<1x1x1x8x128xf32, #tpu.memory_space<hbm>> -> memref<8x128xf32, #tpu.memory_space<hbm>>
        %dma_wait3A_1226 = arith.constant 0 : i32
        %dma_wait3A_1227 = arith.constant 0 : i32
        %dma_wait3A_1228 = tpu.memref_slice %arg4[%sub3A_1142, %dma_wait3A_1218, %add3A, %dma_wait3A_1226, %dma_wait3A_1227] : memref<200x8x32x8x128xf32, #tpu.memory_space<hbm>> -> memref<1x1x1x8x128xf32, #tpu.memory_space<hbm>>
        %dma_wait3A_1229 = tpu.memref_squeeze %dma_wait3A_1228 : memref<1x1x1x8x128xf32, #tpu.memory_space<hbm>> -> memref<8x128xf32, #tpu.memory_space<hbm>>
        %dma_wait3A_1230 = arith.constant 40 : i32
        %dma_wait3A_1231 = arith.constant 0 : i32
        %dma_wait3A_1232 = tpu.memref_slice %arg10[%dma_wait3A_1230, %dma_wait3A_1231] : memref<64x129xf32, #tpu.memory_space<vmem>> -> memref<8x128xf32, #tpu.memory_space<vmem>>
        tpu.wait_dma2 semaphore(%arg18 : memref<!tpu.dma_semaphore, #tpu.memory_space<semaphore_mem>>) src(%dma_wait3A_1232 : memref<8x128xf32, #tpu.memory_space<vmem>>) dst(%dma_wait3A_1229 : memref<8x128xf32, #tpu.memory_space<hbm>>)
        %dma_wait3A_1233 = arith.constant 6 : i32
        %dma_wait3A_1234 = arith.constant 48 : i32
        %dma_wait3A_1235 = arith.constant 0 : i32
        %dma_wait3A_1236 = tpu.memref_slice %arg10[%dma_wait3A_1234, %dma_wait3A_1235] : memref<64x129xf32, #tpu.memory_space<vmem>> -> memref<8x128xf32, #tpu.memory_space<vmem>>
        %dma_wait3A_1237 = arith.constant 0 : i32
        %dma_wait3A_1238 = arith.constant 0 : i32
        %dma_wait3A_1239 = tpu.memref_slice %arg4[%sub3A_1142, %dma_wait3A_1233, %add3A, %dma_wait3A_1237, %dma_wait3A_1238] : memref<200x8x32x8x128xf32, #tpu.memory_space<hbm>> -> memref<1x1x1x8x128xf32, #tpu.memory_space<hbm>>
        %dma_wait3A_1240 = tpu.memref_squeeze %dma_wait3A_1239 : memref<1x1x1x8x128xf32, #tpu.memory_space<hbm>> -> memref<8x128xf32, #tpu.memory_space<hbm>>
        %dma_wait3A_1241 = arith.constant 0 : i32
        %dma_wait3A_1242 = arith.constant 0 : i32
        %dma_wait3A_1243 = tpu.memref_slice %arg4[%sub3A_1142, %dma_wait3A_1233, %add3A, %dma_wait3A_1241, %dma_wait3A_1242] : memref<200x8x32x8x128xf32, #tpu.memory_space<hbm>> -> memref<1x1x1x8x128xf32, #tpu.memory_space<hbm>>
        %dma_wait3A_1244 = tpu.memref_squeeze %dma_wait3A_1243 : memref<1x1x1x8x128xf32, #tpu.memory_space<hbm>> -> memref<8x128xf32, #tpu.memory_space<hbm>>
        %dma_wait3A_1245 = arith.constant 48 : i32
        %dma_wait3A_1246 = arith.constant 0 : i32
        %dma_wait3A_1247 = tpu.memref_slice %arg10[%dma_wait3A_1245, %dma_wait3A_1246] : memref<64x129xf32, #tpu.memory_space<vmem>> -> memref<8x128xf32, #tpu.memory_space<vmem>>
        tpu.wait_dma2 semaphore(%arg18 : memref<!tpu.dma_semaphore, #tpu.memory_space<semaphore_mem>>) src(%dma_wait3A_1247 : memref<8x128xf32, #tpu.memory_space<vmem>>) dst(%dma_wait3A_1244 : memref<8x128xf32, #tpu.memory_space<hbm>>)
        %dma_wait3A_1248 = arith.constant 7 : i32
        %dma_wait3A_1249 = arith.constant 56 : i32
        %dma_wait3A_1250 = arith.constant 0 : i32
        %dma_wait3A_1251 = tpu.memref_slice %arg10[%dma_wait3A_1249, %dma_wait3A_1250] : memref<64x129xf32, #tpu.memory_space<vmem>> -> memref<8x128xf32, #tpu.memory_space<vmem>>
        %dma_wait3A_1252 = arith.constant 0 : i32
        %dma_wait3A_1253 = arith.constant 0 : i32
        %dma_wait3A_1254 = tpu.memref_slice %arg4[%sub3A_1142, %dma_wait3A_1248, %add3A, %dma_wait3A_1252, %dma_wait3A_1253] : memref<200x8x32x8x128xf32, #tpu.memory_space<hbm>> -> memref<1x1x1x8x128xf32, #tpu.memory_space<hbm>>
        %dma_wait3A_1255 = tpu.memref_squeeze %dma_wait3A_1254 : memref<1x1x1x8x128xf32, #tpu.memory_space<hbm>> -> memref<8x128xf32, #tpu.memory_space<hbm>>
        %dma_wait3A_1256 = arith.constant 0 : i32
        %dma_wait3A_1257 = arith.constant 0 : i32
        %dma_wait3A_1258 = tpu.memref_slice %arg4[%sub3A_1142, %dma_wait3A_1248, %add3A, %dma_wait3A_1256, %dma_wait3A_1257] : memref<200x8x32x8x128xf32, #tpu.memory_space<hbm>> -> memref<1x1x1x8x128xf32, #tpu.memory_space<hbm>>
        %dma_wait3A_1259 = tpu.memref_squeeze %dma_wait3A_1258 : memref<1x1x1x8x128xf32, #tpu.memory_space<hbm>> -> memref<8x128xf32, #tpu.memory_space<hbm>>
        %dma_wait3A_1260 = arith.constant 56 : i32
        %dma_wait3A_1261 = arith.constant 0 : i32
        %dma_wait3A_1262 = tpu.memref_slice %arg10[%dma_wait3A_1260, %dma_wait3A_1261] : memref<64x129xf32, #tpu.memory_space<vmem>> -> memref<8x128xf32, #tpu.memory_space<vmem>>
        tpu.wait_dma2 semaphore(%arg18 : memref<!tpu.dma_semaphore, #tpu.memory_space<semaphore_mem>>) src(%dma_wait3A_1262 : memref<8x128xf32, #tpu.memory_space<vmem>>) dst(%dma_wait3A_1259 : memref<8x128xf32, #tpu.memory_space<hbm>>)
      } else {
      }
      %parallel_loop3A = arith.constant 0 : i32
      %parallel_loop3A_575 = arith.constant 128 : i32
      %parallel_loop3A_576 = arith.constant 1 : i32
      scf.for %parallel_loop3A_1142 = %parallel_loop3A to %parallel_loop3A_575 step %parallel_loop3A_576  : i32 {
        %parallel_loop3A_1143 = arith.constant 0 : i32
        %parallel_loop3A_1144 = vector.broadcast %parallel_loop3A_1143 : i32 to vector<16xi32>
        %parallel_loop3A_1145 = vector.broadcast %parallel_loop3A_1142 : i32 to vector<16xi32>
        %parallel_loop3A_1146 = arith.addi %parallel_loop3A_1144, %parallel_loop3A_1145 : vector<16xi32>
        %parallel_loop3A_1147 = arith.index_cast %parallel_loop3A_1142 : i32 to index
        %parallel_loop3A_1148 = arith.constant 0 : index
        %parallel_loop3A_1149 = tpu.vector_load %arg6[%parallel_loop3A_1147, %parallel_loop3A_1148] {strides = array<i32>} : memref<128x64xf32, #tpu.memory_space<vmem>>, vector<16xf32>,
        %parallel_loop3A_1150 = arith.constant 8.000000e+00 : f32
        %parallel_loop3A_1151 = vector.broadcast %parallel_loop3A_1150 : f32 to vector<16xf32>
        %parallel_loop3A_1152 = arith.mulf %parallel_loop3A_1149, %parallel_loop3A_1151 : vector<16xf32>
        tpu.vector_store_idx %arg10[%add3A_3, %parallel_loop3A_1146], %parallel_loop3A_1152 : memref<64x129xf32, #tpu.memory_space<vmem>>[vector<16xi32>, vector<16xi32>], vector<16xf32>,
        %parallel_loop3A_1153 = arith.index_cast %parallel_loop3A_1142 : i32 to index
        %parallel_loop3A_1154 = arith.constant 16 : index
        %parallel_loop3A_1155 = tpu.vector_load %arg6[%parallel_loop3A_1153, %parallel_loop3A_1154] {strides = array<i32>} : memref<128x64xf32, #tpu.memory_space<vmem>>, vector<16xf32>,
        %parallel_loop3A_1156 = arith.constant 8.000000e+00 : f32
        %parallel_loop3A_1157 = vector.broadcast %parallel_loop3A_1156 : f32 to vector<16xf32>
        %parallel_loop3A_1158 = arith.mulf %parallel_loop3A_1155, %parallel_loop3A_1157 : vector<16xf32>
        tpu.vector_store_idx %arg10[%add3A_6, %parallel_loop3A_1146], %parallel_loop3A_1158 : memref<64x129xf32, #tpu.memory_space<vmem>>[vector<16xi32>, vector<16xi32>], vector<16xf32>,
        %parallel_loop3A_1159 = arith.index_cast %parallel_loop3A_1142 : i32 to index
        %parallel_loop3A_1160 = arith.constant 32 : index
        %parallel_loop3A_1161 = tpu.vector_load %arg6[%parallel_loop3A_1159, %parallel_loop3A_1160] {strides = array<i32>} : memref<128x64xf32, #tpu.memory_space<vmem>>, vector<16xf32>,
        %parallel_loop3A_1162 = arith.constant 8.000000e+00 : f32
        %parallel_loop3A_1163 = vector.broadcast %parallel_loop3A_1162 : f32 to vector<16xf32>
        %parallel_loop3A_1164 = arith.mulf %parallel_loop3A_1161, %parallel_loop3A_1163 : vector<16xf32>
        tpu.vector_store_idx %arg10[%add3A_9, %parallel_loop3A_1146], %parallel_loop3A_1164 : memref<64x129xf32, #tpu.memory_space<vmem>>[vector<16xi32>, vector<16xi32>], vector<16xf32>,
        %parallel_loop3A_1165 = arith.index_cast %parallel_loop3A_1142 : i32 to index
        %parallel_loop3A_1166 = arith.constant 48 : index
        %parallel_loop3A_1167 = tpu.vector_load %arg6[%parallel_loop3A_1165, %parallel_loop3A_1166] {strides = array<i32>} : memref<128x64xf32, #tpu.memory_space<vmem>>, vector<16xf32>,
        %parallel_loop3A_1168 = arith.constant 8.000000e+00 : f32
        %parallel_loop3A_1169 = vector.broadcast %parallel_loop3A_1168 : f32 to vector<16xf32>
        %parallel_loop3A_1170 = arith.mulf %parallel_loop3A_1167, %parallel_loop3A_1169 : vector<16xf32>
        tpu.vector_store_idx %arg10[%add3A_12, %parallel_loop3A_1146], %parallel_loop3A_1170 : memref<64x129xf32, #tpu.memory_space<vmem>>[vector<16xi32>, vector<16xi32>], vector<16xf32>,
      } {sc.loop_unroll_factor = 8 : i64, sc.parallel_access}
      %dma_start3A_577 = arith.constant 0 : i32
      %dma_start3A_578 = arith.constant 0 : i32
      %dma_start3A_579 = arith.constant 0 : i32
      %dma_start3A_580 = tpu.memref_slice %arg10[%dma_start3A_578, %dma_start3A_579] : memref<64x129xf32, #tpu.memory_space<vmem>> -> memref<8x128xf32, #tpu.memory_space<vmem>>
      %dma_start3A_581 = arith.constant 0 : i32
      %dma_start3A_582 = arith.constant 0 : i32
      %dma_start3A_583 = tpu.memref_slice %arg4[%add3A_564, %dma_start3A_577, %add3A, %dma_start3A_581, %dma_start3A_582] : memref<200x8x32x8x128xf32, #tpu.memory_space<hbm>> -> memref<1x1x1x8x128xf32, #tpu.memory_space<hbm>>
      %dma_start3A_584 = tpu.memref_squeeze %dma_start3A_583 : memref<1x1x1x8x128xf32, #tpu.memory_space<hbm>> -> memref<8x128xf32, #tpu.memory_space<hbm>>
      %dma_start3A_585 = arith.constant 0 : i32
      %dma_start3A_586 = arith.constant 0 : i32
      %dma_start3A_587 = tpu.memref_slice %arg4[%add3A_564, %dma_start3A_577, %add3A, %dma_start3A_585, %dma_start3A_586] : memref<200x8x32x8x128xf32, #tpu.memory_space<hbm>> -> memref<1x1x1x8x128xf32, #tpu.memory_space<hbm>>
      %dma_start3A_588 = tpu.memref_squeeze %dma_start3A_587 : memref<1x1x1x8x128xf32, #tpu.memory_space<hbm>> -> memref<8x128xf32, #tpu.memory_space<hbm>>
      %dma_start3A_589 = arith.constant 0 : i32
      %dma_start3A_590 = arith.constant 0 : i32
      %dma_start3A_591 = tpu.memref_slice %arg10[%dma_start3A_589, %dma_start3A_590] : memref<64x129xf32, #tpu.memory_space<vmem>> -> memref<8x128xf32, #tpu.memory_space<vmem>>
      tpu.enqueue_dma source(%dma_start3A_591 : memref<8x128xf32, #tpu.memory_space<vmem>>) target(%dma_start3A_588 : memref<8x128xf32, #tpu.memory_space<hbm>>) target_semaphore(%arg18 : memref<!tpu.dma_semaphore, #tpu.memory_space<semaphore_mem>>)
      %dma_start3A_592 = arith.constant 1 : i32
      %dma_start3A_593 = arith.constant 8 : i32
      %dma_start3A_594 = arith.constant 0 : i32
      %dma_start3A_595 = tpu.memref_slice %arg10[%dma_start3A_593, %dma_start3A_594] : memref<64x129xf32, #tpu.memory_space<vmem>> -> memref<8x128xf32, #tpu.memory_space<vmem>>
      %dma_start3A_596 = arith.constant 0 : i32
      %dma_start3A_597 = arith.constant 0 : i32
      %dma_start3A_598 = tpu.memref_slice %arg4[%add3A_564, %dma_start3A_592, %add3A, %dma_start3A_596, %dma_start3A_597] : memref<200x8x32x8x128xf32, #tpu.memory_space<hbm>> -> memref<1x1x1x8x128xf32, #tpu.memory_space<hbm>>
      %dma_start3A_599 = tpu.memref_squeeze %dma_start3A_598 : memref<1x1x1x8x128xf32, #tpu.memory_space<hbm>> -> memref<8x128xf32, #tpu.memory_space<hbm>>
      %dma_start3A_600 = arith.constant 0 : i32
      %dma_start3A_601 = arith.constant 0 : i32
      %dma_start3A_602 = tpu.memref_slice %arg4[%add3A_564, %dma_start3A_592, %add3A, %dma_start3A_600, %dma_start3A_601] : memref<200x8x32x8x128xf32, #tpu.memory_space<hbm>> -> memref<1x1x1x8x128xf32, #tpu.memory_space<hbm>>
      %dma_start3A_603 = tpu.memref_squeeze %dma_start3A_602 : memref<1x1x1x8x128xf32, #tpu.memory_space<hbm>> -> memref<8x128xf32, #tpu.memory_space<hbm>>
      %dma_start3A_604 = arith.constant 8 : i32
      %dma_start3A_605 = arith.constant 0 : i32
      %dma_start3A_606 = tpu.memref_slice %arg10[%dma_start3A_604, %dma_start3A_605] : memref<64x129xf32, #tpu.memory_space<vmem>> -> memref<8x128xf32, #tpu.memory_space<vmem>>
      tpu.enqueue_dma source(%dma_start3A_606 : memref<8x128xf32, #tpu.memory_space<vmem>>) target(%dma_start3A_603 : memref<8x128xf32, #tpu.memory_space<hbm>>) target_semaphore(%arg18 : memref<!tpu.dma_semaphore, #tpu.memory_space<semaphore_mem>>)
      %dma_start3A_607 = arith.constant 2 : i32
      %dma_start3A_608 = arith.constant 16 : i32
      %dma_start3A_609 = arith.constant 0 : i32
      %dma_start3A_610 = tpu.memref_slice %arg10[%dma_start3A_608, %dma_start3A_609] : memref<64x129xf32, #tpu.memory_space<vmem>> -> memref<8x128xf32, #tpu.memory_space<vmem>>
      %dma_start3A_611 = arith.constant 0 : i32
      %dma_start3A_612 = arith.constant 0 : i32
      %dma_start3A_613 = tpu.memref_slice %arg4[%add3A_564, %dma_start3A_607, %add3A, %dma_start3A_611, %dma_start3A_612] : memref<200x8x32x8x128xf32, #tpu.memory_space<hbm>> -> memref<1x1x1x8x128xf32, #tpu.memory_space<hbm>>
      %dma_start3A_614 = tpu.memref_squeeze %dma_start3A_613 : memref<1x1x1x8x128xf32, #tpu.memory_space<hbm>> -> memref<8x128xf32, #tpu.memory_space<hbm>>
      %dma_start3A_615 = arith.constant 0 : i32
      %dma_start3A_616 = arith.constant 0 : i32
      %dma_start3A_617 = tpu.memref_slice %arg4[%add3A_564, %dma_start3A_607, %add3A, %dma_start3A_615, %dma_start3A_616] : memref<200x8x32x8x128xf32, #tpu.memory_space<hbm>> -> memref<1x1x1x8x128xf32, #tpu.memory_space<hbm>>
      %dma_start3A_618 = tpu.memref_squeeze %dma_start3A_617 : memref<1x1x1x8x128xf32, #tpu.memory_space<hbm>> -> memref<8x128xf32, #tpu.memory_space<hbm>>
      %dma_start3A_619 = arith.constant 16 : i32
      %dma_start3A_620 = arith.constant 0 : i32
      %dma_start3A_621 = tpu.memref_slice %arg10[%dma_start3A_619, %dma_start3A_620] : memref<64x129xf32, #tpu.memory_space<vmem>> -> memref<8x128xf32, #tpu.memory_space<vmem>>
      tpu.enqueue_dma source(%dma_start3A_621 : memref<8x128xf32, #tpu.memory_space<vmem>>) target(%dma_start3A_618 : memref<8x128xf32, #tpu.memory_space<hbm>>) target_semaphore(%arg18 : memref<!tpu.dma_semaphore, #tpu.memory_space<semaphore_mem>>)
      %dma_start3A_622 = arith.constant 3 : i32
      %dma_start3A_623 = arith.constant 24 : i32
      %dma_start3A_624 = arith.constant 0 : i32
      %dma_start3A_625 = tpu.memref_slice %arg10[%dma_start3A_623, %dma_start3A_624] : memref<64x129xf32, #tpu.memory_space<vmem>> -> memref<8x128xf32, #tpu.memory_space<vmem>>
      %dma_start3A_626 = arith.constant 0 : i32
      %dma_start3A_627 = arith.constant 0 : i32
      %dma_start3A_628 = tpu.memref_slice %arg4[%add3A_564, %dma_start3A_622, %add3A, %dma_start3A_626, %dma_start3A_627] : memref<200x8x32x8x128xf32, #tpu.memory_space<hbm>> -> memref<1x1x1x8x128xf32, #tpu.memory_space<hbm>>
      %dma_start3A_629 = tpu.memref_squeeze %dma_start3A_628 : memref<1x1x1x8x128xf32, #tpu.memory_space<hbm>> -> memref<8x128xf32, #tpu.memory_space<hbm>>
      %dma_start3A_630 = arith.constant 0 : i32
      %dma_start3A_631 = arith.constant 0 : i32
      %dma_start3A_632 = tpu.memref_slice %arg4[%add3A_564, %dma_start3A_622, %add3A, %dma_start3A_630, %dma_start3A_631] : memref<200x8x32x8x128xf32, #tpu.memory_space<hbm>> -> memref<1x1x1x8x128xf32, #tpu.memory_space<hbm>>
      %dma_start3A_633 = tpu.memref_squeeze %dma_start3A_632 : memref<1x1x1x8x128xf32, #tpu.memory_space<hbm>> -> memref<8x128xf32, #tpu.memory_space<hbm>>
      %dma_start3A_634 = arith.constant 24 : i32
      %dma_start3A_635 = arith.constant 0 : i32
      %dma_start3A_636 = tpu.memref_slice %arg10[%dma_start3A_634, %dma_start3A_635] : memref<64x129xf32, #tpu.memory_space<vmem>> -> memref<8x128xf32, #tpu.memory_space<vmem>>
      tpu.enqueue_dma source(%dma_start3A_636 : memref<8x128xf32, #tpu.memory_space<vmem>>) target(%dma_start3A_633 : memref<8x128xf32, #tpu.memory_space<hbm>>) target_semaphore(%arg18 : memref<!tpu.dma_semaphore, #tpu.memory_space<semaphore_mem>>)
      %dma_start3A_637 = arith.constant 4 : i32
      %dma_start3A_638 = arith.constant 32 : i32
      %dma_start3A_639 = arith.constant 0 : i32
      %dma_start3A_640 = tpu.memref_slice %arg10[%dma_start3A_638, %dma_start3A_639] : memref<64x129xf32, #tpu.memory_space<vmem>> -> memref<8x128xf32, #tpu.memory_space<vmem>>
      %dma_start3A_641 = arith.constant 0 : i32
      %dma_start3A_642 = arith.constant 0 : i32
      %dma_start3A_643 = tpu.memref_slice %arg4[%add3A_564, %dma_start3A_637, %add3A, %dma_start3A_641, %dma_start3A_642] : memref<200x8x32x8x128xf32, #tpu.memory_space<hbm>> -> memref<1x1x1x8x128xf32, #tpu.memory_space<hbm>>
      %dma_start3A_644 = tpu.memref_squeeze %dma_start3A_643 : memref<1x1x1x8x128xf32, #tpu.memory_space<hbm>> -> memref<8x128xf32, #tpu.memory_space<hbm>>
      %dma_start3A_645 = arith.constant 0 : i32
      %dma_start3A_646 = arith.constant 0 : i32
      %dma_start3A_647 = tpu.memref_slice %arg4[%add3A_564, %dma_start3A_637, %add3A, %dma_start3A_645, %dma_start3A_646] : memref<200x8x32x8x128xf32, #tpu.memory_space<hbm>> -> memref<1x1x1x8x128xf32, #tpu.memory_space<hbm>>
      %dma_start3A_648 = tpu.memref_squeeze %dma_start3A_647 : memref<1x1x1x8x128xf32, #tpu.memory_space<hbm>> -> memref<8x128xf32, #tpu.memory_space<hbm>>
      %dma_start3A_649 = arith.constant 32 : i32
      %dma_start3A_650 = arith.constant 0 : i32
      %dma_start3A_651 = tpu.memref_slice %arg10[%dma_start3A_649, %dma_start3A_650] : memref<64x129xf32, #tpu.memory_space<vmem>> -> memref<8x128xf32, #tpu.memory_space<vmem>>
      tpu.enqueue_dma source(%dma_start3A_651 : memref<8x128xf32, #tpu.memory_space<vmem>>) target(%dma_start3A_648 : memref<8x128xf32, #tpu.memory_space<hbm>>) target_semaphore(%arg18 : memref<!tpu.dma_semaphore, #tpu.memory_space<semaphore_mem>>)
      %dma_start3A_652 = arith.constant 5 : i32
      %dma_start3A_653 = arith.constant 40 : i32
      %dma_start3A_654 = arith.constant 0 : i32
      %dma_start3A_655 = tpu.memref_slice %arg10[%dma_start3A_653, %dma_start3A_654] : memref<64x129xf32, #tpu.memory_space<vmem>> -> memref<8x128xf32, #tpu.memory_space<vmem>>
      %dma_start3A_656 = arith.constant 0 : i32
      %dma_start3A_657 = arith.constant 0 : i32
      %dma_start3A_658 = tpu.memref_slice %arg4[%add3A_564, %dma_start3A_652, %add3A, %dma_start3A_656, %dma_start3A_657] : memref<200x8x32x8x128xf32, #tpu.memory_space<hbm>> -> memref<1x1x1x8x128xf32, #tpu.memory_space<hbm>>
      %dma_start3A_659 = tpu.memref_squeeze %dma_start3A_658 : memref<1x1x1x8x128xf32, #tpu.memory_space<hbm>> -> memref<8x128xf32, #tpu.memory_space<hbm>>
      %dma_start3A_660 = arith.constant 0 : i32
      %dma_start3A_661 = arith.constant 0 : i32
      %dma_start3A_662 = tpu.memref_slice %arg4[%add3A_564, %dma_start3A_652, %add3A, %dma_start3A_660, %dma_start3A_661] : memref<200x8x32x8x128xf32, #tpu.memory_space<hbm>> -> memref<1x1x1x8x128xf32, #tpu.memory_space<hbm>>
      %dma_start3A_663 = tpu.memref_squeeze %dma_start3A_662 : memref<1x1x1x8x128xf32, #tpu.memory_space<hbm>> -> memref<8x128xf32, #tpu.memory_space<hbm>>
      %dma_start3A_664 = arith.constant 40 : i32
      %dma_start3A_665 = arith.constant 0 : i32
      %dma_start3A_666 = tpu.memref_slice %arg10[%dma_start3A_664, %dma_start3A_665] : memref<64x129xf32, #tpu.memory_space<vmem>> -> memref<8x128xf32, #tpu.memory_space<vmem>>
      tpu.enqueue_dma source(%dma_start3A_666 : memref<8x128xf32, #tpu.memory_space<vmem>>) target(%dma_start3A_663 : memref<8x128xf32, #tpu.memory_space<hbm>>) target_semaphore(%arg18 : memref<!tpu.dma_semaphore, #tpu.memory_space<semaphore_mem>>)
      %dma_start3A_667 = arith.constant 6 : i32
      %dma_start3A_668 = arith.constant 48 : i32
      %dma_start3A_669 = arith.constant 0 : i32
      %dma_start3A_670 = tpu.memref_slice %arg10[%dma_start3A_668, %dma_start3A_669] : memref<64x129xf32, #tpu.memory_space<vmem>> -> memref<8x128xf32, #tpu.memory_space<vmem>>
      %dma_start3A_671 = arith.constant 0 : i32
      %dma_start3A_672 = arith.constant 0 : i32
      %dma_start3A_673 = tpu.memref_slice %arg4[%add3A_564, %dma_start3A_667, %add3A, %dma_start3A_671, %dma_start3A_672] : memref<200x8x32x8x128xf32, #tpu.memory_space<hbm>> -> memref<1x1x1x8x128xf32, #tpu.memory_space<hbm>>
      %dma_start3A_674 = tpu.memref_squeeze %dma_start3A_673 : memref<1x1x1x8x128xf32, #tpu.memory_space<hbm>> -> memref<8x128xf32, #tpu.memory_space<hbm>>
      %dma_start3A_675 = arith.constant 0 : i32
      %dma_start3A_676 = arith.constant 0 : i32
      %dma_start3A_677 = tpu.memref_slice %arg4[%add3A_564, %dma_start3A_667, %add3A, %dma_start3A_675, %dma_start3A_676] : memref<200x8x32x8x128xf32, #tpu.memory_space<hbm>> -> memref<1x1x1x8x128xf32, #tpu.memory_space<hbm>>
      %dma_start3A_678 = tpu.memref_squeeze %dma_start3A_677 : memref<1x1x1x8x128xf32, #tpu.memory_space<hbm>> -> memref<8x128xf32, #tpu.memory_space<hbm>>
      %dma_start3A_679 = arith.constant 48 : i32
      %dma_start3A_680 = arith.constant 0 : i32
      %dma_start3A_681 = tpu.memref_slice %arg10[%dma_start3A_679, %dma_start3A_680] : memref<64x129xf32, #tpu.memory_space<vmem>> -> memref<8x128xf32, #tpu.memory_space<vmem>>
      tpu.enqueue_dma source(%dma_start3A_681 : memref<8x128xf32, #tpu.memory_space<vmem>>) target(%dma_start3A_678 : memref<8x128xf32, #tpu.memory_space<hbm>>) target_semaphore(%arg18 : memref<!tpu.dma_semaphore, #tpu.memory_space<semaphore_mem>>)
      %dma_start3A_682 = arith.constant 7 : i32
      %dma_start3A_683 = arith.constant 56 : i32
      %dma_start3A_684 = arith.constant 0 : i32
      %dma_start3A_685 = tpu.memref_slice %arg10[%dma_start3A_683, %dma_start3A_684] : memref<64x129xf32, #tpu.memory_space<vmem>> -> memref<8x128xf32, #tpu.memory_space<vmem>>
      %dma_start3A_686 = arith.constant 0 : i32
      %dma_start3A_687 = arith.constant 0 : i32
      %dma_start3A_688 = tpu.memref_slice %arg4[%add3A_564, %dma_start3A_682, %add3A, %dma_start3A_686, %dma_start3A_687] : memref<200x8x32x8x128xf32, #tpu.memory_space<hbm>> -> memref<1x1x1x8x128xf32, #tpu.memory_space<hbm>>
      %dma_start3A_689 = tpu.memref_squeeze %dma_start3A_688 : memref<1x1x1x8x128xf32, #tpu.memory_space<hbm>> -> memref<8x128xf32, #tpu.memory_space<hbm>>
      %dma_start3A_690 = arith.constant 0 : i32
      %dma_start3A_691 = arith.constant 0 : i32
      %dma_start3A_692 = tpu.memref_slice %arg4[%add3A_564, %dma_start3A_682, %add3A, %dma_start3A_690, %dma_start3A_691] : memref<200x8x32x8x128xf32, #tpu.memory_space<hbm>> -> memref<1x1x1x8x128xf32, #tpu.memory_space<hbm>>
      %dma_start3A_693 = tpu.memref_squeeze %dma_start3A_692 : memref<1x1x1x8x128xf32, #tpu.memory_space<hbm>> -> memref<8x128xf32, #tpu.memory_space<hbm>>
      %dma_start3A_694 = arith.constant 56 : i32
      %dma_start3A_695 = arith.constant 0 : i32
      %dma_start3A_696 = tpu.memref_slice %arg10[%dma_start3A_694, %dma_start3A_695] : memref<64x129xf32, #tpu.memory_space<vmem>> -> memref<8x128xf32, #tpu.memory_space<vmem>>
      tpu.enqueue_dma source(%dma_start3A_696 : memref<8x128xf32, #tpu.memory_space<vmem>>) target(%dma_start3A_693 : memref<8x128xf32, #tpu.memory_space<hbm>>) target_semaphore(%arg18 : memref<!tpu.dma_semaphore, #tpu.memory_space<semaphore_mem>>)
      %lt3A = arith.constant 49 : i32
      %lt3A_697 = arith.cmpi slt, %scan3A_560, %lt3A : i32
      %convert_element_type3A_698 = arith.extui %lt3A_697 : i1 to i32
      %cond3A_699 = arith.constant 0 : i32
      %cond3A_700 = arith.cmpi ne, %convert_element_type3A_698, %cond3A_699 : i32
      scf.if %cond3A_700 {
        %add3A_1142 = arith.constant 4 : i32
        %add3A_1143 = arith.addi %add3A_564, %add3A_1142 : i32
        %shift_right_arithmetic3A_1144 = arith.constant 3 : i32
        %shift_right_arithmetic3A_1145 = arith.shrsi %add3A_1143, %shift_right_arithmetic3A_1144 : i32
        %and3A_1146 = arith.constant 7 : i32
        %and3A_1147 = arith.andi %add3A_1143, %and3A_1146 : i32
        %dma_start3A_1148 = arith.constant 0 : i32
        %dma_start3A_1149 = tpu.memref_slice %arg5[%shift_right_arithmetic3A_1145, %and3A_1147, %dma_start3A_1148] : memref<25x8x128xi32, #tpu.memory_space<vmem>> -> memref<1x1x128xi32, #tpu.memory_space<vmem>>
        %dma_start3A_1150 = tpu.memref_squeeze %dma_start3A_1149 : memref<1x1x128xi32, #tpu.memory_space<vmem>> -> memref<128xi32, #tpu.memory_space<vmem>>
        %dma_start3A_1151 = arith.constant 0 : i32
        %dma_start3A_1152 = arith.constant 0 : i32
        %dma_start3A_1153 = tpu.memref_slice %arg3[%dma_start3A_1151, %dma_start3A_1152] : memref<1000000x64xf32, #tpu.memory_space<hbm>> -> memref<1000000x64xf32, #tpu.memory_space<hbm>>
        tpu.enqueue_indirect_dma source(%dma_start3A_1153 : memref<1000000x64xf32, #tpu.memory_space<hbm>>) target(%arg6 : memref<128x64xf32, #tpu.memory_space<vmem>>) offsets(%dma_start3A_1150 : memref<128xi32, #tpu.memory_space<vmem>>) semaphore(%arg14 : memref<!tpu.dma_semaphore, #tpu.memory_space<semaphore_mem>>)
      } else {
      }
      %mul3A_701 = arith.constant 4 : i32
      %mul3A_702 = arith.muli %scan3A_560, %mul3A_701 : i32
      %add3A_703 = arith.constant 1 : i32
      %add3A_704 = arith.addi %mul3A_702, %add3A_703 : i32
      %shift_right_arithmetic3A_705 = arith.constant 3 : i32
      %shift_right_arithmetic3A_706 = arith.shrsi %add3A_704, %shift_right_arithmetic3A_705 : i32
      %and3A_707 = arith.constant 7 : i32
      %and3A_708 = arith.andi %add3A_704, %and3A_707 : i32
      %dma_wait3A_709 = arith.constant 0 : i32
      %dma_wait3A_710 = tpu.memref_slice %arg5[%shift_right_arithmetic3A_706, %and3A_708, %dma_wait3A_709] : memref<25x8x128xi32, #tpu.memory_space<vmem>> -> memref<1x1x128xi32, #tpu.memory_space<vmem>>
      %dma_wait3A_711 = tpu.memref_squeeze %dma_wait3A_710 : memref<1x1x128xi32, #tpu.memory_space<vmem>> -> memref<128xi32, #tpu.memory_space<vmem>>
      %dma_wait3A_712 = arith.constant 0 : i32
      %dma_wait3A_713 = arith.constant 0 : i32
      %dma_wait3A_714 = tpu.memref_slice %arg3[%dma_wait3A_712, %dma_wait3A_713] : memref<1000000x64xf32, #tpu.memory_space<hbm>> -> memref<1000000x64xf32, #tpu.memory_space<hbm>>
      tpu.wait_indirect_dma semaphore(%arg15 : memref<!tpu.dma_semaphore, #tpu.memory_space<semaphore_mem>>) src(%dma_wait3A_714 : memref<1000000x64xf32, #tpu.memory_space<hbm>>) dst(%arg7 : memref<128x64xf32, #tpu.memory_space<vmem>>)
      %gt3A_715 = arith.constant 0 : i32
      %gt3A_716 = arith.cmpi sgt, %scan3A_560, %gt3A_715 : i32
      %convert_element_type3A_717 = arith.extui %gt3A_716 : i1 to i32
      %cond3A_718 = arith.constant 0 : i32
      %cond3A_719 = arith.cmpi ne, %convert_element_type3A_717, %cond3A_718 : i32
      scf.if %cond3A_719 {
        %sub3A = arith.constant 4 : i32
        %sub3A_1142 = arith.subi %add3A_704, %sub3A : i32
        %dma_wait3A_1143 = arith.constant 0 : i32
        %dma_wait3A_1144 = arith.constant 0 : i32
        %dma_wait3A_1145 = arith.constant 0 : i32
        %dma_wait3A_1146 = tpu.memref_slice %arg11[%dma_wait3A_1144, %dma_wait3A_1145] : memref<64x129xf32, #tpu.memory_space<vmem>> -> memref<8x128xf32, #tpu.memory_space<vmem>>
        %dma_wait3A_1147 = arith.constant 0 : i32
        %dma_wait3A_1148 = arith.constant 0 : i32
        %dma_wait3A_1149 = tpu.memref_slice %arg4[%sub3A_1142, %dma_wait3A_1143, %add3A, %dma_wait3A_1147, %dma_wait3A_1148] : memref<200x8x32x8x128xf32, #tpu.memory_space<hbm>> -> memref<1x1x1x8x128xf32, #tpu.memory_space<hbm>>
        %dma_wait3A_1150 = tpu.memref_squeeze %dma_wait3A_1149 : memref<1x1x1x8x128xf32, #tpu.memory_space<hbm>> -> memref<8x128xf32, #tpu.memory_space<hbm>>
        %dma_wait3A_1151 = arith.constant 0 : i32
        %dma_wait3A_1152 = arith.constant 0 : i32
        %dma_wait3A_1153 = tpu.memref_slice %arg4[%sub3A_1142, %dma_wait3A_1143, %add3A, %dma_wait3A_1151, %dma_wait3A_1152] : memref<200x8x32x8x128xf32, #tpu.memory_space<hbm>> -> memref<1x1x1x8x128xf32, #tpu.memory_space<hbm>>
        %dma_wait3A_1154 = tpu.memref_squeeze %dma_wait3A_1153 : memref<1x1x1x8x128xf32, #tpu.memory_space<hbm>> -> memref<8x128xf32, #tpu.memory_space<hbm>>
        %dma_wait3A_1155 = arith.constant 0 : i32
        %dma_wait3A_1156 = arith.constant 0 : i32
        %dma_wait3A_1157 = tpu.memref_slice %arg11[%dma_wait3A_1155, %dma_wait3A_1156] : memref<64x129xf32, #tpu.memory_space<vmem>> -> memref<8x128xf32, #tpu.memory_space<vmem>>
        tpu.wait_dma2 semaphore(%arg19 : memref<!tpu.dma_semaphore, #tpu.memory_space<semaphore_mem>>) src(%dma_wait3A_1157 : memref<8x128xf32, #tpu.memory_space<vmem>>) dst(%dma_wait3A_1154 : memref<8x128xf32, #tpu.memory_space<hbm>>)
        %dma_wait3A_1158 = arith.constant 1 : i32
        %dma_wait3A_1159 = arith.constant 8 : i32
        %dma_wait3A_1160 = arith.constant 0 : i32
        %dma_wait3A_1161 = tpu.memref_slice %arg11[%dma_wait3A_1159, %dma_wait3A_1160] : memref<64x129xf32, #tpu.memory_space<vmem>> -> memref<8x128xf32, #tpu.memory_space<vmem>>
        %dma_wait3A_1162 = arith.constant 0 : i32
        %dma_wait3A_1163 = arith.constant 0 : i32
        %dma_wait3A_1164 = tpu.memref_slice %arg4[%sub3A_1142, %dma_wait3A_1158, %add3A, %dma_wait3A_1162, %dma_wait3A_1163] : memref<200x8x32x8x128xf32, #tpu.memory_space<hbm>> -> memref<1x1x1x8x128xf32, #tpu.memory_space<hbm>>
        %dma_wait3A_1165 = tpu.memref_squeeze %dma_wait3A_1164 : memref<1x1x1x8x128xf32, #tpu.memory_space<hbm>> -> memref<8x128xf32, #tpu.memory_space<hbm>>
        %dma_wait3A_1166 = arith.constant 0 : i32
        %dma_wait3A_1167 = arith.constant 0 : i32
        %dma_wait3A_1168 = tpu.memref_slice %arg4[%sub3A_1142, %dma_wait3A_1158, %add3A, %dma_wait3A_1166, %dma_wait3A_1167] : memref<200x8x32x8x128xf32, #tpu.memory_space<hbm>> -> memref<1x1x1x8x128xf32, #tpu.memory_space<hbm>>
        %dma_wait3A_1169 = tpu.memref_squeeze %dma_wait3A_1168 : memref<1x1x1x8x128xf32, #tpu.memory_space<hbm>> -> memref<8x128xf32, #tpu.memory_space<hbm>>
        %dma_wait3A_1170 = arith.constant 8 : i32
        %dma_wait3A_1171 = arith.constant 0 : i32
        %dma_wait3A_1172 = tpu.memref_slice %arg11[%dma_wait3A_1170, %dma_wait3A_1171] : memref<64x129xf32, #tpu.memory_space<vmem>> -> memref<8x128xf32, #tpu.memory_space<vmem>>
        tpu.wait_dma2 semaphore(%arg19 : memref<!tpu.dma_semaphore, #tpu.memory_space<semaphore_mem>>) src(%dma_wait3A_1172 : memref<8x128xf32, #tpu.memory_space<vmem>>) dst(%dma_wait3A_1169 : memref<8x128xf32, #tpu.memory_space<hbm>>)
        %dma_wait3A_1173 = arith.constant 2 : i32
        %dma_wait3A_1174 = arith.constant 16 : i32
        %dma_wait3A_1175 = arith.constant 0 : i32
        %dma_wait3A_1176 = tpu.memref_slice %arg11[%dma_wait3A_1174, %dma_wait3A_1175] : memref<64x129xf32, #tpu.memory_space<vmem>> -> memref<8x128xf32, #tpu.memory_space<vmem>>
        %dma_wait3A_1177 = arith.constant 0 : i32
        %dma_wait3A_1178 = arith.constant 0 : i32
        %dma_wait3A_1179 = tpu.memref_slice %arg4[%sub3A_1142, %dma_wait3A_1173, %add3A, %dma_wait3A_1177, %dma_wait3A_1178] : memref<200x8x32x8x128xf32, #tpu.memory_space<hbm>> -> memref<1x1x1x8x128xf32, #tpu.memory_space<hbm>>
        %dma_wait3A_1180 = tpu.memref_squeeze %dma_wait3A_1179 : memref<1x1x1x8x128xf32, #tpu.memory_space<hbm>> -> memref<8x128xf32, #tpu.memory_space<hbm>>
        %dma_wait3A_1181 = arith.constant 0 : i32
        %dma_wait3A_1182 = arith.constant 0 : i32
        %dma_wait3A_1183 = tpu.memref_slice %arg4[%sub3A_1142, %dma_wait3A_1173, %add3A, %dma_wait3A_1181, %dma_wait3A_1182] : memref<200x8x32x8x128xf32, #tpu.memory_space<hbm>> -> memref<1x1x1x8x128xf32, #tpu.memory_space<hbm>>
        %dma_wait3A_1184 = tpu.memref_squeeze %dma_wait3A_1183 : memref<1x1x1x8x128xf32, #tpu.memory_space<hbm>> -> memref<8x128xf32, #tpu.memory_space<hbm>>
        %dma_wait3A_1185 = arith.constant 16 : i32
        %dma_wait3A_1186 = arith.constant 0 : i32
        %dma_wait3A_1187 = tpu.memref_slice %arg11[%dma_wait3A_1185, %dma_wait3A_1186] : memref<64x129xf32, #tpu.memory_space<vmem>> -> memref<8x128xf32, #tpu.memory_space<vmem>>
        tpu.wait_dma2 semaphore(%arg19 : memref<!tpu.dma_semaphore, #tpu.memory_space<semaphore_mem>>) src(%dma_wait3A_1187 : memref<8x128xf32, #tpu.memory_space<vmem>>) dst(%dma_wait3A_1184 : memref<8x128xf32, #tpu.memory_space<hbm>>)
        %dma_wait3A_1188 = arith.constant 3 : i32
        %dma_wait3A_1189 = arith.constant 24 : i32
        %dma_wait3A_1190 = arith.constant 0 : i32
        %dma_wait3A_1191 = tpu.memref_slice %arg11[%dma_wait3A_1189, %dma_wait3A_1190] : memref<64x129xf32, #tpu.memory_space<vmem>> -> memref<8x128xf32, #tpu.memory_space<vmem>>
        %dma_wait3A_1192 = arith.constant 0 : i32
        %dma_wait3A_1193 = arith.constant 0 : i32
        %dma_wait3A_1194 = tpu.memref_slice %arg4[%sub3A_1142, %dma_wait3A_1188, %add3A, %dma_wait3A_1192, %dma_wait3A_1193] : memref<200x8x32x8x128xf32, #tpu.memory_space<hbm>> -> memref<1x1x1x8x128xf32, #tpu.memory_space<hbm>>
        %dma_wait3A_1195 = tpu.memref_squeeze %dma_wait3A_1194 : memref<1x1x1x8x128xf32, #tpu.memory_space<hbm>> -> memref<8x128xf32, #tpu.memory_space<hbm>>
        %dma_wait3A_1196 = arith.constant 0 : i32
        %dma_wait3A_1197 = arith.constant 0 : i32
        %dma_wait3A_1198 = tpu.memref_slice %arg4[%sub3A_1142, %dma_wait3A_1188, %add3A, %dma_wait3A_1196, %dma_wait3A_1197] : memref<200x8x32x8x128xf32, #tpu.memory_space<hbm>> -> memref<1x1x1x8x128xf32, #tpu.memory_space<hbm>>
        %dma_wait3A_1199 = tpu.memref_squeeze %dma_wait3A_1198 : memref<1x1x1x8x128xf32, #tpu.memory_space<hbm>> -> memref<8x128xf32, #tpu.memory_space<hbm>>
        %dma_wait3A_1200 = arith.constant 24 : i32
        %dma_wait3A_1201 = arith.constant 0 : i32
        %dma_wait3A_1202 = tpu.memref_slice %arg11[%dma_wait3A_1200, %dma_wait3A_1201] : memref<64x129xf32, #tpu.memory_space<vmem>> -> memref<8x128xf32, #tpu.memory_space<vmem>>
        tpu.wait_dma2 semaphore(%arg19 : memref<!tpu.dma_semaphore, #tpu.memory_space<semaphore_mem>>) src(%dma_wait3A_1202 : memref<8x128xf32, #tpu.memory_space<vmem>>) dst(%dma_wait3A_1199 : memref<8x128xf32, #tpu.memory_space<hbm>>)
        %dma_wait3A_1203 = arith.constant 4 : i32
        %dma_wait3A_1204 = arith.constant 32 : i32
        %dma_wait3A_1205 = arith.constant 0 : i32
        %dma_wait3A_1206 = tpu.memref_slice %arg11[%dma_wait3A_1204, %dma_wait3A_1205] : memref<64x129xf32, #tpu.memory_space<vmem>> -> memref<8x128xf32, #tpu.memory_space<vmem>>
        %dma_wait3A_1207 = arith.constant 0 : i32
        %dma_wait3A_1208 = arith.constant 0 : i32
        %dma_wait3A_1209 = tpu.memref_slice %arg4[%sub3A_1142, %dma_wait3A_1203, %add3A, %dma_wait3A_1207, %dma_wait3A_1208] : memref<200x8x32x8x128xf32, #tpu.memory_space<hbm>> -> memref<1x1x1x8x128xf32, #tpu.memory_space<hbm>>
        %dma_wait3A_1210 = tpu.memref_squeeze %dma_wait3A_1209 : memref<1x1x1x8x128xf32, #tpu.memory_space<hbm>> -> memref<8x128xf32, #tpu.memory_space<hbm>>
        %dma_wait3A_1211 = arith.constant 0 : i32
        %dma_wait3A_1212 = arith.constant 0 : i32
        %dma_wait3A_1213 = tpu.memref_slice %arg4[%sub3A_1142, %dma_wait3A_1203, %add3A, %dma_wait3A_1211, %dma_wait3A_1212] : memref<200x8x32x8x128xf32, #tpu.memory_space<hbm>> -> memref<1x1x1x8x128xf32, #tpu.memory_space<hbm>>
        %dma_wait3A_1214 = tpu.memref_squeeze %dma_wait3A_1213 : memref<1x1x1x8x128xf32, #tpu.memory_space<hbm>> -> memref<8x128xf32, #tpu.memory_space<hbm>>
        %dma_wait3A_1215 = arith.constant 32 : i32
        %dma_wait3A_1216 = arith.constant 0 : i32
        %dma_wait3A_1217 = tpu.memref_slice %arg11[%dma_wait3A_1215, %dma_wait3A_1216] : memref<64x129xf32, #tpu.memory_space<vmem>> -> memref<8x128xf32, #tpu.memory_space<vmem>>
        tpu.wait_dma2 semaphore(%arg19 : memref<!tpu.dma_semaphore, #tpu.memory_space<semaphore_mem>>) src(%dma_wait3A_1217 : memref<8x128xf32, #tpu.memory_space<vmem>>) dst(%dma_wait3A_1214 : memref<8x128xf32, #tpu.memory_space<hbm>>)
        %dma_wait3A_1218 = arith.constant 5 : i32
        %dma_wait3A_1219 = arith.constant 40 : i32
        %dma_wait3A_1220 = arith.constant 0 : i32
        %dma_wait3A_1221 = tpu.memref_slice %arg11[%dma_wait3A_1219, %dma_wait3A_1220] : memref<64x129xf32, #tpu.memory_space<vmem>> -> memref<8x128xf32, #tpu.memory_space<vmem>>
        %dma_wait3A_1222 = arith.constant 0 : i32
        %dma_wait3A_1223 = arith.constant 0 : i32
        %dma_wait3A_1224 = tpu.memref_slice %arg4[%sub3A_1142, %dma_wait3A_1218, %add3A, %dma_wait3A_1222, %dma_wait3A_1223] : memref<200x8x32x8x128xf32, #tpu.memory_space<hbm>> -> memref<1x1x1x8x128xf32, #tpu.memory_space<hbm>>
        %dma_wait3A_1225 = tpu.memref_squeeze %dma_wait3A_1224 : memref<1x1x1x8x128xf32, #tpu.memory_space<hbm>> -> memref<8x128xf32, #tpu.memory_space<hbm>>
        %dma_wait3A_1226 = arith.constant 0 : i32
        %dma_wait3A_1227 = arith.constant 0 : i32
        %dma_wait3A_1228 = tpu.memref_slice %arg4[%sub3A_1142, %dma_wait3A_1218, %add3A, %dma_wait3A_1226, %dma_wait3A_1227] : memref<200x8x32x8x128xf32, #tpu.memory_space<hbm>> -> memref<1x1x1x8x128xf32, #tpu.memory_space<hbm>>
        %dma_wait3A_1229 = tpu.memref_squeeze %dma_wait3A_1228 : memref<1x1x1x8x128xf32, #tpu.memory_space<hbm>> -> memref<8x128xf32, #tpu.memory_space<hbm>>
        %dma_wait3A_1230 = arith.constant 40 : i32
        %dma_wait3A_1231 = arith.constant 0 : i32
        %dma_wait3A_1232 = tpu.memref_slice %arg11[%dma_wait3A_1230, %dma_wait3A_1231] : memref<64x129xf32, #tpu.memory_space<vmem>> -> memref<8x128xf32, #tpu.memory_space<vmem>>
        tpu.wait_dma2 semaphore(%arg19 : memref<!tpu.dma_semaphore, #tpu.memory_space<semaphore_mem>>) src(%dma_wait3A_1232 : memref<8x128xf32, #tpu.memory_space<vmem>>) dst(%dma_wait3A_1229 : memref<8x128xf32, #tpu.memory_space<hbm>>)
        %dma_wait3A_1233 = arith.constant 6 : i32
        %dma_wait3A_1234 = arith.constant 48 : i32
        %dma_wait3A_1235 = arith.constant 0 : i32
        %dma_wait3A_1236 = tpu.memref_slice %arg11[%dma_wait3A_1234, %dma_wait3A_1235] : memref<64x129xf32, #tpu.memory_space<vmem>> -> memref<8x128xf32, #tpu.memory_space<vmem>>
        %dma_wait3A_1237 = arith.constant 0 : i32
        %dma_wait3A_1238 = arith.constant 0 : i32
        %dma_wait3A_1239 = tpu.memref_slice %arg4[%sub3A_1142, %dma_wait3A_1233, %add3A, %dma_wait3A_1237, %dma_wait3A_1238] : memref<200x8x32x8x128xf32, #tpu.memory_space<hbm>> -> memref<1x1x1x8x128xf32, #tpu.memory_space<hbm>>
        %dma_wait3A_1240 = tpu.memref_squeeze %dma_wait3A_1239 : memref<1x1x1x8x128xf32, #tpu.memory_space<hbm>> -> memref<8x128xf32, #tpu.memory_space<hbm>>
        %dma_wait3A_1241 = arith.constant 0 : i32
        %dma_wait3A_1242 = arith.constant 0 : i32
        %dma_wait3A_1243 = tpu.memref_slice %arg4[%sub3A_1142, %dma_wait3A_1233, %add3A, %dma_wait3A_1241, %dma_wait3A_1242] : memref<200x8x32x8x128xf32, #tpu.memory_space<hbm>> -> memref<1x1x1x8x128xf32, #tpu.memory_space<hbm>>
        %dma_wait3A_1244 = tpu.memref_squeeze %dma_wait3A_1243 : memref<1x1x1x8x128xf32, #tpu.memory_space<hbm>> -> memref<8x128xf32, #tpu.memory_space<hbm>>
        %dma_wait3A_1245 = arith.constant 48 : i32
        %dma_wait3A_1246 = arith.constant 0 : i32
        %dma_wait3A_1247 = tpu.memref_slice %arg11[%dma_wait3A_1245, %dma_wait3A_1246] : memref<64x129xf32, #tpu.memory_space<vmem>> -> memref<8x128xf32, #tpu.memory_space<vmem>>
        tpu.wait_dma2 semaphore(%arg19 : memref<!tpu.dma_semaphore, #tpu.memory_space<semaphore_mem>>) src(%dma_wait3A_1247 : memref<8x128xf32, #tpu.memory_space<vmem>>) dst(%dma_wait3A_1244 : memref<8x128xf32, #tpu.memory_space<hbm>>)
        %dma_wait3A_1248 = arith.constant 7 : i32
        %dma_wait3A_1249 = arith.constant 56 : i32
        %dma_wait3A_1250 = arith.constant 0 : i32
        %dma_wait3A_1251 = tpu.memref_slice %arg11[%dma_wait3A_1249, %dma_wait3A_1250] : memref<64x129xf32, #tpu.memory_space<vmem>> -> memref<8x128xf32, #tpu.memory_space<vmem>>
        %dma_wait3A_1252 = arith.constant 0 : i32
        %dma_wait3A_1253 = arith.constant 0 : i32
        %dma_wait3A_1254 = tpu.memref_slice %arg4[%sub3A_1142, %dma_wait3A_1248, %add3A, %dma_wait3A_1252, %dma_wait3A_1253] : memref<200x8x32x8x128xf32, #tpu.memory_space<hbm>> -> memref<1x1x1x8x128xf32, #tpu.memory_space<hbm>>
        %dma_wait3A_1255 = tpu.memref_squeeze %dma_wait3A_1254 : memref<1x1x1x8x128xf32, #tpu.memory_space<hbm>> -> memref<8x128xf32, #tpu.memory_space<hbm>>
        %dma_wait3A_1256 = arith.constant 0 : i32
        %dma_wait3A_1257 = arith.constant 0 : i32
        %dma_wait3A_1258 = tpu.memref_slice %arg4[%sub3A_1142, %dma_wait3A_1248, %add3A, %dma_wait3A_1256, %dma_wait3A_1257] : memref<200x8x32x8x128xf32, #tpu.memory_space<hbm>> -> memref<1x1x1x8x128xf32, #tpu.memory_space<hbm>>
        %dma_wait3A_1259 = tpu.memref_squeeze %dma_wait3A_1258 : memref<1x1x1x8x128xf32, #tpu.memory_space<hbm>> -> memref<8x128xf32, #tpu.memory_space<hbm>>
        %dma_wait3A_1260 = arith.constant 56 : i32
        %dma_wait3A_1261 = arith.constant 0 : i32
        %dma_wait3A_1262 = tpu.memref_slice %arg11[%dma_wait3A_1260, %dma_wait3A_1261] : memref<64x129xf32, #tpu.memory_space<vmem>> -> memref<8x128xf32, #tpu.memory_space<vmem>>
        tpu.wait_dma2 semaphore(%arg19 : memref<!tpu.dma_semaphore, #tpu.memory_space<semaphore_mem>>) src(%dma_wait3A_1262 : memref<8x128xf32, #tpu.memory_space<vmem>>) dst(%dma_wait3A_1259 : memref<8x128xf32, #tpu.memory_space<hbm>>)
      } else {
      }
      %parallel_loop3A_720 = arith.constant 0 : i32
      %parallel_loop3A_721 = arith.constant 128 : i32
      %parallel_loop3A_722 = arith.constant 1 : i32
      scf.for %parallel_loop3A_1142 = %parallel_loop3A_720 to %parallel_loop3A_721 step %parallel_loop3A_722  : i32 {
        %parallel_loop3A_1143 = arith.constant 0 : i32
        %parallel_loop3A_1144 = vector.broadcast %parallel_loop3A_1143 : i32 to vector<16xi32>
        %parallel_loop3A_1145 = vector.broadcast %parallel_loop3A_1142 : i32 to vector<16xi32>
        %parallel_loop3A_1146 = arith.addi %parallel_loop3A_1144, %parallel_loop3A_1145 : vector<16xi32>
        %parallel_loop3A_1147 = arith.index_cast %parallel_loop3A_1142 : i32 to index
        %parallel_loop3A_1148 = arith.constant 0 : index
        %parallel_loop3A_1149 = tpu.vector_load %arg7[%parallel_loop3A_1147, %parallel_loop3A_1148] {strides = array<i32>} : memref<128x64xf32, #tpu.memory_space<vmem>>, vector<16xf32>,
        %parallel_loop3A_1150 = arith.constant 8.000000e+00 : f32
        %parallel_loop3A_1151 = vector.broadcast %parallel_loop3A_1150 : f32 to vector<16xf32>
        %parallel_loop3A_1152 = arith.mulf %parallel_loop3A_1149, %parallel_loop3A_1151 : vector<16xf32>
        tpu.vector_store_idx %arg11[%add3A_3, %parallel_loop3A_1146], %parallel_loop3A_1152 : memref<64x129xf32, #tpu.memory_space<vmem>>[vector<16xi32>, vector<16xi32>], vector<16xf32>,
        %parallel_loop3A_1153 = arith.index_cast %parallel_loop3A_1142 : i32 to index
        %parallel_loop3A_1154 = arith.constant 16 : index
        %parallel_loop3A_1155 = tpu.vector_load %arg7[%parallel_loop3A_1153, %parallel_loop3A_1154] {strides = array<i32>} : memref<128x64xf32, #tpu.memory_space<vmem>>, vector<16xf32>,
        %parallel_loop3A_1156 = arith.constant 8.000000e+00 : f32
        %parallel_loop3A_1157 = vector.broadcast %parallel_loop3A_1156 : f32 to vector<16xf32>
        %parallel_loop3A_1158 = arith.mulf %parallel_loop3A_1155, %parallel_loop3A_1157 : vector<16xf32>
        tpu.vector_store_idx %arg11[%add3A_6, %parallel_loop3A_1146], %parallel_loop3A_1158 : memref<64x129xf32, #tpu.memory_space<vmem>>[vector<16xi32>, vector<16xi32>], vector<16xf32>,
        %parallel_loop3A_1159 = arith.index_cast %parallel_loop3A_1142 : i32 to index
        %parallel_loop3A_1160 = arith.constant 32 : index
        %parallel_loop3A_1161 = tpu.vector_load %arg7[%parallel_loop3A_1159, %parallel_loop3A_1160] {strides = array<i32>} : memref<128x64xf32, #tpu.memory_space<vmem>>, vector<16xf32>,
        %parallel_loop3A_1162 = arith.constant 8.000000e+00 : f32
        %parallel_loop3A_1163 = vector.broadcast %parallel_loop3A_1162 : f32 to vector<16xf32>
        %parallel_loop3A_1164 = arith.mulf %parallel_loop3A_1161, %parallel_loop3A_1163 : vector<16xf32>
        tpu.vector_store_idx %arg11[%add3A_9, %parallel_loop3A_1146], %parallel_loop3A_1164 : memref<64x129xf32, #tpu.memory_space<vmem>>[vector<16xi32>, vector<16xi32>], vector<16xf32>,
        %parallel_loop3A_1165 = arith.index_cast %parallel_loop3A_1142 : i32 to index
        %parallel_loop3A_1166 = arith.constant 48 : index
        %parallel_loop3A_1167 = tpu.vector_load %arg7[%parallel_loop3A_1165, %parallel_loop3A_1166] {strides = array<i32>} : memref<128x64xf32, #tpu.memory_space<vmem>>, vector<16xf32>,
        %parallel_loop3A_1168 = arith.constant 8.000000e+00 : f32
        %parallel_loop3A_1169 = vector.broadcast %parallel_loop3A_1168 : f32 to vector<16xf32>
        %parallel_loop3A_1170 = arith.mulf %parallel_loop3A_1167, %parallel_loop3A_1169 : vector<16xf32>
        tpu.vector_store_idx %arg11[%add3A_12, %parallel_loop3A_1146], %parallel_loop3A_1170 : memref<64x129xf32, #tpu.memory_space<vmem>>[vector<16xi32>, vector<16xi32>], vector<16xf32>,
      } {sc.loop_unroll_factor = 8 : i64, sc.parallel_access}
      %dma_start3A_723 = arith.constant 0 : i32
      %dma_start3A_724 = arith.constant 0 : i32
      %dma_start3A_725 = arith.constant 0 : i32
      %dma_start3A_726 = tpu.memref_slice %arg11[%dma_start3A_724, %dma_start3A_725] : memref<64x129xf32, #tpu.memory_space<vmem>> -> memref<8x128xf32, #tpu.memory_space<vmem>>
      %dma_start3A_727 = arith.constant 0 : i32
      %dma_start3A_728 = arith.constant 0 : i32
      %dma_start3A_729 = tpu.memref_slice %arg4[%add3A_704, %dma_start3A_723, %add3A, %dma_start3A_727, %dma_start3A_728] : memref<200x8x32x8x128xf32, #tpu.memory_space<hbm>> -> memref<1x1x1x8x128xf32, #tpu.memory_space<hbm>>
      %dma_start3A_730 = tpu.memref_squeeze %dma_start3A_729 : memref<1x1x1x8x128xf32, #tpu.memory_space<hbm>> -> memref<8x128xf32, #tpu.memory_space<hbm>>
      %dma_start3A_731 = arith.constant 0 : i32
      %dma_start3A_732 = arith.constant 0 : i32
      %dma_start3A_733 = tpu.memref_slice %arg4[%add3A_704, %dma_start3A_723, %add3A, %dma_start3A_731, %dma_start3A_732] : memref<200x8x32x8x128xf32, #tpu.memory_space<hbm>> -> memref<1x1x1x8x128xf32, #tpu.memory_space<hbm>>
      %dma_start3A_734 = tpu.memref_squeeze %dma_start3A_733 : memref<1x1x1x8x128xf32, #tpu.memory_space<hbm>> -> memref<8x128xf32, #tpu.memory_space<hbm>>
      %dma_start3A_735 = arith.constant 0 : i32
      %dma_start3A_736 = arith.constant 0 : i32
      %dma_start3A_737 = tpu.memref_slice %arg11[%dma_start3A_735, %dma_start3A_736] : memref<64x129xf32, #tpu.memory_space<vmem>> -> memref<8x128xf32, #tpu.memory_space<vmem>>
      tpu.enqueue_dma source(%dma_start3A_737 : memref<8x128xf32, #tpu.memory_space<vmem>>) target(%dma_start3A_734 : memref<8x128xf32, #tpu.memory_space<hbm>>) target_semaphore(%arg19 : memref<!tpu.dma_semaphore, #tpu.memory_space<semaphore_mem>>)
      %dma_start3A_738 = arith.constant 1 : i32
      %dma_start3A_739 = arith.constant 8 : i32
      %dma_start3A_740 = arith.constant 0 : i32
      %dma_start3A_741 = tpu.memref_slice %arg11[%dma_start3A_739, %dma_start3A_740] : memref<64x129xf32, #tpu.memory_space<vmem>> -> memref<8x128xf32, #tpu.memory_space<vmem>>
      %dma_start3A_742 = arith.constant 0 : i32
      %dma_start3A_743 = arith.constant 0 : i32
      %dma_start3A_744 = tpu.memref_slice %arg4[%add3A_704, %dma_start3A_738, %add3A, %dma_start3A_742, %dma_start3A_743] : memref<200x8x32x8x128xf32, #tpu.memory_space<hbm>> -> memref<1x1x1x8x128xf32, #tpu.memory_space<hbm>>
      %dma_start3A_745 = tpu.memref_squeeze %dma_start3A_744 : memref<1x1x1x8x128xf32, #tpu.memory_space<hbm>> -> memref<8x128xf32, #tpu.memory_space<hbm>>
      %dma_start3A_746 = arith.constant 0 : i32
      %dma_start3A_747 = arith.constant 0 : i32
      %dma_start3A_748 = tpu.memref_slice %arg4[%add3A_704, %dma_start3A_738, %add3A, %dma_start3A_746, %dma_start3A_747] : memref<200x8x32x8x128xf32, #tpu.memory_space<hbm>> -> memref<1x1x1x8x128xf32, #tpu.memory_space<hbm>>
      %dma_start3A_749 = tpu.memref_squeeze %dma_start3A_748 : memref<1x1x1x8x128xf32, #tpu.memory_space<hbm>> -> memref<8x128xf32, #tpu.memory_space<hbm>>
      %dma_start3A_750 = arith.constant 8 : i32
      %dma_start3A_751 = arith.constant 0 : i32
      %dma_start3A_752 = tpu.memref_slice %arg11[%dma_start3A_750, %dma_start3A_751] : memref<64x129xf32, #tpu.memory_space<vmem>> -> memref<8x128xf32, #tpu.memory_space<vmem>>
      tpu.enqueue_dma source(%dma_start3A_752 : memref<8x128xf32, #tpu.memory_space<vmem>>) target(%dma_start3A_749 : memref<8x128xf32, #tpu.memory_space<hbm>>) target_semaphore(%arg19 : memref<!tpu.dma_semaphore, #tpu.memory_space<semaphore_mem>>)
      %dma_start3A_753 = arith.constant 2 : i32
      %dma_start3A_754 = arith.constant 16 : i32
      %dma_start3A_755 = arith.constant 0 : i32
      %dma_start3A_756 = tpu.memref_slice %arg11[%dma_start3A_754, %dma_start3A_755] : memref<64x129xf32, #tpu.memory_space<vmem>> -> memref<8x128xf32, #tpu.memory_space<vmem>>
      %dma_start3A_757 = arith.constant 0 : i32
      %dma_start3A_758 = arith.constant 0 : i32
      %dma_start3A_759 = tpu.memref_slice %arg4[%add3A_704, %dma_start3A_753, %add3A, %dma_start3A_757, %dma_start3A_758] : memref<200x8x32x8x128xf32, #tpu.memory_space<hbm>> -> memref<1x1x1x8x128xf32, #tpu.memory_space<hbm>>
      %dma_start3A_760 = tpu.memref_squeeze %dma_start3A_759 : memref<1x1x1x8x128xf32, #tpu.memory_space<hbm>> -> memref<8x128xf32, #tpu.memory_space<hbm>>
      %dma_start3A_761 = arith.constant 0 : i32
      %dma_start3A_762 = arith.constant 0 : i32
      %dma_start3A_763 = tpu.memref_slice %arg4[%add3A_704, %dma_start3A_753, %add3A, %dma_start3A_761, %dma_start3A_762] : memref<200x8x32x8x128xf32, #tpu.memory_space<hbm>> -> memref<1x1x1x8x128xf32, #tpu.memory_space<hbm>>
      %dma_start3A_764 = tpu.memref_squeeze %dma_start3A_763 : memref<1x1x1x8x128xf32, #tpu.memory_space<hbm>> -> memref<8x128xf32, #tpu.memory_space<hbm>>
      %dma_start3A_765 = arith.constant 16 : i32
      %dma_start3A_766 = arith.constant 0 : i32
      %dma_start3A_767 = tpu.memref_slice %arg11[%dma_start3A_765, %dma_start3A_766] : memref<64x129xf32, #tpu.memory_space<vmem>> -> memref<8x128xf32, #tpu.memory_space<vmem>>
      tpu.enqueue_dma source(%dma_start3A_767 : memref<8x128xf32, #tpu.memory_space<vmem>>) target(%dma_start3A_764 : memref<8x128xf32, #tpu.memory_space<hbm>>) target_semaphore(%arg19 : memref<!tpu.dma_semaphore, #tpu.memory_space<semaphore_mem>>)
      %dma_start3A_768 = arith.constant 3 : i32
      %dma_start3A_769 = arith.constant 24 : i32
      %dma_start3A_770 = arith.constant 0 : i32
      %dma_start3A_771 = tpu.memref_slice %arg11[%dma_start3A_769, %dma_start3A_770] : memref<64x129xf32, #tpu.memory_space<vmem>> -> memref<8x128xf32, #tpu.memory_space<vmem>>
      %dma_start3A_772 = arith.constant 0 : i32
      %dma_start3A_773 = arith.constant 0 : i32
      %dma_start3A_774 = tpu.memref_slice %arg4[%add3A_704, %dma_start3A_768, %add3A, %dma_start3A_772, %dma_start3A_773] : memref<200x8x32x8x128xf32, #tpu.memory_space<hbm>> -> memref<1x1x1x8x128xf32, #tpu.memory_space<hbm>>
      %dma_start3A_775 = tpu.memref_squeeze %dma_start3A_774 : memref<1x1x1x8x128xf32, #tpu.memory_space<hbm>> -> memref<8x128xf32, #tpu.memory_space<hbm>>
      %dma_start3A_776 = arith.constant 0 : i32
      %dma_start3A_777 = arith.constant 0 : i32
      %dma_start3A_778 = tpu.memref_slice %arg4[%add3A_704, %dma_start3A_768, %add3A, %dma_start3A_776, %dma_start3A_777] : memref<200x8x32x8x128xf32, #tpu.memory_space<hbm>> -> memref<1x1x1x8x128xf32, #tpu.memory_space<hbm>>
      %dma_start3A_779 = tpu.memref_squeeze %dma_start3A_778 : memref<1x1x1x8x128xf32, #tpu.memory_space<hbm>> -> memref<8x128xf32, #tpu.memory_space<hbm>>
      %dma_start3A_780 = arith.constant 24 : i32
      %dma_start3A_781 = arith.constant 0 : i32
      %dma_start3A_782 = tpu.memref_slice %arg11[%dma_start3A_780, %dma_start3A_781] : memref<64x129xf32, #tpu.memory_space<vmem>> -> memref<8x128xf32, #tpu.memory_space<vmem>>
      tpu.enqueue_dma source(%dma_start3A_782 : memref<8x128xf32, #tpu.memory_space<vmem>>) target(%dma_start3A_779 : memref<8x128xf32, #tpu.memory_space<hbm>>) target_semaphore(%arg19 : memref<!tpu.dma_semaphore, #tpu.memory_space<semaphore_mem>>)
      %dma_start3A_783 = arith.constant 4 : i32
      %dma_start3A_784 = arith.constant 32 : i32
      %dma_start3A_785 = arith.constant 0 : i32
      %dma_start3A_786 = tpu.memref_slice %arg11[%dma_start3A_784, %dma_start3A_785] : memref<64x129xf32, #tpu.memory_space<vmem>> -> memref<8x128xf32, #tpu.memory_space<vmem>>
      %dma_start3A_787 = arith.constant 0 : i32
      %dma_start3A_788 = arith.constant 0 : i32
      %dma_start3A_789 = tpu.memref_slice %arg4[%add3A_704, %dma_start3A_783, %add3A, %dma_start3A_787, %dma_start3A_788] : memref<200x8x32x8x128xf32, #tpu.memory_space<hbm>> -> memref<1x1x1x8x128xf32, #tpu.memory_space<hbm>>
      %dma_start3A_790 = tpu.memref_squeeze %dma_start3A_789 : memref<1x1x1x8x128xf32, #tpu.memory_space<hbm>> -> memref<8x128xf32, #tpu.memory_space<hbm>>
      %dma_start3A_791 = arith.constant 0 : i32
      %dma_start3A_792 = arith.constant 0 : i32
      %dma_start3A_793 = tpu.memref_slice %arg4[%add3A_704, %dma_start3A_783, %add3A, %dma_start3A_791, %dma_start3A_792] : memref<200x8x32x8x128xf32, #tpu.memory_space<hbm>> -> memref<1x1x1x8x128xf32, #tpu.memory_space<hbm>>
      %dma_start3A_794 = tpu.memref_squeeze %dma_start3A_793 : memref<1x1x1x8x128xf32, #tpu.memory_space<hbm>> -> memref<8x128xf32, #tpu.memory_space<hbm>>
      %dma_start3A_795 = arith.constant 32 : i32
      %dma_start3A_796 = arith.constant 0 : i32
      %dma_start3A_797 = tpu.memref_slice %arg11[%dma_start3A_795, %dma_start3A_796] : memref<64x129xf32, #tpu.memory_space<vmem>> -> memref<8x128xf32, #tpu.memory_space<vmem>>
      tpu.enqueue_dma source(%dma_start3A_797 : memref<8x128xf32, #tpu.memory_space<vmem>>) target(%dma_start3A_794 : memref<8x128xf32, #tpu.memory_space<hbm>>) target_semaphore(%arg19 : memref<!tpu.dma_semaphore, #tpu.memory_space<semaphore_mem>>)
      %dma_start3A_798 = arith.constant 5 : i32
      %dma_start3A_799 = arith.constant 40 : i32
      %dma_start3A_800 = arith.constant 0 : i32
      %dma_start3A_801 = tpu.memref_slice %arg11[%dma_start3A_799, %dma_start3A_800] : memref<64x129xf32, #tpu.memory_space<vmem>> -> memref<8x128xf32, #tpu.memory_space<vmem>>
      %dma_start3A_802 = arith.constant 0 : i32
      %dma_start3A_803 = arith.constant 0 : i32
      %dma_start3A_804 = tpu.memref_slice %arg4[%add3A_704, %dma_start3A_798, %add3A, %dma_start3A_802, %dma_start3A_803] : memref<200x8x32x8x128xf32, #tpu.memory_space<hbm>> -> memref<1x1x1x8x128xf32, #tpu.memory_space<hbm>>
      %dma_start3A_805 = tpu.memref_squeeze %dma_start3A_804 : memref<1x1x1x8x128xf32, #tpu.memory_space<hbm>> -> memref<8x128xf32, #tpu.memory_space<hbm>>
      %dma_start3A_806 = arith.constant 0 : i32
      %dma_start3A_807 = arith.constant 0 : i32
      %dma_start3A_808 = tpu.memref_slice %arg4[%add3A_704, %dma_start3A_798, %add3A, %dma_start3A_806, %dma_start3A_807] : memref<200x8x32x8x128xf32, #tpu.memory_space<hbm>> -> memref<1x1x1x8x128xf32, #tpu.memory_space<hbm>>
      %dma_start3A_809 = tpu.memref_squeeze %dma_start3A_808 : memref<1x1x1x8x128xf32, #tpu.memory_space<hbm>> -> memref<8x128xf32, #tpu.memory_space<hbm>>
      %dma_start3A_810 = arith.constant 40 : i32
      %dma_start3A_811 = arith.constant 0 : i32
      %dma_start3A_812 = tpu.memref_slice %arg11[%dma_start3A_810, %dma_start3A_811] : memref<64x129xf32, #tpu.memory_space<vmem>> -> memref<8x128xf32, #tpu.memory_space<vmem>>
      tpu.enqueue_dma source(%dma_start3A_812 : memref<8x128xf32, #tpu.memory_space<vmem>>) target(%dma_start3A_809 : memref<8x128xf32, #tpu.memory_space<hbm>>) target_semaphore(%arg19 : memref<!tpu.dma_semaphore, #tpu.memory_space<semaphore_mem>>)
      %dma_start3A_813 = arith.constant 6 : i32
      %dma_start3A_814 = arith.constant 48 : i32
      %dma_start3A_815 = arith.constant 0 : i32
      %dma_start3A_816 = tpu.memref_slice %arg11[%dma_start3A_814, %dma_start3A_815] : memref<64x129xf32, #tpu.memory_space<vmem>> -> memref<8x128xf32, #tpu.memory_space<vmem>>
      %dma_start3A_817 = arith.constant 0 : i32
      %dma_start3A_818 = arith.constant 0 : i32
      %dma_start3A_819 = tpu.memref_slice %arg4[%add3A_704, %dma_start3A_813, %add3A, %dma_start3A_817, %dma_start3A_818] : memref<200x8x32x8x128xf32, #tpu.memory_space<hbm>> -> memref<1x1x1x8x128xf32, #tpu.memory_space<hbm>>
      %dma_start3A_820 = tpu.memref_squeeze %dma_start3A_819 : memref<1x1x1x8x128xf32, #tpu.memory_space<hbm>> -> memref<8x128xf32, #tpu.memory_space<hbm>>
      %dma_start3A_821 = arith.constant 0 : i32
      %dma_start3A_822 = arith.constant 0 : i32
      %dma_start3A_823 = tpu.memref_slice %arg4[%add3A_704, %dma_start3A_813, %add3A, %dma_start3A_821, %dma_start3A_822] : memref<200x8x32x8x128xf32, #tpu.memory_space<hbm>> -> memref<1x1x1x8x128xf32, #tpu.memory_space<hbm>>
      %dma_start3A_824 = tpu.memref_squeeze %dma_start3A_823 : memref<1x1x1x8x128xf32, #tpu.memory_space<hbm>> -> memref<8x128xf32, #tpu.memory_space<hbm>>
      %dma_start3A_825 = arith.constant 48 : i32
      %dma_start3A_826 = arith.constant 0 : i32
      %dma_start3A_827 = tpu.memref_slice %arg11[%dma_start3A_825, %dma_start3A_826] : memref<64x129xf32, #tpu.memory_space<vmem>> -> memref<8x128xf32, #tpu.memory_space<vmem>>
      tpu.enqueue_dma source(%dma_start3A_827 : memref<8x128xf32, #tpu.memory_space<vmem>>) target(%dma_start3A_824 : memref<8x128xf32, #tpu.memory_space<hbm>>) target_semaphore(%arg19 : memref<!tpu.dma_semaphore, #tpu.memory_space<semaphore_mem>>)
      %dma_start3A_828 = arith.constant 7 : i32
      %dma_start3A_829 = arith.constant 56 : i32
      %dma_start3A_830 = arith.constant 0 : i32
      %dma_start3A_831 = tpu.memref_slice %arg11[%dma_start3A_829, %dma_start3A_830] : memref<64x129xf32, #tpu.memory_space<vmem>> -> memref<8x128xf32, #tpu.memory_space<vmem>>
      %dma_start3A_832 = arith.constant 0 : i32
      %dma_start3A_833 = arith.constant 0 : i32
      %dma_start3A_834 = tpu.memref_slice %arg4[%add3A_704, %dma_start3A_828, %add3A, %dma_start3A_832, %dma_start3A_833] : memref<200x8x32x8x128xf32, #tpu.memory_space<hbm>> -> memref<1x1x1x8x128xf32, #tpu.memory_space<hbm>>
      %dma_start3A_835 = tpu.memref_squeeze %dma_start3A_834 : memref<1x1x1x8x128xf32, #tpu.memory_space<hbm>> -> memref<8x128xf32, #tpu.memory_space<hbm>>
      %dma_start3A_836 = arith.constant 0 : i32
      %dma_start3A_837 = arith.constant 0 : i32
      %dma_start3A_838 = tpu.memref_slice %arg4[%add3A_704, %dma_start3A_828, %add3A, %dma_start3A_836, %dma_start3A_837] : memref<200x8x32x8x128xf32, #tpu.memory_space<hbm>> -> memref<1x1x1x8x128xf32, #tpu.memory_space<hbm>>
      %dma_start3A_839 = tpu.memref_squeeze %dma_start3A_838 : memref<1x1x1x8x128xf32, #tpu.memory_space<hbm>> -> memref<8x128xf32, #tpu.memory_space<hbm>>
      %dma_start3A_840 = arith.constant 56 : i32
      %dma_start3A_841 = arith.constant 0 : i32
      %dma_start3A_842 = tpu.memref_slice %arg11[%dma_start3A_840, %dma_start3A_841] : memref<64x129xf32, #tpu.memory_space<vmem>> -> memref<8x128xf32, #tpu.memory_space<vmem>>
      tpu.enqueue_dma source(%dma_start3A_842 : memref<8x128xf32, #tpu.memory_space<vmem>>) target(%dma_start3A_839 : memref<8x128xf32, #tpu.memory_space<hbm>>) target_semaphore(%arg19 : memref<!tpu.dma_semaphore, #tpu.memory_space<semaphore_mem>>)
      %lt3A_843 = arith.constant 49 : i32
      %lt3A_844 = arith.cmpi slt, %scan3A_560, %lt3A_843 : i32
      %convert_element_type3A_845 = arith.extui %lt3A_844 : i1 to i32
      %cond3A_846 = arith.constant 0 : i32
      %cond3A_847 = arith.cmpi ne, %convert_element_type3A_845, %cond3A_846 : i32
      scf.if %cond3A_847 {
        %add3A_1142 = arith.constant 4 : i32
        %add3A_1143 = arith.addi %add3A_704, %add3A_1142 : i32
        %shift_right_arithmetic3A_1144 = arith.constant 3 : i32
        %shift_right_arithmetic3A_1145 = arith.shrsi %add3A_1143, %shift_right_arithmetic3A_1144 : i32
        %and3A_1146 = arith.constant 7 : i32
        %and3A_1147 = arith.andi %add3A_1143, %and3A_1146 : i32
        %dma_start3A_1148 = arith.constant 0 : i32
        %dma_start3A_1149 = tpu.memref_slice %arg5[%shift_right_arithmetic3A_1145, %and3A_1147, %dma_start3A_1148] : memref<25x8x128xi32, #tpu.memory_space<vmem>> -> memref<1x1x128xi32, #tpu.memory_space<vmem>>
        %dma_start3A_1150 = tpu.memref_squeeze %dma_start3A_1149 : memref<1x1x128xi32, #tpu.memory_space<vmem>> -> memref<128xi32, #tpu.memory_space<vmem>>
        %dma_start3A_1151 = arith.constant 0 : i32
        %dma_start3A_1152 = arith.constant 0 : i32
        %dma_start3A_1153 = tpu.memref_slice %arg3[%dma_start3A_1151, %dma_start3A_1152] : memref<1000000x64xf32, #tpu.memory_space<hbm>> -> memref<1000000x64xf32, #tpu.memory_space<hbm>>
        tpu.enqueue_indirect_dma source(%dma_start3A_1153 : memref<1000000x64xf32, #tpu.memory_space<hbm>>) target(%arg7 : memref<128x64xf32, #tpu.memory_space<vmem>>) offsets(%dma_start3A_1150 : memref<128xi32, #tpu.memory_space<vmem>>) semaphore(%arg15 : memref<!tpu.dma_semaphore, #tpu.memory_space<semaphore_mem>>)
      } else {
      }
      %mul3A_848 = arith.constant 4 : i32
      %mul3A_849 = arith.muli %scan3A_560, %mul3A_848 : i32
      %add3A_850 = arith.constant 2 : i32
      %add3A_851 = arith.addi %mul3A_849, %add3A_850 : i32
      %shift_right_arithmetic3A_852 = arith.constant 3 : i32
      %shift_right_arithmetic3A_853 = arith.shrsi %add3A_851, %shift_right_arithmetic3A_852 : i32
      %and3A_854 = arith.constant 7 : i32
      %and3A_855 = arith.andi %add3A_851, %and3A_854 : i32
      %dma_wait3A_856 = arith.constant 0 : i32
      %dma_wait3A_857 = tpu.memref_slice %arg5[%shift_right_arithmetic3A_853, %and3A_855, %dma_wait3A_856] : memref<25x8x128xi32, #tpu.memory_space<vmem>> -> memref<1x1x128xi32, #tpu.memory_space<vmem>>
      %dma_wait3A_858 = tpu.memref_squeeze %dma_wait3A_857 : memref<1x1x128xi32, #tpu.memory_space<vmem>> -> memref<128xi32, #tpu.memory_space<vmem>>
      %dma_wait3A_859 = arith.constant 0 : i32
      %dma_wait3A_860 = arith.constant 0 : i32
      %dma_wait3A_861 = tpu.memref_slice %arg3[%dma_wait3A_859, %dma_wait3A_860] : memref<1000000x64xf32, #tpu.memory_space<hbm>> -> memref<1000000x64xf32, #tpu.memory_space<hbm>>
      tpu.wait_indirect_dma semaphore(%arg16 : memref<!tpu.dma_semaphore, #tpu.memory_space<semaphore_mem>>) src(%dma_wait3A_861 : memref<1000000x64xf32, #tpu.memory_space<hbm>>) dst(%arg8 : memref<128x64xf32, #tpu.memory_space<vmem>>)
      %gt3A_862 = arith.constant 0 : i32
      %gt3A_863 = arith.cmpi sgt, %scan3A_560, %gt3A_862 : i32
      %convert_element_type3A_864 = arith.extui %gt3A_863 : i1 to i32
      %cond3A_865 = arith.constant 0 : i32
      %cond3A_866 = arith.cmpi ne, %convert_element_type3A_864, %cond3A_865 : i32
      scf.if %cond3A_866 {
        %sub3A = arith.constant 4 : i32
        %sub3A_1142 = arith.subi %add3A_851, %sub3A : i32
        %dma_wait3A_1143 = arith.constant 0 : i32
        %dma_wait3A_1144 = arith.constant 0 : i32
        %dma_wait3A_1145 = arith.constant 0 : i32
        %dma_wait3A_1146 = tpu.memref_slice %arg12[%dma_wait3A_1144, %dma_wait3A_1145] : memref<64x129xf32, #tpu.memory_space<vmem>> -> memref<8x128xf32, #tpu.memory_space<vmem>>
        %dma_wait3A_1147 = arith.constant 0 : i32
        %dma_wait3A_1148 = arith.constant 0 : i32
        %dma_wait3A_1149 = tpu.memref_slice %arg4[%sub3A_1142, %dma_wait3A_1143, %add3A, %dma_wait3A_1147, %dma_wait3A_1148] : memref<200x8x32x8x128xf32, #tpu.memory_space<hbm>> -> memref<1x1x1x8x128xf32, #tpu.memory_space<hbm>>
        %dma_wait3A_1150 = tpu.memref_squeeze %dma_wait3A_1149 : memref<1x1x1x8x128xf32, #tpu.memory_space<hbm>> -> memref<8x128xf32, #tpu.memory_space<hbm>>
        %dma_wait3A_1151 = arith.constant 0 : i32
        %dma_wait3A_1152 = arith.constant 0 : i32
        %dma_wait3A_1153 = tpu.memref_slice %arg4[%sub3A_1142, %dma_wait3A_1143, %add3A, %dma_wait3A_1151, %dma_wait3A_1152] : memref<200x8x32x8x128xf32, #tpu.memory_space<hbm>> -> memref<1x1x1x8x128xf32, #tpu.memory_space<hbm>>
        %dma_wait3A_1154 = tpu.memref_squeeze %dma_wait3A_1153 : memref<1x1x1x8x128xf32, #tpu.memory_space<hbm>> -> memref<8x128xf32, #tpu.memory_space<hbm>>
        %dma_wait3A_1155 = arith.constant 0 : i32
        %dma_wait3A_1156 = arith.constant 0 : i32
        %dma_wait3A_1157 = tpu.memref_slice %arg12[%dma_wait3A_1155, %dma_wait3A_1156] : memref<64x129xf32, #tpu.memory_space<vmem>> -> memref<8x128xf32, #tpu.memory_space<vmem>>
        tpu.wait_dma2 semaphore(%arg20 : memref<!tpu.dma_semaphore, #tpu.memory_space<semaphore_mem>>) src(%dma_wait3A_1157 : memref<8x128xf32, #tpu.memory_space<vmem>>) dst(%dma_wait3A_1154 : memref<8x128xf32, #tpu.memory_space<hbm>>)
        %dma_wait3A_1158 = arith.constant 1 : i32
        %dma_wait3A_1159 = arith.constant 8 : i32
        %dma_wait3A_1160 = arith.constant 0 : i32
        %dma_wait3A_1161 = tpu.memref_slice %arg12[%dma_wait3A_1159, %dma_wait3A_1160] : memref<64x129xf32, #tpu.memory_space<vmem>> -> memref<8x128xf32, #tpu.memory_space<vmem>>
        %dma_wait3A_1162 = arith.constant 0 : i32
        %dma_wait3A_1163 = arith.constant 0 : i32
        %dma_wait3A_1164 = tpu.memref_slice %arg4[%sub3A_1142, %dma_wait3A_1158, %add3A, %dma_wait3A_1162, %dma_wait3A_1163] : memref<200x8x32x8x128xf32, #tpu.memory_space<hbm>> -> memref<1x1x1x8x128xf32, #tpu.memory_space<hbm>>
        %dma_wait3A_1165 = tpu.memref_squeeze %dma_wait3A_1164 : memref<1x1x1x8x128xf32, #tpu.memory_space<hbm>> -> memref<8x128xf32, #tpu.memory_space<hbm>>
        %dma_wait3A_1166 = arith.constant 0 : i32
        %dma_wait3A_1167 = arith.constant 0 : i32
        %dma_wait3A_1168 = tpu.memref_slice %arg4[%sub3A_1142, %dma_wait3A_1158, %add3A, %dma_wait3A_1166, %dma_wait3A_1167] : memref<200x8x32x8x128xf32, #tpu.memory_space<hbm>> -> memref<1x1x1x8x128xf32, #tpu.memory_space<hbm>>
        %dma_wait3A_1169 = tpu.memref_squeeze %dma_wait3A_1168 : memref<1x1x1x8x128xf32, #tpu.memory_space<hbm>> -> memref<8x128xf32, #tpu.memory_space<hbm>>
        %dma_wait3A_1170 = arith.constant 8 : i32
        %dma_wait3A_1171 = arith.constant 0 : i32
        %dma_wait3A_1172 = tpu.memref_slice %arg12[%dma_wait3A_1170, %dma_wait3A_1171] : memref<64x129xf32, #tpu.memory_space<vmem>> -> memref<8x128xf32, #tpu.memory_space<vmem>>
        tpu.wait_dma2 semaphore(%arg20 : memref<!tpu.dma_semaphore, #tpu.memory_space<semaphore_mem>>) src(%dma_wait3A_1172 : memref<8x128xf32, #tpu.memory_space<vmem>>) dst(%dma_wait3A_1169 : memref<8x128xf32, #tpu.memory_space<hbm>>)
        %dma_wait3A_1173 = arith.constant 2 : i32
        %dma_wait3A_1174 = arith.constant 16 : i32
        %dma_wait3A_1175 = arith.constant 0 : i32
        %dma_wait3A_1176 = tpu.memref_slice %arg12[%dma_wait3A_1174, %dma_wait3A_1175] : memref<64x129xf32, #tpu.memory_space<vmem>> -> memref<8x128xf32, #tpu.memory_space<vmem>>
        %dma_wait3A_1177 = arith.constant 0 : i32
        %dma_wait3A_1178 = arith.constant 0 : i32
        %dma_wait3A_1179 = tpu.memref_slice %arg4[%sub3A_1142, %dma_wait3A_1173, %add3A, %dma_wait3A_1177, %dma_wait3A_1178] : memref<200x8x32x8x128xf32, #tpu.memory_space<hbm>> -> memref<1x1x1x8x128xf32, #tpu.memory_space<hbm>>
        %dma_wait3A_1180 = tpu.memref_squeeze %dma_wait3A_1179 : memref<1x1x1x8x128xf32, #tpu.memory_space<hbm>> -> memref<8x128xf32, #tpu.memory_space<hbm>>
        %dma_wait3A_1181 = arith.constant 0 : i32
        %dma_wait3A_1182 = arith.constant 0 : i32
        %dma_wait3A_1183 = tpu.memref_slice %arg4[%sub3A_1142, %dma_wait3A_1173, %add3A, %dma_wait3A_1181, %dma_wait3A_1182] : memref<200x8x32x8x128xf32, #tpu.memory_space<hbm>> -> memref<1x1x1x8x128xf32, #tpu.memory_space<hbm>>
        %dma_wait3A_1184 = tpu.memref_squeeze %dma_wait3A_1183 : memref<1x1x1x8x128xf32, #tpu.memory_space<hbm>> -> memref<8x128xf32, #tpu.memory_space<hbm>>
        %dma_wait3A_1185 = arith.constant 16 : i32
        %dma_wait3A_1186 = arith.constant 0 : i32
        %dma_wait3A_1187 = tpu.memref_slice %arg12[%dma_wait3A_1185, %dma_wait3A_1186] : memref<64x129xf32, #tpu.memory_space<vmem>> -> memref<8x128xf32, #tpu.memory_space<vmem>>
        tpu.wait_dma2 semaphore(%arg20 : memref<!tpu.dma_semaphore, #tpu.memory_space<semaphore_mem>>) src(%dma_wait3A_1187 : memref<8x128xf32, #tpu.memory_space<vmem>>) dst(%dma_wait3A_1184 : memref<8x128xf32, #tpu.memory_space<hbm>>)
        %dma_wait3A_1188 = arith.constant 3 : i32
        %dma_wait3A_1189 = arith.constant 24 : i32
        %dma_wait3A_1190 = arith.constant 0 : i32
        %dma_wait3A_1191 = tpu.memref_slice %arg12[%dma_wait3A_1189, %dma_wait3A_1190] : memref<64x129xf32, #tpu.memory_space<vmem>> -> memref<8x128xf32, #tpu.memory_space<vmem>>
        %dma_wait3A_1192 = arith.constant 0 : i32
        %dma_wait3A_1193 = arith.constant 0 : i32
        %dma_wait3A_1194 = tpu.memref_slice %arg4[%sub3A_1142, %dma_wait3A_1188, %add3A, %dma_wait3A_1192, %dma_wait3A_1193] : memref<200x8x32x8x128xf32, #tpu.memory_space<hbm>> -> memref<1x1x1x8x128xf32, #tpu.memory_space<hbm>>
        %dma_wait3A_1195 = tpu.memref_squeeze %dma_wait3A_1194 : memref<1x1x1x8x128xf32, #tpu.memory_space<hbm>> -> memref<8x128xf32, #tpu.memory_space<hbm>>
        %dma_wait3A_1196 = arith.constant 0 : i32
        %dma_wait3A_1197 = arith.constant 0 : i32
        %dma_wait3A_1198 = tpu.memref_slice %arg4[%sub3A_1142, %dma_wait3A_1188, %add3A, %dma_wait3A_1196, %dma_wait3A_1197] : memref<200x8x32x8x128xf32, #tpu.memory_space<hbm>> -> memref<1x1x1x8x128xf32, #tpu.memory_space<hbm>>
        %dma_wait3A_1199 = tpu.memref_squeeze %dma_wait3A_1198 : memref<1x1x1x8x128xf32, #tpu.memory_space<hbm>> -> memref<8x128xf32, #tpu.memory_space<hbm>>
        %dma_wait3A_1200 = arith.constant 24 : i32
        %dma_wait3A_1201 = arith.constant 0 : i32
        %dma_wait3A_1202 = tpu.memref_slice %arg12[%dma_wait3A_1200, %dma_wait3A_1201] : memref<64x129xf32, #tpu.memory_space<vmem>> -> memref<8x128xf32, #tpu.memory_space<vmem>>
        tpu.wait_dma2 semaphore(%arg20 : memref<!tpu.dma_semaphore, #tpu.memory_space<semaphore_mem>>) src(%dma_wait3A_1202 : memref<8x128xf32, #tpu.memory_space<vmem>>) dst(%dma_wait3A_1199 : memref<8x128xf32, #tpu.memory_space<hbm>>)
        %dma_wait3A_1203 = arith.constant 4 : i32
        %dma_wait3A_1204 = arith.constant 32 : i32
        %dma_wait3A_1205 = arith.constant 0 : i32
        %dma_wait3A_1206 = tpu.memref_slice %arg12[%dma_wait3A_1204, %dma_wait3A_1205] : memref<64x129xf32, #tpu.memory_space<vmem>> -> memref<8x128xf32, #tpu.memory_space<vmem>>
        %dma_wait3A_1207 = arith.constant 0 : i32
        %dma_wait3A_1208 = arith.constant 0 : i32
        %dma_wait3A_1209 = tpu.memref_slice %arg4[%sub3A_1142, %dma_wait3A_1203, %add3A, %dma_wait3A_1207, %dma_wait3A_1208] : memref<200x8x32x8x128xf32, #tpu.memory_space<hbm>> -> memref<1x1x1x8x128xf32, #tpu.memory_space<hbm>>
        %dma_wait3A_1210 = tpu.memref_squeeze %dma_wait3A_1209 : memref<1x1x1x8x128xf32, #tpu.memory_space<hbm>> -> memref<8x128xf32, #tpu.memory_space<hbm>>
        %dma_wait3A_1211 = arith.constant 0 : i32
        %dma_wait3A_1212 = arith.constant 0 : i32
        %dma_wait3A_1213 = tpu.memref_slice %arg4[%sub3A_1142, %dma_wait3A_1203, %add3A, %dma_wait3A_1211, %dma_wait3A_1212] : memref<200x8x32x8x128xf32, #tpu.memory_space<hbm>> -> memref<1x1x1x8x128xf32, #tpu.memory_space<hbm>>
        %dma_wait3A_1214 = tpu.memref_squeeze %dma_wait3A_1213 : memref<1x1x1x8x128xf32, #tpu.memory_space<hbm>> -> memref<8x128xf32, #tpu.memory_space<hbm>>
        %dma_wait3A_1215 = arith.constant 32 : i32
        %dma_wait3A_1216 = arith.constant 0 : i32
        %dma_wait3A_1217 = tpu.memref_slice %arg12[%dma_wait3A_1215, %dma_wait3A_1216] : memref<64x129xf32, #tpu.memory_space<vmem>> -> memref<8x128xf32, #tpu.memory_space<vmem>>
        tpu.wait_dma2 semaphore(%arg20 : memref<!tpu.dma_semaphore, #tpu.memory_space<semaphore_mem>>) src(%dma_wait3A_1217 : memref<8x128xf32, #tpu.memory_space<vmem>>) dst(%dma_wait3A_1214 : memref<8x128xf32, #tpu.memory_space<hbm>>)
        %dma_wait3A_1218 = arith.constant 5 : i32
        %dma_wait3A_1219 = arith.constant 40 : i32
        %dma_wait3A_1220 = arith.constant 0 : i32
        %dma_wait3A_1221 = tpu.memref_slice %arg12[%dma_wait3A_1219, %dma_wait3A_1220] : memref<64x129xf32, #tpu.memory_space<vmem>> -> memref<8x128xf32, #tpu.memory_space<vmem>>
        %dma_wait3A_1222 = arith.constant 0 : i32
        %dma_wait3A_1223 = arith.constant 0 : i32
        %dma_wait3A_1224 = tpu.memref_slice %arg4[%sub3A_1142, %dma_wait3A_1218, %add3A, %dma_wait3A_1222, %dma_wait3A_1223] : memref<200x8x32x8x128xf32, #tpu.memory_space<hbm>> -> memref<1x1x1x8x128xf32, #tpu.memory_space<hbm>>
        %dma_wait3A_1225 = tpu.memref_squeeze %dma_wait3A_1224 : memref<1x1x1x8x128xf32, #tpu.memory_space<hbm>> -> memref<8x128xf32, #tpu.memory_space<hbm>>
        %dma_wait3A_1226 = arith.constant 0 : i32
        %dma_wait3A_1227 = arith.constant 0 : i32
        %dma_wait3A_1228 = tpu.memref_slice %arg4[%sub3A_1142, %dma_wait3A_1218, %add3A, %dma_wait3A_1226, %dma_wait3A_1227] : memref<200x8x32x8x128xf32, #tpu.memory_space<hbm>> -> memref<1x1x1x8x128xf32, #tpu.memory_space<hbm>>
        %dma_wait3A_1229 = tpu.memref_squeeze %dma_wait3A_1228 : memref<1x1x1x8x128xf32, #tpu.memory_space<hbm>> -> memref<8x128xf32, #tpu.memory_space<hbm>>
        %dma_wait3A_1230 = arith.constant 40 : i32
        %dma_wait3A_1231 = arith.constant 0 : i32
        %dma_wait3A_1232 = tpu.memref_slice %arg12[%dma_wait3A_1230, %dma_wait3A_1231] : memref<64x129xf32, #tpu.memory_space<vmem>> -> memref<8x128xf32, #tpu.memory_space<vmem>>
        tpu.wait_dma2 semaphore(%arg20 : memref<!tpu.dma_semaphore, #tpu.memory_space<semaphore_mem>>) src(%dma_wait3A_1232 : memref<8x128xf32, #tpu.memory_space<vmem>>) dst(%dma_wait3A_1229 : memref<8x128xf32, #tpu.memory_space<hbm>>)
        %dma_wait3A_1233 = arith.constant 6 : i32
        %dma_wait3A_1234 = arith.constant 48 : i32
        %dma_wait3A_1235 = arith.constant 0 : i32
        %dma_wait3A_1236 = tpu.memref_slice %arg12[%dma_wait3A_1234, %dma_wait3A_1235] : memref<64x129xf32, #tpu.memory_space<vmem>> -> memref<8x128xf32, #tpu.memory_space<vmem>>
        %dma_wait3A_1237 = arith.constant 0 : i32
        %dma_wait3A_1238 = arith.constant 0 : i32
        %dma_wait3A_1239 = tpu.memref_slice %arg4[%sub3A_1142, %dma_wait3A_1233, %add3A, %dma_wait3A_1237, %dma_wait3A_1238] : memref<200x8x32x8x128xf32, #tpu.memory_space<hbm>> -> memref<1x1x1x8x128xf32, #tpu.memory_space<hbm>>
        %dma_wait3A_1240 = tpu.memref_squeeze %dma_wait3A_1239 : memref<1x1x1x8x128xf32, #tpu.memory_space<hbm>> -> memref<8x128xf32, #tpu.memory_space<hbm>>
        %dma_wait3A_1241 = arith.constant 0 : i32
        %dma_wait3A_1242 = arith.constant 0 : i32
        %dma_wait3A_1243 = tpu.memref_slice %arg4[%sub3A_1142, %dma_wait3A_1233, %add3A, %dma_wait3A_1241, %dma_wait3A_1242] : memref<200x8x32x8x128xf32, #tpu.memory_space<hbm>> -> memref<1x1x1x8x128xf32, #tpu.memory_space<hbm>>
        %dma_wait3A_1244 = tpu.memref_squeeze %dma_wait3A_1243 : memref<1x1x1x8x128xf32, #tpu.memory_space<hbm>> -> memref<8x128xf32, #tpu.memory_space<hbm>>
        %dma_wait3A_1245 = arith.constant 48 : i32
        %dma_wait3A_1246 = arith.constant 0 : i32
        %dma_wait3A_1247 = tpu.memref_slice %arg12[%dma_wait3A_1245, %dma_wait3A_1246] : memref<64x129xf32, #tpu.memory_space<vmem>> -> memref<8x128xf32, #tpu.memory_space<vmem>>
        tpu.wait_dma2 semaphore(%arg20 : memref<!tpu.dma_semaphore, #tpu.memory_space<semaphore_mem>>) src(%dma_wait3A_1247 : memref<8x128xf32, #tpu.memory_space<vmem>>) dst(%dma_wait3A_1244 : memref<8x128xf32, #tpu.memory_space<hbm>>)
        %dma_wait3A_1248 = arith.constant 7 : i32
        %dma_wait3A_1249 = arith.constant 56 : i32
        %dma_wait3A_1250 = arith.constant 0 : i32
        %dma_wait3A_1251 = tpu.memref_slice %arg12[%dma_wait3A_1249, %dma_wait3A_1250] : memref<64x129xf32, #tpu.memory_space<vmem>> -> memref<8x128xf32, #tpu.memory_space<vmem>>
        %dma_wait3A_1252 = arith.constant 0 : i32
        %dma_wait3A_1253 = arith.constant 0 : i32
        %dma_wait3A_1254 = tpu.memref_slice %arg4[%sub3A_1142, %dma_wait3A_1248, %add3A, %dma_wait3A_1252, %dma_wait3A_1253] : memref<200x8x32x8x128xf32, #tpu.memory_space<hbm>> -> memref<1x1x1x8x128xf32, #tpu.memory_space<hbm>>
        %dma_wait3A_1255 = tpu.memref_squeeze %dma_wait3A_1254 : memref<1x1x1x8x128xf32, #tpu.memory_space<hbm>> -> memref<8x128xf32, #tpu.memory_space<hbm>>
        %dma_wait3A_1256 = arith.constant 0 : i32
        %dma_wait3A_1257 = arith.constant 0 : i32
        %dma_wait3A_1258 = tpu.memref_slice %arg4[%sub3A_1142, %dma_wait3A_1248, %add3A, %dma_wait3A_1256, %dma_wait3A_1257] : memref<200x8x32x8x128xf32, #tpu.memory_space<hbm>> -> memref<1x1x1x8x128xf32, #tpu.memory_space<hbm>>
        %dma_wait3A_1259 = tpu.memref_squeeze %dma_wait3A_1258 : memref<1x1x1x8x128xf32, #tpu.memory_space<hbm>> -> memref<8x128xf32, #tpu.memory_space<hbm>>
        %dma_wait3A_1260 = arith.constant 56 : i32
        %dma_wait3A_1261 = arith.constant 0 : i32
        %dma_wait3A_1262 = tpu.memref_slice %arg12[%dma_wait3A_1260, %dma_wait3A_1261] : memref<64x129xf32, #tpu.memory_space<vmem>> -> memref<8x128xf32, #tpu.memory_space<vmem>>
        tpu.wait_dma2 semaphore(%arg20 : memref<!tpu.dma_semaphore, #tpu.memory_space<semaphore_mem>>) src(%dma_wait3A_1262 : memref<8x128xf32, #tpu.memory_space<vmem>>) dst(%dma_wait3A_1259 : memref<8x128xf32, #tpu.memory_space<hbm>>)
      } else {
      }
      %parallel_loop3A_867 = arith.constant 0 : i32
      %parallel_loop3A_868 = arith.constant 128 : i32
      %parallel_loop3A_869 = arith.constant 1 : i32
      scf.for %parallel_loop3A_1142 = %parallel_loop3A_867 to %parallel_loop3A_868 step %parallel_loop3A_869  : i32 {
        %parallel_loop3A_1143 = arith.constant 0 : i32
        %parallel_loop3A_1144 = vector.broadcast %parallel_loop3A_1143 : i32 to vector<16xi32>
        %parallel_loop3A_1145 = vector.broadcast %parallel_loop3A_1142 : i32 to vector<16xi32>
        %parallel_loop3A_1146 = arith.addi %parallel_loop3A_1144, %parallel_loop3A_1145 : vector<16xi32>
        %parallel_loop3A_1147 = arith.index_cast %parallel_loop3A_1142 : i32 to index
        %parallel_loop3A_1148 = arith.constant 0 : index
        %parallel_loop3A_1149 = tpu.vector_load %arg8[%parallel_loop3A_1147, %parallel_loop3A_1148] {strides = array<i32>} : memref<128x64xf32, #tpu.memory_space<vmem>>, vector<16xf32>,
        %parallel_loop3A_1150 = arith.constant 8.000000e+00 : f32
        %parallel_loop3A_1151 = vector.broadcast %parallel_loop3A_1150 : f32 to vector<16xf32>
        %parallel_loop3A_1152 = arith.mulf %parallel_loop3A_1149, %parallel_loop3A_1151 : vector<16xf32>
        tpu.vector_store_idx %arg12[%add3A_3, %parallel_loop3A_1146], %parallel_loop3A_1152 : memref<64x129xf32, #tpu.memory_space<vmem>>[vector<16xi32>, vector<16xi32>], vector<16xf32>,
        %parallel_loop3A_1153 = arith.index_cast %parallel_loop3A_1142 : i32 to index
        %parallel_loop3A_1154 = arith.constant 16 : index
        %parallel_loop3A_1155 = tpu.vector_load %arg8[%parallel_loop3A_1153, %parallel_loop3A_1154] {strides = array<i32>} : memref<128x64xf32, #tpu.memory_space<vmem>>, vector<16xf32>,
        %parallel_loop3A_1156 = arith.constant 8.000000e+00 : f32
        %parallel_loop3A_1157 = vector.broadcast %parallel_loop3A_1156 : f32 to vector<16xf32>
        %parallel_loop3A_1158 = arith.mulf %parallel_loop3A_1155, %parallel_loop3A_1157 : vector<16xf32>
        tpu.vector_store_idx %arg12[%add3A_6, %parallel_loop3A_1146], %parallel_loop3A_1158 : memref<64x129xf32, #tpu.memory_space<vmem>>[vector<16xi32>, vector<16xi32>], vector<16xf32>,
        %parallel_loop3A_1159 = arith.index_cast %parallel_loop3A_1142 : i32 to index
        %parallel_loop3A_1160 = arith.constant 32 : index
        %parallel_loop3A_1161 = tpu.vector_load %arg8[%parallel_loop3A_1159, %parallel_loop3A_1160] {strides = array<i32>} : memref<128x64xf32, #tpu.memory_space<vmem>>, vector<16xf32>,
        %parallel_loop3A_1162 = arith.constant 8.000000e+00 : f32
        %parallel_loop3A_1163 = vector.broadcast %parallel_loop3A_1162 : f32 to vector<16xf32>
        %parallel_loop3A_1164 = arith.mulf %parallel_loop3A_1161, %parallel_loop3A_1163 : vector<16xf32>
        tpu.vector_store_idx %arg12[%add3A_9, %parallel_loop3A_1146], %parallel_loop3A_1164 : memref<64x129xf32, #tpu.memory_space<vmem>>[vector<16xi32>, vector<16xi32>], vector<16xf32>,
        %parallel_loop3A_1165 = arith.index_cast %parallel_loop3A_1142 : i32 to index
        %parallel_loop3A_1166 = arith.constant 48 : index
        %parallel_loop3A_1167 = tpu.vector_load %arg8[%parallel_loop3A_1165, %parallel_loop3A_1166] {strides = array<i32>} : memref<128x64xf32, #tpu.memory_space<vmem>>, vector<16xf32>,
        %parallel_loop3A_1168 = arith.constant 8.000000e+00 : f32
        %parallel_loop3A_1169 = vector.broadcast %parallel_loop3A_1168 : f32 to vector<16xf32>
        %parallel_loop3A_1170 = arith.mulf %parallel_loop3A_1167, %parallel_loop3A_1169 : vector<16xf32>
        tpu.vector_store_idx %arg12[%add3A_12, %parallel_loop3A_1146], %parallel_loop3A_1170 : memref<64x129xf32, #tpu.memory_space<vmem>>[vector<16xi32>, vector<16xi32>], vector<16xf32>,
      } {sc.loop_unroll_factor = 8 : i64, sc.parallel_access}
      %dma_start3A_870 = arith.constant 0 : i32
      %dma_start3A_871 = arith.constant 0 : i32
      %dma_start3A_872 = arith.constant 0 : i32
      %dma_start3A_873 = tpu.memref_slice %arg12[%dma_start3A_871, %dma_start3A_872] : memref<64x129xf32, #tpu.memory_space<vmem>> -> memref<8x128xf32, #tpu.memory_space<vmem>>
      %dma_start3A_874 = arith.constant 0 : i32
      %dma_start3A_875 = arith.constant 0 : i32
      %dma_start3A_876 = tpu.memref_slice %arg4[%add3A_851, %dma_start3A_870, %add3A, %dma_start3A_874, %dma_start3A_875] : memref<200x8x32x8x128xf32, #tpu.memory_space<hbm>> -> memref<1x1x1x8x128xf32, #tpu.memory_space<hbm>>
      %dma_start3A_877 = tpu.memref_squeeze %dma_start3A_876 : memref<1x1x1x8x128xf32, #tpu.memory_space<hbm>> -> memref<8x128xf32, #tpu.memory_space<hbm>>
      %dma_start3A_878 = arith.constant 0 : i32
      %dma_start3A_879 = arith.constant 0 : i32
      %dma_start3A_880 = tpu.memref_slice %arg4[%add3A_851, %dma_start3A_870, %add3A, %dma_start3A_878, %dma_start3A_879] : memref<200x8x32x8x128xf32, #tpu.memory_space<hbm>> -> memref<1x1x1x8x128xf32, #tpu.memory_space<hbm>>
      %dma_start3A_881 = tpu.memref_squeeze %dma_start3A_880 : memref<1x1x1x8x128xf32, #tpu.memory_space<hbm>> -> memref<8x128xf32, #tpu.memory_space<hbm>>
      %dma_start3A_882 = arith.constant 0 : i32
      %dma_start3A_883 = arith.constant 0 : i32
      %dma_start3A_884 = tpu.memref_slice %arg12[%dma_start3A_882, %dma_start3A_883] : memref<64x129xf32, #tpu.memory_space<vmem>> -> memref<8x128xf32, #tpu.memory_space<vmem>>
      tpu.enqueue_dma source(%dma_start3A_884 : memref<8x128xf32, #tpu.memory_space<vmem>>) target(%dma_start3A_881 : memref<8x128xf32, #tpu.memory_space<hbm>>) target_semaphore(%arg20 : memref<!tpu.dma_semaphore, #tpu.memory_space<semaphore_mem>>)
      %dma_start3A_885 = arith.constant 1 : i32
      %dma_start3A_886 = arith.constant 8 : i32
      %dma_start3A_887 = arith.constant 0 : i32
      %dma_start3A_888 = tpu.memref_slice %arg12[%dma_start3A_886, %dma_start3A_887] : memref<64x129xf32, #tpu.memory_space<vmem>> -> memref<8x128xf32, #tpu.memory_space<vmem>>
      %dma_start3A_889 = arith.constant 0 : i32
      %dma_start3A_890 = arith.constant 0 : i32
      %dma_start3A_891 = tpu.memref_slice %arg4[%add3A_851, %dma_start3A_885, %add3A, %dma_start3A_889, %dma_start3A_890] : memref<200x8x32x8x128xf32, #tpu.memory_space<hbm>> -> memref<1x1x1x8x128xf32, #tpu.memory_space<hbm>>
      %dma_start3A_892 = tpu.memref_squeeze %dma_start3A_891 : memref<1x1x1x8x128xf32, #tpu.memory_space<hbm>> -> memref<8x128xf32, #tpu.memory_space<hbm>>
      %dma_start3A_893 = arith.constant 0 : i32
      %dma_start3A_894 = arith.constant 0 : i32
      %dma_start3A_895 = tpu.memref_slice %arg4[%add3A_851, %dma_start3A_885, %add3A, %dma_start3A_893, %dma_start3A_894] : memref<200x8x32x8x128xf32, #tpu.memory_space<hbm>> -> memref<1x1x1x8x128xf32, #tpu.memory_space<hbm>>
      %dma_start3A_896 = tpu.memref_squeeze %dma_start3A_895 : memref<1x1x1x8x128xf32, #tpu.memory_space<hbm>> -> memref<8x128xf32, #tpu.memory_space<hbm>>
      %dma_start3A_897 = arith.constant 8 : i32
      %dma_start3A_898 = arith.constant 0 : i32
      %dma_start3A_899 = tpu.memref_slice %arg12[%dma_start3A_897, %dma_start3A_898] : memref<64x129xf32, #tpu.memory_space<vmem>> -> memref<8x128xf32, #tpu.memory_space<vmem>>
      tpu.enqueue_dma source(%dma_start3A_899 : memref<8x128xf32, #tpu.memory_space<vmem>>) target(%dma_start3A_896 : memref<8x128xf32, #tpu.memory_space<hbm>>) target_semaphore(%arg20 : memref<!tpu.dma_semaphore, #tpu.memory_space<semaphore_mem>>)
      %dma_start3A_900 = arith.constant 2 : i32
      %dma_start3A_901 = arith.constant 16 : i32
      %dma_start3A_902 = arith.constant 0 : i32
      %dma_start3A_903 = tpu.memref_slice %arg12[%dma_start3A_901, %dma_start3A_902] : memref<64x129xf32, #tpu.memory_space<vmem>> -> memref<8x128xf32, #tpu.memory_space<vmem>>
      %dma_start3A_904 = arith.constant 0 : i32
      %dma_start3A_905 = arith.constant 0 : i32
      %dma_start3A_906 = tpu.memref_slice %arg4[%add3A_851, %dma_start3A_900, %add3A, %dma_start3A_904, %dma_start3A_905] : memref<200x8x32x8x128xf32, #tpu.memory_space<hbm>> -> memref<1x1x1x8x128xf32, #tpu.memory_space<hbm>>
      %dma_start3A_907 = tpu.memref_squeeze %dma_start3A_906 : memref<1x1x1x8x128xf32, #tpu.memory_space<hbm>> -> memref<8x128xf32, #tpu.memory_space<hbm>>
      %dma_start3A_908 = arith.constant 0 : i32
      %dma_start3A_909 = arith.constant 0 : i32
      %dma_start3A_910 = tpu.memref_slice %arg4[%add3A_851, %dma_start3A_900, %add3A, %dma_start3A_908, %dma_start3A_909] : memref<200x8x32x8x128xf32, #tpu.memory_space<hbm>> -> memref<1x1x1x8x128xf32, #tpu.memory_space<hbm>>
      %dma_start3A_911 = tpu.memref_squeeze %dma_start3A_910 : memref<1x1x1x8x128xf32, #tpu.memory_space<hbm>> -> memref<8x128xf32, #tpu.memory_space<hbm>>
      %dma_start3A_912 = arith.constant 16 : i32
      %dma_start3A_913 = arith.constant 0 : i32
      %dma_start3A_914 = tpu.memref_slice %arg12[%dma_start3A_912, %dma_start3A_913] : memref<64x129xf32, #tpu.memory_space<vmem>> -> memref<8x128xf32, #tpu.memory_space<vmem>>
      tpu.enqueue_dma source(%dma_start3A_914 : memref<8x128xf32, #tpu.memory_space<vmem>>) target(%dma_start3A_911 : memref<8x128xf32, #tpu.memory_space<hbm>>) target_semaphore(%arg20 : memref<!tpu.dma_semaphore, #tpu.memory_space<semaphore_mem>>)
      %dma_start3A_915 = arith.constant 3 : i32
      %dma_start3A_916 = arith.constant 24 : i32
      %dma_start3A_917 = arith.constant 0 : i32
      %dma_start3A_918 = tpu.memref_slice %arg12[%dma_start3A_916, %dma_start3A_917] : memref<64x129xf32, #tpu.memory_space<vmem>> -> memref<8x128xf32, #tpu.memory_space<vmem>>
      %dma_start3A_919 = arith.constant 0 : i32
      %dma_start3A_920 = arith.constant 0 : i32
      %dma_start3A_921 = tpu.memref_slice %arg4[%add3A_851, %dma_start3A_915, %add3A, %dma_start3A_919, %dma_start3A_920] : memref<200x8x32x8x128xf32, #tpu.memory_space<hbm>> -> memref<1x1x1x8x128xf32, #tpu.memory_space<hbm>>
      %dma_start3A_922 = tpu.memref_squeeze %dma_start3A_921 : memref<1x1x1x8x128xf32, #tpu.memory_space<hbm>> -> memref<8x128xf32, #tpu.memory_space<hbm>>
      %dma_start3A_923 = arith.constant 0 : i32
      %dma_start3A_924 = arith.constant 0 : i32
      %dma_start3A_925 = tpu.memref_slice %arg4[%add3A_851, %dma_start3A_915, %add3A, %dma_start3A_923, %dma_start3A_924] : memref<200x8x32x8x128xf32, #tpu.memory_space<hbm>> -> memref<1x1x1x8x128xf32, #tpu.memory_space<hbm>>
      %dma_start3A_926 = tpu.memref_squeeze %dma_start3A_925 : memref<1x1x1x8x128xf32, #tpu.memory_space<hbm>> -> memref<8x128xf32, #tpu.memory_space<hbm>>
      %dma_start3A_927 = arith.constant 24 : i32
      %dma_start3A_928 = arith.constant 0 : i32
      %dma_start3A_929 = tpu.memref_slice %arg12[%dma_start3A_927, %dma_start3A_928] : memref<64x129xf32, #tpu.memory_space<vmem>> -> memref<8x128xf32, #tpu.memory_space<vmem>>
      tpu.enqueue_dma source(%dma_start3A_929 : memref<8x128xf32, #tpu.memory_space<vmem>>) target(%dma_start3A_926 : memref<8x128xf32, #tpu.memory_space<hbm>>) target_semaphore(%arg20 : memref<!tpu.dma_semaphore, #tpu.memory_space<semaphore_mem>>)
      %dma_start3A_930 = arith.constant 4 : i32
      %dma_start3A_931 = arith.constant 32 : i32
      %dma_start3A_932 = arith.constant 0 : i32
      %dma_start3A_933 = tpu.memref_slice %arg12[%dma_start3A_931, %dma_start3A_932] : memref<64x129xf32, #tpu.memory_space<vmem>> -> memref<8x128xf32, #tpu.memory_space<vmem>>
      %dma_start3A_934 = arith.constant 0 : i32
      %dma_start3A_935 = arith.constant 0 : i32
      %dma_start3A_936 = tpu.memref_slice %arg4[%add3A_851, %dma_start3A_930, %add3A, %dma_start3A_934, %dma_start3A_935] : memref<200x8x32x8x128xf32, #tpu.memory_space<hbm>> -> memref<1x1x1x8x128xf32, #tpu.memory_space<hbm>>
      %dma_start3A_937 = tpu.memref_squeeze %dma_start3A_936 : memref<1x1x1x8x128xf32, #tpu.memory_space<hbm>> -> memref<8x128xf32, #tpu.memory_space<hbm>>
      %dma_start3A_938 = arith.constant 0 : i32
      %dma_start3A_939 = arith.constant 0 : i32
      %dma_start3A_940 = tpu.memref_slice %arg4[%add3A_851, %dma_start3A_930, %add3A, %dma_start3A_938, %dma_start3A_939] : memref<200x8x32x8x128xf32, #tpu.memory_space<hbm>> -> memref<1x1x1x8x128xf32, #tpu.memory_space<hbm>>
      %dma_start3A_941 = tpu.memref_squeeze %dma_start3A_940 : memref<1x1x1x8x128xf32, #tpu.memory_space<hbm>> -> memref<8x128xf32, #tpu.memory_space<hbm>>
      %dma_start3A_942 = arith.constant 32 : i32
      %dma_start3A_943 = arith.constant 0 : i32
      %dma_start3A_944 = tpu.memref_slice %arg12[%dma_start3A_942, %dma_start3A_943] : memref<64x129xf32, #tpu.memory_space<vmem>> -> memref<8x128xf32, #tpu.memory_space<vmem>>
      tpu.enqueue_dma source(%dma_start3A_944 : memref<8x128xf32, #tpu.memory_space<vmem>>) target(%dma_start3A_941 : memref<8x128xf32, #tpu.memory_space<hbm>>) target_semaphore(%arg20 : memref<!tpu.dma_semaphore, #tpu.memory_space<semaphore_mem>>)
      %dma_start3A_945 = arith.constant 5 : i32
      %dma_start3A_946 = arith.constant 40 : i32
      %dma_start3A_947 = arith.constant 0 : i32
      %dma_start3A_948 = tpu.memref_slice %arg12[%dma_start3A_946, %dma_start3A_947] : memref<64x129xf32, #tpu.memory_space<vmem>> -> memref<8x128xf32, #tpu.memory_space<vmem>>
      %dma_start3A_949 = arith.constant 0 : i32
      %dma_start3A_950 = arith.constant 0 : i32
      %dma_start3A_951 = tpu.memref_slice %arg4[%add3A_851, %dma_start3A_945, %add3A, %dma_start3A_949, %dma_start3A_950] : memref<200x8x32x8x128xf32, #tpu.memory_space<hbm>> -> memref<1x1x1x8x128xf32, #tpu.memory_space<hbm>>
      %dma_start3A_952 = tpu.memref_squeeze %dma_start3A_951 : memref<1x1x1x8x128xf32, #tpu.memory_space<hbm>> -> memref<8x128xf32, #tpu.memory_space<hbm>>
      %dma_start3A_953 = arith.constant 0 : i32
      %dma_start3A_954 = arith.constant 0 : i32
      %dma_start3A_955 = tpu.memref_slice %arg4[%add3A_851, %dma_start3A_945, %add3A, %dma_start3A_953, %dma_start3A_954] : memref<200x8x32x8x128xf32, #tpu.memory_space<hbm>> -> memref<1x1x1x8x128xf32, #tpu.memory_space<hbm>>
      %dma_start3A_956 = tpu.memref_squeeze %dma_start3A_955 : memref<1x1x1x8x128xf32, #tpu.memory_space<hbm>> -> memref<8x128xf32, #tpu.memory_space<hbm>>
      %dma_start3A_957 = arith.constant 40 : i32
      %dma_start3A_958 = arith.constant 0 : i32
      %dma_start3A_959 = tpu.memref_slice %arg12[%dma_start3A_957, %dma_start3A_958] : memref<64x129xf32, #tpu.memory_space<vmem>> -> memref<8x128xf32, #tpu.memory_space<vmem>>
      tpu.enqueue_dma source(%dma_start3A_959 : memref<8x128xf32, #tpu.memory_space<vmem>>) target(%dma_start3A_956 : memref<8x128xf32, #tpu.memory_space<hbm>>) target_semaphore(%arg20 : memref<!tpu.dma_semaphore, #tpu.memory_space<semaphore_mem>>)
      %dma_start3A_960 = arith.constant 6 : i32
      %dma_start3A_961 = arith.constant 48 : i32
      %dma_start3A_962 = arith.constant 0 : i32
      %dma_start3A_963 = tpu.memref_slice %arg12[%dma_start3A_961, %dma_start3A_962] : memref<64x129xf32, #tpu.memory_space<vmem>> -> memref<8x128xf32, #tpu.memory_space<vmem>>
      %dma_start3A_964 = arith.constant 0 : i32
      %dma_start3A_965 = arith.constant 0 : i32
      %dma_start3A_966 = tpu.memref_slice %arg4[%add3A_851, %dma_start3A_960, %add3A, %dma_start3A_964, %dma_start3A_965] : memref<200x8x32x8x128xf32, #tpu.memory_space<hbm>> -> memref<1x1x1x8x128xf32, #tpu.memory_space<hbm>>
      %dma_start3A_967 = tpu.memref_squeeze %dma_start3A_966 : memref<1x1x1x8x128xf32, #tpu.memory_space<hbm>> -> memref<8x128xf32, #tpu.memory_space<hbm>>
      %dma_start3A_968 = arith.constant 0 : i32
      %dma_start3A_969 = arith.constant 0 : i32
      %dma_start3A_970 = tpu.memref_slice %arg4[%add3A_851, %dma_start3A_960, %add3A, %dma_start3A_968, %dma_start3A_969] : memref<200x8x32x8x128xf32, #tpu.memory_space<hbm>> -> memref<1x1x1x8x128xf32, #tpu.memory_space<hbm>>
      %dma_start3A_971 = tpu.memref_squeeze %dma_start3A_970 : memref<1x1x1x8x128xf32, #tpu.memory_space<hbm>> -> memref<8x128xf32, #tpu.memory_space<hbm>>
      %dma_start3A_972 = arith.constant 48 : i32
      %dma_start3A_973 = arith.constant 0 : i32
      %dma_start3A_974 = tpu.memref_slice %arg12[%dma_start3A_972, %dma_start3A_973] : memref<64x129xf32, #tpu.memory_space<vmem>> -> memref<8x128xf32, #tpu.memory_space<vmem>>
      tpu.enqueue_dma source(%dma_start3A_974 : memref<8x128xf32, #tpu.memory_space<vmem>>) target(%dma_start3A_971 : memref<8x128xf32, #tpu.memory_space<hbm>>) target_semaphore(%arg20 : memref<!tpu.dma_semaphore, #tpu.memory_space<semaphore_mem>>)
      %dma_start3A_975 = arith.constant 7 : i32
      %dma_start3A_976 = arith.constant 56 : i32
      %dma_start3A_977 = arith.constant 0 : i32
      %dma_start3A_978 = tpu.memref_slice %arg12[%dma_start3A_976, %dma_start3A_977] : memref<64x129xf32, #tpu.memory_space<vmem>> -> memref<8x128xf32, #tpu.memory_space<vmem>>
      %dma_start3A_979 = arith.constant 0 : i32
      %dma_start3A_980 = arith.constant 0 : i32
      %dma_start3A_981 = tpu.memref_slice %arg4[%add3A_851, %dma_start3A_975, %add3A, %dma_start3A_979, %dma_start3A_980] : memref<200x8x32x8x128xf32, #tpu.memory_space<hbm>> -> memref<1x1x1x8x128xf32, #tpu.memory_space<hbm>>
      %dma_start3A_982 = tpu.memref_squeeze %dma_start3A_981 : memref<1x1x1x8x128xf32, #tpu.memory_space<hbm>> -> memref<8x128xf32, #tpu.memory_space<hbm>>
      %dma_start3A_983 = arith.constant 0 : i32
      %dma_start3A_984 = arith.constant 0 : i32
      %dma_start3A_985 = tpu.memref_slice %arg4[%add3A_851, %dma_start3A_975, %add3A, %dma_start3A_983, %dma_start3A_984] : memref<200x8x32x8x128xf32, #tpu.memory_space<hbm>> -> memref<1x1x1x8x128xf32, #tpu.memory_space<hbm>>
      %dma_start3A_986 = tpu.memref_squeeze %dma_start3A_985 : memref<1x1x1x8x128xf32, #tpu.memory_space<hbm>> -> memref<8x128xf32, #tpu.memory_space<hbm>>
      %dma_start3A_987 = arith.constant 56 : i32
      %dma_start3A_988 = arith.constant 0 : i32
      %dma_start3A_989 = tpu.memref_slice %arg12[%dma_start3A_987, %dma_start3A_988] : memref<64x129xf32, #tpu.memory_space<vmem>> -> memref<8x128xf32, #tpu.memory_space<vmem>>
      tpu.enqueue_dma source(%dma_start3A_989 : memref<8x128xf32, #tpu.memory_space<vmem>>) target(%dma_start3A_986 : memref<8x128xf32, #tpu.memory_space<hbm>>) target_semaphore(%arg20 : memref<!tpu.dma_semaphore, #tpu.memory_space<semaphore_mem>>)
      %lt3A_990 = arith.constant 49 : i32
      %lt3A_991 = arith.cmpi slt, %scan3A_560, %lt3A_990 : i32
      %convert_element_type3A_992 = arith.extui %lt3A_991 : i1 to i32
      %cond3A_993 = arith.constant 0 : i32
      %cond3A_994 = arith.cmpi ne, %convert_element_type3A_992, %cond3A_993 : i32
      scf.if %cond3A_994 {
        %add3A_1142 = arith.constant 4 : i32
        %add3A_1143 = arith.addi %add3A_851, %add3A_1142 : i32
        %shift_right_arithmetic3A_1144 = arith.constant 3 : i32
        %shift_right_arithmetic3A_1145 = arith.shrsi %add3A_1143, %shift_right_arithmetic3A_1144 : i32
        %and3A_1146 = arith.constant 7 : i32
        %and3A_1147 = arith.andi %add3A_1143, %and3A_1146 : i32
        %dma_start3A_1148 = arith.constant 0 : i32
        %dma_start3A_1149 = tpu.memref_slice %arg5[%shift_right_arithmetic3A_1145, %and3A_1147, %dma_start3A_1148] : memref<25x8x128xi32, #tpu.memory_space<vmem>> -> memref<1x1x128xi32, #tpu.memory_space<vmem>>
        %dma_start3A_1150 = tpu.memref_squeeze %dma_start3A_1149 : memref<1x1x128xi32, #tpu.memory_space<vmem>> -> memref<128xi32, #tpu.memory_space<vmem>>
        %dma_start3A_1151 = arith.constant 0 : i32
        %dma_start3A_1152 = arith.constant 0 : i32
        %dma_start3A_1153 = tpu.memref_slice %arg3[%dma_start3A_1151, %dma_start3A_1152] : memref<1000000x64xf32, #tpu.memory_space<hbm>> -> memref<1000000x64xf32, #tpu.memory_space<hbm>>
        tpu.enqueue_indirect_dma source(%dma_start3A_1153 : memref<1000000x64xf32, #tpu.memory_space<hbm>>) target(%arg8 : memref<128x64xf32, #tpu.memory_space<vmem>>) offsets(%dma_start3A_1150 : memref<128xi32, #tpu.memory_space<vmem>>) semaphore(%arg16 : memref<!tpu.dma_semaphore, #tpu.memory_space<semaphore_mem>>)
      } else {
      }
      %mul3A_995 = arith.constant 4 : i32
      %mul3A_996 = arith.muli %scan3A_560, %mul3A_995 : i32
      %add3A_997 = arith.constant 3 : i32
      %add3A_998 = arith.addi %mul3A_996, %add3A_997 : i32
      %shift_right_arithmetic3A_999 = arith.constant 3 : i32
      %shift_right_arithmetic3A_1000 = arith.shrsi %add3A_998, %shift_right_arithmetic3A_999 : i32
      %and3A_1001 = arith.constant 7 : i32
      %and3A_1002 = arith.andi %add3A_998, %and3A_1001 : i32
      %dma_wait3A_1003 = arith.constant 0 : i32
      %dma_wait3A_1004 = tpu.memref_slice %arg5[%shift_right_arithmetic3A_1000, %and3A_1002, %dma_wait3A_1003] : memref<25x8x128xi32, #tpu.memory_space<vmem>> -> memref<1x1x128xi32, #tpu.memory_space<vmem>>
      %dma_wait3A_1005 = tpu.memref_squeeze %dma_wait3A_1004 : memref<1x1x128xi32, #tpu.memory_space<vmem>> -> memref<128xi32, #tpu.memory_space<vmem>>
      %dma_wait3A_1006 = arith.constant 0 : i32
      %dma_wait3A_1007 = arith.constant 0 : i32
      %dma_wait3A_1008 = tpu.memref_slice %arg3[%dma_wait3A_1006, %dma_wait3A_1007] : memref<1000000x64xf32, #tpu.memory_space<hbm>> -> memref<1000000x64xf32, #tpu.memory_space<hbm>>
      tpu.wait_indirect_dma semaphore(%arg17 : memref<!tpu.dma_semaphore, #tpu.memory_space<semaphore_mem>>) src(%dma_wait3A_1008 : memref<1000000x64xf32, #tpu.memory_space<hbm>>) dst(%arg9 : memref<128x64xf32, #tpu.memory_space<vmem>>)
      %gt3A_1009 = arith.constant 0 : i32
      %gt3A_1010 = arith.cmpi sgt, %scan3A_560, %gt3A_1009 : i32
      %convert_element_type3A_1011 = arith.extui %gt3A_1010 : i1 to i32
      %cond3A_1012 = arith.constant 0 : i32
      %cond3A_1013 = arith.cmpi ne, %convert_element_type3A_1011, %cond3A_1012 : i32
      scf.if %cond3A_1013 {
        %sub3A = arith.constant 4 : i32
        %sub3A_1142 = arith.subi %add3A_998, %sub3A : i32
        %dma_wait3A_1143 = arith.constant 0 : i32
        %dma_wait3A_1144 = arith.constant 0 : i32
        %dma_wait3A_1145 = arith.constant 0 : i32
        %dma_wait3A_1146 = tpu.memref_slice %arg13[%dma_wait3A_1144, %dma_wait3A_1145] : memref<64x129xf32, #tpu.memory_space<vmem>> -> memref<8x128xf32, #tpu.memory_space<vmem>>
        %dma_wait3A_1147 = arith.constant 0 : i32
        %dma_wait3A_1148 = arith.constant 0 : i32
        %dma_wait3A_1149 = tpu.memref_slice %arg4[%sub3A_1142, %dma_wait3A_1143, %add3A, %dma_wait3A_1147, %dma_wait3A_1148] : memref<200x8x32x8x128xf32, #tpu.memory_space<hbm>> -> memref<1x1x1x8x128xf32, #tpu.memory_space<hbm>>
        %dma_wait3A_1150 = tpu.memref_squeeze %dma_wait3A_1149 : memref<1x1x1x8x128xf32, #tpu.memory_space<hbm>> -> memref<8x128xf32, #tpu.memory_space<hbm>>
        %dma_wait3A_1151 = arith.constant 0 : i32
        %dma_wait3A_1152 = arith.constant 0 : i32
        %dma_wait3A_1153 = tpu.memref_slice %arg4[%sub3A_1142, %dma_wait3A_1143, %add3A, %dma_wait3A_1151, %dma_wait3A_1152] : memref<200x8x32x8x128xf32, #tpu.memory_space<hbm>> -> memref<1x1x1x8x128xf32, #tpu.memory_space<hbm>>
        %dma_wait3A_1154 = tpu.memref_squeeze %dma_wait3A_1153 : memref<1x1x1x8x128xf32, #tpu.memory_space<hbm>> -> memref<8x128xf32, #tpu.memory_space<hbm>>
        %dma_wait3A_1155 = arith.constant 0 : i32
        %dma_wait3A_1156 = arith.constant 0 : i32
        %dma_wait3A_1157 = tpu.memref_slice %arg13[%dma_wait3A_1155, %dma_wait3A_1156] : memref<64x129xf32, #tpu.memory_space<vmem>> -> memref<8x128xf32, #tpu.memory_space<vmem>>
        tpu.wait_dma2 semaphore(%arg21 : memref<!tpu.dma_semaphore, #tpu.memory_space<semaphore_mem>>) src(%dma_wait3A_1157 : memref<8x128xf32, #tpu.memory_space<vmem>>) dst(%dma_wait3A_1154 : memref<8x128xf32, #tpu.memory_space<hbm>>)
        %dma_wait3A_1158 = arith.constant 1 : i32
        %dma_wait3A_1159 = arith.constant 8 : i32
        %dma_wait3A_1160 = arith.constant 0 : i32
        %dma_wait3A_1161 = tpu.memref_slice %arg13[%dma_wait3A_1159, %dma_wait3A_1160] : memref<64x129xf32, #tpu.memory_space<vmem>> -> memref<8x128xf32, #tpu.memory_space<vmem>>
        %dma_wait3A_1162 = arith.constant 0 : i32
        %dma_wait3A_1163 = arith.constant 0 : i32
        %dma_wait3A_1164 = tpu.memref_slice %arg4[%sub3A_1142, %dma_wait3A_1158, %add3A, %dma_wait3A_1162, %dma_wait3A_1163] : memref<200x8x32x8x128xf32, #tpu.memory_space<hbm>> -> memref<1x1x1x8x128xf32, #tpu.memory_space<hbm>>
        %dma_wait3A_1165 = tpu.memref_squeeze %dma_wait3A_1164 : memref<1x1x1x8x128xf32, #tpu.memory_space<hbm>> -> memref<8x128xf32, #tpu.memory_space<hbm>>
        %dma_wait3A_1166 = arith.constant 0 : i32
        %dma_wait3A_1167 = arith.constant 0 : i32
        %dma_wait3A_1168 = tpu.memref_slice %arg4[%sub3A_1142, %dma_wait3A_1158, %add3A, %dma_wait3A_1166, %dma_wait3A_1167] : memref<200x8x32x8x128xf32, #tpu.memory_space<hbm>> -> memref<1x1x1x8x128xf32, #tpu.memory_space<hbm>>
        %dma_wait3A_1169 = tpu.memref_squeeze %dma_wait3A_1168 : memref<1x1x1x8x128xf32, #tpu.memory_space<hbm>> -> memref<8x128xf32, #tpu.memory_space<hbm>>
        %dma_wait3A_1170 = arith.constant 8 : i32
        %dma_wait3A_1171 = arith.constant 0 : i32
        %dma_wait3A_1172 = tpu.memref_slice %arg13[%dma_wait3A_1170, %dma_wait3A_1171] : memref<64x129xf32, #tpu.memory_space<vmem>> -> memref<8x128xf32, #tpu.memory_space<vmem>>
        tpu.wait_dma2 semaphore(%arg21 : memref<!tpu.dma_semaphore, #tpu.memory_space<semaphore_mem>>) src(%dma_wait3A_1172 : memref<8x128xf32, #tpu.memory_space<vmem>>) dst(%dma_wait3A_1169 : memref<8x128xf32, #tpu.memory_space<hbm>>)
        %dma_wait3A_1173 = arith.constant 2 : i32
        %dma_wait3A_1174 = arith.constant 16 : i32
        %dma_wait3A_1175 = arith.constant 0 : i32
        %dma_wait3A_1176 = tpu.memref_slice %arg13[%dma_wait3A_1174, %dma_wait3A_1175] : memref<64x129xf32, #tpu.memory_space<vmem>> -> memref<8x128xf32, #tpu.memory_space<vmem>>
        %dma_wait3A_1177 = arith.constant 0 : i32
        %dma_wait3A_1178 = arith.constant 0 : i32
        %dma_wait3A_1179 = tpu.memref_slice %arg4[%sub3A_1142, %dma_wait3A_1173, %add3A, %dma_wait3A_1177, %dma_wait3A_1178] : memref<200x8x32x8x128xf32, #tpu.memory_space<hbm>> -> memref<1x1x1x8x128xf32, #tpu.memory_space<hbm>>
        %dma_wait3A_1180 = tpu.memref_squeeze %dma_wait3A_1179 : memref<1x1x1x8x128xf32, #tpu.memory_space<hbm>> -> memref<8x128xf32, #tpu.memory_space<hbm>>
        %dma_wait3A_1181 = arith.constant 0 : i32
        %dma_wait3A_1182 = arith.constant 0 : i32
        %dma_wait3A_1183 = tpu.memref_slice %arg4[%sub3A_1142, %dma_wait3A_1173, %add3A, %dma_wait3A_1181, %dma_wait3A_1182] : memref<200x8x32x8x128xf32, #tpu.memory_space<hbm>> -> memref<1x1x1x8x128xf32, #tpu.memory_space<hbm>>
        %dma_wait3A_1184 = tpu.memref_squeeze %dma_wait3A_1183 : memref<1x1x1x8x128xf32, #tpu.memory_space<hbm>> -> memref<8x128xf32, #tpu.memory_space<hbm>>
        %dma_wait3A_1185 = arith.constant 16 : i32
        %dma_wait3A_1186 = arith.constant 0 : i32
        %dma_wait3A_1187 = tpu.memref_slice %arg13[%dma_wait3A_1185, %dma_wait3A_1186] : memref<64x129xf32, #tpu.memory_space<vmem>> -> memref<8x128xf32, #tpu.memory_space<vmem>>
        tpu.wait_dma2 semaphore(%arg21 : memref<!tpu.dma_semaphore, #tpu.memory_space<semaphore_mem>>) src(%dma_wait3A_1187 : memref<8x128xf32, #tpu.memory_space<vmem>>) dst(%dma_wait3A_1184 : memref<8x128xf32, #tpu.memory_space<hbm>>)
        %dma_wait3A_1188 = arith.constant 3 : i32
        %dma_wait3A_1189 = arith.constant 24 : i32
        %dma_wait3A_1190 = arith.constant 0 : i32
        %dma_wait3A_1191 = tpu.memref_slice %arg13[%dma_wait3A_1189, %dma_wait3A_1190] : memref<64x129xf32, #tpu.memory_space<vmem>> -> memref<8x128xf32, #tpu.memory_space<vmem>>
        %dma_wait3A_1192 = arith.constant 0 : i32
        %dma_wait3A_1193 = arith.constant 0 : i32
        %dma_wait3A_1194 = tpu.memref_slice %arg4[%sub3A_1142, %dma_wait3A_1188, %add3A, %dma_wait3A_1192, %dma_wait3A_1193] : memref<200x8x32x8x128xf32, #tpu.memory_space<hbm>> -> memref<1x1x1x8x128xf32, #tpu.memory_space<hbm>>
        %dma_wait3A_1195 = tpu.memref_squeeze %dma_wait3A_1194 : memref<1x1x1x8x128xf32, #tpu.memory_space<hbm>> -> memref<8x128xf32, #tpu.memory_space<hbm>>
        %dma_wait3A_1196 = arith.constant 0 : i32
        %dma_wait3A_1197 = arith.constant 0 : i32
        %dma_wait3A_1198 = tpu.memref_slice %arg4[%sub3A_1142, %dma_wait3A_1188, %add3A, %dma_wait3A_1196, %dma_wait3A_1197] : memref<200x8x32x8x128xf32, #tpu.memory_space<hbm>> -> memref<1x1x1x8x128xf32, #tpu.memory_space<hbm>>
        %dma_wait3A_1199 = tpu.memref_squeeze %dma_wait3A_1198 : memref<1x1x1x8x128xf32, #tpu.memory_space<hbm>> -> memref<8x128xf32, #tpu.memory_space<hbm>>
        %dma_wait3A_1200 = arith.constant 24 : i32
        %dma_wait3A_1201 = arith.constant 0 : i32
        %dma_wait3A_1202 = tpu.memref_slice %arg13[%dma_wait3A_1200, %dma_wait3A_1201] : memref<64x129xf32, #tpu.memory_space<vmem>> -> memref<8x128xf32, #tpu.memory_space<vmem>>
        tpu.wait_dma2 semaphore(%arg21 : memref<!tpu.dma_semaphore, #tpu.memory_space<semaphore_mem>>) src(%dma_wait3A_1202 : memref<8x128xf32, #tpu.memory_space<vmem>>) dst(%dma_wait3A_1199 : memref<8x128xf32, #tpu.memory_space<hbm>>)
        %dma_wait3A_1203 = arith.constant 4 : i32
        %dma_wait3A_1204 = arith.constant 32 : i32
        %dma_wait3A_1205 = arith.constant 0 : i32
        %dma_wait3A_1206 = tpu.memref_slice %arg13[%dma_wait3A_1204, %dma_wait3A_1205] : memref<64x129xf32, #tpu.memory_space<vmem>> -> memref<8x128xf32, #tpu.memory_space<vmem>>
        %dma_wait3A_1207 = arith.constant 0 : i32
        %dma_wait3A_1208 = arith.constant 0 : i32
        %dma_wait3A_1209 = tpu.memref_slice %arg4[%sub3A_1142, %dma_wait3A_1203, %add3A, %dma_wait3A_1207, %dma_wait3A_1208] : memref<200x8x32x8x128xf32, #tpu.memory_space<hbm>> -> memref<1x1x1x8x128xf32, #tpu.memory_space<hbm>>
        %dma_wait3A_1210 = tpu.memref_squeeze %dma_wait3A_1209 : memref<1x1x1x8x128xf32, #tpu.memory_space<hbm>> -> memref<8x128xf32, #tpu.memory_space<hbm>>
        %dma_wait3A_1211 = arith.constant 0 : i32
        %dma_wait3A_1212 = arith.constant 0 : i32
        %dma_wait3A_1213 = tpu.memref_slice %arg4[%sub3A_1142, %dma_wait3A_1203, %add3A, %dma_wait3A_1211, %dma_wait3A_1212] : memref<200x8x32x8x128xf32, #tpu.memory_space<hbm>> -> memref<1x1x1x8x128xf32, #tpu.memory_space<hbm>>
        %dma_wait3A_1214 = tpu.memref_squeeze %dma_wait3A_1213 : memref<1x1x1x8x128xf32, #tpu.memory_space<hbm>> -> memref<8x128xf32, #tpu.memory_space<hbm>>
        %dma_wait3A_1215 = arith.constant 32 : i32
        %dma_wait3A_1216 = arith.constant 0 : i32
        %dma_wait3A_1217 = tpu.memref_slice %arg13[%dma_wait3A_1215, %dma_wait3A_1216] : memref<64x129xf32, #tpu.memory_space<vmem>> -> memref<8x128xf32, #tpu.memory_space<vmem>>
        tpu.wait_dma2 semaphore(%arg21 : memref<!tpu.dma_semaphore, #tpu.memory_space<semaphore_mem>>) src(%dma_wait3A_1217 : memref<8x128xf32, #tpu.memory_space<vmem>>) dst(%dma_wait3A_1214 : memref<8x128xf32, #tpu.memory_space<hbm>>)
        %dma_wait3A_1218 = arith.constant 5 : i32
        %dma_wait3A_1219 = arith.constant 40 : i32
        %dma_wait3A_1220 = arith.constant 0 : i32
        %dma_wait3A_1221 = tpu.memref_slice %arg13[%dma_wait3A_1219, %dma_wait3A_1220] : memref<64x129xf32, #tpu.memory_space<vmem>> -> memref<8x128xf32, #tpu.memory_space<vmem>>
        %dma_wait3A_1222 = arith.constant 0 : i32
        %dma_wait3A_1223 = arith.constant 0 : i32
        %dma_wait3A_1224 = tpu.memref_slice %arg4[%sub3A_1142, %dma_wait3A_1218, %add3A, %dma_wait3A_1222, %dma_wait3A_1223] : memref<200x8x32x8x128xf32, #tpu.memory_space<hbm>> -> memref<1x1x1x8x128xf32, #tpu.memory_space<hbm>>
        %dma_wait3A_1225 = tpu.memref_squeeze %dma_wait3A_1224 : memref<1x1x1x8x128xf32, #tpu.memory_space<hbm>> -> memref<8x128xf32, #tpu.memory_space<hbm>>
        %dma_wait3A_1226 = arith.constant 0 : i32
        %dma_wait3A_1227 = arith.constant 0 : i32
        %dma_wait3A_1228 = tpu.memref_slice %arg4[%sub3A_1142, %dma_wait3A_1218, %add3A, %dma_wait3A_1226, %dma_wait3A_1227] : memref<200x8x32x8x128xf32, #tpu.memory_space<hbm>> -> memref<1x1x1x8x128xf32, #tpu.memory_space<hbm>>
        %dma_wait3A_1229 = tpu.memref_squeeze %dma_wait3A_1228 : memref<1x1x1x8x128xf32, #tpu.memory_space<hbm>> -> memref<8x128xf32, #tpu.memory_space<hbm>>
        %dma_wait3A_1230 = arith.constant 40 : i32
        %dma_wait3A_1231 = arith.constant 0 : i32
        %dma_wait3A_1232 = tpu.memref_slice %arg13[%dma_wait3A_1230, %dma_wait3A_1231] : memref<64x129xf32, #tpu.memory_space<vmem>> -> memref<8x128xf32, #tpu.memory_space<vmem>>
        tpu.wait_dma2 semaphore(%arg21 : memref<!tpu.dma_semaphore, #tpu.memory_space<semaphore_mem>>) src(%dma_wait3A_1232 : memref<8x128xf32, #tpu.memory_space<vmem>>) dst(%dma_wait3A_1229 : memref<8x128xf32, #tpu.memory_space<hbm>>)
        %dma_wait3A_1233 = arith.constant 6 : i32
        %dma_wait3A_1234 = arith.constant 48 : i32
        %dma_wait3A_1235 = arith.constant 0 : i32
        %dma_wait3A_1236 = tpu.memref_slice %arg13[%dma_wait3A_1234, %dma_wait3A_1235] : memref<64x129xf32, #tpu.memory_space<vmem>> -> memref<8x128xf32, #tpu.memory_space<vmem>>
        %dma_wait3A_1237 = arith.constant 0 : i32
        %dma_wait3A_1238 = arith.constant 0 : i32
        %dma_wait3A_1239 = tpu.memref_slice %arg4[%sub3A_1142, %dma_wait3A_1233, %add3A, %dma_wait3A_1237, %dma_wait3A_1238] : memref<200x8x32x8x128xf32, #tpu.memory_space<hbm>> -> memref<1x1x1x8x128xf32, #tpu.memory_space<hbm>>
        %dma_wait3A_1240 = tpu.memref_squeeze %dma_wait3A_1239 : memref<1x1x1x8x128xf32, #tpu.memory_space<hbm>> -> memref<8x128xf32, #tpu.memory_space<hbm>>
        %dma_wait3A_1241 = arith.constant 0 : i32
        %dma_wait3A_1242 = arith.constant 0 : i32
        %dma_wait3A_1243 = tpu.memref_slice %arg4[%sub3A_1142, %dma_wait3A_1233, %add3A, %dma_wait3A_1241, %dma_wait3A_1242] : memref<200x8x32x8x128xf32, #tpu.memory_space<hbm>> -> memref<1x1x1x8x128xf32, #tpu.memory_space<hbm>>
        %dma_wait3A_1244 = tpu.memref_squeeze %dma_wait3A_1243 : memref<1x1x1x8x128xf32, #tpu.memory_space<hbm>> -> memref<8x128xf32, #tpu.memory_space<hbm>>
        %dma_wait3A_1245 = arith.constant 48 : i32
        %dma_wait3A_1246 = arith.constant 0 : i32
        %dma_wait3A_1247 = tpu.memref_slice %arg13[%dma_wait3A_1245, %dma_wait3A_1246] : memref<64x129xf32, #tpu.memory_space<vmem>> -> memref<8x128xf32, #tpu.memory_space<vmem>>
        tpu.wait_dma2 semaphore(%arg21 : memref<!tpu.dma_semaphore, #tpu.memory_space<semaphore_mem>>) src(%dma_wait3A_1247 : memref<8x128xf32, #tpu.memory_space<vmem>>) dst(%dma_wait3A_1244 : memref<8x128xf32, #tpu.memory_space<hbm>>)
        %dma_wait3A_1248 = arith.constant 7 : i32
        %dma_wait3A_1249 = arith.constant 56 : i32
        %dma_wait3A_1250 = arith.constant 0 : i32
        %dma_wait3A_1251 = tpu.memref_slice %arg13[%dma_wait3A_1249, %dma_wait3A_1250] : memref<64x129xf32, #tpu.memory_space<vmem>> -> memref<8x128xf32, #tpu.memory_space<vmem>>
        %dma_wait3A_1252 = arith.constant 0 : i32
        %dma_wait3A_1253 = arith.constant 0 : i32
        %dma_wait3A_1254 = tpu.memref_slice %arg4[%sub3A_1142, %dma_wait3A_1248, %add3A, %dma_wait3A_1252, %dma_wait3A_1253] : memref<200x8x32x8x128xf32, #tpu.memory_space<hbm>> -> memref<1x1x1x8x128xf32, #tpu.memory_space<hbm>>
        %dma_wait3A_1255 = tpu.memref_squeeze %dma_wait3A_1254 : memref<1x1x1x8x128xf32, #tpu.memory_space<hbm>> -> memref<8x128xf32, #tpu.memory_space<hbm>>
        %dma_wait3A_1256 = arith.constant 0 : i32
        %dma_wait3A_1257 = arith.constant 0 : i32
        %dma_wait3A_1258 = tpu.memref_slice %arg4[%sub3A_1142, %dma_wait3A_1248, %add3A, %dma_wait3A_1256, %dma_wait3A_1257] : memref<200x8x32x8x128xf32, #tpu.memory_space<hbm>> -> memref<1x1x1x8x128xf32, #tpu.memory_space<hbm>>
        %dma_wait3A_1259 = tpu.memref_squeeze %dma_wait3A_1258 : memref<1x1x1x8x128xf32, #tpu.memory_space<hbm>> -> memref<8x128xf32, #tpu.memory_space<hbm>>
        %dma_wait3A_1260 = arith.constant 56 : i32
        %dma_wait3A_1261 = arith.constant 0 : i32
        %dma_wait3A_1262 = tpu.memref_slice %arg13[%dma_wait3A_1260, %dma_wait3A_1261] : memref<64x129xf32, #tpu.memory_space<vmem>> -> memref<8x128xf32, #tpu.memory_space<vmem>>
        tpu.wait_dma2 semaphore(%arg21 : memref<!tpu.dma_semaphore, #tpu.memory_space<semaphore_mem>>) src(%dma_wait3A_1262 : memref<8x128xf32, #tpu.memory_space<vmem>>) dst(%dma_wait3A_1259 : memref<8x128xf32, #tpu.memory_space<hbm>>)
      } else {
      }
      %parallel_loop3A_1014 = arith.constant 0 : i32
      %parallel_loop3A_1015 = arith.constant 128 : i32
      %parallel_loop3A_1016 = arith.constant 1 : i32
      scf.for %parallel_loop3A_1142 = %parallel_loop3A_1014 to %parallel_loop3A_1015 step %parallel_loop3A_1016  : i32 {
        %parallel_loop3A_1143 = arith.constant 0 : i32
        %parallel_loop3A_1144 = vector.broadcast %parallel_loop3A_1143 : i32 to vector<16xi32>
        %parallel_loop3A_1145 = vector.broadcast %parallel_loop3A_1142 : i32 to vector<16xi32>
        %parallel_loop3A_1146 = arith.addi %parallel_loop3A_1144, %parallel_loop3A_1145 : vector<16xi32>
        %parallel_loop3A_1147 = arith.index_cast %parallel_loop3A_1142 : i32 to index
        %parallel_loop3A_1148 = arith.constant 0 : index
        %parallel_loop3A_1149 = tpu.vector_load %arg9[%parallel_loop3A_1147, %parallel_loop3A_1148] {strides = array<i32>} : memref<128x64xf32, #tpu.memory_space<vmem>>, vector<16xf32>,
        %parallel_loop3A_1150 = arith.constant 8.000000e+00 : f32
        %parallel_loop3A_1151 = vector.broadcast %parallel_loop3A_1150 : f32 to vector<16xf32>
        %parallel_loop3A_1152 = arith.mulf %parallel_loop3A_1149, %parallel_loop3A_1151 : vector<16xf32>
        tpu.vector_store_idx %arg13[%add3A_3, %parallel_loop3A_1146], %parallel_loop3A_1152 : memref<64x129xf32, #tpu.memory_space<vmem>>[vector<16xi32>, vector<16xi32>], vector<16xf32>,
        %parallel_loop3A_1153 = arith.index_cast %parallel_loop3A_1142 : i32 to index
        %parallel_loop3A_1154 = arith.constant 16 : index
        %parallel_loop3A_1155 = tpu.vector_load %arg9[%parallel_loop3A_1153, %parallel_loop3A_1154] {strides = array<i32>} : memref<128x64xf32, #tpu.memory_space<vmem>>, vector<16xf32>,
        %parallel_loop3A_1156 = arith.constant 8.000000e+00 : f32
        %parallel_loop3A_1157 = vector.broadcast %parallel_loop3A_1156 : f32 to vector<16xf32>
        %parallel_loop3A_1158 = arith.mulf %parallel_loop3A_1155, %parallel_loop3A_1157 : vector<16xf32>
        tpu.vector_store_idx %arg13[%add3A_6, %parallel_loop3A_1146], %parallel_loop3A_1158 : memref<64x129xf32, #tpu.memory_space<vmem>>[vector<16xi32>, vector<16xi32>], vector<16xf32>,
        %parallel_loop3A_1159 = arith.index_cast %parallel_loop3A_1142 : i32 to index
        %parallel_loop3A_1160 = arith.constant 32 : index
        %parallel_loop3A_1161 = tpu.vector_load %arg9[%parallel_loop3A_1159, %parallel_loop3A_1160] {strides = array<i32>} : memref<128x64xf32, #tpu.memory_space<vmem>>, vector<16xf32>,
        %parallel_loop3A_1162 = arith.constant 8.000000e+00 : f32
        %parallel_loop3A_1163 = vector.broadcast %parallel_loop3A_1162 : f32 to vector<16xf32>
        %parallel_loop3A_1164 = arith.mulf %parallel_loop3A_1161, %parallel_loop3A_1163 : vector<16xf32>
        tpu.vector_store_idx %arg13[%add3A_9, %parallel_loop3A_1146], %parallel_loop3A_1164 : memref<64x129xf32, #tpu.memory_space<vmem>>[vector<16xi32>, vector<16xi32>], vector<16xf32>,
        %parallel_loop3A_1165 = arith.index_cast %parallel_loop3A_1142 : i32 to index
        %parallel_loop3A_1166 = arith.constant 48 : index
        %parallel_loop3A_1167 = tpu.vector_load %arg9[%parallel_loop3A_1165, %parallel_loop3A_1166] {strides = array<i32>} : memref<128x64xf32, #tpu.memory_space<vmem>>, vector<16xf32>,
        %parallel_loop3A_1168 = arith.constant 8.000000e+00 : f32
        %parallel_loop3A_1169 = vector.broadcast %parallel_loop3A_1168 : f32 to vector<16xf32>
        %parallel_loop3A_1170 = arith.mulf %parallel_loop3A_1167, %parallel_loop3A_1169 : vector<16xf32>
        tpu.vector_store_idx %arg13[%add3A_12, %parallel_loop3A_1146], %parallel_loop3A_1170 : memref<64x129xf32, #tpu.memory_space<vmem>>[vector<16xi32>, vector<16xi32>], vector<16xf32>,
      } {sc.loop_unroll_factor = 8 : i64, sc.parallel_access}
      %dma_start3A_1017 = arith.constant 0 : i32
      %dma_start3A_1018 = arith.constant 0 : i32
      %dma_start3A_1019 = arith.constant 0 : i32
      %dma_start3A_1020 = tpu.memref_slice %arg13[%dma_start3A_1018, %dma_start3A_1019] : memref<64x129xf32, #tpu.memory_space<vmem>> -> memref<8x128xf32, #tpu.memory_space<vmem>>
      %dma_start3A_1021 = arith.constant 0 : i32
      %dma_start3A_1022 = arith.constant 0 : i32
      %dma_start3A_1023 = tpu.memref_slice %arg4[%add3A_998, %dma_start3A_1017, %add3A, %dma_start3A_1021, %dma_start3A_1022] : memref<200x8x32x8x128xf32, #tpu.memory_space<hbm>> -> memref<1x1x1x8x128xf32, #tpu.memory_space<hbm>>
      %dma_start3A_1024 = tpu.memref_squeeze %dma_start3A_1023 : memref<1x1x1x8x128xf32, #tpu.memory_space<hbm>> -> memref<8x128xf32, #tpu.memory_space<hbm>>
      %dma_start3A_1025 = arith.constant 0 : i32
      %dma_start3A_1026 = arith.constant 0 : i32
      %dma_start3A_1027 = tpu.memref_slice %arg4[%add3A_998, %dma_start3A_1017, %add3A, %dma_start3A_1025, %dma_start3A_1026] : memref<200x8x32x8x128xf32, #tpu.memory_space<hbm>> -> memref<1x1x1x8x128xf32, #tpu.memory_space<hbm>>
      %dma_start3A_1028 = tpu.memref_squeeze %dma_start3A_1027 : memref<1x1x1x8x128xf32, #tpu.memory_space<hbm>> -> memref<8x128xf32, #tpu.memory_space<hbm>>
      %dma_start3A_1029 = arith.constant 0 : i32
      %dma_start3A_1030 = arith.constant 0 : i32
      %dma_start3A_1031 = tpu.memref_slice %arg13[%dma_start3A_1029, %dma_start3A_1030] : memref<64x129xf32, #tpu.memory_space<vmem>> -> memref<8x128xf32, #tpu.memory_space<vmem>>
      tpu.enqueue_dma source(%dma_start3A_1031 : memref<8x128xf32, #tpu.memory_space<vmem>>) target(%dma_start3A_1028 : memref<8x128xf32, #tpu.memory_space<hbm>>) target_semaphore(%arg21 : memref<!tpu.dma_semaphore, #tpu.memory_space<semaphore_mem>>)
      %dma_start3A_1032 = arith.constant 1 : i32
      %dma_start3A_1033 = arith.constant 8 : i32
      %dma_start3A_1034 = arith.constant 0 : i32
      %dma_start3A_1035 = tpu.memref_slice %arg13[%dma_start3A_1033, %dma_start3A_1034] : memref<64x129xf32, #tpu.memory_space<vmem>> -> memref<8x128xf32, #tpu.memory_space<vmem>>
      %dma_start3A_1036 = arith.constant 0 : i32
      %dma_start3A_1037 = arith.constant 0 : i32
      %dma_start3A_1038 = tpu.memref_slice %arg4[%add3A_998, %dma_start3A_1032, %add3A, %dma_start3A_1036, %dma_start3A_1037] : memref<200x8x32x8x128xf32, #tpu.memory_space<hbm>> -> memref<1x1x1x8x128xf32, #tpu.memory_space<hbm>>
      %dma_start3A_1039 = tpu.memref_squeeze %dma_start3A_1038 : memref<1x1x1x8x128xf32, #tpu.memory_space<hbm>> -> memref<8x128xf32, #tpu.memory_space<hbm>>
      %dma_start3A_1040 = arith.constant 0 : i32
      %dma_start3A_1041 = arith.constant 0 : i32
      %dma_start3A_1042 = tpu.memref_slice %arg4[%add3A_998, %dma_start3A_1032, %add3A, %dma_start3A_1040, %dma_start3A_1041] : memref<200x8x32x8x128xf32, #tpu.memory_space<hbm>> -> memref<1x1x1x8x128xf32, #tpu.memory_space<hbm>>
      %dma_start3A_1043 = tpu.memref_squeeze %dma_start3A_1042 : memref<1x1x1x8x128xf32, #tpu.memory_space<hbm>> -> memref<8x128xf32, #tpu.memory_space<hbm>>
      %dma_start3A_1044 = arith.constant 8 : i32
      %dma_start3A_1045 = arith.constant 0 : i32
      %dma_start3A_1046 = tpu.memref_slice %arg13[%dma_start3A_1044, %dma_start3A_1045] : memref<64x129xf32, #tpu.memory_space<vmem>> -> memref<8x128xf32, #tpu.memory_space<vmem>>
      tpu.enqueue_dma source(%dma_start3A_1046 : memref<8x128xf32, #tpu.memory_space<vmem>>) target(%dma_start3A_1043 : memref<8x128xf32, #tpu.memory_space<hbm>>) target_semaphore(%arg21 : memref<!tpu.dma_semaphore, #tpu.memory_space<semaphore_mem>>)
      %dma_start3A_1047 = arith.constant 2 : i32
      %dma_start3A_1048 = arith.constant 16 : i32
      %dma_start3A_1049 = arith.constant 0 : i32
      %dma_start3A_1050 = tpu.memref_slice %arg13[%dma_start3A_1048, %dma_start3A_1049] : memref<64x129xf32, #tpu.memory_space<vmem>> -> memref<8x128xf32, #tpu.memory_space<vmem>>
      %dma_start3A_1051 = arith.constant 0 : i32
      %dma_start3A_1052 = arith.constant 0 : i32
      %dma_start3A_1053 = tpu.memref_slice %arg4[%add3A_998, %dma_start3A_1047, %add3A, %dma_start3A_1051, %dma_start3A_1052] : memref<200x8x32x8x128xf32, #tpu.memory_space<hbm>> -> memref<1x1x1x8x128xf32, #tpu.memory_space<hbm>>
      %dma_start3A_1054 = tpu.memref_squeeze %dma_start3A_1053 : memref<1x1x1x8x128xf32, #tpu.memory_space<hbm>> -> memref<8x128xf32, #tpu.memory_space<hbm>>
      %dma_start3A_1055 = arith.constant 0 : i32
      %dma_start3A_1056 = arith.constant 0 : i32
      %dma_start3A_1057 = tpu.memref_slice %arg4[%add3A_998, %dma_start3A_1047, %add3A, %dma_start3A_1055, %dma_start3A_1056] : memref<200x8x32x8x128xf32, #tpu.memory_space<hbm>> -> memref<1x1x1x8x128xf32, #tpu.memory_space<hbm>>
      %dma_start3A_1058 = tpu.memref_squeeze %dma_start3A_1057 : memref<1x1x1x8x128xf32, #tpu.memory_space<hbm>> -> memref<8x128xf32, #tpu.memory_space<hbm>>
      %dma_start3A_1059 = arith.constant 16 : i32
      %dma_start3A_1060 = arith.constant 0 : i32
      %dma_start3A_1061 = tpu.memref_slice %arg13[%dma_start3A_1059, %dma_start3A_1060] : memref<64x129xf32, #tpu.memory_space<vmem>> -> memref<8x128xf32, #tpu.memory_space<vmem>>
      tpu.enqueue_dma source(%dma_start3A_1061 : memref<8x128xf32, #tpu.memory_space<vmem>>) target(%dma_start3A_1058 : memref<8x128xf32, #tpu.memory_space<hbm>>) target_semaphore(%arg21 : memref<!tpu.dma_semaphore, #tpu.memory_space<semaphore_mem>>)
      %dma_start3A_1062 = arith.constant 3 : i32
      %dma_start3A_1063 = arith.constant 24 : i32
      %dma_start3A_1064 = arith.constant 0 : i32
      %dma_start3A_1065 = tpu.memref_slice %arg13[%dma_start3A_1063, %dma_start3A_1064] : memref<64x129xf32, #tpu.memory_space<vmem>> -> memref<8x128xf32, #tpu.memory_space<vmem>>
      %dma_start3A_1066 = arith.constant 0 : i32
      %dma_start3A_1067 = arith.constant 0 : i32
      %dma_start3A_1068 = tpu.memref_slice %arg4[%add3A_998, %dma_start3A_1062, %add3A, %dma_start3A_1066, %dma_start3A_1067] : memref<200x8x32x8x128xf32, #tpu.memory_space<hbm>> -> memref<1x1x1x8x128xf32, #tpu.memory_space<hbm>>
      %dma_start3A_1069 = tpu.memref_squeeze %dma_start3A_1068 : memref<1x1x1x8x128xf32, #tpu.memory_space<hbm>> -> memref<8x128xf32, #tpu.memory_space<hbm>>
      %dma_start3A_1070 = arith.constant 0 : i32
      %dma_start3A_1071 = arith.constant 0 : i32
      %dma_start3A_1072 = tpu.memref_slice %arg4[%add3A_998, %dma_start3A_1062, %add3A, %dma_start3A_1070, %dma_start3A_1071] : memref<200x8x32x8x128xf32, #tpu.memory_space<hbm>> -> memref<1x1x1x8x128xf32, #tpu.memory_space<hbm>>
      %dma_start3A_1073 = tpu.memref_squeeze %dma_start3A_1072 : memref<1x1x1x8x128xf32, #tpu.memory_space<hbm>> -> memref<8x128xf32, #tpu.memory_space<hbm>>
      %dma_start3A_1074 = arith.constant 24 : i32
      %dma_start3A_1075 = arith.constant 0 : i32
      %dma_start3A_1076 = tpu.memref_slice %arg13[%dma_start3A_1074, %dma_start3A_1075] : memref<64x129xf32, #tpu.memory_space<vmem>> -> memref<8x128xf32, #tpu.memory_space<vmem>>
      tpu.enqueue_dma source(%dma_start3A_1076 : memref<8x128xf32, #tpu.memory_space<vmem>>) target(%dma_start3A_1073 : memref<8x128xf32, #tpu.memory_space<hbm>>) target_semaphore(%arg21 : memref<!tpu.dma_semaphore, #tpu.memory_space<semaphore_mem>>)
      %dma_start3A_1077 = arith.constant 4 : i32
      %dma_start3A_1078 = arith.constant 32 : i32
      %dma_start3A_1079 = arith.constant 0 : i32
      %dma_start3A_1080 = tpu.memref_slice %arg13[%dma_start3A_1078, %dma_start3A_1079] : memref<64x129xf32, #tpu.memory_space<vmem>> -> memref<8x128xf32, #tpu.memory_space<vmem>>
      %dma_start3A_1081 = arith.constant 0 : i32
      %dma_start3A_1082 = arith.constant 0 : i32
      %dma_start3A_1083 = tpu.memref_slice %arg4[%add3A_998, %dma_start3A_1077, %add3A, %dma_start3A_1081, %dma_start3A_1082] : memref<200x8x32x8x128xf32, #tpu.memory_space<hbm>> -> memref<1x1x1x8x128xf32, #tpu.memory_space<hbm>>
      %dma_start3A_1084 = tpu.memref_squeeze %dma_start3A_1083 : memref<1x1x1x8x128xf32, #tpu.memory_space<hbm>> -> memref<8x128xf32, #tpu.memory_space<hbm>>
      %dma_start3A_1085 = arith.constant 0 : i32
      %dma_start3A_1086 = arith.constant 0 : i32
      %dma_start3A_1087 = tpu.memref_slice %arg4[%add3A_998, %dma_start3A_1077, %add3A, %dma_start3A_1085, %dma_start3A_1086] : memref<200x8x32x8x128xf32, #tpu.memory_space<hbm>> -> memref<1x1x1x8x128xf32, #tpu.memory_space<hbm>>
      %dma_start3A_1088 = tpu.memref_squeeze %dma_start3A_1087 : memref<1x1x1x8x128xf32, #tpu.memory_space<hbm>> -> memref<8x128xf32, #tpu.memory_space<hbm>>
      %dma_start3A_1089 = arith.constant 32 : i32
      %dma_start3A_1090 = arith.constant 0 : i32
      %dma_start3A_1091 = tpu.memref_slice %arg13[%dma_start3A_1089, %dma_start3A_1090] : memref<64x129xf32, #tpu.memory_space<vmem>> -> memref<8x128xf32, #tpu.memory_space<vmem>>
      tpu.enqueue_dma source(%dma_start3A_1091 : memref<8x128xf32, #tpu.memory_space<vmem>>) target(%dma_start3A_1088 : memref<8x128xf32, #tpu.memory_space<hbm>>) target_semaphore(%arg21 : memref<!tpu.dma_semaphore, #tpu.memory_space<semaphore_mem>>)
      %dma_start3A_1092 = arith.constant 5 : i32
      %dma_start3A_1093 = arith.constant 40 : i32
      %dma_start3A_1094 = arith.constant 0 : i32
      %dma_start3A_1095 = tpu.memref_slice %arg13[%dma_start3A_1093, %dma_start3A_1094] : memref<64x129xf32, #tpu.memory_space<vmem>> -> memref<8x128xf32, #tpu.memory_space<vmem>>
      %dma_start3A_1096 = arith.constant 0 : i32
      %dma_start3A_1097 = arith.constant 0 : i32
      %dma_start3A_1098 = tpu.memref_slice %arg4[%add3A_998, %dma_start3A_1092, %add3A, %dma_start3A_1096, %dma_start3A_1097] : memref<200x8x32x8x128xf32, #tpu.memory_space<hbm>> -> memref<1x1x1x8x128xf32, #tpu.memory_space<hbm>>
      %dma_start3A_1099 = tpu.memref_squeeze %dma_start3A_1098 : memref<1x1x1x8x128xf32, #tpu.memory_space<hbm>> -> memref<8x128xf32, #tpu.memory_space<hbm>>
      %dma_start3A_1100 = arith.constant 0 : i32
      %dma_start3A_1101 = arith.constant 0 : i32
      %dma_start3A_1102 = tpu.memref_slice %arg4[%add3A_998, %dma_start3A_1092, %add3A, %dma_start3A_1100, %dma_start3A_1101] : memref<200x8x32x8x128xf32, #tpu.memory_space<hbm>> -> memref<1x1x1x8x128xf32, #tpu.memory_space<hbm>>
      %dma_start3A_1103 = tpu.memref_squeeze %dma_start3A_1102 : memref<1x1x1x8x128xf32, #tpu.memory_space<hbm>> -> memref<8x128xf32, #tpu.memory_space<hbm>>
      %dma_start3A_1104 = arith.constant 40 : i32
      %dma_start3A_1105 = arith.constant 0 : i32
      %dma_start3A_1106 = tpu.memref_slice %arg13[%dma_start3A_1104, %dma_start3A_1105] : memref<64x129xf32, #tpu.memory_space<vmem>> -> memref<8x128xf32, #tpu.memory_space<vmem>>
      tpu.enqueue_dma source(%dma_start3A_1106 : memref<8x128xf32, #tpu.memory_space<vmem>>) target(%dma_start3A_1103 : memref<8x128xf32, #tpu.memory_space<hbm>>) target_semaphore(%arg21 : memref<!tpu.dma_semaphore, #tpu.memory_space<semaphore_mem>>)
      %dma_start3A_1107 = arith.constant 6 : i32
      %dma_start3A_1108 = arith.constant 48 : i32
      %dma_start3A_1109 = arith.constant 0 : i32
      %dma_start3A_1110 = tpu.memref_slice %arg13[%dma_start3A_1108, %dma_start3A_1109] : memref<64x129xf32, #tpu.memory_space<vmem>> -> memref<8x128xf32, #tpu.memory_space<vmem>>
      %dma_start3A_1111 = arith.constant 0 : i32
      %dma_start3A_1112 = arith.constant 0 : i32
      %dma_start3A_1113 = tpu.memref_slice %arg4[%add3A_998, %dma_start3A_1107, %add3A, %dma_start3A_1111, %dma_start3A_1112] : memref<200x8x32x8x128xf32, #tpu.memory_space<hbm>> -> memref<1x1x1x8x128xf32, #tpu.memory_space<hbm>>
      %dma_start3A_1114 = tpu.memref_squeeze %dma_start3A_1113 : memref<1x1x1x8x128xf32, #tpu.memory_space<hbm>> -> memref<8x128xf32, #tpu.memory_space<hbm>>
      %dma_start3A_1115 = arith.constant 0 : i32
      %dma_start3A_1116 = arith.constant 0 : i32
      %dma_start3A_1117 = tpu.memref_slice %arg4[%add3A_998, %dma_start3A_1107, %add3A, %dma_start3A_1115, %dma_start3A_1116] : memref<200x8x32x8x128xf32, #tpu.memory_space<hbm>> -> memref<1x1x1x8x128xf32, #tpu.memory_space<hbm>>
      %dma_start3A_1118 = tpu.memref_squeeze %dma_start3A_1117 : memref<1x1x1x8x128xf32, #tpu.memory_space<hbm>> -> memref<8x128xf32, #tpu.memory_space<hbm>>
      %dma_start3A_1119 = arith.constant 48 : i32
      %dma_start3A_1120 = arith.constant 0 : i32
      %dma_start3A_1121 = tpu.memref_slice %arg13[%dma_start3A_1119, %dma_start3A_1120] : memref<64x129xf32, #tpu.memory_space<vmem>> -> memref<8x128xf32, #tpu.memory_space<vmem>>
      tpu.enqueue_dma source(%dma_start3A_1121 : memref<8x128xf32, #tpu.memory_space<vmem>>) target(%dma_start3A_1118 : memref<8x128xf32, #tpu.memory_space<hbm>>) target_semaphore(%arg21 : memref<!tpu.dma_semaphore, #tpu.memory_space<semaphore_mem>>)
      %dma_start3A_1122 = arith.constant 7 : i32
      %dma_start3A_1123 = arith.constant 56 : i32
      %dma_start3A_1124 = arith.constant 0 : i32
      %dma_start3A_1125 = tpu.memref_slice %arg13[%dma_start3A_1123, %dma_start3A_1124] : memref<64x129xf32, #tpu.memory_space<vmem>> -> memref<8x128xf32, #tpu.memory_space<vmem>>
      %dma_start3A_1126 = arith.constant 0 : i32
      %dma_start3A_1127 = arith.constant 0 : i32
      %dma_start3A_1128 = tpu.memref_slice %arg4[%add3A_998, %dma_start3A_1122, %add3A, %dma_start3A_1126, %dma_start3A_1127] : memref<200x8x32x8x128xf32, #tpu.memory_space<hbm>> -> memref<1x1x1x8x128xf32, #tpu.memory_space<hbm>>
      %dma_start3A_1129 = tpu.memref_squeeze %dma_start3A_1128 : memref<1x1x1x8x128xf32, #tpu.memory_space<hbm>> -> memref<8x128xf32, #tpu.memory_space<hbm>>
      %dma_start3A_1130 = arith.constant 0 : i32
      %dma_start3A_1131 = arith.constant 0 : i32
      %dma_start3A_1132 = tpu.memref_slice %arg4[%add3A_998, %dma_start3A_1122, %add3A, %dma_start3A_1130, %dma_start3A_1131] : memref<200x8x32x8x128xf32, #tpu.memory_space<hbm>> -> memref<1x1x1x8x128xf32, #tpu.memory_space<hbm>>
      %dma_start3A_1133 = tpu.memref_squeeze %dma_start3A_1132 : memref<1x1x1x8x128xf32, #tpu.memory_space<hbm>> -> memref<8x128xf32, #tpu.memory_space<hbm>>
      %dma_start3A_1134 = arith.constant 56 : i32
      %dma_start3A_1135 = arith.constant 0 : i32
      %dma_start3A_1136 = tpu.memref_slice %arg13[%dma_start3A_1134, %dma_start3A_1135] : memref<64x129xf32, #tpu.memory_space<vmem>> -> memref<8x128xf32, #tpu.memory_space<vmem>>
      tpu.enqueue_dma source(%dma_start3A_1136 : memref<8x128xf32, #tpu.memory_space<vmem>>) target(%dma_start3A_1133 : memref<8x128xf32, #tpu.memory_space<hbm>>) target_semaphore(%arg21 : memref<!tpu.dma_semaphore, #tpu.memory_space<semaphore_mem>>)
      %lt3A_1137 = arith.constant 49 : i32
      %lt3A_1138 = arith.cmpi slt, %scan3A_560, %lt3A_1137 : i32
      %convert_element_type3A_1139 = arith.extui %lt3A_1138 : i1 to i32
      %cond3A_1140 = arith.constant 0 : i32
      %cond3A_1141 = arith.cmpi ne, %convert_element_type3A_1139, %cond3A_1140 : i32
      scf.if %cond3A_1141 {
        %add3A_1142 = arith.constant 4 : i32
        %add3A_1143 = arith.addi %add3A_998, %add3A_1142 : i32
        %shift_right_arithmetic3A_1144 = arith.constant 3 : i32
        %shift_right_arithmetic3A_1145 = arith.shrsi %add3A_1143, %shift_right_arithmetic3A_1144 : i32
        %and3A_1146 = arith.constant 7 : i32
        %and3A_1147 = arith.andi %add3A_1143, %and3A_1146 : i32
        %dma_start3A_1148 = arith.constant 0 : i32
        %dma_start3A_1149 = tpu.memref_slice %arg5[%shift_right_arithmetic3A_1145, %and3A_1147, %dma_start3A_1148] : memref<25x8x128xi32, #tpu.memory_space<vmem>> -> memref<1x1x128xi32, #tpu.memory_space<vmem>>
        %dma_start3A_1150 = tpu.memref_squeeze %dma_start3A_1149 : memref<1x1x128xi32, #tpu.memory_space<vmem>> -> memref<128xi32, #tpu.memory_space<vmem>>
        %dma_start3A_1151 = arith.constant 0 : i32
        %dma_start3A_1152 = arith.constant 0 : i32
        %dma_start3A_1153 = tpu.memref_slice %arg3[%dma_start3A_1151, %dma_start3A_1152] : memref<1000000x64xf32, #tpu.memory_space<hbm>> -> memref<1000000x64xf32, #tpu.memory_space<hbm>>
        tpu.enqueue_indirect_dma source(%dma_start3A_1153 : memref<1000000x64xf32, #tpu.memory_space<hbm>>) target(%arg9 : memref<128x64xf32, #tpu.memory_space<vmem>>) offsets(%dma_start3A_1150 : memref<128xi32, #tpu.memory_space<vmem>>) semaphore(%arg17 : memref<!tpu.dma_semaphore, #tpu.memory_space<semaphore_mem>>)
      } else {
      }
    }
    %scan3A_48 = arith.constant 50 : i32
    %dma_wait3A = arith.constant 196 : i32
    %dma_wait3A_49 = arith.constant 0 : i32
    %dma_wait3A_50 = arith.constant 0 : i32
    %dma_wait3A_51 = arith.constant 0 : i32
    %dma_wait3A_52 = tpu.memref_slice %arg10[%dma_wait3A_50, %dma_wait3A_51] : memref<64x129xf32, #tpu.memory_space<vmem>> -> memref<8x128xf32, #tpu.memory_space<vmem>>
    %dma_wait3A_53 = arith.constant 0 : i32
    %dma_wait3A_54 = arith.constant 0 : i32
    %dma_wait3A_55 = tpu.memref_slice %arg4[%dma_wait3A, %dma_wait3A_49, %add3A, %dma_wait3A_53, %dma_wait3A_54] : memref<200x8x32x8x128xf32, #tpu.memory_space<hbm>> -> memref<1x1x1x8x128xf32, #tpu.memory_space<hbm>>
    %dma_wait3A_56 = tpu.memref_squeeze %dma_wait3A_55 : memref<1x1x1x8x128xf32, #tpu.memory_space<hbm>> -> memref<8x128xf32, #tpu.memory_space<hbm>>
    %dma_wait3A_57 = arith.constant 0 : i32
    %dma_wait3A_58 = arith.constant 0 : i32
    %dma_wait3A_59 = tpu.memref_slice %arg4[%dma_wait3A, %dma_wait3A_49, %add3A, %dma_wait3A_57, %dma_wait3A_58] : memref<200x8x32x8x128xf32, #tpu.memory_space<hbm>> -> memref<1x1x1x8x128xf32, #tpu.memory_space<hbm>>
    %dma_wait3A_60 = tpu.memref_squeeze %dma_wait3A_59 : memref<1x1x1x8x128xf32, #tpu.memory_space<hbm>> -> memref<8x128xf32, #tpu.memory_space<hbm>>
    %dma_wait3A_61 = arith.constant 0 : i32
    %dma_wait3A_62 = arith.constant 0 : i32
    %dma_wait3A_63 = tpu.memref_slice %arg10[%dma_wait3A_61, %dma_wait3A_62] : memref<64x129xf32, #tpu.memory_space<vmem>> -> memref<8x128xf32, #tpu.memory_space<vmem>>
    tpu.wait_dma2 semaphore(%arg18 : memref<!tpu.dma_semaphore, #tpu.memory_space<semaphore_mem>>) src(%dma_wait3A_63 : memref<8x128xf32, #tpu.memory_space<vmem>>) dst(%dma_wait3A_60 : memref<8x128xf32, #tpu.memory_space<hbm>>)
    %dma_wait3A_64 = arith.constant 196 : i32
    %dma_wait3A_65 = arith.constant 1 : i32
    %dma_wait3A_66 = arith.constant 8 : i32
    %dma_wait3A_67 = arith.constant 0 : i32
    %dma_wait3A_68 = tpu.memref_slice %arg10[%dma_wait3A_66, %dma_wait3A_67] : memref<64x129xf32, #tpu.memory_space<vmem>> -> memref<8x128xf32, #tpu.memory_space<vmem>>
    %dma_wait3A_69 = arith.constant 0 : i32
    %dma_wait3A_70 = arith.constant 0 : i32
    %dma_wait3A_71 = tpu.memref_slice %arg4[%dma_wait3A_64, %dma_wait3A_65, %add3A, %dma_wait3A_69, %dma_wait3A_70] : memref<200x8x32x8x128xf32, #tpu.memory_space<hbm>> -> memref<1x1x1x8x128xf32, #tpu.memory_space<hbm>>
    %dma_wait3A_72 = tpu.memref_squeeze %dma_wait3A_71 : memref<1x1x1x8x128xf32, #tpu.memory_space<hbm>> -> memref<8x128xf32, #tpu.memory_space<hbm>>
    %dma_wait3A_73 = arith.constant 0 : i32
    %dma_wait3A_74 = arith.constant 0 : i32
    %dma_wait3A_75 = tpu.memref_slice %arg4[%dma_wait3A_64, %dma_wait3A_65, %add3A, %dma_wait3A_73, %dma_wait3A_74] : memref<200x8x32x8x128xf32, #tpu.memory_space<hbm>> -> memref<1x1x1x8x128xf32, #tpu.memory_space<hbm>>
    %dma_wait3A_76 = tpu.memref_squeeze %dma_wait3A_75 : memref<1x1x1x8x128xf32, #tpu.memory_space<hbm>> -> memref<8x128xf32, #tpu.memory_space<hbm>>
    %dma_wait3A_77 = arith.constant 8 : i32
    %dma_wait3A_78 = arith.constant 0 : i32
    %dma_wait3A_79 = tpu.memref_slice %arg10[%dma_wait3A_77, %dma_wait3A_78] : memref<64x129xf32, #tpu.memory_space<vmem>> -> memref<8x128xf32, #tpu.memory_space<vmem>>
    tpu.wait_dma2 semaphore(%arg18 : memref<!tpu.dma_semaphore, #tpu.memory_space<semaphore_mem>>) src(%dma_wait3A_79 : memref<8x128xf32, #tpu.memory_space<vmem>>) dst(%dma_wait3A_76 : memref<8x128xf32, #tpu.memory_space<hbm>>)
    %dma_wait3A_80 = arith.constant 196 : i32
    %dma_wait3A_81 = arith.constant 2 : i32
    %dma_wait3A_82 = arith.constant 16 : i32
    %dma_wait3A_83 = arith.constant 0 : i32
    %dma_wait3A_84 = tpu.memref_slice %arg10[%dma_wait3A_82, %dma_wait3A_83] : memref<64x129xf32, #tpu.memory_space<vmem>> -> memref<8x128xf32, #tpu.memory_space<vmem>>
    %dma_wait3A_85 = arith.constant 0 : i32
    %dma_wait3A_86 = arith.constant 0 : i32
    %dma_wait3A_87 = tpu.memref_slice %arg4[%dma_wait3A_80, %dma_wait3A_81, %add3A, %dma_wait3A_85, %dma_wait3A_86] : memref<200x8x32x8x128xf32, #tpu.memory_space<hbm>> -> memref<1x1x1x8x128xf32, #tpu.memory_space<hbm>>
    %dma_wait3A_88 = tpu.memref_squeeze %dma_wait3A_87 : memref<1x1x1x8x128xf32, #tpu.memory_space<hbm>> -> memref<8x128xf32, #tpu.memory_space<hbm>>
    %dma_wait3A_89 = arith.constant 0 : i32
    %dma_wait3A_90 = arith.constant 0 : i32
    %dma_wait3A_91 = tpu.memref_slice %arg4[%dma_wait3A_80, %dma_wait3A_81, %add3A, %dma_wait3A_89, %dma_wait3A_90] : memref<200x8x32x8x128xf32, #tpu.memory_space<hbm>> -> memref<1x1x1x8x128xf32, #tpu.memory_space<hbm>>
    %dma_wait3A_92 = tpu.memref_squeeze %dma_wait3A_91 : memref<1x1x1x8x128xf32, #tpu.memory_space<hbm>> -> memref<8x128xf32, #tpu.memory_space<hbm>>
    %dma_wait3A_93 = arith.constant 16 : i32
    %dma_wait3A_94 = arith.constant 0 : i32
    %dma_wait3A_95 = tpu.memref_slice %arg10[%dma_wait3A_93, %dma_wait3A_94] : memref<64x129xf32, #tpu.memory_space<vmem>> -> memref<8x128xf32, #tpu.memory_space<vmem>>
    tpu.wait_dma2 semaphore(%arg18 : memref<!tpu.dma_semaphore, #tpu.memory_space<semaphore_mem>>) src(%dma_wait3A_95 : memref<8x128xf32, #tpu.memory_space<vmem>>) dst(%dma_wait3A_92 : memref<8x128xf32, #tpu.memory_space<hbm>>)
    %dma_wait3A_96 = arith.constant 196 : i32
    %dma_wait3A_97 = arith.constant 3 : i32
    %dma_wait3A_98 = arith.constant 24 : i32
    %dma_wait3A_99 = arith.constant 0 : i32
    %dma_wait3A_100 = tpu.memref_slice %arg10[%dma_wait3A_98, %dma_wait3A_99] : memref<64x129xf32, #tpu.memory_space<vmem>> -> memref<8x128xf32, #tpu.memory_space<vmem>>
    %dma_wait3A_101 = arith.constant 0 : i32
    %dma_wait3A_102 = arith.constant 0 : i32
    %dma_wait3A_103 = tpu.memref_slice %arg4[%dma_wait3A_96, %dma_wait3A_97, %add3A, %dma_wait3A_101, %dma_wait3A_102] : memref<200x8x32x8x128xf32, #tpu.memory_space<hbm>> -> memref<1x1x1x8x128xf32, #tpu.memory_space<hbm>>
    %dma_wait3A_104 = tpu.memref_squeeze %dma_wait3A_103 : memref<1x1x1x8x128xf32, #tpu.memory_space<hbm>> -> memref<8x128xf32, #tpu.memory_space<hbm>>
    %dma_wait3A_105 = arith.constant 0 : i32
    %dma_wait3A_106 = arith.constant 0 : i32
    %dma_wait3A_107 = tpu.memref_slice %arg4[%dma_wait3A_96, %dma_wait3A_97, %add3A, %dma_wait3A_105, %dma_wait3A_106] : memref<200x8x32x8x128xf32, #tpu.memory_space<hbm>> -> memref<1x1x1x8x128xf32, #tpu.memory_space<hbm>>
    %dma_wait3A_108 = tpu.memref_squeeze %dma_wait3A_107 : memref<1x1x1x8x128xf32, #tpu.memory_space<hbm>> -> memref<8x128xf32, #tpu.memory_space<hbm>>
    %dma_wait3A_109 = arith.constant 24 : i32
    %dma_wait3A_110 = arith.constant 0 : i32
    %dma_wait3A_111 = tpu.memref_slice %arg10[%dma_wait3A_109, %dma_wait3A_110] : memref<64x129xf32, #tpu.memory_space<vmem>> -> memref<8x128xf32, #tpu.memory_space<vmem>>
    tpu.wait_dma2 semaphore(%arg18 : memref<!tpu.dma_semaphore, #tpu.memory_space<semaphore_mem>>) src(%dma_wait3A_111 : memref<8x128xf32, #tpu.memory_space<vmem>>) dst(%dma_wait3A_108 : memref<8x128xf32, #tpu.memory_space<hbm>>)
    %dma_wait3A_112 = arith.constant 196 : i32
    %dma_wait3A_113 = arith.constant 4 : i32
    %dma_wait3A_114 = arith.constant 32 : i32
    %dma_wait3A_115 = arith.constant 0 : i32
    %dma_wait3A_116 = tpu.memref_slice %arg10[%dma_wait3A_114, %dma_wait3A_115] : memref<64x129xf32, #tpu.memory_space<vmem>> -> memref<8x128xf32, #tpu.memory_space<vmem>>
    %dma_wait3A_117 = arith.constant 0 : i32
    %dma_wait3A_118 = arith.constant 0 : i32
    %dma_wait3A_119 = tpu.memref_slice %arg4[%dma_wait3A_112, %dma_wait3A_113, %add3A, %dma_wait3A_117, %dma_wait3A_118] : memref<200x8x32x8x128xf32, #tpu.memory_space<hbm>> -> memref<1x1x1x8x128xf32, #tpu.memory_space<hbm>>
    %dma_wait3A_120 = tpu.memref_squeeze %dma_wait3A_119 : memref<1x1x1x8x128xf32, #tpu.memory_space<hbm>> -> memref<8x128xf32, #tpu.memory_space<hbm>>
    %dma_wait3A_121 = arith.constant 0 : i32
    %dma_wait3A_122 = arith.constant 0 : i32
    %dma_wait3A_123 = tpu.memref_slice %arg4[%dma_wait3A_112, %dma_wait3A_113, %add3A, %dma_wait3A_121, %dma_wait3A_122] : memref<200x8x32x8x128xf32, #tpu.memory_space<hbm>> -> memref<1x1x1x8x128xf32, #tpu.memory_space<hbm>>
    %dma_wait3A_124 = tpu.memref_squeeze %dma_wait3A_123 : memref<1x1x1x8x128xf32, #tpu.memory_space<hbm>> -> memref<8x128xf32, #tpu.memory_space<hbm>>
    %dma_wait3A_125 = arith.constant 32 : i32
    %dma_wait3A_126 = arith.constant 0 : i32
    %dma_wait3A_127 = tpu.memref_slice %arg10[%dma_wait3A_125, %dma_wait3A_126] : memref<64x129xf32, #tpu.memory_space<vmem>> -> memref<8x128xf32, #tpu.memory_space<vmem>>
    tpu.wait_dma2 semaphore(%arg18 : memref<!tpu.dma_semaphore, #tpu.memory_space<semaphore_mem>>) src(%dma_wait3A_127 : memref<8x128xf32, #tpu.memory_space<vmem>>) dst(%dma_wait3A_124 : memref<8x128xf32, #tpu.memory_space<hbm>>)
    %dma_wait3A_128 = arith.constant 196 : i32
    %dma_wait3A_129 = arith.constant 5 : i32
    %dma_wait3A_130 = arith.constant 40 : i32
    %dma_wait3A_131 = arith.constant 0 : i32
    %dma_wait3A_132 = tpu.memref_slice %arg10[%dma_wait3A_130, %dma_wait3A_131] : memref<64x129xf32, #tpu.memory_space<vmem>> -> memref<8x128xf32, #tpu.memory_space<vmem>>
    %dma_wait3A_133 = arith.constant 0 : i32
    %dma_wait3A_134 = arith.constant 0 : i32
    %dma_wait3A_135 = tpu.memref_slice %arg4[%dma_wait3A_128, %dma_wait3A_129, %add3A, %dma_wait3A_133, %dma_wait3A_134] : memref<200x8x32x8x128xf32, #tpu.memory_space<hbm>> -> memref<1x1x1x8x128xf32, #tpu.memory_space<hbm>>
    %dma_wait3A_136 = tpu.memref_squeeze %dma_wait3A_135 : memref<1x1x1x8x128xf32, #tpu.memory_space<hbm>> -> memref<8x128xf32, #tpu.memory_space<hbm>>
    %dma_wait3A_137 = arith.constant 0 : i32
    %dma_wait3A_138 = arith.constant 0 : i32
    %dma_wait3A_139 = tpu.memref_slice %arg4[%dma_wait3A_128, %dma_wait3A_129, %add3A, %dma_wait3A_137, %dma_wait3A_138] : memref<200x8x32x8x128xf32, #tpu.memory_space<hbm>> -> memref<1x1x1x8x128xf32, #tpu.memory_space<hbm>>
    %dma_wait3A_140 = tpu.memref_squeeze %dma_wait3A_139 : memref<1x1x1x8x128xf32, #tpu.memory_space<hbm>> -> memref<8x128xf32, #tpu.memory_space<hbm>>
    %dma_wait3A_141 = arith.constant 40 : i32
    %dma_wait3A_142 = arith.constant 0 : i32
    %dma_wait3A_143 = tpu.memref_slice %arg10[%dma_wait3A_141, %dma_wait3A_142] : memref<64x129xf32, #tpu.memory_space<vmem>> -> memref<8x128xf32, #tpu.memory_space<vmem>>
    tpu.wait_dma2 semaphore(%arg18 : memref<!tpu.dma_semaphore, #tpu.memory_space<semaphore_mem>>) src(%dma_wait3A_143 : memref<8x128xf32, #tpu.memory_space<vmem>>) dst(%dma_wait3A_140 : memref<8x128xf32, #tpu.memory_space<hbm>>)
    %dma_wait3A_144 = arith.constant 196 : i32
    %dma_wait3A_145 = arith.constant 6 : i32
    %dma_wait3A_146 = arith.constant 48 : i32
    %dma_wait3A_147 = arith.constant 0 : i32
    %dma_wait3A_148 = tpu.memref_slice %arg10[%dma_wait3A_146, %dma_wait3A_147] : memref<64x129xf32, #tpu.memory_space<vmem>> -> memref<8x128xf32, #tpu.memory_space<vmem>>
    %dma_wait3A_149 = arith.constant 0 : i32
    %dma_wait3A_150 = arith.constant 0 : i32
    %dma_wait3A_151 = tpu.memref_slice %arg4[%dma_wait3A_144, %dma_wait3A_145, %add3A, %dma_wait3A_149, %dma_wait3A_150] : memref<200x8x32x8x128xf32, #tpu.memory_space<hbm>> -> memref<1x1x1x8x128xf32, #tpu.memory_space<hbm>>
    %dma_wait3A_152 = tpu.memref_squeeze %dma_wait3A_151 : memref<1x1x1x8x128xf32, #tpu.memory_space<hbm>> -> memref<8x128xf32, #tpu.memory_space<hbm>>
    %dma_wait3A_153 = arith.constant 0 : i32
    %dma_wait3A_154 = arith.constant 0 : i32
    %dma_wait3A_155 = tpu.memref_slice %arg4[%dma_wait3A_144, %dma_wait3A_145, %add3A, %dma_wait3A_153, %dma_wait3A_154] : memref<200x8x32x8x128xf32, #tpu.memory_space<hbm>> -> memref<1x1x1x8x128xf32, #tpu.memory_space<hbm>>
    %dma_wait3A_156 = tpu.memref_squeeze %dma_wait3A_155 : memref<1x1x1x8x128xf32, #tpu.memory_space<hbm>> -> memref<8x128xf32, #tpu.memory_space<hbm>>
    %dma_wait3A_157 = arith.constant 48 : i32
    %dma_wait3A_158 = arith.constant 0 : i32
    %dma_wait3A_159 = tpu.memref_slice %arg10[%dma_wait3A_157, %dma_wait3A_158] : memref<64x129xf32, #tpu.memory_space<vmem>> -> memref<8x128xf32, #tpu.memory_space<vmem>>
    tpu.wait_dma2 semaphore(%arg18 : memref<!tpu.dma_semaphore, #tpu.memory_space<semaphore_mem>>) src(%dma_wait3A_159 : memref<8x128xf32, #tpu.memory_space<vmem>>) dst(%dma_wait3A_156 : memref<8x128xf32, #tpu.memory_space<hbm>>)
    %dma_wait3A_160 = arith.constant 196 : i32
    %dma_wait3A_161 = arith.constant 7 : i32
    %dma_wait3A_162 = arith.constant 56 : i32
    %dma_wait3A_163 = arith.constant 0 : i32
    %dma_wait3A_164 = tpu.memref_slice %arg10[%dma_wait3A_162, %dma_wait3A_163] : memref<64x129xf32, #tpu.memory_space<vmem>> -> memref<8x128xf32, #tpu.memory_space<vmem>>
    %dma_wait3A_165 = arith.constant 0 : i32
    %dma_wait3A_166 = arith.constant 0 : i32
    %dma_wait3A_167 = tpu.memref_slice %arg4[%dma_wait3A_160, %dma_wait3A_161, %add3A, %dma_wait3A_165, %dma_wait3A_166] : memref<200x8x32x8x128xf32, #tpu.memory_space<hbm>> -> memref<1x1x1x8x128xf32, #tpu.memory_space<hbm>>
    %dma_wait3A_168 = tpu.memref_squeeze %dma_wait3A_167 : memref<1x1x1x8x128xf32, #tpu.memory_space<hbm>> -> memref<8x128xf32, #tpu.memory_space<hbm>>
    %dma_wait3A_169 = arith.constant 0 : i32
    %dma_wait3A_170 = arith.constant 0 : i32
    %dma_wait3A_171 = tpu.memref_slice %arg4[%dma_wait3A_160, %dma_wait3A_161, %add3A, %dma_wait3A_169, %dma_wait3A_170] : memref<200x8x32x8x128xf32, #tpu.memory_space<hbm>> -> memref<1x1x1x8x128xf32, #tpu.memory_space<hbm>>
    %dma_wait3A_172 = tpu.memref_squeeze %dma_wait3A_171 : memref<1x1x1x8x128xf32, #tpu.memory_space<hbm>> -> memref<8x128xf32, #tpu.memory_space<hbm>>
    %dma_wait3A_173 = arith.constant 56 : i32
    %dma_wait3A_174 = arith.constant 0 : i32
    %dma_wait3A_175 = tpu.memref_slice %arg10[%dma_wait3A_173, %dma_wait3A_174] : memref<64x129xf32, #tpu.memory_space<vmem>> -> memref<8x128xf32, #tpu.memory_space<vmem>>
    tpu.wait_dma2 semaphore(%arg18 : memref<!tpu.dma_semaphore, #tpu.memory_space<semaphore_mem>>) src(%dma_wait3A_175 : memref<8x128xf32, #tpu.memory_space<vmem>>) dst(%dma_wait3A_172 : memref<8x128xf32, #tpu.memory_space<hbm>>)
    %dma_wait3A_176 = arith.constant 197 : i32
    %dma_wait3A_177 = arith.constant 0 : i32
    %dma_wait3A_178 = arith.constant 0 : i32
    %dma_wait3A_179 = arith.constant 0 : i32
    %dma_wait3A_180 = tpu.memref_slice %arg11[%dma_wait3A_178, %dma_wait3A_179] : memref<64x129xf32, #tpu.memory_space<vmem>> -> memref<8x128xf32, #tpu.memory_space<vmem>>
    %dma_wait3A_181 = arith.constant 0 : i32
    %dma_wait3A_182 = arith.constant 0 : i32
    %dma_wait3A_183 = tpu.memref_slice %arg4[%dma_wait3A_176, %dma_wait3A_177, %add3A, %dma_wait3A_181, %dma_wait3A_182] : memref<200x8x32x8x128xf32, #tpu.memory_space<hbm>> -> memref<1x1x1x8x128xf32, #tpu.memory_space<hbm>>
    %dma_wait3A_184 = tpu.memref_squeeze %dma_wait3A_183 : memref<1x1x1x8x128xf32, #tpu.memory_space<hbm>> -> memref<8x128xf32, #tpu.memory_space<hbm>>
    %dma_wait3A_185 = arith.constant 0 : i32
    %dma_wait3A_186 = arith.constant 0 : i32
    %dma_wait3A_187 = tpu.memref_slice %arg4[%dma_wait3A_176, %dma_wait3A_177, %add3A, %dma_wait3A_185, %dma_wait3A_186] : memref<200x8x32x8x128xf32, #tpu.memory_space<hbm>> -> memref<1x1x1x8x128xf32, #tpu.memory_space<hbm>>
    %dma_wait3A_188 = tpu.memref_squeeze %dma_wait3A_187 : memref<1x1x1x8x128xf32, #tpu.memory_space<hbm>> -> memref<8x128xf32, #tpu.memory_space<hbm>>
    %dma_wait3A_189 = arith.constant 0 : i32
    %dma_wait3A_190 = arith.constant 0 : i32
    %dma_wait3A_191 = tpu.memref_slice %arg11[%dma_wait3A_189, %dma_wait3A_190] : memref<64x129xf32, #tpu.memory_space<vmem>> -> memref<8x128xf32, #tpu.memory_space<vmem>>
    tpu.wait_dma2 semaphore(%arg19 : memref<!tpu.dma_semaphore, #tpu.memory_space<semaphore_mem>>) src(%dma_wait3A_191 : memref<8x128xf32, #tpu.memory_space<vmem>>) dst(%dma_wait3A_188 : memref<8x128xf32, #tpu.memory_space<hbm>>)
    %dma_wait3A_192 = arith.constant 197 : i32
    %dma_wait3A_193 = arith.constant 1 : i32
    %dma_wait3A_194 = arith.constant 8 : i32
    %dma_wait3A_195 = arith.constant 0 : i32
    %dma_wait3A_196 = tpu.memref_slice %arg11[%dma_wait3A_194, %dma_wait3A_195] : memref<64x129xf32, #tpu.memory_space<vmem>> -> memref<8x128xf32, #tpu.memory_space<vmem>>
    %dma_wait3A_197 = arith.constant 0 : i32
    %dma_wait3A_198 = arith.constant 0 : i32
    %dma_wait3A_199 = tpu.memref_slice %arg4[%dma_wait3A_192, %dma_wait3A_193, %add3A, %dma_wait3A_197, %dma_wait3A_198] : memref<200x8x32x8x128xf32, #tpu.memory_space<hbm>> -> memref<1x1x1x8x128xf32, #tpu.memory_space<hbm>>
    %dma_wait3A_200 = tpu.memref_squeeze %dma_wait3A_199 : memref<1x1x1x8x128xf32, #tpu.memory_space<hbm>> -> memref<8x128xf32, #tpu.memory_space<hbm>>
    %dma_wait3A_201 = arith.constant 0 : i32
    %dma_wait3A_202 = arith.constant 0 : i32
    %dma_wait3A_203 = tpu.memref_slice %arg4[%dma_wait3A_192, %dma_wait3A_193, %add3A, %dma_wait3A_201, %dma_wait3A_202] : memref<200x8x32x8x128xf32, #tpu.memory_space<hbm>> -> memref<1x1x1x8x128xf32, #tpu.memory_space<hbm>>
    %dma_wait3A_204 = tpu.memref_squeeze %dma_wait3A_203 : memref<1x1x1x8x128xf32, #tpu.memory_space<hbm>> -> memref<8x128xf32, #tpu.memory_space<hbm>>
    %dma_wait3A_205 = arith.constant 8 : i32
    %dma_wait3A_206 = arith.constant 0 : i32
    %dma_wait3A_207 = tpu.memref_slice %arg11[%dma_wait3A_205, %dma_wait3A_206] : memref<64x129xf32, #tpu.memory_space<vmem>> -> memref<8x128xf32, #tpu.memory_space<vmem>>
    tpu.wait_dma2 semaphore(%arg19 : memref<!tpu.dma_semaphore, #tpu.memory_space<semaphore_mem>>) src(%dma_wait3A_207 : memref<8x128xf32, #tpu.memory_space<vmem>>) dst(%dma_wait3A_204 : memref<8x128xf32, #tpu.memory_space<hbm>>)
    %dma_wait3A_208 = arith.constant 197 : i32
    %dma_wait3A_209 = arith.constant 2 : i32
    %dma_wait3A_210 = arith.constant 16 : i32
    %dma_wait3A_211 = arith.constant 0 : i32
    %dma_wait3A_212 = tpu.memref_slice %arg11[%dma_wait3A_210, %dma_wait3A_211] : memref<64x129xf32, #tpu.memory_space<vmem>> -> memref<8x128xf32, #tpu.memory_space<vmem>>
    %dma_wait3A_213 = arith.constant 0 : i32
    %dma_wait3A_214 = arith.constant 0 : i32
    %dma_wait3A_215 = tpu.memref_slice %arg4[%dma_wait3A_208, %dma_wait3A_209, %add3A, %dma_wait3A_213, %dma_wait3A_214] : memref<200x8x32x8x128xf32, #tpu.memory_space<hbm>> -> memref<1x1x1x8x128xf32, #tpu.memory_space<hbm>>
    %dma_wait3A_216 = tpu.memref_squeeze %dma_wait3A_215 : memref<1x1x1x8x128xf32, #tpu.memory_space<hbm>> -> memref<8x128xf32, #tpu.memory_space<hbm>>
    %dma_wait3A_217 = arith.constant 0 : i32
    %dma_wait3A_218 = arith.constant 0 : i32
    %dma_wait3A_219 = tpu.memref_slice %arg4[%dma_wait3A_208, %dma_wait3A_209, %add3A, %dma_wait3A_217, %dma_wait3A_218] : memref<200x8x32x8x128xf32, #tpu.memory_space<hbm>> -> memref<1x1x1x8x128xf32, #tpu.memory_space<hbm>>
    %dma_wait3A_220 = tpu.memref_squeeze %dma_wait3A_219 : memref<1x1x1x8x128xf32, #tpu.memory_space<hbm>> -> memref<8x128xf32, #tpu.memory_space<hbm>>
    %dma_wait3A_221 = arith.constant 16 : i32
    %dma_wait3A_222 = arith.constant 0 : i32
    %dma_wait3A_223 = tpu.memref_slice %arg11[%dma_wait3A_221, %dma_wait3A_222] : memref<64x129xf32, #tpu.memory_space<vmem>> -> memref<8x128xf32, #tpu.memory_space<vmem>>
    tpu.wait_dma2 semaphore(%arg19 : memref<!tpu.dma_semaphore, #tpu.memory_space<semaphore_mem>>) src(%dma_wait3A_223 : memref<8x128xf32, #tpu.memory_space<vmem>>) dst(%dma_wait3A_220 : memref<8x128xf32, #tpu.memory_space<hbm>>)
    %dma_wait3A_224 = arith.constant 197 : i32
    %dma_wait3A_225 = arith.constant 3 : i32
    %dma_wait3A_226 = arith.constant 24 : i32
    %dma_wait3A_227 = arith.constant 0 : i32
    %dma_wait3A_228 = tpu.memref_slice %arg11[%dma_wait3A_226, %dma_wait3A_227] : memref<64x129xf32, #tpu.memory_space<vmem>> -> memref<8x128xf32, #tpu.memory_space<vmem>>
    %dma_wait3A_229 = arith.constant 0 : i32
    %dma_wait3A_230 = arith.constant 0 : i32
    %dma_wait3A_231 = tpu.memref_slice %arg4[%dma_wait3A_224, %dma_wait3A_225, %add3A, %dma_wait3A_229, %dma_wait3A_230] : memref<200x8x32x8x128xf32, #tpu.memory_space<hbm>> -> memref<1x1x1x8x128xf32, #tpu.memory_space<hbm>>
    %dma_wait3A_232 = tpu.memref_squeeze %dma_wait3A_231 : memref<1x1x1x8x128xf32, #tpu.memory_space<hbm>> -> memref<8x128xf32, #tpu.memory_space<hbm>>
    %dma_wait3A_233 = arith.constant 0 : i32
    %dma_wait3A_234 = arith.constant 0 : i32
    %dma_wait3A_235 = tpu.memref_slice %arg4[%dma_wait3A_224, %dma_wait3A_225, %add3A, %dma_wait3A_233, %dma_wait3A_234] : memref<200x8x32x8x128xf32, #tpu.memory_space<hbm>> -> memref<1x1x1x8x128xf32, #tpu.memory_space<hbm>>
    %dma_wait3A_236 = tpu.memref_squeeze %dma_wait3A_235 : memref<1x1x1x8x128xf32, #tpu.memory_space<hbm>> -> memref<8x128xf32, #tpu.memory_space<hbm>>
    %dma_wait3A_237 = arith.constant 24 : i32
    %dma_wait3A_238 = arith.constant 0 : i32
    %dma_wait3A_239 = tpu.memref_slice %arg11[%dma_wait3A_237, %dma_wait3A_238] : memref<64x129xf32, #tpu.memory_space<vmem>> -> memref<8x128xf32, #tpu.memory_space<vmem>>
    tpu.wait_dma2 semaphore(%arg19 : memref<!tpu.dma_semaphore, #tpu.memory_space<semaphore_mem>>) src(%dma_wait3A_239 : memref<8x128xf32, #tpu.memory_space<vmem>>) dst(%dma_wait3A_236 : memref<8x128xf32, #tpu.memory_space<hbm>>)
    %dma_wait3A_240 = arith.constant 197 : i32
    %dma_wait3A_241 = arith.constant 4 : i32
    %dma_wait3A_242 = arith.constant 32 : i32
    %dma_wait3A_243 = arith.constant 0 : i32
    %dma_wait3A_244 = tpu.memref_slice %arg11[%dma_wait3A_242, %dma_wait3A_243] : memref<64x129xf32, #tpu.memory_space<vmem>> -> memref<8x128xf32, #tpu.memory_space<vmem>>
    %dma_wait3A_245 = arith.constant 0 : i32
    %dma_wait3A_246 = arith.constant 0 : i32
    %dma_wait3A_247 = tpu.memref_slice %arg4[%dma_wait3A_240, %dma_wait3A_241, %add3A, %dma_wait3A_245, %dma_wait3A_246] : memref<200x8x32x8x128xf32, #tpu.memory_space<hbm>> -> memref<1x1x1x8x128xf32, #tpu.memory_space<hbm>>
    %dma_wait3A_248 = tpu.memref_squeeze %dma_wait3A_247 : memref<1x1x1x8x128xf32, #tpu.memory_space<hbm>> -> memref<8x128xf32, #tpu.memory_space<hbm>>
    %dma_wait3A_249 = arith.constant 0 : i32
    %dma_wait3A_250 = arith.constant 0 : i32
    %dma_wait3A_251 = tpu.memref_slice %arg4[%dma_wait3A_240, %dma_wait3A_241, %add3A, %dma_wait3A_249, %dma_wait3A_250] : memref<200x8x32x8x128xf32, #tpu.memory_space<hbm>> -> memref<1x1x1x8x128xf32, #tpu.memory_space<hbm>>
    %dma_wait3A_252 = tpu.memref_squeeze %dma_wait3A_251 : memref<1x1x1x8x128xf32, #tpu.memory_space<hbm>> -> memref<8x128xf32, #tpu.memory_space<hbm>>
    %dma_wait3A_253 = arith.constant 32 : i32
    %dma_wait3A_254 = arith.constant 0 : i32
    %dma_wait3A_255 = tpu.memref_slice %arg11[%dma_wait3A_253, %dma_wait3A_254] : memref<64x129xf32, #tpu.memory_space<vmem>> -> memref<8x128xf32, #tpu.memory_space<vmem>>
    tpu.wait_dma2 semaphore(%arg19 : memref<!tpu.dma_semaphore, #tpu.memory_space<semaphore_mem>>) src(%dma_wait3A_255 : memref<8x128xf32, #tpu.memory_space<vmem>>) dst(%dma_wait3A_252 : memref<8x128xf32, #tpu.memory_space<hbm>>)
    %dma_wait3A_256 = arith.constant 197 : i32
    %dma_wait3A_257 = arith.constant 5 : i32
    %dma_wait3A_258 = arith.constant 40 : i32
    %dma_wait3A_259 = arith.constant 0 : i32
    %dma_wait3A_260 = tpu.memref_slice %arg11[%dma_wait3A_258, %dma_wait3A_259] : memref<64x129xf32, #tpu.memory_space<vmem>> -> memref<8x128xf32, #tpu.memory_space<vmem>>
    %dma_wait3A_261 = arith.constant 0 : i32
    %dma_wait3A_262 = arith.constant 0 : i32
    %dma_wait3A_263 = tpu.memref_slice %arg4[%dma_wait3A_256, %dma_wait3A_257, %add3A, %dma_wait3A_261, %dma_wait3A_262] : memref<200x8x32x8x128xf32, #tpu.memory_space<hbm>> -> memref<1x1x1x8x128xf32, #tpu.memory_space<hbm>>
    %dma_wait3A_264 = tpu.memref_squeeze %dma_wait3A_263 : memref<1x1x1x8x128xf32, #tpu.memory_space<hbm>> -> memref<8x128xf32, #tpu.memory_space<hbm>>
    %dma_wait3A_265 = arith.constant 0 : i32
    %dma_wait3A_266 = arith.constant 0 : i32
    %dma_wait3A_267 = tpu.memref_slice %arg4[%dma_wait3A_256, %dma_wait3A_257, %add3A, %dma_wait3A_265, %dma_wait3A_266] : memref<200x8x32x8x128xf32, #tpu.memory_space<hbm>> -> memref<1x1x1x8x128xf32, #tpu.memory_space<hbm>>
    %dma_wait3A_268 = tpu.memref_squeeze %dma_wait3A_267 : memref<1x1x1x8x128xf32, #tpu.memory_space<hbm>> -> memref<8x128xf32, #tpu.memory_space<hbm>>
    %dma_wait3A_269 = arith.constant 40 : i32
    %dma_wait3A_270 = arith.constant 0 : i32
    %dma_wait3A_271 = tpu.memref_slice %arg11[%dma_wait3A_269, %dma_wait3A_270] : memref<64x129xf32, #tpu.memory_space<vmem>> -> memref<8x128xf32, #tpu.memory_space<vmem>>
    tpu.wait_dma2 semaphore(%arg19 : memref<!tpu.dma_semaphore, #tpu.memory_space<semaphore_mem>>) src(%dma_wait3A_271 : memref<8x128xf32, #tpu.memory_space<vmem>>) dst(%dma_wait3A_268 : memref<8x128xf32, #tpu.memory_space<hbm>>)
    %dma_wait3A_272 = arith.constant 197 : i32
    %dma_wait3A_273 = arith.constant 6 : i32
    %dma_wait3A_274 = arith.constant 48 : i32
    %dma_wait3A_275 = arith.constant 0 : i32
    %dma_wait3A_276 = tpu.memref_slice %arg11[%dma_wait3A_274, %dma_wait3A_275] : memref<64x129xf32, #tpu.memory_space<vmem>> -> memref<8x128xf32, #tpu.memory_space<vmem>>
    %dma_wait3A_277 = arith.constant 0 : i32
    %dma_wait3A_278 = arith.constant 0 : i32
    %dma_wait3A_279 = tpu.memref_slice %arg4[%dma_wait3A_272, %dma_wait3A_273, %add3A, %dma_wait3A_277, %dma_wait3A_278] : memref<200x8x32x8x128xf32, #tpu.memory_space<hbm>> -> memref<1x1x1x8x128xf32, #tpu.memory_space<hbm>>
    %dma_wait3A_280 = tpu.memref_squeeze %dma_wait3A_279 : memref<1x1x1x8x128xf32, #tpu.memory_space<hbm>> -> memref<8x128xf32, #tpu.memory_space<hbm>>
    %dma_wait3A_281 = arith.constant 0 : i32
    %dma_wait3A_282 = arith.constant 0 : i32
    %dma_wait3A_283 = tpu.memref_slice %arg4[%dma_wait3A_272, %dma_wait3A_273, %add3A, %dma_wait3A_281, %dma_wait3A_282] : memref<200x8x32x8x128xf32, #tpu.memory_space<hbm>> -> memref<1x1x1x8x128xf32, #tpu.memory_space<hbm>>
    %dma_wait3A_284 = tpu.memref_squeeze %dma_wait3A_283 : memref<1x1x1x8x128xf32, #tpu.memory_space<hbm>> -> memref<8x128xf32, #tpu.memory_space<hbm>>
    %dma_wait3A_285 = arith.constant 48 : i32
    %dma_wait3A_286 = arith.constant 0 : i32
    %dma_wait3A_287 = tpu.memref_slice %arg11[%dma_wait3A_285, %dma_wait3A_286] : memref<64x129xf32, #tpu.memory_space<vmem>> -> memref<8x128xf32, #tpu.memory_space<vmem>>
    tpu.wait_dma2 semaphore(%arg19 : memref<!tpu.dma_semaphore, #tpu.memory_space<semaphore_mem>>) src(%dma_wait3A_287 : memref<8x128xf32, #tpu.memory_space<vmem>>) dst(%dma_wait3A_284 : memref<8x128xf32, #tpu.memory_space<hbm>>)
    %dma_wait3A_288 = arith.constant 197 : i32
    %dma_wait3A_289 = arith.constant 7 : i32
    %dma_wait3A_290 = arith.constant 56 : i32
    %dma_wait3A_291 = arith.constant 0 : i32
    %dma_wait3A_292 = tpu.memref_slice %arg11[%dma_wait3A_290, %dma_wait3A_291] : memref<64x129xf32, #tpu.memory_space<vmem>> -> memref<8x128xf32, #tpu.memory_space<vmem>>
    %dma_wait3A_293 = arith.constant 0 : i32
    %dma_wait3A_294 = arith.constant 0 : i32
    %dma_wait3A_295 = tpu.memref_slice %arg4[%dma_wait3A_288, %dma_wait3A_289, %add3A, %dma_wait3A_293, %dma_wait3A_294] : memref<200x8x32x8x128xf32, #tpu.memory_space<hbm>> -> memref<1x1x1x8x128xf32, #tpu.memory_space<hbm>>
    %dma_wait3A_296 = tpu.memref_squeeze %dma_wait3A_295 : memref<1x1x1x8x128xf32, #tpu.memory_space<hbm>> -> memref<8x128xf32, #tpu.memory_space<hbm>>
    %dma_wait3A_297 = arith.constant 0 : i32
    %dma_wait3A_298 = arith.constant 0 : i32
    %dma_wait3A_299 = tpu.memref_slice %arg4[%dma_wait3A_288, %dma_wait3A_289, %add3A, %dma_wait3A_297, %dma_wait3A_298] : memref<200x8x32x8x128xf32, #tpu.memory_space<hbm>> -> memref<1x1x1x8x128xf32, #tpu.memory_space<hbm>>
    %dma_wait3A_300 = tpu.memref_squeeze %dma_wait3A_299 : memref<1x1x1x8x128xf32, #tpu.memory_space<hbm>> -> memref<8x128xf32, #tpu.memory_space<hbm>>
    %dma_wait3A_301 = arith.constant 56 : i32
    %dma_wait3A_302 = arith.constant 0 : i32
    %dma_wait3A_303 = tpu.memref_slice %arg11[%dma_wait3A_301, %dma_wait3A_302] : memref<64x129xf32, #tpu.memory_space<vmem>> -> memref<8x128xf32, #tpu.memory_space<vmem>>
    tpu.wait_dma2 semaphore(%arg19 : memref<!tpu.dma_semaphore, #tpu.memory_space<semaphore_mem>>) src(%dma_wait3A_303 : memref<8x128xf32, #tpu.memory_space<vmem>>) dst(%dma_wait3A_300 : memref<8x128xf32, #tpu.memory_space<hbm>>)
    %dma_wait3A_304 = arith.constant 198 : i32
    %dma_wait3A_305 = arith.constant 0 : i32
    %dma_wait3A_306 = arith.constant 0 : i32
    %dma_wait3A_307 = arith.constant 0 : i32
    %dma_wait3A_308 = tpu.memref_slice %arg12[%dma_wait3A_306, %dma_wait3A_307] : memref<64x129xf32, #tpu.memory_space<vmem>> -> memref<8x128xf32, #tpu.memory_space<vmem>>
    %dma_wait3A_309 = arith.constant 0 : i32
    %dma_wait3A_310 = arith.constant 0 : i32
    %dma_wait3A_311 = tpu.memref_slice %arg4[%dma_wait3A_304, %dma_wait3A_305, %add3A, %dma_wait3A_309, %dma_wait3A_310] : memref<200x8x32x8x128xf32, #tpu.memory_space<hbm>> -> memref<1x1x1x8x128xf32, #tpu.memory_space<hbm>>
    %dma_wait3A_312 = tpu.memref_squeeze %dma_wait3A_311 : memref<1x1x1x8x128xf32, #tpu.memory_space<hbm>> -> memref<8x128xf32, #tpu.memory_space<hbm>>
    %dma_wait3A_313 = arith.constant 0 : i32
    %dma_wait3A_314 = arith.constant 0 : i32
    %dma_wait3A_315 = tpu.memref_slice %arg4[%dma_wait3A_304, %dma_wait3A_305, %add3A, %dma_wait3A_313, %dma_wait3A_314] : memref<200x8x32x8x128xf32, #tpu.memory_space<hbm>> -> memref<1x1x1x8x128xf32, #tpu.memory_space<hbm>>
    %dma_wait3A_316 = tpu.memref_squeeze %dma_wait3A_315 : memref<1x1x1x8x128xf32, #tpu.memory_space<hbm>> -> memref<8x128xf32, #tpu.memory_space<hbm>>
    %dma_wait3A_317 = arith.constant 0 : i32
    %dma_wait3A_318 = arith.constant 0 : i32
    %dma_wait3A_319 = tpu.memref_slice %arg12[%dma_wait3A_317, %dma_wait3A_318] : memref<64x129xf32, #tpu.memory_space<vmem>> -> memref<8x128xf32, #tpu.memory_space<vmem>>
    tpu.wait_dma2 semaphore(%arg20 : memref<!tpu.dma_semaphore, #tpu.memory_space<semaphore_mem>>) src(%dma_wait3A_319 : memref<8x128xf32, #tpu.memory_space<vmem>>) dst(%dma_wait3A_316 : memref<8x128xf32, #tpu.memory_space<hbm>>)
    %dma_wait3A_320 = arith.constant 198 : i32
    %dma_wait3A_321 = arith.constant 1 : i32
    %dma_wait3A_322 = arith.constant 8 : i32
    %dma_wait3A_323 = arith.constant 0 : i32
    %dma_wait3A_324 = tpu.memref_slice %arg12[%dma_wait3A_322, %dma_wait3A_323] : memref<64x129xf32, #tpu.memory_space<vmem>> -> memref<8x128xf32, #tpu.memory_space<vmem>>
    %dma_wait3A_325 = arith.constant 0 : i32
    %dma_wait3A_326 = arith.constant 0 : i32
    %dma_wait3A_327 = tpu.memref_slice %arg4[%dma_wait3A_320, %dma_wait3A_321, %add3A, %dma_wait3A_325, %dma_wait3A_326] : memref<200x8x32x8x128xf32, #tpu.memory_space<hbm>> -> memref<1x1x1x8x128xf32, #tpu.memory_space<hbm>>
    %dma_wait3A_328 = tpu.memref_squeeze %dma_wait3A_327 : memref<1x1x1x8x128xf32, #tpu.memory_space<hbm>> -> memref<8x128xf32, #tpu.memory_space<hbm>>
    %dma_wait3A_329 = arith.constant 0 : i32
    %dma_wait3A_330 = arith.constant 0 : i32
    %dma_wait3A_331 = tpu.memref_slice %arg4[%dma_wait3A_320, %dma_wait3A_321, %add3A, %dma_wait3A_329, %dma_wait3A_330] : memref<200x8x32x8x128xf32, #tpu.memory_space<hbm>> -> memref<1x1x1x8x128xf32, #tpu.memory_space<hbm>>
    %dma_wait3A_332 = tpu.memref_squeeze %dma_wait3A_331 : memref<1x1x1x8x128xf32, #tpu.memory_space<hbm>> -> memref<8x128xf32, #tpu.memory_space<hbm>>
    %dma_wait3A_333 = arith.constant 8 : i32
    %dma_wait3A_334 = arith.constant 0 : i32
    %dma_wait3A_335 = tpu.memref_slice %arg12[%dma_wait3A_333, %dma_wait3A_334] : memref<64x129xf32, #tpu.memory_space<vmem>> -> memref<8x128xf32, #tpu.memory_space<vmem>>
    tpu.wait_dma2 semaphore(%arg20 : memref<!tpu.dma_semaphore, #tpu.memory_space<semaphore_mem>>) src(%dma_wait3A_335 : memref<8x128xf32, #tpu.memory_space<vmem>>) dst(%dma_wait3A_332 : memref<8x128xf32, #tpu.memory_space<hbm>>)
    %dma_wait3A_336 = arith.constant 198 : i32
    %dma_wait3A_337 = arith.constant 2 : i32
    %dma_wait3A_338 = arith.constant 16 : i32
    %dma_wait3A_339 = arith.constant 0 : i32
    %dma_wait3A_340 = tpu.memref_slice %arg12[%dma_wait3A_338, %dma_wait3A_339] : memref<64x129xf32, #tpu.memory_space<vmem>> -> memref<8x128xf32, #tpu.memory_space<vmem>>
    %dma_wait3A_341 = arith.constant 0 : i32
    %dma_wait3A_342 = arith.constant 0 : i32
    %dma_wait3A_343 = tpu.memref_slice %arg4[%dma_wait3A_336, %dma_wait3A_337, %add3A, %dma_wait3A_341, %dma_wait3A_342] : memref<200x8x32x8x128xf32, #tpu.memory_space<hbm>> -> memref<1x1x1x8x128xf32, #tpu.memory_space<hbm>>
    %dma_wait3A_344 = tpu.memref_squeeze %dma_wait3A_343 : memref<1x1x1x8x128xf32, #tpu.memory_space<hbm>> -> memref<8x128xf32, #tpu.memory_space<hbm>>
    %dma_wait3A_345 = arith.constant 0 : i32
    %dma_wait3A_346 = arith.constant 0 : i32
    %dma_wait3A_347 = tpu.memref_slice %arg4[%dma_wait3A_336, %dma_wait3A_337, %add3A, %dma_wait3A_345, %dma_wait3A_346] : memref<200x8x32x8x128xf32, #tpu.memory_space<hbm>> -> memref<1x1x1x8x128xf32, #tpu.memory_space<hbm>>
    %dma_wait3A_348 = tpu.memref_squeeze %dma_wait3A_347 : memref<1x1x1x8x128xf32, #tpu.memory_space<hbm>> -> memref<8x128xf32, #tpu.memory_space<hbm>>
    %dma_wait3A_349 = arith.constant 16 : i32
    %dma_wait3A_350 = arith.constant 0 : i32
    %dma_wait3A_351 = tpu.memref_slice %arg12[%dma_wait3A_349, %dma_wait3A_350] : memref<64x129xf32, #tpu.memory_space<vmem>> -> memref<8x128xf32, #tpu.memory_space<vmem>>
    tpu.wait_dma2 semaphore(%arg20 : memref<!tpu.dma_semaphore, #tpu.memory_space<semaphore_mem>>) src(%dma_wait3A_351 : memref<8x128xf32, #tpu.memory_space<vmem>>) dst(%dma_wait3A_348 : memref<8x128xf32, #tpu.memory_space<hbm>>)
    %dma_wait3A_352 = arith.constant 198 : i32
    %dma_wait3A_353 = arith.constant 3 : i32
    %dma_wait3A_354 = arith.constant 24 : i32
    %dma_wait3A_355 = arith.constant 0 : i32
    %dma_wait3A_356 = tpu.memref_slice %arg12[%dma_wait3A_354, %dma_wait3A_355] : memref<64x129xf32, #tpu.memory_space<vmem>> -> memref<8x128xf32, #tpu.memory_space<vmem>>
    %dma_wait3A_357 = arith.constant 0 : i32
    %dma_wait3A_358 = arith.constant 0 : i32
    %dma_wait3A_359 = tpu.memref_slice %arg4[%dma_wait3A_352, %dma_wait3A_353, %add3A, %dma_wait3A_357, %dma_wait3A_358] : memref<200x8x32x8x128xf32, #tpu.memory_space<hbm>> -> memref<1x1x1x8x128xf32, #tpu.memory_space<hbm>>
    %dma_wait3A_360 = tpu.memref_squeeze %dma_wait3A_359 : memref<1x1x1x8x128xf32, #tpu.memory_space<hbm>> -> memref<8x128xf32, #tpu.memory_space<hbm>>
    %dma_wait3A_361 = arith.constant 0 : i32
    %dma_wait3A_362 = arith.constant 0 : i32
    %dma_wait3A_363 = tpu.memref_slice %arg4[%dma_wait3A_352, %dma_wait3A_353, %add3A, %dma_wait3A_361, %dma_wait3A_362] : memref<200x8x32x8x128xf32, #tpu.memory_space<hbm>> -> memref<1x1x1x8x128xf32, #tpu.memory_space<hbm>>
    %dma_wait3A_364 = tpu.memref_squeeze %dma_wait3A_363 : memref<1x1x1x8x128xf32, #tpu.memory_space<hbm>> -> memref<8x128xf32, #tpu.memory_space<hbm>>
    %dma_wait3A_365 = arith.constant 24 : i32
    %dma_wait3A_366 = arith.constant 0 : i32
    %dma_wait3A_367 = tpu.memref_slice %arg12[%dma_wait3A_365, %dma_wait3A_366] : memref<64x129xf32, #tpu.memory_space<vmem>> -> memref<8x128xf32, #tpu.memory_space<vmem>>
    tpu.wait_dma2 semaphore(%arg20 : memref<!tpu.dma_semaphore, #tpu.memory_space<semaphore_mem>>) src(%dma_wait3A_367 : memref<8x128xf32, #tpu.memory_space<vmem>>) dst(%dma_wait3A_364 : memref<8x128xf32, #tpu.memory_space<hbm>>)
    %dma_wait3A_368 = arith.constant 198 : i32
    %dma_wait3A_369 = arith.constant 4 : i32
    %dma_wait3A_370 = arith.constant 32 : i32
    %dma_wait3A_371 = arith.constant 0 : i32
    %dma_wait3A_372 = tpu.memref_slice %arg12[%dma_wait3A_370, %dma_wait3A_371] : memref<64x129xf32, #tpu.memory_space<vmem>> -> memref<8x128xf32, #tpu.memory_space<vmem>>
    %dma_wait3A_373 = arith.constant 0 : i32
    %dma_wait3A_374 = arith.constant 0 : i32
    %dma_wait3A_375 = tpu.memref_slice %arg4[%dma_wait3A_368, %dma_wait3A_369, %add3A, %dma_wait3A_373, %dma_wait3A_374] : memref<200x8x32x8x128xf32, #tpu.memory_space<hbm>> -> memref<1x1x1x8x128xf32, #tpu.memory_space<hbm>>
    %dma_wait3A_376 = tpu.memref_squeeze %dma_wait3A_375 : memref<1x1x1x8x128xf32, #tpu.memory_space<hbm>> -> memref<8x128xf32, #tpu.memory_space<hbm>>
    %dma_wait3A_377 = arith.constant 0 : i32
    %dma_wait3A_378 = arith.constant 0 : i32
    %dma_wait3A_379 = tpu.memref_slice %arg4[%dma_wait3A_368, %dma_wait3A_369, %add3A, %dma_wait3A_377, %dma_wait3A_378] : memref<200x8x32x8x128xf32, #tpu.memory_space<hbm>> -> memref<1x1x1x8x128xf32, #tpu.memory_space<hbm>>
    %dma_wait3A_380 = tpu.memref_squeeze %dma_wait3A_379 : memref<1x1x1x8x128xf32, #tpu.memory_space<hbm>> -> memref<8x128xf32, #tpu.memory_space<hbm>>
    %dma_wait3A_381 = arith.constant 32 : i32
    %dma_wait3A_382 = arith.constant 0 : i32
    %dma_wait3A_383 = tpu.memref_slice %arg12[%dma_wait3A_381, %dma_wait3A_382] : memref<64x129xf32, #tpu.memory_space<vmem>> -> memref<8x128xf32, #tpu.memory_space<vmem>>
    tpu.wait_dma2 semaphore(%arg20 : memref<!tpu.dma_semaphore, #tpu.memory_space<semaphore_mem>>) src(%dma_wait3A_383 : memref<8x128xf32, #tpu.memory_space<vmem>>) dst(%dma_wait3A_380 : memref<8x128xf32, #tpu.memory_space<hbm>>)
    %dma_wait3A_384 = arith.constant 198 : i32
    %dma_wait3A_385 = arith.constant 5 : i32
    %dma_wait3A_386 = arith.constant 40 : i32
    %dma_wait3A_387 = arith.constant 0 : i32
    %dma_wait3A_388 = tpu.memref_slice %arg12[%dma_wait3A_386, %dma_wait3A_387] : memref<64x129xf32, #tpu.memory_space<vmem>> -> memref<8x128xf32, #tpu.memory_space<vmem>>
    %dma_wait3A_389 = arith.constant 0 : i32
    %dma_wait3A_390 = arith.constant 0 : i32
    %dma_wait3A_391 = tpu.memref_slice %arg4[%dma_wait3A_384, %dma_wait3A_385, %add3A, %dma_wait3A_389, %dma_wait3A_390] : memref<200x8x32x8x128xf32, #tpu.memory_space<hbm>> -> memref<1x1x1x8x128xf32, #tpu.memory_space<hbm>>
    %dma_wait3A_392 = tpu.memref_squeeze %dma_wait3A_391 : memref<1x1x1x8x128xf32, #tpu.memory_space<hbm>> -> memref<8x128xf32, #tpu.memory_space<hbm>>
    %dma_wait3A_393 = arith.constant 0 : i32
    %dma_wait3A_394 = arith.constant 0 : i32
    %dma_wait3A_395 = tpu.memref_slice %arg4[%dma_wait3A_384, %dma_wait3A_385, %add3A, %dma_wait3A_393, %dma_wait3A_394] : memref<200x8x32x8x128xf32, #tpu.memory_space<hbm>> -> memref<1x1x1x8x128xf32, #tpu.memory_space<hbm>>
    %dma_wait3A_396 = tpu.memref_squeeze %dma_wait3A_395 : memref<1x1x1x8x128xf32, #tpu.memory_space<hbm>> -> memref<8x128xf32, #tpu.memory_space<hbm>>
    %dma_wait3A_397 = arith.constant 40 : i32
    %dma_wait3A_398 = arith.constant 0 : i32
    %dma_wait3A_399 = tpu.memref_slice %arg12[%dma_wait3A_397, %dma_wait3A_398] : memref<64x129xf32, #tpu.memory_space<vmem>> -> memref<8x128xf32, #tpu.memory_space<vmem>>
    tpu.wait_dma2 semaphore(%arg20 : memref<!tpu.dma_semaphore, #tpu.memory_space<semaphore_mem>>) src(%dma_wait3A_399 : memref<8x128xf32, #tpu.memory_space<vmem>>) dst(%dma_wait3A_396 : memref<8x128xf32, #tpu.memory_space<hbm>>)
    %dma_wait3A_400 = arith.constant 198 : i32
    %dma_wait3A_401 = arith.constant 6 : i32
    %dma_wait3A_402 = arith.constant 48 : i32
    %dma_wait3A_403 = arith.constant 0 : i32
    %dma_wait3A_404 = tpu.memref_slice %arg12[%dma_wait3A_402, %dma_wait3A_403] : memref<64x129xf32, #tpu.memory_space<vmem>> -> memref<8x128xf32, #tpu.memory_space<vmem>>
    %dma_wait3A_405 = arith.constant 0 : i32
    %dma_wait3A_406 = arith.constant 0 : i32
    %dma_wait3A_407 = tpu.memref_slice %arg4[%dma_wait3A_400, %dma_wait3A_401, %add3A, %dma_wait3A_405, %dma_wait3A_406] : memref<200x8x32x8x128xf32, #tpu.memory_space<hbm>> -> memref<1x1x1x8x128xf32, #tpu.memory_space<hbm>>
    %dma_wait3A_408 = tpu.memref_squeeze %dma_wait3A_407 : memref<1x1x1x8x128xf32, #tpu.memory_space<hbm>> -> memref<8x128xf32, #tpu.memory_space<hbm>>
    %dma_wait3A_409 = arith.constant 0 : i32
    %dma_wait3A_410 = arith.constant 0 : i32
    %dma_wait3A_411 = tpu.memref_slice %arg4[%dma_wait3A_400, %dma_wait3A_401, %add3A, %dma_wait3A_409, %dma_wait3A_410] : memref<200x8x32x8x128xf32, #tpu.memory_space<hbm>> -> memref<1x1x1x8x128xf32, #tpu.memory_space<hbm>>
    %dma_wait3A_412 = tpu.memref_squeeze %dma_wait3A_411 : memref<1x1x1x8x128xf32, #tpu.memory_space<hbm>> -> memref<8x128xf32, #tpu.memory_space<hbm>>
    %dma_wait3A_413 = arith.constant 48 : i32
    %dma_wait3A_414 = arith.constant 0 : i32
    %dma_wait3A_415 = tpu.memref_slice %arg12[%dma_wait3A_413, %dma_wait3A_414] : memref<64x129xf32, #tpu.memory_space<vmem>> -> memref<8x128xf32, #tpu.memory_space<vmem>>
    tpu.wait_dma2 semaphore(%arg20 : memref<!tpu.dma_semaphore, #tpu.memory_space<semaphore_mem>>) src(%dma_wait3A_415 : memref<8x128xf32, #tpu.memory_space<vmem>>) dst(%dma_wait3A_412 : memref<8x128xf32, #tpu.memory_space<hbm>>)
    %dma_wait3A_416 = arith.constant 198 : i32
    %dma_wait3A_417 = arith.constant 7 : i32
    %dma_wait3A_418 = arith.constant 56 : i32
    %dma_wait3A_419 = arith.constant 0 : i32
    %dma_wait3A_420 = tpu.memref_slice %arg12[%dma_wait3A_418, %dma_wait3A_419] : memref<64x129xf32, #tpu.memory_space<vmem>> -> memref<8x128xf32, #tpu.memory_space<vmem>>
    %dma_wait3A_421 = arith.constant 0 : i32
    %dma_wait3A_422 = arith.constant 0 : i32
    %dma_wait3A_423 = tpu.memref_slice %arg4[%dma_wait3A_416, %dma_wait3A_417, %add3A, %dma_wait3A_421, %dma_wait3A_422] : memref<200x8x32x8x128xf32, #tpu.memory_space<hbm>> -> memref<1x1x1x8x128xf32, #tpu.memory_space<hbm>>
    %dma_wait3A_424 = tpu.memref_squeeze %dma_wait3A_423 : memref<1x1x1x8x128xf32, #tpu.memory_space<hbm>> -> memref<8x128xf32, #tpu.memory_space<hbm>>
    %dma_wait3A_425 = arith.constant 0 : i32
    %dma_wait3A_426 = arith.constant 0 : i32
    %dma_wait3A_427 = tpu.memref_slice %arg4[%dma_wait3A_416, %dma_wait3A_417, %add3A, %dma_wait3A_425, %dma_wait3A_426] : memref<200x8x32x8x128xf32, #tpu.memory_space<hbm>> -> memref<1x1x1x8x128xf32, #tpu.memory_space<hbm>>
    %dma_wait3A_428 = tpu.memref_squeeze %dma_wait3A_427 : memref<1x1x1x8x128xf32, #tpu.memory_space<hbm>> -> memref<8x128xf32, #tpu.memory_space<hbm>>
    %dma_wait3A_429 = arith.constant 56 : i32
    %dma_wait3A_430 = arith.constant 0 : i32
    %dma_wait3A_431 = tpu.memref_slice %arg12[%dma_wait3A_429, %dma_wait3A_430] : memref<64x129xf32, #tpu.memory_space<vmem>> -> memref<8x128xf32, #tpu.memory_space<vmem>>
    tpu.wait_dma2 semaphore(%arg20 : memref<!tpu.dma_semaphore, #tpu.memory_space<semaphore_mem>>) src(%dma_wait3A_431 : memref<8x128xf32, #tpu.memory_space<vmem>>) dst(%dma_wait3A_428 : memref<8x128xf32, #tpu.memory_space<hbm>>)
    %dma_wait3A_432 = arith.constant 199 : i32
    %dma_wait3A_433 = arith.constant 0 : i32
    %dma_wait3A_434 = arith.constant 0 : i32
    %dma_wait3A_435 = arith.constant 0 : i32
    %dma_wait3A_436 = tpu.memref_slice %arg13[%dma_wait3A_434, %dma_wait3A_435] : memref<64x129xf32, #tpu.memory_space<vmem>> -> memref<8x128xf32, #tpu.memory_space<vmem>>
    %dma_wait3A_437 = arith.constant 0 : i32
    %dma_wait3A_438 = arith.constant 0 : i32
    %dma_wait3A_439 = tpu.memref_slice %arg4[%dma_wait3A_432, %dma_wait3A_433, %add3A, %dma_wait3A_437, %dma_wait3A_438] : memref<200x8x32x8x128xf32, #tpu.memory_space<hbm>> -> memref<1x1x1x8x128xf32, #tpu.memory_space<hbm>>
    %dma_wait3A_440 = tpu.memref_squeeze %dma_wait3A_439 : memref<1x1x1x8x128xf32, #tpu.memory_space<hbm>> -> memref<8x128xf32, #tpu.memory_space<hbm>>
    %dma_wait3A_441 = arith.constant 0 : i32
    %dma_wait3A_442 = arith.constant 0 : i32
    %dma_wait3A_443 = tpu.memref_slice %arg4[%dma_wait3A_432, %dma_wait3A_433, %add3A, %dma_wait3A_441, %dma_wait3A_442] : memref<200x8x32x8x128xf32, #tpu.memory_space<hbm>> -> memref<1x1x1x8x128xf32, #tpu.memory_space<hbm>>
    %dma_wait3A_444 = tpu.memref_squeeze %dma_wait3A_443 : memref<1x1x1x8x128xf32, #tpu.memory_space<hbm>> -> memref<8x128xf32, #tpu.memory_space<hbm>>
    %dma_wait3A_445 = arith.constant 0 : i32
    %dma_wait3A_446 = arith.constant 0 : i32
    %dma_wait3A_447 = tpu.memref_slice %arg13[%dma_wait3A_445, %dma_wait3A_446] : memref<64x129xf32, #tpu.memory_space<vmem>> -> memref<8x128xf32, #tpu.memory_space<vmem>>
    tpu.wait_dma2 semaphore(%arg21 : memref<!tpu.dma_semaphore, #tpu.memory_space<semaphore_mem>>) src(%dma_wait3A_447 : memref<8x128xf32, #tpu.memory_space<vmem>>) dst(%dma_wait3A_444 : memref<8x128xf32, #tpu.memory_space<hbm>>)
    %dma_wait3A_448 = arith.constant 199 : i32
    %dma_wait3A_449 = arith.constant 1 : i32
    %dma_wait3A_450 = arith.constant 8 : i32
    %dma_wait3A_451 = arith.constant 0 : i32
    %dma_wait3A_452 = tpu.memref_slice %arg13[%dma_wait3A_450, %dma_wait3A_451] : memref<64x129xf32, #tpu.memory_space<vmem>> -> memref<8x128xf32, #tpu.memory_space<vmem>>
    %dma_wait3A_453 = arith.constant 0 : i32
    %dma_wait3A_454 = arith.constant 0 : i32
    %dma_wait3A_455 = tpu.memref_slice %arg4[%dma_wait3A_448, %dma_wait3A_449, %add3A, %dma_wait3A_453, %dma_wait3A_454] : memref<200x8x32x8x128xf32, #tpu.memory_space<hbm>> -> memref<1x1x1x8x128xf32, #tpu.memory_space<hbm>>
    %dma_wait3A_456 = tpu.memref_squeeze %dma_wait3A_455 : memref<1x1x1x8x128xf32, #tpu.memory_space<hbm>> -> memref<8x128xf32, #tpu.memory_space<hbm>>
    %dma_wait3A_457 = arith.constant 0 : i32
    %dma_wait3A_458 = arith.constant 0 : i32
    %dma_wait3A_459 = tpu.memref_slice %arg4[%dma_wait3A_448, %dma_wait3A_449, %add3A, %dma_wait3A_457, %dma_wait3A_458] : memref<200x8x32x8x128xf32, #tpu.memory_space<hbm>> -> memref<1x1x1x8x128xf32, #tpu.memory_space<hbm>>
    %dma_wait3A_460 = tpu.memref_squeeze %dma_wait3A_459 : memref<1x1x1x8x128xf32, #tpu.memory_space<hbm>> -> memref<8x128xf32, #tpu.memory_space<hbm>>
    %dma_wait3A_461 = arith.constant 8 : i32
    %dma_wait3A_462 = arith.constant 0 : i32
    %dma_wait3A_463 = tpu.memref_slice %arg13[%dma_wait3A_461, %dma_wait3A_462] : memref<64x129xf32, #tpu.memory_space<vmem>> -> memref<8x128xf32, #tpu.memory_space<vmem>>
    tpu.wait_dma2 semaphore(%arg21 : memref<!tpu.dma_semaphore, #tpu.memory_space<semaphore_mem>>) src(%dma_wait3A_463 : memref<8x128xf32, #tpu.memory_space<vmem>>) dst(%dma_wait3A_460 : memref<8x128xf32, #tpu.memory_space<hbm>>)
    %dma_wait3A_464 = arith.constant 199 : i32
    %dma_wait3A_465 = arith.constant 2 : i32
    %dma_wait3A_466 = arith.constant 16 : i32
    %dma_wait3A_467 = arith.constant 0 : i32
    %dma_wait3A_468 = tpu.memref_slice %arg13[%dma_wait3A_466, %dma_wait3A_467] : memref<64x129xf32, #tpu.memory_space<vmem>> -> memref<8x128xf32, #tpu.memory_space<vmem>>
    %dma_wait3A_469 = arith.constant 0 : i32
    %dma_wait3A_470 = arith.constant 0 : i32
    %dma_wait3A_471 = tpu.memref_slice %arg4[%dma_wait3A_464, %dma_wait3A_465, %add3A, %dma_wait3A_469, %dma_wait3A_470] : memref<200x8x32x8x128xf32, #tpu.memory_space<hbm>> -> memref<1x1x1x8x128xf32, #tpu.memory_space<hbm>>
    %dma_wait3A_472 = tpu.memref_squeeze %dma_wait3A_471 : memref<1x1x1x8x128xf32, #tpu.memory_space<hbm>> -> memref<8x128xf32, #tpu.memory_space<hbm>>
    %dma_wait3A_473 = arith.constant 0 : i32
    %dma_wait3A_474 = arith.constant 0 : i32
    %dma_wait3A_475 = tpu.memref_slice %arg4[%dma_wait3A_464, %dma_wait3A_465, %add3A, %dma_wait3A_473, %dma_wait3A_474] : memref<200x8x32x8x128xf32, #tpu.memory_space<hbm>> -> memref<1x1x1x8x128xf32, #tpu.memory_space<hbm>>
    %dma_wait3A_476 = tpu.memref_squeeze %dma_wait3A_475 : memref<1x1x1x8x128xf32, #tpu.memory_space<hbm>> -> memref<8x128xf32, #tpu.memory_space<hbm>>
    %dma_wait3A_477 = arith.constant 16 : i32
    %dma_wait3A_478 = arith.constant 0 : i32
    %dma_wait3A_479 = tpu.memref_slice %arg13[%dma_wait3A_477, %dma_wait3A_478] : memref<64x129xf32, #tpu.memory_space<vmem>> -> memref<8x128xf32, #tpu.memory_space<vmem>>
    tpu.wait_dma2 semaphore(%arg21 : memref<!tpu.dma_semaphore, #tpu.memory_space<semaphore_mem>>) src(%dma_wait3A_479 : memref<8x128xf32, #tpu.memory_space<vmem>>) dst(%dma_wait3A_476 : memref<8x128xf32, #tpu.memory_space<hbm>>)
    %dma_wait3A_480 = arith.constant 199 : i32
    %dma_wait3A_481 = arith.constant 3 : i32
    %dma_wait3A_482 = arith.constant 24 : i32
    %dma_wait3A_483 = arith.constant 0 : i32
    %dma_wait3A_484 = tpu.memref_slice %arg13[%dma_wait3A_482, %dma_wait3A_483] : memref<64x129xf32, #tpu.memory_space<vmem>> -> memref<8x128xf32, #tpu.memory_space<vmem>>
    %dma_wait3A_485 = arith.constant 0 : i32
    %dma_wait3A_486 = arith.constant 0 : i32
    %dma_wait3A_487 = tpu.memref_slice %arg4[%dma_wait3A_480, %dma_wait3A_481, %add3A, %dma_wait3A_485, %dma_wait3A_486] : memref<200x8x32x8x128xf32, #tpu.memory_space<hbm>> -> memref<1x1x1x8x128xf32, #tpu.memory_space<hbm>>
    %dma_wait3A_488 = tpu.memref_squeeze %dma_wait3A_487 : memref<1x1x1x8x128xf32, #tpu.memory_space<hbm>> -> memref<8x128xf32, #tpu.memory_space<hbm>>
    %dma_wait3A_489 = arith.constant 0 : i32
    %dma_wait3A_490 = arith.constant 0 : i32
    %dma_wait3A_491 = tpu.memref_slice %arg4[%dma_wait3A_480, %dma_wait3A_481, %add3A, %dma_wait3A_489, %dma_wait3A_490] : memref<200x8x32x8x128xf32, #tpu.memory_space<hbm>> -> memref<1x1x1x8x128xf32, #tpu.memory_space<hbm>>
    %dma_wait3A_492 = tpu.memref_squeeze %dma_wait3A_491 : memref<1x1x1x8x128xf32, #tpu.memory_space<hbm>> -> memref<8x128xf32, #tpu.memory_space<hbm>>
    %dma_wait3A_493 = arith.constant 24 : i32
    %dma_wait3A_494 = arith.constant 0 : i32
    %dma_wait3A_495 = tpu.memref_slice %arg13[%dma_wait3A_493, %dma_wait3A_494] : memref<64x129xf32, #tpu.memory_space<vmem>> -> memref<8x128xf32, #tpu.memory_space<vmem>>
    tpu.wait_dma2 semaphore(%arg21 : memref<!tpu.dma_semaphore, #tpu.memory_space<semaphore_mem>>) src(%dma_wait3A_495 : memref<8x128xf32, #tpu.memory_space<vmem>>) dst(%dma_wait3A_492 : memref<8x128xf32, #tpu.memory_space<hbm>>)
    %dma_wait3A_496 = arith.constant 199 : i32
    %dma_wait3A_497 = arith.constant 4 : i32
    %dma_wait3A_498 = arith.constant 32 : i32
    %dma_wait3A_499 = arith.constant 0 : i32
    %dma_wait3A_500 = tpu.memref_slice %arg13[%dma_wait3A_498, %dma_wait3A_499] : memref<64x129xf32, #tpu.memory_space<vmem>> -> memref<8x128xf32, #tpu.memory_space<vmem>>
    %dma_wait3A_501 = arith.constant 0 : i32
    %dma_wait3A_502 = arith.constant 0 : i32
    %dma_wait3A_503 = tpu.memref_slice %arg4[%dma_wait3A_496, %dma_wait3A_497, %add3A, %dma_wait3A_501, %dma_wait3A_502] : memref<200x8x32x8x128xf32, #tpu.memory_space<hbm>> -> memref<1x1x1x8x128xf32, #tpu.memory_space<hbm>>
    %dma_wait3A_504 = tpu.memref_squeeze %dma_wait3A_503 : memref<1x1x1x8x128xf32, #tpu.memory_space<hbm>> -> memref<8x128xf32, #tpu.memory_space<hbm>>
    %dma_wait3A_505 = arith.constant 0 : i32
    %dma_wait3A_506 = arith.constant 0 : i32
    %dma_wait3A_507 = tpu.memref_slice %arg4[%dma_wait3A_496, %dma_wait3A_497, %add3A, %dma_wait3A_505, %dma_wait3A_506] : memref<200x8x32x8x128xf32, #tpu.memory_space<hbm>> -> memref<1x1x1x8x128xf32, #tpu.memory_space<hbm>>
    %dma_wait3A_508 = tpu.memref_squeeze %dma_wait3A_507 : memref<1x1x1x8x128xf32, #tpu.memory_space<hbm>> -> memref<8x128xf32, #tpu.memory_space<hbm>>
    %dma_wait3A_509 = arith.constant 32 : i32
    %dma_wait3A_510 = arith.constant 0 : i32
    %dma_wait3A_511 = tpu.memref_slice %arg13[%dma_wait3A_509, %dma_wait3A_510] : memref<64x129xf32, #tpu.memory_space<vmem>> -> memref<8x128xf32, #tpu.memory_space<vmem>>
    tpu.wait_dma2 semaphore(%arg21 : memref<!tpu.dma_semaphore, #tpu.memory_space<semaphore_mem>>) src(%dma_wait3A_511 : memref<8x128xf32, #tpu.memory_space<vmem>>) dst(%dma_wait3A_508 : memref<8x128xf32, #tpu.memory_space<hbm>>)
    %dma_wait3A_512 = arith.constant 199 : i32
    %dma_wait3A_513 = arith.constant 5 : i32
    %dma_wait3A_514 = arith.constant 40 : i32
    %dma_wait3A_515 = arith.constant 0 : i32
    %dma_wait3A_516 = tpu.memref_slice %arg13[%dma_wait3A_514, %dma_wait3A_515] : memref<64x129xf32, #tpu.memory_space<vmem>> -> memref<8x128xf32, #tpu.memory_space<vmem>>
    %dma_wait3A_517 = arith.constant 0 : i32
    %dma_wait3A_518 = arith.constant 0 : i32
    %dma_wait3A_519 = tpu.memref_slice %arg4[%dma_wait3A_512, %dma_wait3A_513, %add3A, %dma_wait3A_517, %dma_wait3A_518] : memref<200x8x32x8x128xf32, #tpu.memory_space<hbm>> -> memref<1x1x1x8x128xf32, #tpu.memory_space<hbm>>
    %dma_wait3A_520 = tpu.memref_squeeze %dma_wait3A_519 : memref<1x1x1x8x128xf32, #tpu.memory_space<hbm>> -> memref<8x128xf32, #tpu.memory_space<hbm>>
    %dma_wait3A_521 = arith.constant 0 : i32
    %dma_wait3A_522 = arith.constant 0 : i32
    %dma_wait3A_523 = tpu.memref_slice %arg4[%dma_wait3A_512, %dma_wait3A_513, %add3A, %dma_wait3A_521, %dma_wait3A_522] : memref<200x8x32x8x128xf32, #tpu.memory_space<hbm>> -> memref<1x1x1x8x128xf32, #tpu.memory_space<hbm>>
    %dma_wait3A_524 = tpu.memref_squeeze %dma_wait3A_523 : memref<1x1x1x8x128xf32, #tpu.memory_space<hbm>> -> memref<8x128xf32, #tpu.memory_space<hbm>>
    %dma_wait3A_525 = arith.constant 40 : i32
    %dma_wait3A_526 = arith.constant 0 : i32
    %dma_wait3A_527 = tpu.memref_slice %arg13[%dma_wait3A_525, %dma_wait3A_526] : memref<64x129xf32, #tpu.memory_space<vmem>> -> memref<8x128xf32, #tpu.memory_space<vmem>>
    tpu.wait_dma2 semaphore(%arg21 : memref<!tpu.dma_semaphore, #tpu.memory_space<semaphore_mem>>) src(%dma_wait3A_527 : memref<8x128xf32, #tpu.memory_space<vmem>>) dst(%dma_wait3A_524 : memref<8x128xf32, #tpu.memory_space<hbm>>)
    %dma_wait3A_528 = arith.constant 199 : i32
    %dma_wait3A_529 = arith.constant 6 : i32
    %dma_wait3A_530 = arith.constant 48 : i32
    %dma_wait3A_531 = arith.constant 0 : i32
    %dma_wait3A_532 = tpu.memref_slice %arg13[%dma_wait3A_530, %dma_wait3A_531] : memref<64x129xf32, #tpu.memory_space<vmem>> -> memref<8x128xf32, #tpu.memory_space<vmem>>
    %dma_wait3A_533 = arith.constant 0 : i32
    %dma_wait3A_534 = arith.constant 0 : i32
    %dma_wait3A_535 = tpu.memref_slice %arg4[%dma_wait3A_528, %dma_wait3A_529, %add3A, %dma_wait3A_533, %dma_wait3A_534] : memref<200x8x32x8x128xf32, #tpu.memory_space<hbm>> -> memref<1x1x1x8x128xf32, #tpu.memory_space<hbm>>
    %dma_wait3A_536 = tpu.memref_squeeze %dma_wait3A_535 : memref<1x1x1x8x128xf32, #tpu.memory_space<hbm>> -> memref<8x128xf32, #tpu.memory_space<hbm>>
    %dma_wait3A_537 = arith.constant 0 : i32
    %dma_wait3A_538 = arith.constant 0 : i32
    %dma_wait3A_539 = tpu.memref_slice %arg4[%dma_wait3A_528, %dma_wait3A_529, %add3A, %dma_wait3A_537, %dma_wait3A_538] : memref<200x8x32x8x128xf32, #tpu.memory_space<hbm>> -> memref<1x1x1x8x128xf32, #tpu.memory_space<hbm>>
    %dma_wait3A_540 = tpu.memref_squeeze %dma_wait3A_539 : memref<1x1x1x8x128xf32, #tpu.memory_space<hbm>> -> memref<8x128xf32, #tpu.memory_space<hbm>>
    %dma_wait3A_541 = arith.constant 48 : i32
    %dma_wait3A_542 = arith.constant 0 : i32
    %dma_wait3A_543 = tpu.memref_slice %arg13[%dma_wait3A_541, %dma_wait3A_542] : memref<64x129xf32, #tpu.memory_space<vmem>> -> memref<8x128xf32, #tpu.memory_space<vmem>>
    tpu.wait_dma2 semaphore(%arg21 : memref<!tpu.dma_semaphore, #tpu.memory_space<semaphore_mem>>) src(%dma_wait3A_543 : memref<8x128xf32, #tpu.memory_space<vmem>>) dst(%dma_wait3A_540 : memref<8x128xf32, #tpu.memory_space<hbm>>)
    %dma_wait3A_544 = arith.constant 199 : i32
    %dma_wait3A_545 = arith.constant 7 : i32
    %dma_wait3A_546 = arith.constant 56 : i32
    %dma_wait3A_547 = arith.constant 0 : i32
    %dma_wait3A_548 = tpu.memref_slice %arg13[%dma_wait3A_546, %dma_wait3A_547] : memref<64x129xf32, #tpu.memory_space<vmem>> -> memref<8x128xf32, #tpu.memory_space<vmem>>
    %dma_wait3A_549 = arith.constant 0 : i32
    %dma_wait3A_550 = arith.constant 0 : i32
    %dma_wait3A_551 = tpu.memref_slice %arg4[%dma_wait3A_544, %dma_wait3A_545, %add3A, %dma_wait3A_549, %dma_wait3A_550] : memref<200x8x32x8x128xf32, #tpu.memory_space<hbm>> -> memref<1x1x1x8x128xf32, #tpu.memory_space<hbm>>
    %dma_wait3A_552 = tpu.memref_squeeze %dma_wait3A_551 : memref<1x1x1x8x128xf32, #tpu.memory_space<hbm>> -> memref<8x128xf32, #tpu.memory_space<hbm>>
    %dma_wait3A_553 = arith.constant 0 : i32
    %dma_wait3A_554 = arith.constant 0 : i32
    %dma_wait3A_555 = tpu.memref_slice %arg4[%dma_wait3A_544, %dma_wait3A_545, %add3A, %dma_wait3A_553, %dma_wait3A_554] : memref<200x8x32x8x128xf32, #tpu.memory_space<hbm>> -> memref<1x1x1x8x128xf32, #tpu.memory_space<hbm>>
    %dma_wait3A_556 = tpu.memref_squeeze %dma_wait3A_555 : memref<1x1x1x8x128xf32, #tpu.memory_space<hbm>> -> memref<8x128xf32, #tpu.memory_space<hbm>>
    %dma_wait3A_557 = arith.constant 56 : i32
    %dma_wait3A_558 = arith.constant 0 : i32
    %dma_wait3A_559 = tpu.memref_slice %arg13[%dma_wait3A_557, %dma_wait3A_558] : memref<64x129xf32, #tpu.memory_space<vmem>> -> memref<8x128xf32, #tpu.memory_space<vmem>>
    tpu.wait_dma2 semaphore(%arg21 : memref<!tpu.dma_semaphore, #tpu.memory_space<semaphore_mem>>) src(%dma_wait3A_559 : memref<8x128xf32, #tpu.memory_space<vmem>>) dst(%dma_wait3A_556 : memref<8x128xf32, #tpu.memory_space<hbm>>)
    return
  }
}

</mosaic_0001>

<sc_bundles>
// kernel: kernel.3.cloned.1.call-start
scs
__scs_entry_jumppad:
0x0: {  	(pc) =	sbr.rel $0x88, $3  }
0x1: {  	(tag) =	ssettag $0x0;
	lr =	simm.s32 $0x1  }
0x2: {  	[smem:$0x3F9F] =	sst lr;
	_ =	strace $0xD0000000  }
0x3: {  	_ = 	snop  }
0x4: {  	_ = 	snop  }
0x5: {  	_ = 	snop  }
0x6: {  	_ = 	snop  }
0x7: {  	_ = 	snop  }
__scs_overlays_trampoline_lowered:
0x8: {  	[smem:$0x3FAE] =	sst s0  }
0x9: {  	[smem:$0x3FAF] =	sst s1  }
0xa: {  	[smem:$0x3FB0] =	sst s2  }
0xb: {  	[smem:$0x3FB1] =	sst s3  }
0xc: {  	[smem:$0x3FB2] =	sst s4  }
0xd: {  	[smem:$0x3FB3] =	sst s5  }
0xe: {  	[smem:$0x3FB4] =	sst s6  }
0xf: {  	[smem:$0x3FB5] =	sst s7  }
0x10: {  	[smem:$0x3FB6] =	sst s8  }
0x11: {  	[smem:$0x3FB7] =	sst s9;
	s0 =	simm.s32 @!p0 $0x0  }
0x12: {  	s1 =	sld [smem:$0x3F9D];
	s0 =	simm.s32 @p0 $0x1  }
0x13: {  	[smem:$0x3FB8] =	sst s0;
	s0 =	simm.s32 @!p1 $0x0  }
0x14: {  	s2 =	sld [smem:$0x3F9C];
	s0 =	simm.s32 @p1 $0x1  }
0x15: {  	[smem:$0x3FB9] =	sst s0;
	s0 =	simm.s32 @!p2 $0x0  }
0x16: {  	s3 =	sld [smem:$0x3FDB];
	s0 =	simm.s32 @p2 $0x1  }
0x17: {  	s4 =	simm.s32 $0x1BF5;
	[smem:$0x3FBB] =	sst s0  }
0x18: {  	s0 =	sld [smem:$0x3F9E];
	_ =	swait.ge [sflag:s4], $0x0  }
0x19: {  	s7 =	sld [smem:$0x3F9F]  }
0x1a: {  	s8 =	sadd.s32 $0xFFFFE003, lr  }
0x1b: {  	s9 =	sadd.s32 $0xFFFFFEF7, lr;
	s5 =	simm.s32 $0xFFFFFFFF;
	p2 =	slt.u32 s8, $0xFFFFF086  }
0x1c: {  	p1 =	slt.u32 s9, $0xF7A;
	s5 =	simm.s32 @!p2 $0x0  }
0x1d: {  	s5 =	simm.s32 @p1 $0x1;
	p0 =	seq.s32 s7, s2  }
0x1e: {  	s7 =	smul.u32 @!p0 $0xF7A, s2;
	p2 =	seq.s32 @!p0 s5, $0x0  }
0x1f: {  	s9 =	smul.u32 $0xF7A, s1;
	s8 =	simm.s32 @!p0 $0x1BF5;
	p2 =	por !p2, p0  }
0x20: {  	[sflag:s8] =	ssyncset.s32 @!p0 $0xFFFFF086;
	s6 =	sadd.s32 @!p0 s3, s7;
	s7 =	simm.s32 @!p0 $0x108  }
0x21: {  	s3 =	sadd.s32 s3, s9;
	s6 =	sadd.s32 @!p0 $0x88, s6;
	s7 =	simm.s32 @p2 $0x1082  }
0x22: {  	[simem:s7], [sflag:s8] =	dma.local @!p0 [hbm:s6], $0xF7A  }
0x23: {  	s9 =	sor.u32 $0xD0000000, s2;
	s6 =	simm.s32 $0x108;
	_ =	swait.ge @!p0 [sflag:s8], $0x0  }
0x24: {  	s3 =	sadd.s32 $0x88, s3;
	s6 =	simm.s32 @!p1 $0x1082;
	[sflag:s4] =	ssyncset.s32 $0xFFFFF086  }
0x25: {  	[simem:s6], [sflag:s4] =	dma.local [hbm:s3], $0xF7A  }
0x26: {  	[smem:$0x3F9F] =	sst s1;
	(tag) =	ssettag s2;
	_ =	strace s9  }
0x27: {  	s1 =	sld [smem:$0x3FAF]  }
0x28: {  	s2 =	sld [smem:$0x3FB0]  }
0x29: {  	s4 =	sld [smem:$0x3FB2]  }
0x2a: {  	p0 =	seq.s32 s5, $0x0;
	s5 =	sld [smem:$0x3FB3]  }
0x2b: {  	s6 =	sld [smem:$0x3FB4]  }
0x2c: {  	s7 =	sld [smem:$0x3FB5]  }
0x2d: {  	s3 =	simm.s32 $0x108;
	s8 =	sld [smem:$0x3FB6]  }
0x2e: {  	s3 =	simm.s32 @!p0 $0x1082;
	s9 =	sld [smem:$0x3FB7]  }
0x2f: {  	lr =	sadd.s32 s0, s3;
	s0 =	sld [smem:$0x3FAE]  }
0x30: {  	s3 =	sld [smem:$0x3FB1]  }
0x31: {  	[smem:$0x3FBA] =	sst s10  }
0x32: {  	s10 =	sld [smem:$0x3FB8];
	_ =	sdelay $0x3  }
0x33: {  	p0 =	seq.s32 s10, $0x1;
	s10 =	sld [smem:$0x3FBA];
	_ =	sdelay $0x3  }
0x34: {  	[smem:$0x3FBA] =	sst s10  }
0x35: {  	s10 =	sld [smem:$0x3FB9];
	_ =	sdelay $0x3  }
0x36: {  	p1 =	seq.s32 s10, $0x1;
	s10 =	sld [smem:$0x3FBA];
	_ =	sdelay $0x3  }
0x37: {  	[smem:$0x3FBA] =	sst s10  }
0x38: {  	s10 =	sld [smem:$0x3FBB]  }
0x39: {  	_ = 	snop;
	(pc) =	sbr.ind lr, $3  }
0x3a: {  	_ = 	snop  }
0x3b: {  	_ = 	snop  }
0x3c: {  	p2 =	seq.s32 s10, $0x1;
	s10 =	sld [smem:$0x3FBA]  }
0x3d: {  	_ =	shalt  }
0x3e: {  	_ =	shalt  }
0x3f: {  	_ =	shalt  }
0x40: {  	_ =	shalt  }
0x41: {  	_ =	shalt  }
0x42: {  	_ =	shalt  }
0x43: {  	_ =	shalt  }
0x44: {  	_ =	shalt  }
0x45: {  	_ =	shalt  }
0x46: {  	_ =	shalt  }
0x47: {  	_ =	shalt  }
0x48: {  	_ =	shalt  }
0x49: {  	_ =	shalt  }
0x4a: {  	_ =	shalt  }
0x4b: {  	_ =	shalt  }
0x4c: {  	_ =	shalt  }
0x4d: {  	_ =	shalt  }
0x4e: {  	_ =	shalt  }
0x4f: {  	_ =	shalt  }
0x50: {  	_ =	shalt  }
0x51: {  	_ =	shalt  }
0x52: {  	_ =	shalt  }
0x53: {  	_ =	shalt  }
0x54: {  	_ =	shalt  }
0x55: {  	_ =	shalt  }
0x56: {  	_ =	shalt  }
0x57: {  	_ =	shalt  }
0x58: {  	_ =	shalt  }
0x59: {  	_ =	shalt  }
0x5a: {  	_ =	shalt  }
0x5b: {  	_ =	shalt  }
0x5c: {  	_ =	shalt  }
0x5d: {  	_ =	shalt  }
0x5e: {  	_ =	shalt  }
0x5f: {  	_ =	shalt  }
0x60: {  	_ =	shalt  }
0x61: {  	_ =	shalt  }
0x62: {  	_ =	shalt  }
0x63: {  	_ =	shalt  }
0x64: {  	_ =	shalt  }
0x65: {  	_ =	shalt  }
0x66: {  	_ =	shalt  }
0x67: {  	_ =	shalt  }
0x68: {  	_ =	shalt  }
0x69: {  	_ =	shalt  }
0x6a: {  	_ =	shalt  }
0x6b: {  	_ =	shalt  }
0x6c: {  	_ =	shalt  }
0x6d: {  	_ =	shalt  }
0x6e: {  	_ =	shalt  }
0x6f: {  	_ =	shalt  }
0x70: {  	_ =	shalt  }
0x71: {  	_ =	shalt  }
0x72: {  	_ =	shalt  }
0x73: {  	_ =	shalt  }
0x74: {  	_ =	shalt  }
0x75: {  	_ =	shalt  }
0x76: {  	_ =	shalt  }
0x77: {  	_ =	shalt  }
0x78: {  	_ =	shalt  }
0x79: {  	_ =	shalt  }
0x7a: {  	_ =	shalt  }
0x7b: {  	_ =	shalt  }
0x7c: {  	_ =	shalt  }
0x7d: {  	_ =	shalt  }
0x7e: {  	_ =	shalt  }
0x7f: {  	_ =	shalt  }
0x80: {  	_ =	shalt  }
0x81: {  	_ =	shalt  }
0x82: {  	_ =	shalt  }
0x83: {  	_ =	shalt  }
0x84: {  	_ =	shalt  }
0x85: {  	_ =	shalt  }
0x86: {  	_ =	shalt  }
0x87: {  	_ =	shalt  }
.Lfunc_end0:
.L_simem_size_0:
called_computation_lowered:
.L_overlay_start_0:
0x88: {  	s2 =	sld [smem:$0x3FD9]  }
0x89: {  	s3 =	sld [smem:$0x3FFE];
	_ =	sdelay $0x1  }
0x8a: {  	s1 =	srdreg.scid  }
0x8b: {  	s0 =	sand.u32 $0x1, s1  }
0x8c: {  	s17 =	sshll.u32 s0, $0xA;
	s2 =	sadd.s32 s3, s2  }
0x8d: {  	s2 =	sadd.s32 s2, s17  }
0x8e: {  	[smem:$0x3FC6] =	sst s2  }
0x8f: {  	_ = 	snop  }
0x90: {  	s2 =	sld [smem:$0x3FC9]  }
0x91: {  	s18 =	sld [smem:$0x3FD0];
	(tm) =	ssettm $0x1  }
0x92: {  	s4 =	sld [smem:$0x3FFB];
	_ =	sdelay $0x3  }
0x93: {  	_ =	strace s4  }
0x94: {  	s4 =	sld [smem:$0x3FFC];
	_ =	sdelay $0x3  }
0x95: {  	_ =	strace s4  }
0x96: {  	s4 =	sld [smem:$0x3FFD];
	_ =	sdelay $0x3  }
0x97: {  	_ =	strace s4  }
0x98: {  	_ =	strace $0x8FFFFFFF  }
0x99: {  	s19 =	sld [smem:$0x3FDB];
	_ =	sdelay $0x1  }
0x9a: {  	s5 =	simm.s32 $_scs_section_size  }
0x9b: {  	s6 =	simm.s32 $_size__tile_overlayer_lowered;
	s7 =	simm.s32 $_tile_overlayer_lowered  }
0x9c: {  	s22 =	simm.s32 $0x1BFF;
	s21 =	sshll.u32 s7, $0x1;
	s4 =	sadd.s32 s5, s19  }
0x9d: {  	s8 =	simm.s32 $0x0;
	s20 =	sshll.u32 s6, $0x1;
	s6 =	sadd.s32 s21, s4  }
0x9e: {  	[timem:s8], [sflag:s22] =	dma.local [hbm:s6], s20  }
0x9f: {  	_ =	swait.ge [sflag:s22], s20  }
0xa0: {  	s5 =	ssub.s32 $0x0, s20;
	[sflag:s22] =	ssyncset.done $0x0  }
0xa1: {  	[sflag:s22] =	ssyncadd.s32 s5;
	_ =	sdelay $0x1  }
0xa2: {  	s23 =	simm.s32 $0x1B8B  }
0xa3: {  	_ =	swait.ge [sflag:s23], $0x1  }
0xa4: {  	[sflag:s23] =	ssyncset.done $0x0  }
0xa5: {  	s25 =	simm.s32 $0x1B8E;
	s24 =	sld [smem:$0x3FFE];
	[sflag:s23] =	ssyncadd.s32 $0xFFFFFFFF  }
0xa6: {  	s26 =	simm.s32 $execute0_lowered;
	[smem:$0x3FD2] =	sst s25  }
0xa7: {  	s6 =	sshll.u32 s26, $0x1;
	_ =	strace $0x80000046;
	[dreg:$0x1] =	wrdreg $0xFFFFFFFF  }
0xa8: {  	s28 =	simm.s32 $_size_execute0_lowered;
	s4 =	sadd.s32 s4, s6;
	[dreg:$0x0] =	wrdreg $0x0  }
0xa9: {  	s6 =	sshll.u32 s28, $0x1;
	[dreg:$0x2] =	wrdreg s4  }
0xaa: {  	[dreg:$0x3] =	wrdreg s6  }
0xab: {  	[dreg:$0x4] =	wrdreg $0xC0  }
0xac: {  	_ =	task [dreg:s8], $0x5FFFF  }
0xad: {  	[dreg:$0x1] =	wrdreg $0xFFFFFFFF  }
0xae: {  	[dreg:$0x0] =	wrdreg $0x60  }
0xaf: {  	[dreg:$0x2] =	wrdreg s2  }
0xb0: {  	[dreg:$0x3] =	wrdreg s24  }
0xb1: {  	[dreg:$0x4] =	wrdreg s18  }
0xb2: {  	[dreg:$0x5] =	wrdreg $0x9  }
0xb3: {  	_ =	task.clear_ibuf [dreg:s8], $0x6FFFF;
	_ =	strace $0x90000046  }
0xb4: {  	s29 =	simm.s32 $0x9;
	_ =	strace $0x80000048  }
0xb5: {  	_ =	swait.ge [sflag:s29], $0x1  }
0xb6: {  	[sflag:s29] =	ssyncadd.s32 $0xFFFFFFFF  }
0xb7: {  	_ =	strace $0x90000048  }
0xb8: {  	_ =	sfence  }
0xb9: {  	s30 =	sld [smem:$0x0];
	_ =	sdelay $0x2  }
0xba: {  	s31 =	sshll.u32 s1, $0xD;
	s1 =	sshrl.u32 s1, $0x2  }
0xbb: {  	s3 =	sand.u32 $0x4000, s31;
	s1 =	sadd.s32 s1, s30  }
0xbc: {  	s0 =	sor.u32 s3, s0;
	s1 =	sshll.u32 s1, $0x11  }
0xbd: {  	s0 =	sor.u32 s1, s0  }
0xbe: {  	s0 =	sadd.s32 $0x8F2B, s0  }
0xbf: {  	[sflag:s0] =	ssyncadd.remote.s32 $0x1  }
0xc0: {  	_ =	sfence.sel $0xFFFF  }
0xc1: {  	[dreg:$0x0] =	wrdreg $0xFFFFFFFF;
	(pc) =	sbr.abs _section_cstart, $3  }
0xc2: {  	[dreg:$0x1] =	wrdreg $0xFFFFFFFF  }
0xc3: {  	_ =	task.clear_ibuf [dreg:s8], $0x2FFFF;
	_ =	strace $0x9FFFFFFF  }
0xc4: {  	(tm) =	ssettm $0x7FFFFFFF  }
0xc5: {  	_ =	shalt  }
tec
execute0_lowered:
.L_overlay_start_1:
0x0: {  	(tag) =	ssettag $0x1  }
0x1: {  	s0 =	rddreg [dreg:$0x0];
	v0 =	vlaneseq.u32  }
0x2: {  	s8 =	rddreg [dreg:$0x2];
	s3 =	simm.s32 $0x0;
	v15 =	vmul.u32 $0x88, v0  }
0x3: {  	[smem:$0x7FF] =	sst s3  }
0x4: {  	s1 =	rddreg [dreg:$0x1];
	s6 =	sadd.s32 $0x2000, s8;
	_ =	strace $0x80000047;
	v17 =	vadd.s32 $0x880, v15;
	[tilespmem:$0x1FF30] =	vst v15  }
0x5: {  	s7 =	sadd.s32 $0x3000, s8;
	[dreg:$0x6] =	wrdreg s6;
	v28 =	vadd.s32 $0x1100, v15;
	[tilespmem:$0x1FE00] =	vst v17  }
0x6: {  	s9 =	sadd.s32 $0x4000, s8;
	[dreg:$0x7] =	wrdreg s7;
	v12 =	vadd.s32 $0x1980, v15;
	[tilespmem:$0x1FE10] =	vst v28  }
0x7: {  	s10 =	sadd.s32 $0x5000, s8;
	[dreg:$0x8] =	wrdreg s9;
	v59 =	vadd.s32 $0x881, v15;
	[tilespmem:$0x1FE20] =	vst v12  }
0x8: {  	s11 =	sadd.s32 $0x6000, s8;
	[dreg:$0x9] =	wrdreg s10;
	v3 =	vadd.s32 $0x1981, v15;
	[tilespmem:$0x1FE30] =	vst v59  }
0x9: {  	s12 =	sadd.s32 $0x7000, s8;
	[dreg:$0xa] =	wrdreg s11;
	v21 =	vadd.s32 $0x882, v15;
	[tilespmem:$0x1FE40] =	vst v3  }
0xa: {  	s13 =	sadd.s32 $0x8000, s8;
	[dreg:$0xb] =	wrdreg s12;
	v31 =	vadd.s32 $0x1982, v15;
	[tilespmem:$0x1FE50] =	vst v21  }
0xb: {  	s14 =	sadd.s32 $0x9000, s8;
	[dreg:$0xc] =	wrdreg s13;
	v26 =	vadd.s32 $0x883, v15;
	[tilespmem:$0x1FE60] =	vst v31  }
0xc: {  	s15 =	sadd.s32 $0xA000, s8;
	[dreg:$0xd] =	wrdreg s14;
	v0 =	vadd.s32 $0x1103, v15;
	[tilespmem:$0x1FE70] =	vst v26  }
0xd: {  	s16 =	sadd.s32 $0xB000, s8;
	[dreg:$0xe] =	wrdreg s15;
	v5 =	vadd.s32 $0x1983, v15;
	[tilespmem:$0x1FE80] =	vst v0  }
0xe: {  	s17 =	sadd.s32 $0xC000, s8;
	[dreg:$0xf] =	wrdreg s16;
	v30 =	vadd.s32 $0x884, v15;
	[tilespmem:$0x1FE90] =	vst v5  }
0xf: {  	s18 =	sadd.s32 $0xD000, s8;
	[dreg:$0x10] =	wrdreg s17;
	v2 =	vadd.s32 $0x1104, v15;
	[tilespmem:$0x1FEA0] =	vst v30  }
0x10: {  	s19 =	sadd.s32 $0xE000, s8;
	[dreg:$0x11] =	wrdreg s18;
	v27 =	vadd.s32 $0x1984, v15;
	[tilespmem:$0x1FEB0] =	vst v2  }
0x11: {  	s2 =	srdreg.scid;
	s20 =	sadd.s32 $0xF000, s8;
	[dreg:$0x12] =	wrdreg s19;
	v41 =	vadd.s32 $0x885, v15;
	[tilespmem:$0x1FEC0] =	vst v27  }
0x12: {  	s4 =	stileid.u32;
	s21 =	sadd.s32 $0x10000, s8;
	[dreg:$0x13] =	wrdreg s20;
	v29 =	vadd.s32 $0x1105, v15;
	[tilespmem:$0x1FED0] =	vst v41  }
0x13: {  	s2 =	sand.u32 $0x1, s2;
	s22 =	sadd.s32 $0x11000, s8;
	[dreg:$0x14] =	wrdreg s21;
	v10 =	vadd.s32 $0x1985, v15;
	[tilespmem:$0x1FEE0] =	vst v29  }
0x14: {  	s4 =	sshll.u32 s4, $0xB;
	s23 =	sadd.s32 $0x12000, s8;
	[dreg:$0x15] =	wrdreg s22;
	v63 =	vadd.s32 $0x886, v15;
	[tilespmem:$0x1FEF0] =	vst v10  }
0x15: {  	s25 =	sadd.s32 $0x13000, s8;
	s26 =	sadd.s32 $0x14000, s8;
	[dreg:$0x16] =	wrdreg s23;
	v7 =	vadd.s32 $0x1106, v15;
	[tilespmem:$0x1FF00] =	vst v63  }
0x16: {  	s30 =	sadd.s32 $0x16000, s8;
	s31 =	sadd.s32 $0x17000, s8;
	[dreg:$0x18] =	wrdreg s25;
	v14 =	vadd.s32 $0x1986, v15;
	[tilespmem:$0x1FF10] =	vst v7  }
0x17: {  	s5 =	sshll.u32 s2, $0xA;
	s2 =	ssub.s32 $0x2, s2;
	[dreg:$0x19] =	wrdreg s26;
	v9 =	vor.u32 $0x1, v15;
	[tilespmem:$0x1FF20] =	vst v14  }
0x18: {  	s6 =	sadd.s32 $0x1A000, s8;
	s25 =	sadd.s32 $0x1B000, s8;
	s7 =	sadd.s32 $0x1E000, s8;
	v16 =	vadd.s32 $0x1101, v15;
	[tilespmem:$0x1FF40] =	vst v9  }
0x19: {  	s9 =	simm.s32 $0x80;
	s10 =	simm.s32 $0x1;
	s11 =	simm.s32 $0xE400;
	v13 =	vor.u32 $0x2, v15;
	[tilespmem:$0x1FF50] =	vst v16  }
0x1a: {  	s12 =	simm.s32 $0x2;
	s13 =	simm.s32 $0x6;
	s14 =	simm.s32 $0x10600;
	v8 =	vadd.s32 $0x1102, v15;
	[tilespmem:$0x1FF60] =	vst v13  }
0x1b: {  	s15 =	simm.s32 $0x3;
	s16 =	simm.s32 $0x7;
	s17 =	simm.s32 $0x12800;
	v24 =	vor.u32 $0x3, v15;
	[tilespmem:$0x1FF70] =	vst v8  }
0x1c: {  	s18 =	simm.s32 $0x4;
	s19 =	simm.s32 $0x8;
	s4 =	sor.u32 s5, s4;
	v54 =	vor.u32 $0x4, v15;
	[tilespmem:$0x1FF80] =	vst v24  }
0x1d: {  	s5 =	sadd.s32 $0xF42800, s1;
	s28 =	sshrl.u32 s2, $0x1;
	v32 =	vor.u32 $0x5, v15;
	s29 =	smov.u32 s4;
	[tilespmem:$0x1FF90] =	vst v54  }
0x1e: {  	v19 =	vor.u32 $0x6, v15;
	s4 =	sshrl.u32 s4, $0x3;
	s1 =	ssub.s32 s2, s28;
	s28 =	sadd.s32 $0x15000, s8;
	[tilespmem:$0x1FFA0] =	vst v32  }
.Ltmp0:
0x1f: {  	v18 =	vor.u32 $0x7, v15;
	[tilespmem:$0x1FFB0] =	vst v19;
	s0 =	sadd.s32 s0, s4;
	[dreg:$0x1a] =	wrdreg s28;
	(pc) =	sbr.rel .LBB2_1-.Ltmp0, $4  }
0x20: {  	s20 =	simm.s32 $0x14A00;
	v22 =	vadd.s32 $0x887, v15;
	[tilespmem:$0x1FFC0] =	vst v18;
	s4 =	sadd.s32 $0x1000, s8;
	[dreg:$0x4] =	wrdreg s0  }
0x21: {  	s22 =	simm.s32 $0x0;
	v23 =	vadd.s32 $0x1107, v15;
	[tilespmem:$0x1FFD0] =	vst v22;
	s24 =	smax.u32 s1, $0x1;
	[dreg:$0x5] =	wrdreg s4  }
0x22: {  	v1 =	vimm.s32 $0x0;
	vm0 =	vcmask $0x300;
	v11 =	vadd.s32 $0x1987, v15;
	s2 =	sadd.s32 $0x1C000, s8;
	[tilespmem:$0x1FFE0] =	vst v23;
	s1 =	sadd.s32 $0x19000, s8;
	[dreg:$0x17] =	wrdreg s24  }
0x23: {  	v1 =	vsel vm0, $0x3, v1;
	v25 =	vmovc v0;
	v20 =	vmov v2;
	v6 =	vmov v7;
	[tilespmem:$0x1FFF0] =	vst v11;
	s0 =	sadd.s32 $0x18000, s8;
	s4 =	sadd.s32 $0x1D000, s8;
	s8 =	sadd.s32 $0x1F000, s8  }
.LBB2_24:
0x24: {  	s21 =	simm.s32 $0x5  }
0x25: {  	_ =	swait.ge [sflag:s21], $0x400  }
0x26: {  	[sflag:s21] =	ssyncset.done $0x0  }
0x27: {  	[sflag:s21] =	ssyncadd.s32 $0xFFFFFC00  }
0x28: {  	_ =	swait.ge [sflag:s21], $0x400  }
0x29: {  	[sflag:s21] =	ssyncset.done $0x0  }
0x2a: {  	[sflag:s21] =	ssyncadd.s32 $0xFFFFFC00  }
0x2b: {  	_ =	swait.ge [sflag:s21], $0x400  }
0x2c: {  	[sflag:s21] =	ssyncset.done $0x0  }
0x2d: {  	[sflag:s21] =	ssyncadd.s32 $0xFFFFFC00  }
0x2e: {  	_ =	swait.ge [sflag:s21], $0x400  }
0x2f: {  	[sflag:s21] =	ssyncset.done $0x0  }
0x30: {  	[sflag:s21] =	ssyncadd.s32 $0xFFFFFC00  }
0x31: {  	_ =	swait.ge [sflag:s21], $0x400  }
0x32: {  	[sflag:s21] =	ssyncset.done $0x0  }
0x33: {  	[sflag:s21] =	ssyncadd.s32 $0xFFFFFC00  }
0x34: {  	_ =	swait.ge [sflag:s21], $0x400  }
0x35: {  	[sflag:s21] =	ssyncset.done $0x0  }
0x36: {  	[sflag:s21] =	ssyncadd.s32 $0xFFFFFC00  }
0x37: {  	_ =	swait.ge [sflag:s21], $0x400  }
0x38: {  	[sflag:s21] =	ssyncset.done $0x0  }
0x39: {  	[sflag:s21] =	ssyncadd.s32 $0xFFFFFC00  }
0x3a: {  	_ =	swait.ge [sflag:s21], $0x400  }
0x3b: {  	[sflag:s21] =	ssyncset.done $0x0  }
0x3c: {  	[sflag:s21] =	ssyncadd.s32 $0xFFFFFC00  }
0x3d: {  	_ =	swait.ge [sflag:s13], $0x400  }
0x3e: {  	[sflag:s13] =	ssyncset.done $0x0  }
0x3f: {  	[sflag:s13] =	ssyncadd.s32 $0xFFFFFC00  }
0x40: {  	_ =	swait.ge [sflag:s13], $0x400  }
0x41: {  	[sflag:s13] =	ssyncset.done $0x0  }
0x42: {  	[sflag:s13] =	ssyncadd.s32 $0xFFFFFC00  }
0x43: {  	_ =	swait.ge [sflag:s13], $0x400  }
0x44: {  	[sflag:s13] =	ssyncset.done $0x0  }
0x45: {  	[sflag:s13] =	ssyncadd.s32 $0xFFFFFC00  }
0x46: {  	_ =	swait.ge [sflag:s13], $0x400  }
0x47: {  	[sflag:s13] =	ssyncset.done $0x0  }
0x48: {  	[sflag:s13] =	ssyncadd.s32 $0xFFFFFC00  }
0x49: {  	_ =	swait.ge [sflag:s13], $0x400  }
0x4a: {  	[sflag:s13] =	ssyncset.done $0x0  }
0x4b: {  	[sflag:s13] =	ssyncadd.s32 $0xFFFFFC00  }
0x4c: {  	_ =	swait.ge [sflag:s13], $0x400  }
0x4d: {  	[sflag:s13] =	ssyncset.done $0x0  }
0x4e: {  	[sflag:s13] =	ssyncadd.s32 $0xFFFFFC00  }
0x4f: {  	_ =	swait.ge [sflag:s13], $0x400  }
0x50: {  	[sflag:s13] =	ssyncset.done $0x0  }
0x51: {  	[sflag:s13] =	ssyncadd.s32 $0xFFFFFC00  }
0x52: {  	_ =	swait.ge [sflag:s13], $0x400  }
0x53: {  	[sflag:s13] =	ssyncset.done $0x0  }
0x54: {  	[sflag:s13] =	ssyncadd.s32 $0xFFFFFC00  }
0x55: {  	_ =	swait.ge [sflag:s16], $0x400  }
0x56: {  	[sflag:s16] =	ssyncset.done $0x0  }
0x57: {  	[sflag:s16] =	ssyncadd.s32 $0xFFFFFC00  }
0x58: {  	_ =	swait.ge [sflag:s16], $0x400  }
0x59: {  	[sflag:s16] =	ssyncset.done $0x0  }
0x5a: {  	[sflag:s16] =	ssyncadd.s32 $0xFFFFFC00  }
0x5b: {  	_ =	swait.ge [sflag:s16], $0x400  }
0x5c: {  	[sflag:s16] =	ssyncset.done $0x0  }
0x5d: {  	[sflag:s16] =	ssyncadd.s32 $0xFFFFFC00  }
0x5e: {  	_ =	swait.ge [sflag:s16], $0x400  }
0x5f: {  	[sflag:s16] =	ssyncset.done $0x0  }
0x60: {  	[sflag:s16] =	ssyncadd.s32 $0xFFFFFC00  }
0x61: {  	_ =	swait.ge [sflag:s16], $0x400  }
0x62: {  	[sflag:s16] =	ssyncset.done $0x0  }
0x63: {  	[sflag:s16] =	ssyncadd.s32 $0xFFFFFC00  }
0x64: {  	_ =	swait.ge [sflag:s16], $0x400  }
0x65: {  	[sflag:s16] =	ssyncset.done $0x0  }
0x66: {  	[sflag:s16] =	ssyncadd.s32 $0xFFFFFC00  }
0x67: {  	_ =	swait.ge [sflag:s16], $0x400  }
0x68: {  	[sflag:s16] =	ssyncset.done $0x0  }
0x69: {  	[sflag:s16] =	ssyncadd.s32 $0xFFFFFC00  }
0x6a: {  	_ =	swait.ge [sflag:s16], $0x400  }
0x6b: {  	[sflag:s16] =	ssyncset.done $0x0  }
0x6c: {  	[sflag:s16] =	ssyncadd.s32 $0xFFFFFC00  }
0x6d: {  	_ =	swait.ge [sflag:s19], $0x400  }
0x6e: {  	[sflag:s19] =	ssyncset.done $0x0  }
0x6f: {  	[sflag:s19] =	ssyncadd.s32 $0xFFFFFC00  }
0x70: {  	_ =	swait.ge [sflag:s19], $0x400  }
0x71: {  	[sflag:s19] =	ssyncset.done $0x0  }
0x72: {  	[sflag:s19] =	ssyncadd.s32 $0xFFFFFC00  }
0x73: {  	_ =	swait.ge [sflag:s19], $0x400  }
0x74: {  	[sflag:s19] =	ssyncset.done $0x0  }
0x75: {  	[sflag:s19] =	ssyncadd.s32 $0xFFFFFC00  }
0x76: {  	_ =	swait.ge [sflag:s19], $0x400  }
0x77: {  	[sflag:s19] =	ssyncset.done $0x0  }
0x78: {  	[sflag:s19] =	ssyncadd.s32 $0xFFFFFC00  }
0x79: {  	_ =	swait.ge [sflag:s19], $0x400  }
0x7a: {  	[sflag:s19] =	ssyncset.done $0x0  }
0x7b: {  	[sflag:s19] =	ssyncadd.s32 $0xFFFFFC00  }
0x7c: {  	_ =	swait.ge [sflag:s19], $0x400  }
0x7d: {  	[sflag:s19] =	ssyncset.done $0x0  }
0x7e: {  	[sflag:s19] =	ssyncadd.s32 $0xFFFFFC00  }
0x7f: {  	_ =	swait.ge [sflag:s19], $0x400  }
0x80: {  	[sflag:s19] =	ssyncset.done $0x0  }
0x81: {  	[sflag:s19] =	ssyncadd.s32 $0xFFFFFC00  }
0x82: {  	_ =	swait.ge [sflag:s19], $0x400  }
0x83: {  	v15 =	vld [tilespmem:$0x1FF30]  }
0x84: {  	v12 =	vld [tilespmem:$0x1FE20]  }
0x85: {  	v9 =	vld [tilespmem:$0x1FF40]  }
0x86: {  	v16 =	vld [tilespmem:$0x1FF50]  }
0x87: {  	v13 =	vld [tilespmem:$0x1FF60]  }
0x88: {  	v8 =	vld [tilespmem:$0x1FF70]  }
0x89: {  	s22 =	rddreg [dreg:$0x1b];
	v24 =	vld [tilespmem:$0x1FF80]  }
0x8a: {  	s28 =	rddreg [dreg:$0x17];
	v54 =	vld [tilespmem:$0x1FF90];
	s22 =	sadd.s32 $0x1, s22  }
0x8b: {  	v27 =	vld [tilespmem:$0x1FEC0];
	p0 =	sne.s32 s22, s28  }
.Ltmp1:
0x8c: {  	v32 =	vld [tilespmem:$0x1FFA0];
	(pc) =	sbr.rel @!p0 .LBB2_25-.Ltmp1, $4  }
0x8d: {  	v19 =	vld [tilespmem:$0x1FFB0]  }
0x8e: {  	v18 =	vld [tilespmem:$0x1FFC0]  }
0x8f: {  	[sflag:s19] =	ssyncset.done $0x0;
	v22 =	vld [tilespmem:$0x1FFD0]  }
0x90: {  	v6 =	vmovc v25;
	v20 =	vmov v14;
	v25 =	vmov v10;
	v59 =	vmov v0;
	v23 =	vld [tilespmem:$0x1FFE0];
	[sflag:s19] =	ssyncadd.s32 $0xFFFFFC00  }
.LBB2_1:
0x91: {  	[dreg:$0x1b] =	wrdreg s22  }
0x92: {  	s21 =	rddreg [dreg:$0x4]  }
0x93: {  	s24 =	simm.s32 $0x400;
	s23 =	simm.s32 $0x8000;
	s26 =	simm.s32 $0x9  }
0x94: {  	[tilespmem:s3], [sflag:$0x9] =	stream.strided.gather [hbm4b:s21+s24], $0x6400, s23, s24, $0x38;
	[tilespmem:$0x16C00] =	vst v63  }
0x95: {  	_ =	swait.ge [sflag:s26], $0x6400  }
0x96: {  	[sflag:s26] =	ssyncset.done $0x0  }
0x97: {  	s28 =	simm.s32 $0x6400;
	[sflag:s26] =	ssyncadd.s32 $0xFFFF9C00  }
0x98: {  	[tilespmem:s28], [sflag:$0x1] =	stream.indirect.gather [hbm4b:s5+s9], $0x40, s3, s9, $0xb8;
	[tilespmem:$0x16C00] =	vst v63  }
0x99: {  	s22 =	simm.s32 $0x8400  }
0x9a: {  	[tilespmem:s22], [sflag:$0x2] =	stream.indirect.gather [hbm4b:s5+s9], $0x40, s9, s9, $0xb8;
	[tilespmem:$0x16C00] =	vst v63  }
0x9b: {  	s23 =	simm.s32 $0x100;
	s24 =	simm.s32 $0xA400  }
0x9c: {  	[tilespmem:s24], [sflag:$0x3] =	stream.indirect.gather [hbm4b:s5+s9], $0x40, s23, s9, $0xb8;
	[tilespmem:$0x16C00] =	vst v63  }
0x9d: {  	s21 =	simm.s32 $0x0;
	s26 =	simm.s32 $0x180;
	s28 =	simm.s32 $0xC400  }
0x9e: {  	v5 =	vmovc v27;
	v10 =	vmov v25;
	v14 =	vmov v20;
	v25 =	vmov v6;
	[tilespmem:s28], [sflag:$0x4] =	stream.indirect.gather [hbm4b:s5+s9], $0x40, s26, s9, $0xb8;
	[tilespmem:$0x16C00] =	vst v63  }
.LBB2_2:
0x9f: {  	_ =	swait.ge [sflag:s10], $0x2000  }
0xa0: {  	p0 =	seq.s32 s21, $0x0;
	[sflag:s10] =	ssyncset.done $0x0  }
0xa1: {  	s22 =	simm.s32 @!p0 $0x5;
	[sflag:s10] =	ssyncadd.s32 $0xFFFFE000  }
0xa2: {  	_ =	swait.ge @!p0 [sflag:s22], $0x400  }
0xa3: {  	[sflag:s22] =	ssyncset.done @!p0 $0x0  }
0xa4: {  	[sflag:s22] =	ssyncadd.s32 @!p0 $0xFFFFFC00  }
0xa5: {  	_ =	swait.ge @!p0 [sflag:s22], $0x400  }
0xa6: {  	[sflag:s22] =	ssyncset.done @!p0 $0x0  }
0xa7: {  	[sflag:s22] =	ssyncadd.s32 @!p0 $0xFFFFFC00  }
0xa8: {  	_ =	swait.ge @!p0 [sflag:s22], $0x400  }
0xa9: {  	[sflag:s22] =	ssyncset.done @!p0 $0x0  }
0xaa: {  	[sflag:s22] =	ssyncadd.s32 @!p0 $0xFFFFFC00  }
0xab: {  	_ =	swait.ge @!p0 [sflag:s22], $0x400  }
0xac: {  	[sflag:s22] =	ssyncset.done @!p0 $0x0  }
0xad: {  	[sflag:s22] =	ssyncadd.s32 @!p0 $0xFFFFFC00  }
0xae: {  	_ =	swait.ge @!p0 [sflag:s22], $0x400  }
0xaf: {  	[sflag:s22] =	ssyncset.done @!p0 $0x0  }
0xb0: {  	[sflag:s22] =	ssyncadd.s32 @!p0 $0xFFFFFC00  }
0xb1: {  	_ =	swait.ge @!p0 [sflag:s22], $0x400  }
0xb2: {  	s23 =	simm.s32 $0x0;
	[sflag:s22] =	ssyncset.done @!p0 $0x0  }
0xb3: {  	s28 =	simm.s32 $0x1;
	s24 =	simm.s32 $0x2;
	[sflag:s22] =	ssyncadd.s32 @!p0 $0xFFFFFC00  }
0xb4: {  	s26 =	simm.s32 $0x3;
	v33 =	vmov s23;
	v35 =	vmov s24;
	s24 =	simm.s32 $0x4;
	_ =	swait.ge @!p0 [sflag:s22], $0x400  }
0xb5: {  	v34 =	vmov s28;
	v36 =	vmov s26;
	s26 =	simm.s32 $0x5;
	s28 =	simm.s32 $0x6;
	v33 =	vshrl.u32 v33, $0x3;
	[sflag:s22] =	ssyncset.done @!p0 $0x0  }
0xb6: {  	v37 =	vmov s24;
	v38 =	vmov s26;
	v39 =	vmov s28;
	s26 =	simm.s32 $0x7;
	[sflag:s22] =	ssyncadd.s32 @!p0 $0xFFFFFC00  }
0xb7: {  	v34 =	vshrl.u32 v34, $0x3;
	v35 =	vshrl.u32 v35, $0x3;
	v40 =	vmov s26;
	_ =	swait.ge @!p0 [sflag:s22], $0x400  }
0xb8: {  	v36 =	vshrl.u32 v36, $0x3;
	v33 =	vshll.u32 v33, v1;
	v40 =	vshrl.u32 v40, $0x3;
	[sflag:s22] =	ssyncset.done @!p0 $0x0  }
0xb9: {  	s23 =	simm.s32 $0x6500;
	v37 =	vshrl.u32 v37, $0x3;
	v38 =	vshrl.u32 v38, $0x3;
	v40 =	vshll.u32 v40, v1;
	[sflag:s22] =	ssyncadd.s32 @!p0 $0xFFFFFC00  }
0xba: {  	v42 =	vshrl.u32 v39, $0x3;
	v34 =	vshll.u32 v34, v1;
	v27 =	vbroadcast v40, $0x0;
	v60 =	vld [tilespmem:s23+$0xC0]  }
0xbb: {  	v35 =	vshll.u32 v35, v1;
	v36 =	vshll.u32 v36, v1;
	v6 =	vbroadcast v33, $0x0;
	v43 =	vld [tilespmem:s23+$0xFFFFFF00]  }
0xbc: {  	v44 =	vshll.u32 v37, v1;
	v7 =	vbroadcast v34, $0x0;
	v46 =	vadd.s32 v18, v27;
	v45 =	vld [tilespmem:s23+$0xFFFFFF40]  }
0xbd: {  	v61 =	vshll.u32 v38, v1;
	v37 =	vbroadcast v35, $0x0;
	v62 =	vadd.s32 v15, v6;
	v47 =	vld [tilespmem:s23+$0xFFFFFF80]  }
0xbe: {  	v42 =	vshll.u32 v42, v1;
	v36 =	vbroadcast v36, $0x0;
	v48 =	vadd.s32 v9, v7;
	v49 =	vld [tilespmem:s23+$0xFFFFFFC0]  }
0xbf: {  	v35 =	vbroadcast v44, $0x0;
	v50 =	vadd.s32 v13, v37;
	v51 =	vld [tilespmem:s23+$0x0];
	v39 =	vmul.f32 $8.000000000e+00, v60  }
0xc0: {  	v33 =	vbroadcast v61, $0x0;
	v52 =	vadd.s32 v24, v36;
	v53 =	vld [tilespmem:s23+$0x40];
	v43 =	vmul.f32 $8.000000000e+00, v43  }
0xc1: {  	v34 =	vbroadcast v42, $0x0;
	v54 =	vadd.s32 v54, v35;
	v55 =	vld [tilespmem:s23+$0x80];
	v45 =	vmul.f32 $8.000000000e+00, v45;
	[tilespmem:v46+s11+$0x0] =	vst.idx.msk $0xffff, v39  }
0xc2: {  	v58 =	vmul.f32 $8.000000000e+00, v47;
	[tilespmem:v62+s11+$0x0] =	vst.idx.msk $0xffff, v43;
	v43 =	vadd.s32 v32, v33;
	v44 =	vld [tilespmem:s23+$0xD0]  }
0xc3: {  	s28 =	simm.s32 $0x8;
	v60 =	vmul.f32 $8.000000000e+00, v49;
	v47 =	vadd.s32 v19, v34;
	[tilespmem:v48+s11+$0x0] =	vst.idx.msk $0xffff, v45;
	v46 =	vld [tilespmem:s23+$0xFFFFFF10]  }
0xc4: {  	v57 =	vmov s28;
	v61 =	vmul.f32 $8.000000000e+00, v51;
	[tilespmem:v50+s11+$0x0] =	vst.idx.msk $0xffff, v58;
	v50 =	vadd.s32 v22, v27;
	v49 =	vld [tilespmem:s23+$0xFFFFFF50]  }
0xc5: {  	v42 =	vshrl.u32 v57, $0x3;
	v56 =	vadd.s32 v17, v6;
	[tilespmem:v52+s11+$0x0] =	vst.idx.msk $0xffff, v60;
	v62 =	vmul.f32 $8.000000000e+00, v53;
	v57 =	vld [tilespmem:s23+$0xFFFFFF90]  }
0xc6: {  	v38 =	vmul.f32 $8.000000000e+00, v55;
	v53 =	vadd.s32 v59, v7;
	[tilespmem:v54+s11+$0x0] =	vst.idx.msk $0xffff, v61;
	v58 =	vld [tilespmem:s23+$0xFFFFFFD0]  }
0xc7: {  	v3 =	vmov v59;
	v55 =	vadd.s32 v21, v37;
	v59 =	vld [tilespmem:s23+$0x10];
	[tilespmem:v43+s11+$0x0] =	vst.idx.msk $0xffff, v62;
	v43 =	vmul.f32 $8.000000000e+00, v44  }
0xc8: {  	[tilespmem:v47+s11+$0x0] =	vst.idx.msk $0xffff, v38;
	v45 =	vmul.f32 $8.000000000e+00, v46;
	v46 =	vadd.s32 v26, v36;
	v60 =	vld [tilespmem:s23+$0x50]  }
0xc9: {  	v61 =	vld [tilespmem:s23+$0x90];
	v39 =	vmul.f32 $8.000000000e+00, v49;
	v49 =	vadd.s32 v30, v35;
	[tilespmem:v50+s11+$0x0] =	vst.idx.msk $0xffff, v43  }
0xca: {  	s26 =	simm.s32 $0xA;
	v62 =	vmul.f32 $8.000000000e+00, v57;
	[tilespmem:v56+s11+$0x0] =	vst.idx.msk $0xffff, v45;
	v45 =	vadd.s32 v41, v33;
	v50 =	vld [tilespmem:s23+$0xE0]  }
0xcb: {  	v51 =	vmov s26;
	[tilespmem:v53+s11+$0x0] =	vst.idx.msk $0xffff, v39;
	v39 =	vmul.f32 $8.000000000e+00, v58;
	v53 =	vadd.s32 v63, v34;
	v56 =	vld [tilespmem:s23+$0xFFFFFF20]  }
0xcc: {  	s28 =	simm.s32 $0xB;
	v43 =	vshll.u32 v42, v1;
	[tilespmem:v55+s11+$0x0] =	vst.idx.msk $0xffff, v62;
	v42 =	vmul.f32 $8.000000000e+00, v59;
	v55 =	vadd.s32 v23, v27;
	v57 =	vld [tilespmem:s23+$0xFFFFFF60]  }
0xcd: {  	s26 =	simm.s32 $0xD;
	v52 =	vmov s28;
	v58 =	vadd.s32 v28, v6;
	v59 =	vld [tilespmem:s23+$0xFFFFFFA0];
	[tilespmem:v46+s11+$0x0] =	vst.idx.msk $0xffff, v39;
	v46 =	vmul.f32 $8.000000000e+00, v60  }
0xce: {  	v20 =	vmovc v24;
	v24 =	vmovc v63;
	v44 =	vmov s26;
	v62 =	vadd.s32 v16, v7;
	v47 =	vmul.f32 $8.000000000e+00, v61;
	[tilespmem:v49+s11+$0x0] =	vst.idx.msk $0xffff, v42;
	v63 =	vld [tilespmem:s23+$0xFFFFFFE0]  }
0xcf: {  	s28 =	simm.s32 $0xE;
	v61 =	vshrl.u32 v44, $0x3;
	v49 =	vadd.s32 v8, v37;
	[tilespmem:v45+s11+$0x0] =	vst.idx.msk $0xffff, v46;
	v44 =	vmul.f32 $8.000000000e+00, v50  }
0xd0: {  	v38 =	vmov s28;
	v39 =	vld [tilespmem:s23+$0x20];
	[tilespmem:v53+s11+$0x0] =	vst.idx.msk $0xffff, v47;
	v50 =	vmul.f32 $8.000000000e+00, v56;
	v56 =	vadd.s32 v10, v36  }
0xd1: {  	v42 =	vshrl.u32 v38, $0x3;
	v38 =	vbroadcast v43, $0x0;
	v40 =	vld [tilespmem:s23+$0x60];
	v43 =	vmul.f32 $8.000000000e+00, v57;
	[tilespmem:v55+s11+$0x0] =	vst.idx.msk $0xffff, v44  }
0xd2: {  	v57 =	vadd.s32 v14, v35;
	v60 =	vld [tilespmem:s23+$0xA0];
	v59 =	vmul.f32 $8.000000000e+00, v59;
	[tilespmem:v58+s11+$0x0] =	vst.idx.msk $0xffff, v50  }
0xd3: {  	[tilespmem:v62+s11+$0x0] =	vst.idx.msk $0xffff, v43;
	v55 =	vld [tilespmem:s23+$0xF0];
	v62 =	vmul.f32 $8.000000000e+00, v63  }
0xd4: {  	v52 =	vshrl.u32 v52, $0x3;
	[tilespmem:v49+s11+$0x0] =	vst.idx.msk $0xffff, v59;
	v50 =	vld [tilespmem:s23+$0xFFFFFF30]  }
0xd5: {  	s24 =	simm.s32 $0x9;
	v45 =	vshll.u32 v52, v1;
	v52 =	vld [tilespmem:s23+$0xFFFFFF70];
	v63 =	vmul.f32 $8.000000000e+00, v39;
	[tilespmem:v56+s11+$0x0] =	vst.idx.msk $0xffff, v62  }
0xd6: {  	v48 =	vmov s24;
	s24 =	simm.s32 $0xC;
	v0 =	vld [tilespmem:$0x1FE40]  }
0xd7: {  	v51 =	vshrl.u32 v51, $0x3;
	v54 =	vmov s24;
	v48 =	vshrl.u32 v48, $0x3;
	v49 =	vld [tilespmem:s23+$0xFFFFFFB0];
	[tilespmem:v57+s11+$0x0] =	vst.idx.msk $0xffff, v63  }
0xd8: {  	v4 =	vmovc v41;
	v41 =	vshrl.u32 v54, $0x3;
	v54 =	vadd.s32 v29, v33;
	v53 =	vadd.s32 v11, v27;
	v27 =	vld [tilespmem:$0x1FE90]  }
0xd9: {  	v47 =	vshll.u32 v48, v1;
	v44 =	vshll.u32 v51, v1;
	v51 =	vadd.s32 v25, v34;
	v56 =	vld [tilespmem:s23+$0xFFFFFFF0]  }
0xda: {  	v46 =	vshll.u32 v41, v1;
	v48 =	vadd.s32 v12, v6;
	v6 =	vmovc v8;
	v43 =	vshll.u32 v61, v1;
	v8 =	vld [tilespmem:$0x1FEF0]  }
0xdb: {  	s22 =	sshll.u32 s21, $0x9;
	s24 =	simm.s32 $0x10;
	s26 =	simm.s32 $0xF;
	v39 =	vmul.f32 $8.000000000e+00, v40;
	v40 =	vmul.f32 $8.000000000e+00, v60;
	v41 =	vadd.s32 v0, v7;
	v7 =	vld [tilespmem:$0x1FF20]  }
.LBB2_3:
0xdc: {  	v57 =	vmov s26;
	v58 =	vld [tilespmem:s23+$0x30]  }
0xdd: {  	v37 =	vadd.s32 v31, v37;
	v36 =	vadd.s32 v27, v36;
	v0 =	vld [tilespmem:$0x1FF90];
	[tilespmem:v54+s11+$0x0] =	vst.idx.msk $0xffff, v39;
	v60 =	vmul.f32 $8.000000000e+00, v55  }
0xde: {  	v35 =	vadd.s32 v5, v35;
	v61 =	vshrl.u32 v57, $0x3;
	[tilespmem:v51+s11+$0x0] =	vst.idx.msk $0xffff, v40;
	v62 =	vld [tilespmem:s23+$0x70];
	v50 =	vmul.f32 $8.000000000e+00, v50  }
0xdf: {  	v39 =	vmov v38;
	v38 =	vshll.u32 v61, v1;
	v63 =	vmul.f32 $8.000000000e+00, v52;
	v52 =	vld [tilespmem:s23+$0xB0];
	s23 =	sadd.s32 $0x200, s23;
	[tilespmem:v53+s11+$0x0] =	vst.idx.msk $0xffff, v60  }
0xe0: {  	v33 =	vadd.s32 v8, v33;
	v40 =	vbroadcast v38, $0x0;
	v54 =	vmul.f32 $8.000000000e+00, v49;
	[tilespmem:v48+s11+$0x0] =	vst.idx.msk $0xffff, v50;
	v53 =	vld [tilespmem:s23+$0xC0]  }
0xe1: {  	v42 =	vshll.u32 v42, v1;
	v34 =	vadd.s32 v7, v34;
	v57 =	vmul.f32 $8.000000000e+00, v56;
	[tilespmem:v41+s11+$0x0] =	vst.idx.msk $0xffff, v63;
	v48 =	vld [tilespmem:s23+$0xFFFFFF00]  }
0xe2: {  	v41 =	vbroadcast v47, $0x0;
	v47 =	vadd.s32 v18, v40;
	[tilespmem:v37+s11+$0x0] =	vst.idx.msk $0xffff, v54;
	v60 =	vmul.f32 $8.000000000e+00, v58;
	v59 =	vld [tilespmem:s23+$0xFFFFFF40]  }
0xe3: {  	v51 =	vadd.s32 v15, v39;
	v37 =	vbroadcast v44, $0x0;
	[tilespmem:v36+s11+$0x0] =	vst.idx.msk $0xffff, v57;
	v61 =	vld [tilespmem:s23+$0xFFFFFF80];
	v62 =	vmul.f32 $8.000000000e+00, v62  }
0xe4: {  	v36 =	vbroadcast v45, $0x0;
	v63 =	vld [tilespmem:s23+$0xFFFFFFC0];
	v49 =	vadd.s32 v9, v41;
	[tilespmem:v35+s11+$0x0] =	vst.idx.msk $0xffff, v60;
	v56 =	vmul.f32 $8.000000000e+00, v52  }
0xe5: {  	v45 =	vadd.s32 v13, v37;
	v35 =	vbroadcast v46, $0x0;
	v52 =	vld [tilespmem:s23+$0x0];
	[tilespmem:v33+s11+$0x0] =	vst.idx.msk $0xffff, v62;
	v57 =	vmul.f32 $8.000000000e+00, v53  }
0xe6: {  	v33 =	vbroadcast v43, $0x0;
	[tilespmem:v34+s11+$0x0] =	vst.idx.msk $0xffff, v56;
	v58 =	vmul.f32 $8.000000000e+00, v48;
	v48 =	vadd.s32 v20, v36;
	v53 =	vld [tilespmem:s23+$0x40]  }
0xe7: {  	v43 =	vadd.s32 v0, v35;
	v34 =	vbroadcast v42, $0x0;
	v59 =	vmul.f32 $8.000000000e+00, v59;
	v50 =	vld [tilespmem:s23+$0x80];
	[tilespmem:v47+s11+$0x0] =	vst.idx.msk $0xffff, v57  }
0xe8: {  	v62 =	vadd.s32 v32, v33;
	v61 =	vmul.f32 $8.000000000e+00, v61;
	[tilespmem:v51+s11+$0x0] =	vst.idx.msk $0xffff, v58;
	v47 =	vld [tilespmem:s23+$0xD0]  }
0xe9: {  	v60 =	vmov s24;
	v63 =	vmul.f32 $8.000000000e+00, v63;
	[tilespmem:v49+s11+$0x0] =	vst.idx.msk $0xffff, v59;
	v49 =	vadd.s32 v19, v34;
	v51 =	vld [tilespmem:s23+$0xFFFFFF10]  }
0xea: {  	v42 =	vshrl.u32 v60, $0x3;
	[tilespmem:v45+s11+$0x0] =	vst.idx.msk $0xffff, v61;
	v60 =	vmul.f32 $8.000000000e+00, v52;
	v45 =	vadd.s32 v22, v40;
	v55 =	vld [tilespmem:s23+$0xFFFFFF50]  }
0xeb: {  	v56 =	vadd.s32 v17, v39;
	v57 =	vld [tilespmem:s23+$0xFFFFFF90];
	[tilespmem:v48+s11+$0x0] =	vst.idx.msk $0xffff, v63;
	v61 =	vmul.f32 $8.000000000e+00, v53  }
0xec: {  	s28 =	sadd.s32 $0x1, s24;
	[tilespmem:v43+s11+$0x0] =	vst.idx.msk $0xffff, v60;
	v53 =	vadd.s32 v3, v41;
	v43 =	vmul.f32 $8.000000000e+00, v50;
	v58 =	vld [tilespmem:s23+$0xFFFFFFD0]  }
0xed: {  	v54 =	vmov s28;
	v50 =	vadd.s32 v21, v37;
	v59 =	vld [tilespmem:s23+$0x10];
	[tilespmem:v62+s11+$0x0] =	vst.idx.msk $0xffff, v61;
	v38 =	vmul.f32 $8.000000000e+00, v47  }
0xee: {  	s28 =	sadd.s32 $0x2, s24;
	v54 =	vshrl.u32 v54, $0x3;
	[tilespmem:v49+s11+$0x0] =	vst.idx.msk $0xffff, v43;
	v47 =	vmul.f32 $8.000000000e+00, v51;
	v51 =	vadd.s32 v26, v36;
	v60 =	vld [tilespmem:s23+$0x50]  }
0xef: {  	v52 =	vmov s28;
	s28 =	sadd.s32 $0x3, s24;
	v49 =	vmul.f32 $8.000000000e+00, v55;
	v55 =	vadd.s32 v30, v35;
	v61 =	vld [tilespmem:s23+$0x90];
	[tilespmem:v45+s11+$0x0] =	vst.idx.msk $0xffff, v38  }
0xf0: {  	v48 =	vmov s28;
	s28 =	sadd.s32 $0x4, s24;
	v62 =	vmul.f32 $8.000000000e+00, v57;
	[tilespmem:v56+s11+$0x0] =	vst.idx.msk $0xffff, v47;
	v45 =	vadd.s32 v4, v33;
	v47 =	vld [tilespmem:s23+$0xE0]  }
0xf1: {  	v44 =	vmov s28;
	[tilespmem:v53+s11+$0x0] =	vst.idx.msk $0xffff, v49;
	v53 =	vadd.s32 v24, v34;
	v56 =	vld [tilespmem:s23+$0xFFFFFF20];
	v63 =	vmul.f32 $8.000000000e+00, v58  }
0xf2: {  	s28 =	sadd.s32 $0x5, s24;
	v38 =	vshll.u32 v42, v1;
	[tilespmem:v50+s11+$0x0] =	vst.idx.msk $0xffff, v62;
	v42 =	vmul.f32 $8.000000000e+00, v59;
	v50 =	vadd.s32 v23, v40;
	v57 =	vld [tilespmem:s23+$0xFFFFFF60]  }
0xf3: {  	v46 =	vmov s28;
	s28 =	sadd.s32 $0x6, s24;
	v58 =	vadd.s32 v28, v39;
	v59 =	vld [tilespmem:s23+$0xFFFFFFA0];
	[tilespmem:v51+s11+$0x0] =	vst.idx.msk $0xffff, v63;
	v49 =	vmul.f32 $8.000000000e+00, v60  }
0xf4: {  	v43 =	vmov s28;
	v60 =	vshrl.u32 v44, $0x3;
	[tilespmem:v55+s11+$0x0] =	vst.idx.msk $0xffff, v42;
	v44 =	vmul.f32 $8.000000000e+00, v61;
	v62 =	vld [tilespmem:s23+$0xFFFFFFE0]  }
0xf5: {  	v51 =	vadd.s32 v16, v41;
	v61 =	vshrl.u32 v46, $0x3;
	v63 =	vld [tilespmem:s23+$0x20];
	[tilespmem:v45+s11+$0x0] =	vst.idx.msk $0xffff, v49;
	v45 =	vmul.f32 $8.000000000e+00, v47  }
0xf6: {  	v46 =	vadd.s32 v6, v37;
	v42 =	vshrl.u32 v43, $0x3;
	[tilespmem:v53+s11+$0x0] =	vst.idx.msk $0xffff, v44;
	v43 =	vmul.f32 $8.000000000e+00, v56;
	v0 =	vld [tilespmem:s23+$0x60]  }
0xf7: {  	v52 =	vshrl.u32 v52, $0x3;
	v48 =	vshrl.u32 v48, $0x3;
	v56 =	vadd.s32 v10, v36;
	v2 =	vld [tilespmem:s23+$0xA0];
	[tilespmem:v50+s11+$0x0] =	vst.idx.msk $0xffff, v45  }
0xf8: {  	p1 =	slt.u32 s24, $0x78;
	v44 =	vshll.u32 v52, v1;
	v49 =	vmul.f32 $8.000000000e+00, v57;
	v57 =	vadd.s32 v14, v35;
	[tilespmem:v58+s11+$0x0] =	vst.idx.msk $0xffff, v43;
	v58 =	vld [tilespmem:$0x1FE40]  }
.Ltmp2:
0xf9: {  	v53 =	vadd.s32 v11, v40;
	v47 =	vshll.u32 v54, v1;
	v43 =	vmul.f32 $8.000000000e+00, v59;
	v55 =	vld [tilespmem:s23+$0xF0];
	(pc) =	sbr.rel @p1 .LBB2_3-.Ltmp2, $4  }
0xfa: {  	v54 =	vadd.s32 v29, v33;
	[tilespmem:v51+s11+$0x0] =	vst.idx.msk $0xffff, v49;
	v51 =	vadd.s32 v25, v34;
	v50 =	vld [tilespmem:s23+$0xFFFFFF30];
	v62 =	vmul.f32 $8.000000000e+00, v62  }
0xfb: {  	v45 =	vshll.u32 v48, v1;
	v48 =	vadd.s32 v12, v39;
	v52 =	vld [tilespmem:s23+$0xFFFFFF70];
	v63 =	vmul.f32 $8.000000000e+00, v63;
	[tilespmem:v46+s11+$0x0] =	vst.idx.msk $0xffff, v43  }
0xfc: {  	v38 =	vbroadcast v38, $0x0;
	v46 =	vshll.u32 v60, v1;
	v43 =	vshll.u32 v61, v1;
	v49 =	vld [tilespmem:s23+$0xFFFFFFB0];
	[tilespmem:v56+s11+$0x0] =	vst.idx.msk $0xffff, v62  }
0xfd: {  	s26 =	sadd.s32 $0x7, s24;
	s24 =	sadd.s32 $0x8, s24;
	v39 =	vmul.f32 $8.000000000e+00, v0;
	[tilespmem:v57+s11+$0x0] =	vst.idx.msk $0xffff, v63;
	v40 =	vmul.f32 $8.000000000e+00, v2;
	v56 =	vld [tilespmem:s23+$0xFFFFFFF0];
	v41 =	vadd.s32 v58, v41  }
0xfe: {  	_ =	sdelay $0x3  }
0xff: {  	v2 =	vadd.s32 v31, v37;
	v63 =	vld [tilespmem:s23+$0x30];
	v57 =	vmul.f32 $8.000000000e+00, v55;
	[tilespmem:v54+s11+$0x0] =	vst.idx.msk $0xffff, v39  }
0x100: {  	v36 =	vadd.s32 v27, v36;
	v50 =	vmul.f32 $8.000000000e+00, v50;
	[tilespmem:v51+s11+$0x0] =	vst.idx.msk $0xffff, v40;
	v54 =	vld [tilespmem:s23+$0x70]  }
0x101: {  	v35 =	vadd.s32 v5, v35;
	v59 =	vmul.f32 $8.000000000e+00, v52;
	v51 =	vld [tilespmem:s23+$0xB0];
	[tilespmem:v53+s11+$0x0] =	vst.idx.msk $0xffff, v57  }
0x102: {  	v33 =	vadd.s32 v8, v33;
	[tilespmem:v48+s11+$0x0] =	vst.idx.msk $0xffff, v50;
	v60 =	vmul.f32 $8.000000000e+00, v49  }
0x103: {  	v34 =	vadd.s32 v7, v34;
	[tilespmem:v41+s11+$0x0] =	vst.idx.msk $0xffff, v59;
	v61 =	vmul.f32 $8.000000000e+00, v56  }
0x104: {  	v0 =	vmov s26;
	[tilespmem:v2+s11+$0x0] =	vst.idx.msk $0xffff, v60;
	v2 =	vmul.f32 $8.000000000e+00, v63  }
0x105: {  	s24 =	sadd.s32 $0x200, s23;
	v0 =	vshrl.u32 v0, $0x3;
	[tilespmem:v36+s11+$0x0] =	vst.idx.msk $0xffff, v61;
	v62 =	vmul.f32 $8.000000000e+00, v54  }
0x106: {  	v39 =	vld [tilespmem:s24+$0xC0];
	v0 =	vshll.u32 v0, v1;
	[tilespmem:v35+s11+$0x0] =	vst.idx.msk $0xffff, v2;
	v2 =	vmul.f32 $8.000000000e+00, v51  }
0x107: {  	v0 =	vbroadcast v0, $0x0;
	v49 =	vld [tilespmem:s24+$0xFFFFFF00];
	[tilespmem:v33+s11+$0x0] =	vst.idx.msk $0xffff, v62  }
0x108: {  	v41 =	vld [tilespmem:s24+$0xFFFFFF40];
	[tilespmem:v34+s11+$0x0] =	vst.idx.msk $0xffff, v2  }
0x109: {  	v47 =	vbroadcast v47, $0x0;
	v50 =	vadd.s32 v18, v0;
	v57 =	vld [tilespmem:$0x1FF90]  }
0x10a: {  	v37 =	vadd.s32 v15, v38;
	v44 =	vbroadcast v44, $0x0;
	v48 =	vld [tilespmem:s24+$0xFFFFFF80]  }
0x10b: {  	v42 =	vshll.u32 v42, v1;
	v45 =	vbroadcast v45, $0x0;
	v40 =	vadd.s32 v9, v47;
	v63 =	vld [tilespmem:s24+$0xFFFFFFC0]  }
0x10c: {  	v46 =	vbroadcast v46, $0x0;
	v55 =	vadd.s32 v13, v44;
	v60 =	vld [tilespmem:s24+$0x0];
	v39 =	vmul.f32 $8.000000000e+00, v39  }
0x10d: {  	v43 =	vbroadcast v43, $0x0;
	v36 =	vadd.s32 v20, v45;
	v61 =	vmul.f32 $8.000000000e+00, v49;
	v49 =	vld [tilespmem:s24+$0x40]  }
0x10e: {  	v42 =	vbroadcast v42, $0x0;
	v2 =	vmul.f32 $8.000000000e+00, v41;
	v41 =	vld [tilespmem:s24+$0x80];
	[tilespmem:v50+s11+$0x0] =	vst.idx.msk $0xffff, v39;
	v34 =	vadd.s32 v57, v46  }
0x10f: {  	v62 =	vmul.f32 $8.000000000e+00, v48;
	[tilespmem:v37+s11+$0x0] =	vst.idx.msk $0xffff, v61;
	v37 =	vadd.s32 v32, v43;
	v39 =	vld [tilespmem:s24+$0xD0]  }
0x110: {  	v48 =	vld [tilespmem:s24+$0xFFFFFF10];
	[tilespmem:v40+s11+$0x0] =	vst.idx.msk $0xffff, v2;
	v2 =	vmul.f32 $8.000000000e+00, v63;
	v40 =	vadd.s32 v19, v42  }
0x111: {  	[tilespmem:v55+s11+$0x0] =	vst.idx.msk $0xffff, v62;
	v63 =	vmul.f32 $8.000000000e+00, v60;
	v60 =	vadd.s32 v22, v0;
	v50 =	vld [tilespmem:s24+$0xFFFFFF50]  }
0x112: {  	v61 =	vadd.s32 v17, v38;
	v62 =	vld [tilespmem:s24+$0xFFFFFF90];
	[tilespmem:v36+s11+$0x0] =	vst.idx.msk $0xffff, v2;
	v2 =	vmul.f32 $8.000000000e+00, v49  }
0x113: {  	v36 =	vadd.s32 v3, v47;
	v59 =	vld [tilespmem:s24+$0xFFFFFFD0];
	[tilespmem:v34+s11+$0x0] =	vst.idx.msk $0xffff, v63;
	v63 =	vmul.f32 $8.000000000e+00, v41  }
0x114: {  	[tilespmem:v37+s11+$0x0] =	vst.idx.msk $0xffff, v2;
	v2 =	vmul.f32 $8.000000000e+00, v39;
	v34 =	vadd.s32 v21, v44;
	v41 =	vld [tilespmem:s24+$0x10]  }
0x115: {  	v54 =	vmul.f32 $8.000000000e+00, v48;
	v39 =	vadd.s32 v26, v45;
	v48 =	vld [tilespmem:s24+$0x50];
	[tilespmem:v40+s11+$0x0] =	vst.idx.msk $0xffff, v63  }
0x116: {  	v55 =	vmul.f32 $8.000000000e+00, v50;
	[tilespmem:v60+s11+$0x0] =	vst.idx.msk $0xffff, v2;
	v40 =	vadd.s32 v30, v46;
	v50 =	vld [tilespmem:s24+$0x90]  }
0x117: {  	v35 =	vadd.s32 v4, v43;
	[tilespmem:v61+s11+$0x0] =	vst.idx.msk $0xffff, v54;
	v2 =	vmul.f32 $8.000000000e+00, v62;
	v37 =	vld [tilespmem:s24+$0xE0]  }
0x118: {  	v51 =	vld [tilespmem:s24+$0xFFFFFF20];
	[tilespmem:v36+s11+$0x0] =	vst.idx.msk $0xffff, v55;
	v59 =	vmul.f32 $8.000000000e+00, v59;
	v36 =	vadd.s32 v24, v42  }
0x119: {  	v49 =	vld [tilespmem:s24+$0xFFFFFF60];
	[tilespmem:v34+s11+$0x0] =	vst.idx.msk $0xffff, v2;
	v34 =	vadd.s32 v23, v0;
	v2 =	vmul.f32 $8.000000000e+00, v41  }
0x11a: {  	[tilespmem:v39+s11+$0x0] =	vst.idx.msk $0xffff, v59;
	v63 =	vmul.f32 $8.000000000e+00, v48;
	v41 =	vadd.s32 v28, v38;
	v52 =	vld [tilespmem:s24+$0xFFFFFFA0]  }
0x11b: {  	v39 =	vadd.s32 v16, v47;
	v48 =	vld [tilespmem:s24+$0xFFFFFFE0];
	[tilespmem:v40+s11+$0x0] =	vst.idx.msk $0xffff, v2;
	v2 =	vmul.f32 $8.000000000e+00, v50  }
0x11c: {  	[tilespmem:v35+s11+$0x0] =	vst.idx.msk $0xffff, v63;
	v54 =	vmul.f32 $8.000000000e+00, v37;
	v40 =	vadd.s32 v6, v44;
	v50 =	vld [tilespmem:s24+$0x20]  }
0x11d: {  	v55 =	vmul.f32 $8.000000000e+00, v51;
	v37 =	vadd.s32 v10, v45;
	v59 =	vld [tilespmem:s24+$0x60];
	[tilespmem:v36+s11+$0x0] =	vst.idx.msk $0xffff, v2  }
0x11e: {  	v2 =	vmul.f32 $8.000000000e+00, v49;
	v36 =	vadd.s32 v14, v46;
	[tilespmem:v34+s11+$0x0] =	vst.idx.msk $0xffff, v54;
	v61 =	vld [tilespmem:s24+$0xA0]  }
0x11f: {  	v34 =	vadd.s32 v29, v43;
	[tilespmem:v41+s11+$0x0] =	vst.idx.msk $0xffff, v55;
	v63 =	vmul.f32 $8.000000000e+00, v52;
	v52 =	vld [tilespmem:s24+$0xF0]  }
0x120: {  	v41 =	vld [tilespmem:s24+$0xFFFFFF30];
	[tilespmem:v39+s11+$0x0] =	vst.idx.msk $0xffff, v2;
	v2 =	vmul.f32 $8.000000000e+00, v48;
	v39 =	vadd.s32 v25, v42  }
0x121: {  	v0 =	vadd.s32 v11, v0;
	v54 =	vld [tilespmem:s24+$0xFFFFFF70];
	[tilespmem:v40+s11+$0x0] =	vst.idx.msk $0xffff, v63;
	v55 =	vmul.f32 $8.000000000e+00, v50  }
0x122: {  	v38 =	vadd.s32 v12, v38;
	v40 =	vld [tilespmem:s24+$0xFFFFFFB0];
	[tilespmem:v37+s11+$0x0] =	vst.idx.msk $0xffff, v2;
	v2 =	vmul.f32 $8.000000000e+00, v59  }
0x123: {  	v37 =	vadd.s32 v58, v47;
	v59 =	vld [tilespmem:s24+$0xFFFFFFF0];
	[tilespmem:v36+s11+$0x0] =	vst.idx.msk $0xffff, v55;
	v61 =	vmul.f32 $8.000000000e+00, v61  }
0x124: {  	v63 =	vadd.s32 v31, v44;
	[tilespmem:v34+s11+$0x0] =	vst.idx.msk $0xffff, v2;
	v2 =	vmul.f32 $8.000000000e+00, v52;
	v49 =	vld [tilespmem:s24+$0x30]  }
0x125: {  	v51 =	vadd.s32 v27, v45;
	v50 =	vmul.f32 $8.000000000e+00, v41;
	v52 =	vld [tilespmem:s24+$0x70];
	[tilespmem:v39+s11+$0x0] =	vst.idx.msk $0xffff, v61  }
0x126: {  	v55 =	vadd.s32 v5, v46;
	v54 =	vmul.f32 $8.000000000e+00, v54;
	[tilespmem:v0+s11+$0x0] =	vst.idx.msk $0xffff, v2;
	v58 =	vld [tilespmem:s24+$0xB0]  }
0x127: {  	v2 =	vadd.s32 v8, v43;
	[tilespmem:v38+s11+$0x0] =	vst.idx.msk $0xffff, v50;
	v0 =	vmul.f32 $8.000000000e+00, v40  }
0x128: {  	v61 =	vadd.s32 v7, v42;
	[tilespmem:v37+s11+$0x0] =	vst.idx.msk $0xffff, v54;
	v59 =	vmul.f32 $8.000000000e+00, v59  }
0x129: {  	[tilespmem:v63+s11+$0x0] =	vst.idx.msk $0xffff, v0;
	v0 =	vmul.f32 $8.000000000e+00, v49  }
0x12a: {  	s26 =	sshll.u32 s21, $0x14;
	[tilespmem:v51+s11+$0x0] =	vst.idx.msk $0xffff, v59;
	v63 =	vmul.f32 $8.000000000e+00, v52  }
0x12b: {  	s23 =	sor.u32 s29, s26;
	[tilespmem:v55+s11+$0x0] =	vst.idx.msk $0xffff, v0;
	v0 =	vmul.f32 $8.000000000e+00, v58  }
0x12c: {  	s23 =	sshrl.u32 s23, $0x3;
	s24 =	rddreg [dreg:$0x2];
	[tilespmem:v2+s11+$0x0] =	vst.idx.msk $0xffff, v63  }
0x12d: {  	s24 =	sadd.s32 s24, s23;
	[tilespmem:v61+s11+$0x0] =	vst.idx.msk $0xffff, v0  }
0x12e: {  	[hbm4b:s24+s3] =	stream.linear.scatter [tilespmem:s11], [sflag:$0x5], $0x80, $0x38;
	[tilespmem:$0x16C00] =	vst v63  }
0x12f: {  	s28 =	simm.s32 $0xE488;
	s26 =	sadd.s32 $0x10, s24  }
0x130: {  	[hbm4b:s26+s3] =	stream.linear.scatter [tilespmem:s28], [sflag:$0x5], $0x80, $0x38;
	[tilespmem:$0x16C00] =	vst v63  }
0x131: {  	s26 =	sadd.s32 $0x20, s24;
	s28 =	simm.s32 $0xE510  }
0x132: {  	[hbm4b:s26+s3] =	stream.linear.scatter [tilespmem:s28], [sflag:$0x5], $0x80, $0x38;
	[tilespmem:$0x16C00] =	vst v63  }
0x133: {  	s26 =	sadd.s32 $0x30, s24;
	s28 =	simm.s32 $0xE598  }
0x134: {  	[hbm4b:s26+s3] =	stream.linear.scatter [tilespmem:s28], [sflag:$0x5], $0x80, $0x38;
	[tilespmem:$0x16C00] =	vst v63  }
0x135: {  	s26 =	sadd.s32 $0x40, s24;
	s28 =	simm.s32 $0xE620  }
0x136: {  	[hbm4b:s26+s3] =	stream.linear.scatter [tilespmem:s28], [sflag:$0x5], $0x80, $0x38;
	[tilespmem:$0x16C00] =	vst v63  }
0x137: {  	s26 =	sadd.s32 $0x50, s24;
	s28 =	simm.s32 $0xE6A8  }
0x138: {  	[hbm4b:s26+s3] =	stream.linear.scatter [tilespmem:s28], [sflag:$0x5], $0x80, $0x38;
	[tilespmem:$0x16C00] =	vst v63  }
0x139: {  	s26 =	sadd.s32 $0x60, s24;
	s28 =	simm.s32 $0xE730  }
0x13a: {  	[hbm4b:s26+s3] =	stream.linear.scatter [tilespmem:s28], [sflag:$0x5], $0x80, $0x38;
	[tilespmem:$0x16C00] =	vst v63  }
0x13b: {  	s24 =	sadd.s32 $0x70, s24;
	s28 =	simm.s32 $0xE7B8;
	s26 =	rddreg [dreg:$0x5]  }
0x13c: {  	[hbm4b:s24+s3] =	stream.linear.scatter [tilespmem:s28], [sflag:$0x5], $0x80, $0x38;
	[tilespmem:$0x16C00] =	vst v63  }
0x13d: {  	s24 =	sadd.s32 s23, s26;
	s28 =	simm.s32 $0xE840  }
0x13e: {  	[hbm4b:s24+s3] =	stream.linear.scatter [tilespmem:s28], [sflag:$0x5], $0x80, $0x38;
	[tilespmem:$0x16C00] =	vst v63  }
0x13f: {  	s26 =	sadd.s32 $0x10, s24;
	s28 =	simm.s32 $0xE8C8  }
0x140: {  	[hbm4b:s26+s3] =	stream.linear.scatter [tilespmem:s28], [sflag:$0x5], $0x80, $0x38;
	[tilespmem:$0x16C00] =	vst v63  }
0x141: {  	s26 =	sadd.s32 $0x20, s24;
	s28 =	simm.s32 $0xE950  }
0x142: {  	[hbm4b:s26+s3] =	stream.linear.scatter [tilespmem:s28], [sflag:$0x5], $0x80, $0x38;
	[tilespmem:$0x16C00] =	vst v63  }
0x143: {  	s26 =	sadd.s32 $0x30, s24;
	s28 =	simm.s32 $0xE9D8  }
0x144: {  	[hbm4b:s26+s3] =	stream.linear.scatter [tilespmem:s28], [sflag:$0x5], $0x80, $0x38;
	[tilespmem:$0x16C00] =	vst v63  }
0x145: {  	s26 =	sadd.s32 $0x40, s24;
	s28 =	simm.s32 $0xEA60  }
0x146: {  	[hbm4b:s26+s3] =	stream.linear.scatter [tilespmem:s28], [sflag:$0x5], $0x80, $0x38;
	[tilespmem:$0x16C00] =	vst v63  }
0x147: {  	s26 =	sadd.s32 $0x50, s24;
	s28 =	simm.s32 $0xEAE8  }
0x148: {  	[hbm4b:s26+s3] =	stream.linear.scatter [tilespmem:s28], [sflag:$0x5], $0x80, $0x38;
	[tilespmem:$0x16C00] =	vst v63  }
0x149: {  	s26 =	sadd.s32 $0x60, s24;
	s28 =	simm.s32 $0xEB70  }
0x14a: {  	[hbm4b:s26+s3] =	stream.linear.scatter [tilespmem:s28], [sflag:$0x5], $0x80, $0x38;
	[tilespmem:$0x16C00] =	vst v63  }
0x14b: {  	s24 =	sadd.s32 $0x70, s24;
	s28 =	simm.s32 $0xEBF8;
	s26 =	rddreg [dreg:$0x6]  }
0x14c: {  	[hbm4b:s24+s3] =	stream.linear.scatter [tilespmem:s28], [sflag:$0x5], $0x80, $0x38;
	[tilespmem:$0x16C00] =	vst v63  }
0x14d: {  	s24 =	sadd.s32 s23, s26;
	s28 =	simm.s32 $0xEC80  }
0x14e: {  	[hbm4b:s24+s3] =	stream.linear.scatter [tilespmem:s28], [sflag:$0x5], $0x80, $0x38;
	[tilespmem:$0x16C00] =	vst v63  }
0x14f: {  	s26 =	sadd.s32 $0x10, s24;
	s28 =	simm.s32 $0xED08  }
0x150: {  	[hbm4b:s26+s3] =	stream.linear.scatter [tilespmem:s28], [sflag:$0x5], $0x80, $0x38;
	[tilespmem:$0x16C00] =	vst v63  }
0x151: {  	s26 =	sadd.s32 $0x20, s24;
	s28 =	simm.s32 $0xED90  }
0x152: {  	[hbm4b:s26+s3] =	stream.linear.scatter [tilespmem:s28], [sflag:$0x5], $0x80, $0x38;
	[tilespmem:$0x16C00] =	vst v63  }
0x153: {  	s26 =	sadd.s32 $0x30, s24;
	s28 =	simm.s32 $0xEE18  }
0x154: {  	[hbm4b:s26+s3] =	stream.linear.scatter [tilespmem:s28], [sflag:$0x5], $0x80, $0x38;
	[tilespmem:$0x16C00] =	vst v63  }
0x155: {  	s26 =	sadd.s32 $0x40, s24;
	s28 =	simm.s32 $0xEEA0  }
0x156: {  	[hbm4b:s26+s3] =	stream.linear.scatter [tilespmem:s28], [sflag:$0x5], $0x80, $0x38;
	[tilespmem:$0x16C00] =	vst v63  }
0x157: {  	s26 =	sadd.s32 $0x50, s24;
	s28 =	simm.s32 $0xEF28  }
0x158: {  	[hbm4b:s26+s3] =	stream.linear.scatter [tilespmem:s28], [sflag:$0x5], $0x80, $0x38;
	[tilespmem:$0x16C00] =	vst v63  }
0x159: {  	s26 =	sadd.s32 $0x60, s24;
	s28 =	simm.s32 $0xEFB0  }
0x15a: {  	[hbm4b:s26+s3] =	stream.linear.scatter [tilespmem:s28], [sflag:$0x5], $0x80, $0x38;
	[tilespmem:$0x16C00] =	vst v63  }
0x15b: {  	s24 =	sadd.s32 $0x70, s24;
	s28 =	simm.s32 $0xF038;
	s26 =	rddreg [dreg:$0x7]  }
0x15c: {  	[hbm4b:s24+s3] =	stream.linear.scatter [tilespmem:s28], [sflag:$0x5], $0x80, $0x38;
	[tilespmem:$0x16C00] =	vst v63  }
0x15d: {  	s24 =	sadd.s32 s23, s26;
	s28 =	simm.s32 $0xF0C0  }
0x15e: {  	[hbm4b:s24+s3] =	stream.linear.scatter [tilespmem:s28], [sflag:$0x5], $0x80, $0x38;
	[tilespmem:$0x16C00] =	vst v63  }
0x15f: {  	s26 =	sadd.s32 $0x10, s24;
	s28 =	simm.s32 $0xF148  }
0x160: {  	[hbm4b:s26+s3] =	stream.linear.scatter [tilespmem:s28], [sflag:$0x5], $0x80, $0x38;
	[tilespmem:$0x16C00] =	vst v63  }
0x161: {  	s26 =	sadd.s32 $0x20, s24;
	s28 =	simm.s32 $0xF1D0  }
0x162: {  	[hbm4b:s26+s3] =	stream.linear.scatter [tilespmem:s28], [sflag:$0x5], $0x80, $0x38;
	[tilespmem:$0x16C00] =	vst v63  }
0x163: {  	s26 =	sadd.s32 $0x30, s24;
	s28 =	simm.s32 $0xF258  }
0x164: {  	[hbm4b:s26+s3] =	stream.linear.scatter [tilespmem:s28], [sflag:$0x5], $0x80, $0x38;
	[tilespmem:$0x16C00] =	vst v63  }
0x165: {  	s26 =	sadd.s32 $0x40, s24;
	s28 =	simm.s32 $0xF2E0  }
0x166: {  	[hbm4b:s26+s3] =	stream.linear.scatter [tilespmem:s28], [sflag:$0x5], $0x80, $0x38;
	[tilespmem:$0x16C00] =	vst v63  }
0x167: {  	s26 =	sadd.s32 $0x50, s24;
	s28 =	simm.s32 $0xF368  }
0x168: {  	[hbm4b:s26+s3] =	stream.linear.scatter [tilespmem:s28], [sflag:$0x5], $0x80, $0x38;
	[tilespmem:$0x16C00] =	vst v63  }
0x169: {  	s26 =	sadd.s32 $0x60, s24;
	s28 =	simm.s32 $0xF3F0  }
0x16a: {  	[hbm4b:s26+s3] =	stream.linear.scatter [tilespmem:s28], [sflag:$0x5], $0x80, $0x38;
	[tilespmem:$0x16C00] =	vst v63  }
0x16b: {  	s24 =	sadd.s32 $0x70, s24;
	s28 =	simm.s32 $0xF478;
	s26 =	rddreg [dreg:$0x8]  }
0x16c: {  	[hbm4b:s24+s3] =	stream.linear.scatter [tilespmem:s28], [sflag:$0x5], $0x80, $0x38;
	[tilespmem:$0x16C00] =	vst v63  }
0x16d: {  	s24 =	sadd.s32 s23, s26;
	s28 =	simm.s32 $0xF500  }
0x16e: {  	[hbm4b:s24+s3] =	stream.linear.scatter [tilespmem:s28], [sflag:$0x5], $0x80, $0x38;
	[tilespmem:$0x16C00] =	vst v63  }
0x16f: {  	s26 =	sadd.s32 $0x10, s24;
	s28 =	simm.s32 $0xF588  }
0x170: {  	[hbm4b:s26+s3] =	stream.linear.scatter [tilespmem:s28], [sflag:$0x5], $0x80, $0x38;
	[tilespmem:$0x16C00] =	vst v63  }
0x171: {  	s26 =	sadd.s32 $0x20, s24;
	s28 =	simm.s32 $0xF610  }
0x172: {  	[hbm4b:s26+s3] =	stream.linear.scatter [tilespmem:s28], [sflag:$0x5], $0x80, $0x38;
	[tilespmem:$0x16C00] =	vst v63  }
0x173: {  	s26 =	sadd.s32 $0x30, s24;
	s28 =	simm.s32 $0xF698  }
0x174: {  	[hbm4b:s26+s3] =	stream.linear.scatter [tilespmem:s28], [sflag:$0x5], $0x80, $0x38;
	[tilespmem:$0x16C00] =	vst v63  }
0x175: {  	s26 =	sadd.s32 $0x40, s24;
	s28 =	simm.s32 $0xF720  }
0x176: {  	[hbm4b:s26+s3] =	stream.linear.scatter [tilespmem:s28], [sflag:$0x5], $0x80, $0x38;
	[tilespmem:$0x16C00] =	vst v63  }
0x177: {  	s26 =	sadd.s32 $0x50, s24;
	s28 =	simm.s32 $0xF7A8  }
0x178: {  	[hbm4b:s26+s3] =	stream.linear.scatter [tilespmem:s28], [sflag:$0x5], $0x80, $0x38;
	[tilespmem:$0x16C00] =	vst v63  }
0x179: {  	s26 =	sadd.s32 $0x60, s24;
	s28 =	simm.s32 $0xF830  }
0x17a: {  	[hbm4b:s26+s3] =	stream.linear.scatter [tilespmem:s28], [sflag:$0x5], $0x80, $0x38;
	[tilespmem:$0x16C00] =	vst v63  }
0x17b: {  	s24 =	sadd.s32 $0x70, s24;
	s28 =	simm.s32 $0xF8B8;
	s26 =	rddreg [dreg:$0x9]  }
0x17c: {  	[hbm4b:s24+s3] =	stream.linear.scatter [tilespmem:s28], [sflag:$0x5], $0x80, $0x38;
	[tilespmem:$0x16C00] =	vst v63  }
0x17d: {  	s24 =	sadd.s32 s23, s26;
	s28 =	simm.s32 $0xF940  }
0x17e: {  	[hbm4b:s24+s3] =	stream.linear.scatter [tilespmem:s28], [sflag:$0x5], $0x80, $0x38;
	[tilespmem:$0x16C00] =	vst v63  }
0x17f: {  	s26 =	sadd.s32 $0x10, s24;
	s28 =	simm.s32 $0xF9C8  }
0x180: {  	[hbm4b:s26+s3] =	stream.linear.scatter [tilespmem:s28], [sflag:$0x5], $0x80, $0x38;
	[tilespmem:$0x16C00] =	vst v63  }
0x181: {  	s26 =	sadd.s32 $0x20, s24;
	s28 =	simm.s32 $0xFA50  }
0x182: {  	[hbm4b:s26+s3] =	stream.linear.scatter [tilespmem:s28], [sflag:$0x5], $0x80, $0x38;
	[tilespmem:$0x16C00] =	vst v63  }
0x183: {  	s26 =	sadd.s32 $0x30, s24;
	s28 =	simm.s32 $0xFAD8  }
0x184: {  	[hbm4b:s26+s3] =	stream.linear.scatter [tilespmem:s28], [sflag:$0x5], $0x80, $0x38;
	[tilespmem:$0x16C00] =	vst v63  }
0x185: {  	s26 =	sadd.s32 $0x40, s24;
	s28 =	simm.s32 $0xFB60  }
0x186: {  	[hbm4b:s26+s3] =	stream.linear.scatter [tilespmem:s28], [sflag:$0x5], $0x80, $0x38;
	[tilespmem:$0x16C00] =	vst v63  }
0x187: {  	s26 =	sadd.s32 $0x50, s24;
	s28 =	simm.s32 $0xFBE8  }
0x188: {  	[hbm4b:s26+s3] =	stream.linear.scatter [tilespmem:s28], [sflag:$0x5], $0x80, $0x38;
	[tilespmem:$0x16C00] =	vst v63  }
0x189: {  	s26 =	sadd.s32 $0x60, s24;
	s28 =	simm.s32 $0xFC70  }
0x18a: {  	[hbm4b:s26+s3] =	stream.linear.scatter [tilespmem:s28], [sflag:$0x5], $0x80, $0x38;
	[tilespmem:$0x16C00] =	vst v63  }
0x18b: {  	s24 =	sadd.s32 $0x70, s24;
	s28 =	simm.s32 $0xFCF8;
	s26 =	rddreg [dreg:$0xa]  }
0x18c: {  	[hbm4b:s24+s3] =	stream.linear.scatter [tilespmem:s28], [sflag:$0x5], $0x80, $0x38;
	[tilespmem:$0x16C00] =	vst v63  }
0x18d: {  	s24 =	sadd.s32 s23, s26;
	s28 =	simm.s32 $0xFD80  }
0x18e: {  	[hbm4b:s24+s3] =	stream.linear.scatter [tilespmem:s28], [sflag:$0x5], $0x80, $0x38;
	[tilespmem:$0x16C00] =	vst v63  }
0x18f: {  	s26 =	sadd.s32 $0x10, s24;
	s28 =	simm.s32 $0xFE08  }
0x190: {  	[hbm4b:s26+s3] =	stream.linear.scatter [tilespmem:s28], [sflag:$0x5], $0x80, $0x38;
	[tilespmem:$0x16C00] =	vst v63  }
0x191: {  	s26 =	sadd.s32 $0x20, s24;
	s28 =	simm.s32 $0xFE90  }
0x192: {  	[hbm4b:s26+s3] =	stream.linear.scatter [tilespmem:s28], [sflag:$0x5], $0x80, $0x38;
	[tilespmem:$0x16C00] =	vst v63  }
0x193: {  	s26 =	sadd.s32 $0x30, s24;
	s28 =	simm.s32 $0xFF18  }
0x194: {  	[hbm4b:s26+s3] =	stream.linear.scatter [tilespmem:s28], [sflag:$0x5], $0x80, $0x38;
	[tilespmem:$0x16C00] =	vst v63  }
0x195: {  	s26 =	sadd.s32 $0x40, s24;
	s28 =	simm.s32 $0xFFA0  }
0x196: {  	[hbm4b:s26+s3] =	stream.linear.scatter [tilespmem:s28], [sflag:$0x5], $0x80, $0x38;
	[tilespmem:$0x16C00] =	vst v63  }
0x197: {  	s26 =	sadd.s32 $0x50, s24;
	s28 =	simm.s32 $0x10028  }
0x198: {  	[hbm4b:s26+s3] =	stream.linear.scatter [tilespmem:s28], [sflag:$0x5], $0x80, $0x38;
	[tilespmem:$0x16C00] =	vst v63  }
0x199: {  	s26 =	sadd.s32 $0x60, s24;
	s28 =	simm.s32 $0x100B0  }
0x19a: {  	[hbm4b:s26+s3] =	stream.linear.scatter [tilespmem:s28], [sflag:$0x5], $0x80, $0x38;
	[tilespmem:$0x16C00] =	vst v63  }
0x19b: {  	s24 =	sadd.s32 $0x70, s24;
	s28 =	simm.s32 $0x10138;
	s26 =	rddreg [dreg:$0xb]  }
0x19c: {  	[hbm4b:s24+s3] =	stream.linear.scatter [tilespmem:s28], [sflag:$0x5], $0x80, $0x38;
	[tilespmem:$0x16C00] =	vst v63  }
0x19d: {  	s24 =	sadd.s32 s23, s26;
	s28 =	simm.s32 $0x101C0  }
0x19e: {  	[hbm4b:s24+s3] =	stream.linear.scatter [tilespmem:s28], [sflag:$0x5], $0x80, $0x38;
	[tilespmem:$0x16C00] =	vst v63  }
0x19f: {  	s26 =	sadd.s32 $0x10, s24;
	s28 =	simm.s32 $0x10248  }
0x1a0: {  	[hbm4b:s26+s3] =	stream.linear.scatter [tilespmem:s28], [sflag:$0x5], $0x80, $0x38;
	[tilespmem:$0x16C00] =	vst v63  }
0x1a1: {  	s26 =	sadd.s32 $0x20, s24;
	s28 =	simm.s32 $0x102D0  }
0x1a2: {  	[hbm4b:s26+s3] =	stream.linear.scatter [tilespmem:s28], [sflag:$0x5], $0x80, $0x38;
	[tilespmem:$0x16C00] =	vst v63  }
0x1a3: {  	s26 =	sadd.s32 $0x30, s24;
	s28 =	simm.s32 $0x10358  }
0x1a4: {  	[hbm4b:s26+s3] =	stream.linear.scatter [tilespmem:s28], [sflag:$0x5], $0x80, $0x38;
	[tilespmem:$0x16C00] =	vst v63  }
0x1a5: {  	s26 =	sadd.s32 $0x40, s24;
	s28 =	simm.s32 $0x103E0  }
0x1a6: {  	[hbm4b:s26+s3] =	stream.linear.scatter [tilespmem:s28], [sflag:$0x5], $0x80, $0x38;
	[tilespmem:$0x16C00] =	vst v63  }
0x1a7: {  	p1 =	sne.s32 s21, $0x31;
	s26 =	sadd.s32 $0x50, s24;
	s28 =	simm.s32 $0x10468  }
0x1a8: {  	[hbm4b:s26+s3] =	stream.linear.scatter [tilespmem:s28], [sflag:$0x5], $0x80, $0x38;
	[tilespmem:$0x16C00] =	vst v63  }
.Ltmp3:
0x1a9: {  	_ = 	snop;
	(pc) =	sbr.rel @p1 .LBB2_6-.Ltmp3, $4  }
0x1aa: {  	v53 =	vmov v18;
	s26 =	sadd.s32 $0x60, s24;
	s28 =	simm.s32 $0x104F0  }
0x1ab: {  	v56 =	vmovc v13;
	v13 =	vmovc v16;
	v18 =	vmov v28;
	v60 =	vmov v4;
	v4 =	vmov v24;
	[hbm4b:s26+s3] =	stream.linear.scatter [tilespmem:s28], [sflag:$0x5], $0x80, $0x38;
	[tilespmem:$0x16C00] =	vst v63  }
0x1ac: {  	v62 =	vmovc v23;
	v16 =	vmovc v56;
	v11 =	vmov v12;
	v12 =	vmov v9;
	v28 =	vmov v57;
	s24 =	sadd.s32 $0x70, s24;
	s28 =	simm.s32 $0x10578  }
0x1ad: {  	v6 =	vmovc v10;
	v10 =	vmovc v17;
	v14 =	vmov v30;
	v8 =	vmov v15;
	v15 =	vmov v53;
	[hbm4b:s24+s3] =	stream.linear.scatter [tilespmem:s28], [sflag:$0x5], $0x80, $0x38;
	[tilespmem:$0x16C00] =	vst v63  }
.Ltmp4:
0x1ae: {  	(pc) =	sbr.rel .LBB2_7-.Ltmp4, $4  }
0x1af: {  	_ = 	snop  }
0x1b0: {  	_ =	swait.ge [sflag:s12], $0x2000  }
0x1b1: {  	[sflag:s12] =	ssyncset.done $0x0  }
0x1b2: {  	[sflag:s12] =	ssyncadd.s32 $0xFFFFE000  }
.LBB2_6:
0x1b3: {  	s24 =	sadd.s32 $0x200, s22  }
.Ltmp5:
0x1b4: {  	s26 =	simm.s32 $0x6400;
	s24 =	sand.u32 $0xFE00, s24;
	(pc) =	sbr.rel @p0 .LBB2_8-.Ltmp5, $4  }
0x1b5: {  	[tilespmem:s26], [sflag:$0x1] =	stream.indirect.gather [hbm4b:s5+s9], $0x40, s24, s9, $0xb8;
	[tilespmem:$0x16C00] =	vst v63  }
0x1b6: {  	_ =	swait.ge [sflag:s12], $0x2000  }
0x1b7: {  	[sflag:s12] =	ssyncset.done $0x0  }
0x1b8: {  	[sflag:s12] =	ssyncadd.s32 $0xFFFFE000  }
.LBB2_7:
0x1b9: {  	_ =	swait.ge [sflag:s13], $0x400  }
0x1ba: {  	[sflag:s13] =	ssyncset.done $0x0  }
0x1bb: {  	[sflag:s13] =	ssyncadd.s32 $0xFFFFFC00  }
0x1bc: {  	_ =	swait.ge [sflag:s13], $0x400  }
0x1bd: {  	[sflag:s13] =	ssyncset.done $0x0  }
0x1be: {  	[sflag:s13] =	ssyncadd.s32 $0xFFFFFC00  }
0x1bf: {  	_ =	swait.ge [sflag:s13], $0x400  }
0x1c0: {  	[sflag:s13] =	ssyncset.done $0x0  }
0x1c1: {  	[sflag:s13] =	ssyncadd.s32 $0xFFFFFC00  }
0x1c2: {  	_ =	swait.ge [sflag:s13], $0x400  }
0x1c3: {  	[sflag:s13] =	ssyncset.done $0x0  }
0x1c4: {  	[sflag:s13] =	ssyncadd.s32 $0xFFFFFC00  }
0x1c5: {  	_ =	swait.ge [sflag:s13], $0x400  }
0x1c6: {  	[sflag:s13] =	ssyncset.done $0x0  }
0x1c7: {  	[sflag:s13] =	ssyncadd.s32 $0xFFFFFC00  }
0x1c8: {  	_ =	swait.ge [sflag:s13], $0x400  }
0x1c9: {  	[sflag:s13] =	ssyncset.done $0x0  }
0x1ca: {  	[sflag:s13] =	ssyncadd.s32 $0xFFFFFC00  }
0x1cb: {  	_ =	swait.ge [sflag:s13], $0x400  }
0x1cc: {  	[sflag:s13] =	ssyncset.done $0x0  }
0x1cd: {  	[sflag:s13] =	ssyncadd.s32 $0xFFFFFC00  }
0x1ce: {  	_ =	swait.ge [sflag:s13], $0x400  }
0x1cf: {  	[sflag:s13] =	ssyncset.done $0x0  }
0x1d0: {  	[sflag:s13] =	ssyncadd.s32 $0xFFFFFC00  }
.LBB2_8:
0x1d1: {  	s24 =	simm.s32 $0x0;
	s26 =	simm.s32 $0x2;
	s28 =	simm.s32 $0x3  }
0x1d2: {  	v0 =	vmov s24;
	s24 =	simm.s32 $0x1;
	v33 =	vmov s26;
	v34 =	vmov s28;
	s26 =	simm.s32 $0x5  }
0x1d3: {  	s28 =	simm.s32 $0x6;
	v0 =	vshrl.u32 v0, $0x3;
	v2 =	vmov s24;
	v36 =	vmov s26  }
0x1d4: {  	s24 =	simm.s32 $0x4;
	v37 =	vmov s28;
	v33 =	vshrl.u32 v33, $0x3;
	v34 =	vshrl.u32 v34, $0x3  }
0x1d5: {  	s26 =	simm.s32 $0x7;
	v35 =	vmov s24;
	v0 =	vshll.u32 v0, v1;
	v2 =	vshrl.u32 v2, $0x3  }
0x1d6: {  	v38 =	vmov s26;
	s24 =	simm.s32 $0x8500;
	v36 =	vshrl.u32 v36, $0x3;
	v42 =	vshrl.u32 v37, $0x3  }
0x1d7: {  	v38 =	vshrl.u32 v38, $0x3;
	v39 =	vbroadcast v0, $0x0;
	v2 =	vshll.u32 v2, v1;
	v59 =	vld [tilespmem:s24+$0xFFFFFF00]  }
0x1d8: {  	v33 =	vshll.u32 v33, v1;
	v43 =	vld [tilespmem:s24+$0xFFFFFF40];
	v38 =	vshll.u32 v38, v1;
	v17 =	vbroadcast v2, $0x0  }
0x1d9: {  	v34 =	vshll.u32 v34, v1;
	v0 =	vld [tilespmem:s24+$0xC0];
	v41 =	vbroadcast v38, $0x0;
	v45 =	vadd.s32 v8, v39  }
0x1da: {  	v44 =	vshll.u32 v36, v1;
	v48 =	vld [tilespmem:s24+$0xFFFFFFC0];
	v36 =	vbroadcast v34, $0x0;
	v47 =	vadd.s32 v12, v17  }
0x1db: {  	v35 =	vshrl.u32 v35, $0x3;
	v46 =	vld [tilespmem:s24+$0xFFFFFF80];
	v37 =	vbroadcast v33, $0x0;
	v2 =	vadd.s32 v15, v41  }
0x1dc: {  	v35 =	vshll.u32 v35, v1;
	v51 =	vadd.s32 v20, v36;
	v38 =	vmul.f32 $8.000000000e+00, v59  }
0x1dd: {  	v50 =	vld [tilespmem:s24+$0x0];
	v49 =	vadd.s32 v16, v37;
	v35 =	vbroadcast v35, $0x0;
	v43 =	vmul.f32 $8.000000000e+00, v43  }
0x1de: {  	v42 =	vshll.u32 v42, v1;
	v52 =	vld [tilespmem:s24+$0x40];
	v33 =	vbroadcast v44, $0x0;
	v0 =	vmul.f32 $8.000000000e+00, v0;
	[tilespmem:v45+s14+$0x0] =	vst.idx.msk $0xffff, v38  }
0x1df: {  	v53 =	vld [tilespmem:s24+$0x80];
	v34 =	vbroadcast v42, $0x0;
	v44 =	vadd.s32 v28, v35;
	v61 =	vmul.f32 $8.000000000e+00, v48;
	[tilespmem:v47+s14+$0x0] =	vst.idx.msk $0xffff, v43  }
0x1e0: {  	v38 =	vadd.s32 v32, v33;
	v45 =	vld [tilespmem:s24+$0xFFFFFF10];
	[tilespmem:v2+s14+$0x0] =	vst.idx.msk $0xffff, v0;
	v2 =	vmul.f32 $8.000000000e+00, v46  }
0x1e1: {  	[tilespmem:v51+s14+$0x0] =	vst.idx.msk $0xffff, v61;
	v46 =	vadd.s32 v19, v34;
	v48 =	vld [tilespmem:s24+$0xFFFFFF50]  }
0x1e2: {  	v54 =	vadd.s32 v10, v39;
	v42 =	vld [tilespmem:s24+$0xD0];
	[tilespmem:v49+s14+$0x0] =	vst.idx.msk $0xffff, v2;
	v2 =	vmul.f32 $8.000000000e+00, v50  }
0x1e3: {  	v63 =	vmul.f32 $8.000000000e+00, v52;
	v52 =	vadd.s32 v3, v17;
	v56 =	vld [tilespmem:s24+$0xFFFFFFD0]  }
0x1e4: {  	v49 =	vadd.s32 v22, v41;
	v55 =	vld [tilespmem:s24+$0xFFFFFF90];
	[tilespmem:v44+s14+$0x0] =	vst.idx.msk $0xffff, v2;
	v2 =	vmul.f32 $8.000000000e+00, v53  }
0x1e5: {  	[tilespmem:v38+s14+$0x0] =	vst.idx.msk $0xffff, v63;
	v61 =	vmul.f32 $8.000000000e+00, v45;
	v45 =	vadd.s32 v26, v36;
	v57 =	vld [tilespmem:s24+$0x10]  }
0x1e6: {  	v53 =	vadd.s32 v21, v37;
	v63 =	vmul.f32 $8.000000000e+00, v48;
	[tilespmem:v46+s14+$0x0] =	vst.idx.msk $0xffff, v2  }
0x1e7: {  	v48 =	vadd.s32 v14, v35;
	v38 =	vmul.f32 $8.000000000e+00, v42;
	[tilespmem:v54+s14+$0x0] =	vst.idx.msk $0xffff, v61  }
0x1e8: {  	s26 =	simm.s32 $0x8;
	v58 =	vld [tilespmem:s24+$0x50];
	[tilespmem:v52+s14+$0x0] =	vst.idx.msk $0xffff, v63;
	v63 =	vmul.f32 $8.000000000e+00, v56  }
0x1e9: {  	v0 =	vmov s26;
	s26 =	simm.s32 $0x9;
	v59 =	vld [tilespmem:s24+$0x90];
	[tilespmem:v49+s14+$0x0] =	vst.idx.msk $0xffff, v38;
	v61 =	vmul.f32 $8.000000000e+00, v55  }
0x1ea: {  	v43 =	vadd.s32 v60, v33;
	v47 =	vmov s26;
	s26 =	simm.s32 $0xA;
	v54 =	vld [tilespmem:s24+$0xFFFFFF20];
	[tilespmem:v45+s14+$0x0] =	vst.idx.msk $0xffff, v63;
	v38 =	vmul.f32 $8.000000000e+00, v57  }
0x1eb: {  	v50 =	vmov s26;
	s26 =	simm.s32 $0xB;
	v52 =	vadd.s32 v4, v34;
	v55 =	vld [tilespmem:s24+$0xFFFFFF60];
	[tilespmem:v53+s14+$0x0] =	vst.idx.msk $0xffff, v61  }
0x1ec: {  	v51 =	vmov s26;
	s26 =	simm.s32 $0xC;
	v49 =	vld [tilespmem:s24+$0xE0];
	[tilespmem:v48+s14+$0x0] =	vst.idx.msk $0xffff, v38  }
0x1ed: {  	v24 =	vmov v20;
	v44 =	vmov s26;
	v40 =	vmul.f32 $8.000000000e+00, v58;
	v20 =	vld [tilespmem:$0x1FF70]  }
0x1ee: {  	v30 =	vmovc v60;
	s26 =	simm.s32 $0xD;
	v57 =	vshrl.u32 v51, $0x3;
	v51 =	vadd.s32 v18, v39;
	v60 =	vld [tilespmem:s24+$0xFFFFFFE0];
	v38 =	vmul.f32 $8.000000000e+00, v59  }
0x1ef: {  	v42 =	vmov s26;
	s26 =	simm.s32 $0xE;
	v53 =	vadd.s32 v62, v41;
	v56 =	vld [tilespmem:s24+$0xFFFFFFA0];
	[tilespmem:v43+s14+$0x0] =	vst.idx.msk $0xffff, v40  }
0x1f0: {  	v0 =	vshrl.u32 v0, $0x3;
	v2 =	vmov s26;
	v58 =	vadd.s32 v13, v17;
	v61 =	vld [tilespmem:s24+$0x20];
	[tilespmem:v52+s14+$0x0] =	vst.idx.msk $0xffff, v38  }
0x1f1: {  	v59 =	vshrl.u32 v42, $0x3;
	v42 =	vshrl.u32 v2, $0x3;
	v2 =	vmul.f32 $8.000000000e+00, v54;
	v25 =	vld [tilespmem:$0x1FEB0]  }
0x1f2: {  	v5 =	vmovc v62;
	v0 =	vshll.u32 v0, v1;
	v49 =	vmul.f32 $8.000000000e+00, v49;
	v62 =	vld [tilespmem:s24+$0x60];
	v48 =	vadd.s32 v20, v37  }
0x1f3: {  	v50 =	vshrl.u32 v50, $0x3;
	v38 =	vbroadcast v0, $0x0;
	v0 =	vmul.f32 $8.000000000e+00, v55;
	v40 =	vld [tilespmem:s24+$0xA0];
	[tilespmem:v51+s14+$0x0] =	vst.idx.msk $0xffff, v2  }
0x1f4: {  	v46 =	vshrl.u32 v44, $0x3;
	v44 =	vshll.u32 v50, v1;
	v54 =	vadd.s32 v6, v36;
	[tilespmem:v53+s14+$0x0] =	vst.idx.msk $0xffff, v49;
	v50 =	vld [tilespmem:s24+$0xFFFFFF30]  }
0x1f5: {  	v2 =	vmul.f32 $8.000000000e+00, v56;
	[tilespmem:v58+s14+$0x0] =	vst.idx.msk $0xffff, v0;
	v56 =	vld [tilespmem:s24+$0xF0]  }
0x1f6: {  	v7 =	vld [tilespmem:$0x1FF10];
	v63 =	vadd.s32 v25, v35  }
0x1f7: {  	v0 =	vmul.f32 $8.000000000e+00, v60;
	v52 =	vld [tilespmem:s24+$0xFFFFFF70];
	[tilespmem:v48+s14+$0x0] =	vst.idx.msk $0xffff, v2  }
0x1f8: {  	v23 =	vmov v21;
	v21 =	vmov v6;
	v6 =	vld [tilespmem:$0x1FFF0]  }
0x1f9: {  	v2 =	vmul.f32 $8.000000000e+00, v61;
	v49 =	vld [tilespmem:s24+$0xFFFFFFB0];
	[tilespmem:v54+s14+$0x0] =	vst.idx.msk $0xffff, v0  }
0x1fa: {  	v0 =	vld [tilespmem:$0x1FE40]  }
0x1fb: {  	v9 =	vmov v22;
	v47 =	vshrl.u32 v47, $0x3;
	v22 =	vmov v26;
	v54 =	vld [tilespmem:s24+$0xFFFFFFF0];
	[tilespmem:v63+s14+$0x0] =	vst.idx.msk $0xffff, v2  }
0x1fc: {  	v26 =	vmovc v14;
	v14 =	vmovc v18;
	v18 =	vmov v23;
	v23 =	vmov v5;
	v5 =	vmov v9;
	v9 =	vld [tilespmem:$0x1FE60]  }
0x1fd: {  	v47 =	vshll.u32 v47, v1;
	v55 =	vadd.s32 v29, v33;
	v27 =	vld [tilespmem:$0x1FE90]  }
0x1fe: {  	v46 =	vshll.u32 v46, v1;
	v51 =	vadd.s32 v7, v34;
	v53 =	vadd.s32 v6, v41;
	v6 =	vld [tilespmem:$0x1FEC0]  }
0x1ff: {  	v45 =	vshll.u32 v57, v1;
	v43 =	vshll.u32 v59, v1;
	v40 =	vmul.f32 $8.000000000e+00, v40;
	v31 =	vld [tilespmem:$0x1FEF0]  }
0x200: {  	s28 =	simm.s32 $0xF;
	s26 =	simm.s32 $0x10;
	v48 =	vadd.s32 v11, v39;
	v39 =	vmul.f32 $8.000000000e+00, v62;
	v11 =	vmovc v3;
	v41 =	vadd.s32 v0, v17;
	v17 =	vld [tilespmem:$0x1FF20]  }
.LBB2_9:
0x201: {  	v0 =	vmov s28  }
0x202: {  	v2 =	vadd.s32 v9, v37;
	v59 =	vld [tilespmem:s24+$0x30];
	v36 =	vadd.s32 v27, v36;
	[tilespmem:v55+s14+$0x0] =	vst.idx.msk $0xffff, v39;
	v62 =	vmul.f32 $8.000000000e+00, v56  }
0x203: {  	v35 =	vadd.s32 v6, v35;
	v0 =	vshrl.u32 v0, $0x3;
	[tilespmem:v51+s14+$0x0] =	vst.idx.msk $0xffff, v40;
	v63 =	vmul.f32 $8.000000000e+00, v50;
	v56 =	vld [tilespmem:s24+$0x70]  }
0x204: {  	v33 =	vadd.s32 v31, v33;
	v0 =	vshll.u32 v0, v1;
	v58 =	vld [tilespmem:s24+$0xB0];
	v57 =	vmul.f32 $8.000000000e+00, v52;
	s24 =	sadd.s32 $0x200, s24;
	[tilespmem:v53+s14+$0x0] =	vst.idx.msk $0xffff, v62  }
0x205: {  	v42 =	vshll.u32 v42, v1;
	v40 =	vbroadcast v0, $0x0;
	v0 =	vmul.f32 $8.000000000e+00, v49;
	[tilespmem:v48+s14+$0x0] =	vst.idx.msk $0xffff, v63;
	v53 =	vld [tilespmem:s24+$0xC0]  }
0x206: {  	v34 =	vadd.s32 v17, v34;
	v39 =	vmov v38;
	v60 =	vmul.f32 $8.000000000e+00, v54;
	[tilespmem:v41+s14+$0x0] =	vst.idx.msk $0xffff, v57;
	v38 =	vld [tilespmem:s24+$0xFFFFFF00]  }
0x207: {  	v61 =	vadd.s32 v15, v40;
	v41 =	vbroadcast v47, $0x0;
	[tilespmem:v2+s14+$0x0] =	vst.idx.msk $0xffff, v0;
	v0 =	vmul.f32 $8.000000000e+00, v59;
	v49 =	vld [tilespmem:s24+$0xFFFFFF40]  }
0x208: {  	v37 =	vbroadcast v44, $0x0;
	v2 =	vadd.s32 v8, v39;
	[tilespmem:v36+s14+$0x0] =	vst.idx.msk $0xffff, v60;
	v62 =	vld [tilespmem:s24+$0xFFFFFF80];
	v59 =	vmul.f32 $8.000000000e+00, v56  }
0x209: {  	v36 =	vbroadcast v45, $0x0;
	v63 =	vld [tilespmem:s24+$0xFFFFFFC0];
	v60 =	vadd.s32 v12, v41;
	[tilespmem:v35+s14+$0x0] =	vst.idx.msk $0xffff, v0;
	v0 =	vmul.f32 $8.000000000e+00, v58  }
0x20a: {  	v45 =	vadd.s32 v16, v37;
	v35 =	vbroadcast v46, $0x0;
	v56 =	vld [tilespmem:s24+$0x0];
	[tilespmem:v33+s14+$0x0] =	vst.idx.msk $0xffff, v59;
	v57 =	vmul.f32 $8.000000000e+00, v53  }
0x20b: {  	v58 =	vadd.s32 v24, v36;
	[tilespmem:v34+s14+$0x0] =	vst.idx.msk $0xffff, v0;
	v33 =	vbroadcast v43, $0x0;
	v38 =	vmul.f32 $8.000000000e+00, v38;
	v59 =	vld [tilespmem:s24+$0x40]  }
0x20c: {  	v34 =	vbroadcast v42, $0x0;
	v43 =	vadd.s32 v28, v35;
	v0 =	vmul.f32 $8.000000000e+00, v49;
	v49 =	vld [tilespmem:s24+$0x80];
	[tilespmem:v61+s14+$0x0] =	vst.idx.msk $0xffff, v57  }
0x20d: {  	[tilespmem:v2+s14+$0x0] =	vst.idx.msk $0xffff, v38;
	v2 =	vmul.f32 $8.000000000e+00, v62;
	v38 =	vadd.s32 v32, v33;
	v46 =	vld [tilespmem:s24+$0xD0]  }
0x20e: {  	[tilespmem:v60+s14+$0x0] =	vst.idx.msk $0xffff, v0;
	v0 =	vmul.f32 $8.000000000e+00, v63;
	v63 =	vadd.s32 v19, v34;
	v62 =	vld [tilespmem:s24+$0xFFFFFF10]  }
0x20f: {  	v61 =	vmov s26;
	v60 =	vld [tilespmem:s24+$0xFFFFFF50];
	[tilespmem:v45+s14+$0x0] =	vst.idx.msk $0xffff, v2;
	v2 =	vmul.f32 $8.000000000e+00, v56;
	v45 =	vadd.s32 v5, v40  }
0x210: {  	v54 =	vadd.s32 v10, v39;
	v42 =	vshrl.u32 v61, $0x3;
	[tilespmem:v58+s14+$0x0] =	vst.idx.msk $0xffff, v0;
	v61 =	vld [tilespmem:s24+$0xFFFFFF90];
	v0 =	vmul.f32 $8.000000000e+00, v59  }
0x211: {  	v53 =	vadd.s32 v11, v41;
	[tilespmem:v43+s14+$0x0] =	vst.idx.msk $0xffff, v2;
	v2 =	vmul.f32 $8.000000000e+00, v49  }
0x212: {  	s28 =	sadd.s32 $0x1, s26;
	v56 =	vld [tilespmem:s24+$0xFFFFFFD0];
	v49 =	vadd.s32 v18, v37;
	[tilespmem:v38+s14+$0x0] =	vst.idx.msk $0xffff, v0;
	v0 =	vmul.f32 $8.000000000e+00, v46  }
0x213: {  	v50 =	vmov s28;
	s28 =	sadd.s32 $0x2, s26;
	v57 =	vld [tilespmem:s24+$0x10];
	v62 =	vmul.f32 $8.000000000e+00, v62;
	[tilespmem:v63+s14+$0x0] =	vst.idx.msk $0xffff, v2  }
0x214: {  	v52 =	vmov s28;
	s28 =	sadd.s32 $0x3, s26;
	v47 =	vadd.s32 v22, v36;
	v58 =	vld [tilespmem:s24+$0x50];
	v63 =	vmul.f32 $8.000000000e+00, v60;
	[tilespmem:v45+s14+$0x0] =	vst.idx.msk $0xffff, v0  }
0x215: {  	v44 =	vmov s28;
	s28 =	sadd.s32 $0x4, s26;
	v60 =	vadd.s32 v26, v35;
	v59 =	vld [tilespmem:s24+$0x90];
	[tilespmem:v54+s14+$0x0] =	vst.idx.msk $0xffff, v62;
	v61 =	vmul.f32 $8.000000000e+00, v61  }
0x216: {  	v48 =	vadd.s32 v13, v41;
	v43 =	vmov s28;
	s28 =	sadd.s32 $0x5, s26;
	v45 =	vadd.s32 v30, v33;
	[tilespmem:v53+s14+$0x0] =	vst.idx.msk $0xffff, v63;
	v54 =	vld [tilespmem:s24+$0xFFFFFF20]  }
0x217: {  	v38 =	vmov s28;
	v62 =	vmul.f32 $8.000000000e+00, v56;
	v53 =	vadd.s32 v4, v34;
	v55 =	vld [tilespmem:s24+$0xFFFFFF60];
	[tilespmem:v49+s14+$0x0] =	vst.idx.msk $0xffff, v61  }
0x218: {  	s28 =	sadd.s32 $0x6, s26;
	v63 =	vmul.f32 $8.000000000e+00, v57;
	v57 =	vshrl.u32 v44, $0x3;
	v44 =	vadd.s32 v14, v39;
	v56 =	vld [tilespmem:s24+$0xFFFFFFA0]  }
0x219: {  	v2 =	vmov s28;
	v0 =	vshll.u32 v42, v1;
	v46 =	vld [tilespmem:s24+$0xE0];
	[tilespmem:v47+s14+$0x0] =	vst.idx.msk $0xffff, v62;
	v47 =	vmul.f32 $8.000000000e+00, v58  }
0x21a: {  	v42 =	vshrl.u32 v2, $0x3;
	v58 =	vld [tilespmem:s24+$0xFFFFFFE0];
	[tilespmem:v60+s14+$0x0] =	vst.idx.msk $0xffff, v63;
	v51 =	vmul.f32 $8.000000000e+00, v59;
	v60 =	vadd.s32 v20, v37  }
0x21b: {  	v49 =	vadd.s32 v23, v40;
	v59 =	vshrl.u32 v38, $0x3;
	v61 =	vld [tilespmem:s24+$0x20];
	[tilespmem:v45+s14+$0x0] =	vst.idx.msk $0xffff, v47;
	v2 =	vmul.f32 $8.000000000e+00, v54  }
0x21c: {  	v38 =	vbroadcast v0, $0x0;
	v54 =	vadd.s32 v21, v36;
	[tilespmem:v53+s14+$0x0] =	vst.idx.msk $0xffff, v51;
	v0 =	vmul.f32 $8.000000000e+00, v55  }
0x21d: {  	v62 =	vld [tilespmem:s24+$0x60];
	[tilespmem:v44+s14+$0x0] =	vst.idx.msk $0xffff, v2;
	v2 =	vmul.f32 $8.000000000e+00, v56  }
0x21e: {  	v45 =	vmul.f32 $8.000000000e+00, v46;
	v3 =	vld [tilespmem:s24+$0xA0];
	[tilespmem:v48+s14+$0x0] =	vst.idx.msk $0xffff, v0  }
0x21f: {  	v0 =	vmul.f32 $8.000000000e+00, v58;
	[tilespmem:v60+s14+$0x0] =	vst.idx.msk $0xffff, v2;
	v60 =	vld [tilespmem:$0x1FFF0]  }
0x220: {  	[tilespmem:v49+s14+$0x0] =	vst.idx.msk $0xffff, v45;
	v2 =	vmul.f32 $8.000000000e+00, v61;
	v61 =	vld [tilespmem:$0x1FE20]  }
0x221: {  	p2 =	slt.u32 s26, $0x78;
	v63 =	vadd.s32 v25, v35;
	[tilespmem:v54+s14+$0x0] =	vst.idx.msk $0xffff, v0;
	v0 =	vld [tilespmem:$0x1FE40]  }
.Ltmp6:
0x222: {  	v50 =	vshrl.u32 v50, $0x3;
	v52 =	vshrl.u32 v52, $0x3;
	v43 =	vshrl.u32 v43, $0x3;
	v56 =	vld [tilespmem:s24+$0xF0];
	(pc) =	sbr.rel @p2 .LBB2_9-.Ltmp6, $4  }
0x223: {  	v47 =	vshll.u32 v50, v1;
	v55 =	vadd.s32 v29, v33;
	v51 =	vadd.s32 v7, v34;
	v50 =	vld [tilespmem:s24+$0xFFFFFF30]  }
0x224: {  	v46 =	vshll.u32 v43, v1;
	v43 =	vshll.u32 v59, v1;
	v44 =	vshll.u32 v52, v1;
	v52 =	vld [tilespmem:s24+$0xFFFFFF70]  }
0x225: {  	v45 =	vshll.u32 v57, v1;
	v49 =	vld [tilespmem:s24+$0xFFFFFFB0];
	v53 =	vadd.s32 v60, v40;
	v48 =	vadd.s32 v61, v39  }
0x226: {  	s28 =	sadd.s32 $0x7, s26;
	s26 =	sadd.s32 $0x8, s26;
	v54 =	vld [tilespmem:s24+$0xFFFFFFF0];
	[tilespmem:v63+s14+$0x0] =	vst.idx.msk $0xffff, v2;
	v39 =	vmul.f32 $8.000000000e+00, v62;
	v40 =	vmul.f32 $8.000000000e+00, v3;
	v41 =	vadd.s32 v0, v41  }
0x227: {  	_ =	sdelay $0x3  }
0x228: {  	v0 =	vmov s28;
	v2 =	vadd.s32 v9, v37;
	v3 =	vld [tilespmem:s24+$0x30];
	v62 =	vmul.f32 $8.000000000e+00, v56;
	[tilespmem:v55+s14+$0x0] =	vst.idx.msk $0xffff, v39  }
0x229: {  	v36 =	vadd.s32 v27, v36;
	v0 =	vshrl.u32 v0, $0x3;
	v63 =	vmul.f32 $8.000000000e+00, v50;
	[tilespmem:v51+s14+$0x0] =	vst.idx.msk $0xffff, v40;
	v50 =	vld [tilespmem:s24+$0x70]  }
0x22a: {  	v35 =	vadd.s32 v6, v35;
	s28 =	sadd.s32 $0x200, s24;
	v0 =	vshll.u32 v0, v1;
	v55 =	vmul.f32 $8.000000000e+00, v52;
	v51 =	vld [tilespmem:s24+$0xB0];
	[tilespmem:v53+s14+$0x0] =	vst.idx.msk $0xffff, v62  }
0x22b: {  	v33 =	vadd.s32 v31, v33;
	v37 =	vld [tilespmem:s28+$0xC0];
	v0 =	vbroadcast v0, $0x0;
	[tilespmem:v48+s14+$0x0] =	vst.idx.msk $0xffff, v63;
	v56 =	vmul.f32 $8.000000000e+00, v49  }
0x22c: {  	v42 =	vshll.u32 v42, v1;
	v34 =	vadd.s32 v17, v34;
	v57 =	vld [tilespmem:s28+$0xFFFFFF00];
	[tilespmem:v41+s14+$0x0] =	vst.idx.msk $0xffff, v55;
	v58 =	vmul.f32 $8.000000000e+00, v54  }
0x22d: {  	v47 =	vbroadcast v47, $0x0;
	v59 =	vld [tilespmem:s28+$0xFFFFFF40];
	v49 =	vadd.s32 v15, v0;
	[tilespmem:v2+s14+$0x0] =	vst.idx.msk $0xffff, v56;
	v2 =	vmul.f32 $8.000000000e+00, v3  }
0x22e: {  	v44 =	vbroadcast v44, $0x0;
	v39 =	vld [tilespmem:s28+$0xFFFFFF80];
	v3 =	vadd.s32 v8, v38;
	[tilespmem:v36+s14+$0x0] =	vst.idx.msk $0xffff, v58;
	v61 =	vmul.f32 $8.000000000e+00, v50  }
0x22f: {  	v45 =	vbroadcast v45, $0x0;
	v60 =	vld [tilespmem:s28+$0xFFFFFFC0];
	v63 =	vadd.s32 v12, v47;
	[tilespmem:v35+s14+$0x0] =	vst.idx.msk $0xffff, v2;
	v2 =	vmul.f32 $8.000000000e+00, v51  }
0x230: {  	v46 =	vbroadcast v46, $0x0;
	v37 =	vmul.f32 $8.000000000e+00, v37;
	v35 =	vadd.s32 v16, v44;
	v51 =	vld [tilespmem:s28+$0x0];
	[tilespmem:v33+s14+$0x0] =	vst.idx.msk $0xffff, v61  }
0x231: {  	v43 =	vbroadcast v43, $0x0;
	v48 =	vld [tilespmem:s28+$0x40];
	v36 =	vadd.s32 v24, v45;
	v61 =	vmul.f32 $8.000000000e+00, v57;
	[tilespmem:v34+s14+$0x0] =	vst.idx.msk $0xffff, v2  }
0x232: {  	v42 =	vbroadcast v42, $0x0;
	v41 =	vld [tilespmem:s28+$0x80];
	v2 =	vmul.f32 $8.000000000e+00, v59;
	v34 =	vadd.s32 v28, v46;
	[tilespmem:v49+s14+$0x0] =	vst.idx.msk $0xffff, v37  }
0x233: {  	v33 =	vadd.s32 v32, v43;
	[tilespmem:v3+s14+$0x0] =	vst.idx.msk $0xffff, v61;
	v3 =	vmul.f32 $8.000000000e+00, v39;
	v37 =	vld [tilespmem:s28+$0xD0]  }
0x234: {  	v40 =	vadd.s32 v19, v42;
	[tilespmem:v63+s14+$0x0] =	vst.idx.msk $0xffff, v2;
	v2 =	vmul.f32 $8.000000000e+00, v60;
	v39 =	vld [tilespmem:s28+$0xFFFFFF10]  }
0x235: {  	v49 =	vld [tilespmem:s28+$0xFFFFFF50];
	[tilespmem:v35+s14+$0x0] =	vst.idx.msk $0xffff, v3;
	v3 =	vmul.f32 $8.000000000e+00, v51;
	v35 =	vadd.s32 v5, v0  }
0x236: {  	v50 =	vadd.s32 v10, v38;
	[tilespmem:v36+s14+$0x0] =	vst.idx.msk $0xffff, v2;
	v2 =	vmul.f32 $8.000000000e+00, v48;
	v51 =	vld [tilespmem:s28+$0xFFFFFF90]  }
0x237: {  	v36 =	vadd.s32 v11, v47;
	v63 =	vld [tilespmem:s28+$0xFFFFFFD0];
	[tilespmem:v34+s14+$0x0] =	vst.idx.msk $0xffff, v3;
	v3 =	vmul.f32 $8.000000000e+00, v41  }
0x238: {  	v34 =	vadd.s32 v18, v44;
	[tilespmem:v33+s14+$0x0] =	vst.idx.msk $0xffff, v2;
	v41 =	vld [tilespmem:s28+$0x10];
	v2 =	vmul.f32 $8.000000000e+00, v37  }
0x239: {  	v37 =	vadd.s32 v22, v45;
	v61 =	vmul.f32 $8.000000000e+00, v39;
	v39 =	vld [tilespmem:s28+$0x50];
	[tilespmem:v40+s14+$0x0] =	vst.idx.msk $0xffff, v3  }
0x23a: {  	v3 =	vmul.f32 $8.000000000e+00, v49;
	v40 =	vadd.s32 v26, v46;
	v49 =	vld [tilespmem:s28+$0x90];
	[tilespmem:v35+s14+$0x0] =	vst.idx.msk $0xffff, v2  }
0x23b: {  	v33 =	vadd.s32 v30, v43;
	[tilespmem:v50+s14+$0x0] =	vst.idx.msk $0xffff, v61;
	v2 =	vmul.f32 $8.000000000e+00, v51;
	v35 =	vld [tilespmem:s28+$0xE0]  }
0x23c: {  	[tilespmem:v36+s14+$0x0] =	vst.idx.msk $0xffff, v3;
	v3 =	vmul.f32 $8.000000000e+00, v63;
	v36 =	vadd.s32 v4, v42;
	v50 =	vld [tilespmem:s28+$0xFFFFFF20]  }
0x23d: {  	v48 =	vld [tilespmem:s28+$0xFFFFFF60];
	[tilespmem:v34+s14+$0x0] =	vst.idx.msk $0xffff, v2;
	v2 =	vmul.f32 $8.000000000e+00, v41;
	v34 =	vadd.s32 v23, v0  }
0x23e: {  	v41 =	vadd.s32 v14, v38;
	[tilespmem:v37+s14+$0x0] =	vst.idx.msk $0xffff, v3;
	v51 =	vld [tilespmem:s28+$0xFFFFFFA0];
	v3 =	vmul.f32 $8.000000000e+00, v39  }
0x23f: {  	v37 =	vadd.s32 v13, v47;
	[tilespmem:v40+s14+$0x0] =	vst.idx.msk $0xffff, v2;
	v2 =	vmul.f32 $8.000000000e+00, v49  }
0x240: {  	v40 =	vadd.s32 v20, v44;
	[tilespmem:v33+s14+$0x0] =	vst.idx.msk $0xffff, v3;
	v3 =	vmul.f32 $8.000000000e+00, v35  }
0x241: {  	v63 =	vmul.f32 $8.000000000e+00, v50;
	[tilespmem:v36+s14+$0x0] =	vst.idx.msk $0xffff, v2  }
0x242: {  	v2 =	vmul.f32 $8.000000000e+00, v48;
	[tilespmem:v34+s14+$0x0] =	vst.idx.msk $0xffff, v3  }
0x243: {  	[tilespmem:v41+s14+$0x0] =	vst.idx.msk $0xffff, v63;
	v3 =	vmul.f32 $8.000000000e+00, v51  }
0x244: {  	[tilespmem:v37+s14+$0x0] =	vst.idx.msk $0xffff, v2  }
0x245: {  	[tilespmem:v40+s14+$0x0] =	vst.idx.msk $0xffff, v3  }
0x246: {  	v61 =	vmov v4;
	v4 =	vld [tilespmem:$0x1FFF0];
	_ =	sdelay $0x1  }
0x247: {  	v39 =	vld [tilespmem:s28+$0xFFFFFFE0];
	_ =	sdelay $0x1  }
0x248: {  	v49 =	vld [tilespmem:s28+$0x20];
	v35 =	vadd.s32 v21, v45  }
0x249: {  	v0 =	vadd.s32 v4, v0;
	v4 =	vld [tilespmem:$0x1FE20]  }
0x24a: {  	v50 =	vld [tilespmem:s28+$0x60]  }
0x24b: {  	v48 =	vld [tilespmem:s28+$0xA0];
	v2 =	vmul.f32 $8.000000000e+00, v39  }
0x24c: {  	v36 =	vadd.s32 v25, v46;
	v34 =	vld [tilespmem:s28+$0xF0]  }
0x24d: {  	v54 =	vmovc v16;
	v16 =	vmov v20;
	v20 =	vmov v25;
	v63 =	vadd.s32 v29, v43;
	v41 =	vld [tilespmem:s28+$0xFFFFFF30];
	[tilespmem:v35+s14+$0x0] =	vst.idx.msk $0xffff, v2  }
0x24e: {  	v25 =	vmovc v29;
	v29 =	vmovc v7;
	v37 =	vadd.s32 v7, v42;
	v7 =	vmov v4;
	v38 =	vadd.s32 v4, v38;
	v4 =	vld [tilespmem:$0x1FE40]  }
0x24f: {  	v51 =	vld [tilespmem:s28+$0xFFFFFF70];
	v3 =	vmul.f32 $8.000000000e+00, v49  }
0x250: {  	v40 =	vld [tilespmem:s28+$0xFFFFFFB0];
	v2 =	vmul.f32 $8.000000000e+00, v50  }
0x251: {  	[tilespmem:v36+s14+$0x0] =	vst.idx.msk $0xffff, v3;
	v3 =	vmul.f32 $8.000000000e+00, v48  }
0x252: {  	v36 =	vadd.s32 v9, v44;
	[tilespmem:v63+s14+$0x0] =	vst.idx.msk $0xffff, v2;
	v44 =	vld [tilespmem:s28+$0x30]  }
0x253: {  	v2 =	vmul.f32 $8.000000000e+00, v34;
	[tilespmem:v37+s14+$0x0] =	vst.idx.msk $0xffff, v3;
	v35 =	vadd.s32 v4, v47;
	v47 =	vld [tilespmem:s28+$0xFFFFFFF0]  }
0x254: {  	v50 =	vadd.s32 v6, v46;
	v63 =	vmul.f32 $8.000000000e+00, v41;
	v3 =	vmul.f32 $8.000000000e+00, v51;
	v51 =	vld [tilespmem:s28+$0xB0]  }
0x255: {  	v48 =	vadd.s32 v27, v45;
	v49 =	vld [tilespmem:s28+$0x70];
	[tilespmem:v0+s14+$0x0] =	vst.idx.msk $0xffff, v2;
	v0 =	vmul.f32 $8.000000000e+00, v40  }
0x256: {  	[tilespmem:v38+s14+$0x0] =	vst.idx.msk $0xffff, v63;
	v63 =	vadd.s32 v17, v42  }
0x257: {  	v2 =	vadd.s32 v31, v43;
	[tilespmem:v36+s14+$0x0] =	vst.idx.msk $0xffff, v0;
	v0 =	vmul.f32 $8.000000000e+00, v44  }
0x258: {  	[tilespmem:v35+s14+$0x0] =	vst.idx.msk $0xffff, v3;
	v3 =	vmul.f32 $8.000000000e+00, v47  }
0x259: {  	[tilespmem:v50+s14+$0x0] =	vst.idx.msk $0xffff, v0;
	v0 =	vmul.f32 $8.000000000e+00, v51  }
0x25a: {  	[tilespmem:v48+s14+$0x0] =	vst.idx.msk $0xffff, v3;
	v3 =	vmul.f32 $8.000000000e+00, v49  }
0x25b: {  	[tilespmem:v63+s14+$0x0] =	vst.idx.msk $0xffff, v0  }
0x25c: {  	[tilespmem:v2+s14+$0x0] =	vst.idx.msk $0xffff, v3  }
0x25d: {  	s26 =	rddreg [dreg:$0xc]  }
0x25e: {  	s24 =	sadd.s32 s23, s26  }
0x25f: {  	[hbm4b:s24+s3] =	stream.linear.scatter [tilespmem:s14], [sflag:$0x6], $0x80, $0x38;
	[tilespmem:$0x16C00] =	vst v63  }
0x260: {  	s28 =	simm.s32 $0x10688;
	s26 =	sadd.s32 $0x10, s24  }
0x261: {  	[hbm4b:s26+s3] =	stream.linear.scatter [tilespmem:s28], [sflag:$0x6], $0x80, $0x38;
	[tilespmem:$0x16C00] =	vst v63  }
0x262: {  	s26 =	sadd.s32 $0x20, s24;
	s28 =	simm.s32 $0x10710  }
0x263: {  	[hbm4b:s26+s3] =	stream.linear.scatter [tilespmem:s28], [sflag:$0x6], $0x80, $0x38;
	[tilespmem:$0x16C00] =	vst v63  }
0x264: {  	s26 =	sadd.s32 $0x30, s24;
	s28 =	simm.s32 $0x10798  }
0x265: {  	[hbm4b:s26+s3] =	stream.linear.scatter [tilespmem:s28], [sflag:$0x6], $0x80, $0x38;
	[tilespmem:$0x16C00] =	vst v63  }
0x266: {  	s26 =	sadd.s32 $0x40, s24;
	s28 =	simm.s32 $0x10820  }
0x267: {  	[hbm4b:s26+s3] =	stream.linear.scatter [tilespmem:s28], [sflag:$0x6], $0x80, $0x38;
	[tilespmem:$0x16C00] =	vst v63  }
0x268: {  	s26 =	sadd.s32 $0x50, s24;
	s28 =	simm.s32 $0x108A8  }
0x269: {  	[hbm4b:s26+s3] =	stream.linear.scatter [tilespmem:s28], [sflag:$0x6], $0x80, $0x38;
	[tilespmem:$0x16C00] =	vst v63  }
0x26a: {  	s26 =	sadd.s32 $0x60, s24;
	s28 =	simm.s32 $0x10930  }
0x26b: {  	[hbm4b:s26+s3] =	stream.linear.scatter [tilespmem:s28], [sflag:$0x6], $0x80, $0x38;
	[tilespmem:$0x16C00] =	vst v63  }
0x26c: {  	s24 =	sadd.s32 $0x70, s24;
	s28 =	simm.s32 $0x109B8;
	s26 =	rddreg [dreg:$0xd]  }
0x26d: {  	[hbm4b:s24+s3] =	stream.linear.scatter [tilespmem:s28], [sflag:$0x6], $0x80, $0x38;
	[tilespmem:$0x16C00] =	vst v63  }
0x26e: {  	s24 =	sadd.s32 s23, s26;
	s28 =	simm.s32 $0x10A40  }
0x26f: {  	[hbm4b:s24+s3] =	stream.linear.scatter [tilespmem:s28], [sflag:$0x6], $0x80, $0x38;
	[tilespmem:$0x16C00] =	vst v63  }
0x270: {  	s26 =	sadd.s32 $0x10, s24;
	s28 =	simm.s32 $0x10AC8  }
0x271: {  	[hbm4b:s26+s3] =	stream.linear.scatter [tilespmem:s28], [sflag:$0x6], $0x80, $0x38;
	[tilespmem:$0x16C00] =	vst v63  }
0x272: {  	s26 =	sadd.s32 $0x20, s24;
	s28 =	simm.s32 $0x10B50  }
0x273: {  	[hbm4b:s26+s3] =	stream.linear.scatter [tilespmem:s28], [sflag:$0x6], $0x80, $0x38;
	[tilespmem:$0x16C00] =	vst v63  }
0x274: {  	s26 =	sadd.s32 $0x30, s24;
	s28 =	simm.s32 $0x10BD8  }
0x275: {  	[hbm4b:s26+s3] =	stream.linear.scatter [tilespmem:s28], [sflag:$0x6], $0x80, $0x38;
	[tilespmem:$0x16C00] =	vst v63  }
0x276: {  	s26 =	sadd.s32 $0x40, s24;
	s28 =	simm.s32 $0x10C60  }
0x277: {  	[hbm4b:s26+s3] =	stream.linear.scatter [tilespmem:s28], [sflag:$0x6], $0x80, $0x38;
	[tilespmem:$0x16C00] =	vst v63  }
0x278: {  	s26 =	sadd.s32 $0x50, s24;
	s28 =	simm.s32 $0x10CE8  }
0x279: {  	[hbm4b:s26+s3] =	stream.linear.scatter [tilespmem:s28], [sflag:$0x6], $0x80, $0x38;
	[tilespmem:$0x16C00] =	vst v63  }
0x27a: {  	s26 =	sadd.s32 $0x60, s24;
	s28 =	simm.s32 $0x10D70  }
0x27b: {  	[hbm4b:s26+s3] =	stream.linear.scatter [tilespmem:s28], [sflag:$0x6], $0x80, $0x38;
	[tilespmem:$0x16C00] =	vst v63  }
0x27c: {  	s24 =	sadd.s32 $0x70, s24;
	s28 =	simm.s32 $0x10DF8;
	s26 =	rddreg [dreg:$0xe]  }
0x27d: {  	[hbm4b:s24+s3] =	stream.linear.scatter [tilespmem:s28], [sflag:$0x6], $0x80, $0x38;
	[tilespmem:$0x16C00] =	vst v63  }
0x27e: {  	s24 =	sadd.s32 s23, s26;
	s28 =	simm.s32 $0x10E80  }
0x27f: {  	[hbm4b:s24+s3] =	stream.linear.scatter [tilespmem:s28], [sflag:$0x6], $0x80, $0x38;
	[tilespmem:$0x16C00] =	vst v63  }
0x280: {  	s26 =	sadd.s32 $0x10, s24;
	s28 =	simm.s32 $0x10F08  }
0x281: {  	[hbm4b:s26+s3] =	stream.linear.scatter [tilespmem:s28], [sflag:$0x6], $0x80, $0x38;
	[tilespmem:$0x16C00] =	vst v63  }
0x282: {  	s26 =	sadd.s32 $0x20, s24;
	s28 =	simm.s32 $0x10F90  }
0x283: {  	[hbm4b:s26+s3] =	stream.linear.scatter [tilespmem:s28], [sflag:$0x6], $0x80, $0x38;
	[tilespmem:$0x16C00] =	vst v63  }
0x284: {  	s26 =	sadd.s32 $0x30, s24;
	s28 =	simm.s32 $0x11018  }
0x285: {  	[hbm4b:s26+s3] =	stream.linear.scatter [tilespmem:s28], [sflag:$0x6], $0x80, $0x38;
	[tilespmem:$0x16C00] =	vst v63  }
0x286: {  	s26 =	sadd.s32 $0x40, s24;
	s28 =	simm.s32 $0x110A0  }
0x287: {  	[hbm4b:s26+s3] =	stream.linear.scatter [tilespmem:s28], [sflag:$0x6], $0x80, $0x38;
	[tilespmem:$0x16C00] =	vst v63  }
0x288: {  	s26 =	sadd.s32 $0x50, s24;
	s28 =	simm.s32 $0x11128  }
0x289: {  	[hbm4b:s26+s3] =	stream.linear.scatter [tilespmem:s28], [sflag:$0x6], $0x80, $0x38;
	[tilespmem:$0x16C00] =	vst v63  }
0x28a: {  	s26 =	sadd.s32 $0x60, s24;
	s28 =	simm.s32 $0x111B0  }
0x28b: {  	[hbm4b:s26+s3] =	stream.linear.scatter [tilespmem:s28], [sflag:$0x6], $0x80, $0x38;
	[tilespmem:$0x16C00] =	vst v63  }
0x28c: {  	s24 =	sadd.s32 $0x70, s24;
	s28 =	simm.s32 $0x11238;
	s26 =	rddreg [dreg:$0xf]  }
0x28d: {  	[hbm4b:s24+s3] =	stream.linear.scatter [tilespmem:s28], [sflag:$0x6], $0x80, $0x38;
	[tilespmem:$0x16C00] =	vst v63  }
0x28e: {  	s24 =	sadd.s32 s23, s26;
	s28 =	simm.s32 $0x112C0  }
0x28f: {  	[hbm4b:s24+s3] =	stream.linear.scatter [tilespmem:s28], [sflag:$0x6], $0x80, $0x38;
	[tilespmem:$0x16C00] =	vst v63  }
0x290: {  	s26 =	sadd.s32 $0x10, s24;
	s28 =	simm.s32 $0x11348  }
0x291: {  	[hbm4b:s26+s3] =	stream.linear.scatter [tilespmem:s28], [sflag:$0x6], $0x80, $0x38;
	[tilespmem:$0x16C00] =	vst v63  }
0x292: {  	s26 =	sadd.s32 $0x20, s24;
	s28 =	simm.s32 $0x113D0  }
0x293: {  	[hbm4b:s26+s3] =	stream.linear.scatter [tilespmem:s28], [sflag:$0x6], $0x80, $0x38;
	[tilespmem:$0x16C00] =	vst v63  }
0x294: {  	s26 =	sadd.s32 $0x30, s24;
	s28 =	simm.s32 $0x11458  }
0x295: {  	[hbm4b:s26+s3] =	stream.linear.scatter [tilespmem:s28], [sflag:$0x6], $0x80, $0x38;
	[tilespmem:$0x16C00] =	vst v63  }
0x296: {  	s26 =	sadd.s32 $0x40, s24;
	s28 =	simm.s32 $0x114E0  }
0x297: {  	[hbm4b:s26+s3] =	stream.linear.scatter [tilespmem:s28], [sflag:$0x6], $0x80, $0x38;
	[tilespmem:$0x16C00] =	vst v63  }
0x298: {  	s26 =	sadd.s32 $0x50, s24;
	s28 =	simm.s32 $0x11568  }
0x299: {  	[hbm4b:s26+s3] =	stream.linear.scatter [tilespmem:s28], [sflag:$0x6], $0x80, $0x38;
	[tilespmem:$0x16C00] =	vst v63  }
0x29a: {  	s26 =	sadd.s32 $0x60, s24;
	s28 =	simm.s32 $0x115F0  }
0x29b: {  	[hbm4b:s26+s3] =	stream.linear.scatter [tilespmem:s28], [sflag:$0x6], $0x80, $0x38;
	[tilespmem:$0x16C00] =	vst v63  }
0x29c: {  	s24 =	sadd.s32 $0x70, s24;
	s28 =	simm.s32 $0x11678;
	s26 =	rddreg [dreg:$0x10]  }
0x29d: {  	[hbm4b:s24+s3] =	stream.linear.scatter [tilespmem:s28], [sflag:$0x6], $0x80, $0x38;
	[tilespmem:$0x16C00] =	vst v63  }
0x29e: {  	s24 =	sadd.s32 s23, s26;
	s28 =	simm.s32 $0x11700  }
0x29f: {  	[hbm4b:s24+s3] =	stream.linear.scatter [tilespmem:s28], [sflag:$0x6], $0x80, $0x38;
	[tilespmem:$0x16C00] =	vst v63  }
0x2a0: {  	s26 =	sadd.s32 $0x10, s24;
	s28 =	simm.s32 $0x11788  }
0x2a1: {  	[hbm4b:s26+s3] =	stream.linear.scatter [tilespmem:s28], [sflag:$0x6], $0x80, $0x38;
	[tilespmem:$0x16C00] =	vst v63  }
0x2a2: {  	s26 =	sadd.s32 $0x20, s24;
	s28 =	simm.s32 $0x11810  }
0x2a3: {  	[hbm4b:s26+s3] =	stream.linear.scatter [tilespmem:s28], [sflag:$0x6], $0x80, $0x38;
	[tilespmem:$0x16C00] =	vst v63  }
0x2a4: {  	s26 =	sadd.s32 $0x30, s24;
	s28 =	simm.s32 $0x11898  }
0x2a5: {  	[hbm4b:s26+s3] =	stream.linear.scatter [tilespmem:s28], [sflag:$0x6], $0x80, $0x38;
	[tilespmem:$0x16C00] =	vst v63  }
0x2a6: {  	s26 =	sadd.s32 $0x40, s24;
	s28 =	simm.s32 $0x11920  }
0x2a7: {  	[hbm4b:s26+s3] =	stream.linear.scatter [tilespmem:s28], [sflag:$0x6], $0x80, $0x38;
	[tilespmem:$0x16C00] =	vst v63  }
0x2a8: {  	s26 =	sadd.s32 $0x50, s24;
	s28 =	simm.s32 $0x119A8  }
0x2a9: {  	[hbm4b:s26+s3] =	stream.linear.scatter [tilespmem:s28], [sflag:$0x6], $0x80, $0x38;
	[tilespmem:$0x16C00] =	vst v63  }
0x2aa: {  	s26 =	sadd.s32 $0x60, s24;
	s28 =	simm.s32 $0x11A30  }
0x2ab: {  	[hbm4b:s26+s3] =	stream.linear.scatter [tilespmem:s28], [sflag:$0x6], $0x80, $0x38;
	[tilespmem:$0x16C00] =	vst v63  }
0x2ac: {  	s24 =	sadd.s32 $0x70, s24;
	s28 =	simm.s32 $0x11AB8;
	s26 =	rddreg [dreg:$0x11]  }
0x2ad: {  	[hbm4b:s24+s3] =	stream.linear.scatter [tilespmem:s28], [sflag:$0x6], $0x80, $0x38;
	[tilespmem:$0x16C00] =	vst v63  }
0x2ae: {  	s24 =	sadd.s32 s23, s26;
	s28 =	simm.s32 $0x11B40  }
0x2af: {  	[hbm4b:s24+s3] =	stream.linear.scatter [tilespmem:s28], [sflag:$0x6], $0x80, $0x38;
	[tilespmem:$0x16C00] =	vst v63  }
0x2b0: {  	s26 =	sadd.s32 $0x10, s24;
	s28 =	simm.s32 $0x11BC8  }
0x2b1: {  	[hbm4b:s26+s3] =	stream.linear.scatter [tilespmem:s28], [sflag:$0x6], $0x80, $0x38;
	[tilespmem:$0x16C00] =	vst v63  }
0x2b2: {  	s26 =	sadd.s32 $0x20, s24;
	s28 =	simm.s32 $0x11C50  }
0x2b3: {  	[hbm4b:s26+s3] =	stream.linear.scatter [tilespmem:s28], [sflag:$0x6], $0x80, $0x38;
	[tilespmem:$0x16C00] =	vst v63  }
0x2b4: {  	s26 =	sadd.s32 $0x30, s24;
	s28 =	simm.s32 $0x11CD8  }
0x2b5: {  	[hbm4b:s26+s3] =	stream.linear.scatter [tilespmem:s28], [sflag:$0x6], $0x80, $0x38;
	[tilespmem:$0x16C00] =	vst v63  }
0x2b6: {  	s26 =	sadd.s32 $0x40, s24;
	s28 =	simm.s32 $0x11D60  }
0x2b7: {  	[hbm4b:s26+s3] =	stream.linear.scatter [tilespmem:s28], [sflag:$0x6], $0x80, $0x38;
	[tilespmem:$0x16C00] =	vst v63  }
0x2b8: {  	s26 =	sadd.s32 $0x50, s24;
	s28 =	simm.s32 $0x11DE8  }
0x2b9: {  	[hbm4b:s26+s3] =	stream.linear.scatter [tilespmem:s28], [sflag:$0x6], $0x80, $0x38;
	[tilespmem:$0x16C00] =	vst v63  }
0x2ba: {  	s26 =	sadd.s32 $0x60, s24;
	s28 =	simm.s32 $0x11E70  }
0x2bb: {  	[hbm4b:s26+s3] =	stream.linear.scatter [tilespmem:s28], [sflag:$0x6], $0x80, $0x38;
	[tilespmem:$0x16C00] =	vst v63  }
0x2bc: {  	s24 =	sadd.s32 $0x70, s24;
	s28 =	simm.s32 $0x11EF8;
	s26 =	rddreg [dreg:$0x12]  }
0x2bd: {  	[hbm4b:s24+s3] =	stream.linear.scatter [tilespmem:s28], [sflag:$0x6], $0x80, $0x38;
	[tilespmem:$0x16C00] =	vst v63  }
0x2be: {  	s24 =	sadd.s32 s23, s26;
	s28 =	simm.s32 $0x11F80  }
0x2bf: {  	[hbm4b:s24+s3] =	stream.linear.scatter [tilespmem:s28], [sflag:$0x6], $0x80, $0x38;
	[tilespmem:$0x16C00] =	vst v63  }
0x2c0: {  	s26 =	sadd.s32 $0x10, s24;
	s28 =	simm.s32 $0x12008  }
0x2c1: {  	[hbm4b:s26+s3] =	stream.linear.scatter [tilespmem:s28], [sflag:$0x6], $0x80, $0x38;
	[tilespmem:$0x16C00] =	vst v63  }
0x2c2: {  	s26 =	sadd.s32 $0x20, s24;
	s28 =	simm.s32 $0x12090  }
0x2c3: {  	[hbm4b:s26+s3] =	stream.linear.scatter [tilespmem:s28], [sflag:$0x6], $0x80, $0x38;
	[tilespmem:$0x16C00] =	vst v63  }
0x2c4: {  	s26 =	sadd.s32 $0x30, s24;
	s28 =	simm.s32 $0x12118  }
0x2c5: {  	[hbm4b:s26+s3] =	stream.linear.scatter [tilespmem:s28], [sflag:$0x6], $0x80, $0x38;
	[tilespmem:$0x16C00] =	vst v63  }
0x2c6: {  	s26 =	sadd.s32 $0x40, s24;
	s28 =	simm.s32 $0x121A0  }
0x2c7: {  	[hbm4b:s26+s3] =	stream.linear.scatter [tilespmem:s28], [sflag:$0x6], $0x80, $0x38;
	[tilespmem:$0x16C00] =	vst v63  }
0x2c8: {  	s26 =	sadd.s32 $0x50, s24;
	s28 =	simm.s32 $0x12228  }
0x2c9: {  	[hbm4b:s26+s3] =	stream.linear.scatter [tilespmem:s28], [sflag:$0x6], $0x80, $0x38;
	[tilespmem:$0x16C00] =	vst v63  }
0x2ca: {  	s26 =	sadd.s32 $0x60, s24;
	s28 =	simm.s32 $0x122B0  }
0x2cb: {  	[hbm4b:s26+s3] =	stream.linear.scatter [tilespmem:s28], [sflag:$0x6], $0x80, $0x38;
	[tilespmem:$0x16C00] =	vst v63  }
0x2cc: {  	s24 =	sadd.s32 $0x70, s24;
	s28 =	simm.s32 $0x12338;
	s26 =	rddreg [dreg:$0x13]  }
0x2cd: {  	[hbm4b:s24+s3] =	stream.linear.scatter [tilespmem:s28], [sflag:$0x6], $0x80, $0x38;
	[tilespmem:$0x16C00] =	vst v63  }
0x2ce: {  	s24 =	sadd.s32 s23, s26;
	s28 =	simm.s32 $0x123C0  }
0x2cf: {  	[hbm4b:s24+s3] =	stream.linear.scatter [tilespmem:s28], [sflag:$0x6], $0x80, $0x38;
	[tilespmem:$0x16C00] =	vst v63  }
0x2d0: {  	s26 =	sadd.s32 $0x10, s24;
	s28 =	simm.s32 $0x12448  }
0x2d1: {  	[hbm4b:s26+s3] =	stream.linear.scatter [tilespmem:s28], [sflag:$0x6], $0x80, $0x38;
	[tilespmem:$0x16C00] =	vst v63  }
0x2d2: {  	s26 =	sadd.s32 $0x20, s24;
	s28 =	simm.s32 $0x124D0  }
0x2d3: {  	[hbm4b:s26+s3] =	stream.linear.scatter [tilespmem:s28], [sflag:$0x6], $0x80, $0x38;
	[tilespmem:$0x16C00] =	vst v63  }
0x2d4: {  	s26 =	sadd.s32 $0x30, s24;
	s28 =	simm.s32 $0x12558  }
0x2d5: {  	[hbm4b:s26+s3] =	stream.linear.scatter [tilespmem:s28], [sflag:$0x6], $0x80, $0x38;
	[tilespmem:$0x16C00] =	vst v63  }
0x2d6: {  	s26 =	sadd.s32 $0x40, s24;
	s28 =	simm.s32 $0x125E0  }
0x2d7: {  	[hbm4b:s26+s3] =	stream.linear.scatter [tilespmem:s28], [sflag:$0x6], $0x80, $0x38;
	[tilespmem:$0x16C00] =	vst v63  }
0x2d8: {  	s26 =	sadd.s32 $0x50, s24;
	s28 =	simm.s32 $0x12668  }
0x2d9: {  	[hbm4b:s26+s3] =	stream.linear.scatter [tilespmem:s28], [sflag:$0x6], $0x80, $0x38;
	[tilespmem:$0x16C00] =	vst v63  }
.Ltmp7:
0x2da: {  	_ = 	snop;
	(pc) =	sbr.rel @p1 .LBB2_12-.Ltmp7, $4  }
0x2db: {  	v52 =	vmov v8;
	v53 =	vmov v10;
	s26 =	sadd.s32 $0x60, s24;
	s28 =	simm.s32 $0x126F0  }
0x2dc: {  	v62 =	vmovc v15;
	v8 =	vmovc v12;
	v12 =	vmov v13;
	v55 =	vmov v24;
	v24 =	vmov v26;
	[hbm4b:s26+s3] =	stream.linear.scatter [tilespmem:s28], [sflag:$0x6], $0x80, $0x38;
	[tilespmem:$0x16C00] =	vst v63  }
0x2dd: {  	v10 =	vmovc v11;
	v56 =	vmovc v18;
	v58 =	vmov v28;
	v59 =	vmov v32;
	v57 =	vmov v22;
	s24 =	sadd.s32 $0x70, s24;
	s28 =	simm.s32 $0x12778  }
0x2de: {  	v28 =	vmovc v30;
	v60 =	vmovc v19;
	v5 =	vmov v14;
	v18 =	vmov v21;
	v9 =	vmov v23;
	[hbm4b:s24+s3] =	stream.linear.scatter [tilespmem:s28], [sflag:$0x6], $0x80, $0x38;
	[tilespmem:$0x16C00] =	vst v63  }
.Ltmp8:
0x2df: {  	(pc) =	sbr.rel .LBB2_13-.Ltmp8, $4  }
0x2e0: {  	_ = 	snop  }
0x2e1: {  	_ =	swait.ge [sflag:s15], $0x2000  }
0x2e2: {  	[sflag:s15] =	ssyncset.done $0x0  }
0x2e3: {  	[sflag:s15] =	ssyncadd.s32 $0xFFFFE000  }
.LBB2_12:
0x2e4: {  	s24 =	sadd.s32 $0x280, s22  }
.Ltmp9:
0x2e5: {  	s26 =	simm.s32 $0x8400;
	s24 =	sand.u32 $0xFE80, s24;
	(pc) =	sbr.rel @p0 .LBB2_14-.Ltmp9, $4  }
0x2e6: {  	[tilespmem:s26], [sflag:$0x2] =	stream.indirect.gather [hbm4b:s5+s9], $0x40, s24, s9, $0xb8;
	[tilespmem:$0x16C00] =	vst v63  }
0x2e7: {  	_ =	swait.ge [sflag:s15], $0x2000  }
0x2e8: {  	[sflag:s15] =	ssyncset.done $0x0  }
0x2e9: {  	[sflag:s15] =	ssyncadd.s32 $0xFFFFE000  }
.LBB2_13:
0x2ea: {  	_ =	swait.ge [sflag:s16], $0x400  }
0x2eb: {  	[sflag:s16] =	ssyncset.done $0x0  }
0x2ec: {  	[sflag:s16] =	ssyncadd.s32 $0xFFFFFC00  }
0x2ed: {  	_ =	swait.ge [sflag:s16], $0x400  }
0x2ee: {  	[sflag:s16] =	ssyncset.done $0x0  }
0x2ef: {  	[sflag:s16] =	ssyncadd.s32 $0xFFFFFC00  }
0x2f0: {  	_ =	swait.ge [sflag:s16], $0x400  }
0x2f1: {  	[sflag:s16] =	ssyncset.done $0x0  }
0x2f2: {  	[sflag:s16] =	ssyncadd.s32 $0xFFFFFC00  }
0x2f3: {  	_ =	swait.ge [sflag:s16], $0x400  }
0x2f4: {  	[sflag:s16] =	ssyncset.done $0x0  }
0x2f5: {  	[sflag:s16] =	ssyncadd.s32 $0xFFFFFC00  }
0x2f6: {  	_ =	swait.ge [sflag:s16], $0x400  }
0x2f7: {  	[sflag:s16] =	ssyncset.done $0x0  }
0x2f8: {  	[sflag:s16] =	ssyncadd.s32 $0xFFFFFC00  }
0x2f9: {  	_ =	swait.ge [sflag:s16], $0x400  }
0x2fa: {  	[sflag:s16] =	ssyncset.done $0x0  }
0x2fb: {  	[sflag:s16] =	ssyncadd.s32 $0xFFFFFC00  }
0x2fc: {  	_ =	swait.ge [sflag:s16], $0x400  }
0x2fd: {  	[sflag:s16] =	ssyncset.done $0x0  }
0x2fe: {  	[sflag:s16] =	ssyncadd.s32 $0xFFFFFC00  }
0x2ff: {  	_ =	swait.ge [sflag:s16], $0x400  }
0x300: {  	[sflag:s16] =	ssyncset.done $0x0  }
0x301: {  	[sflag:s16] =	ssyncadd.s32 $0xFFFFFC00  }
.LBB2_14:
0x302: {  	s26 =	simm.s32 $0x2  }
0x303: {  	s24 =	simm.s32 $0x0;
	v3 =	vmov s26;
	s26 =	simm.s32 $0x5  }
0x304: {  	v0 =	vmov s24;
	s24 =	simm.s32 $0x1;
	v35 =	vmov s26;
	s26 =	simm.s32 $0x7  }
0x305: {  	v0 =	vshrl.u32 v0, $0x3;
	v2 =	vmov s24;
	s24 =	simm.s32 $0x4;
	v37 =	vmov s26  }
0x306: {  	v34 =	vmov s24;
	v0 =	vshll.u32 v0, v1;
	s24 =	simm.s32 $0xA500;
	v37 =	vshrl.u32 v37, $0x3  }
0x307: {  	v2 =	vshrl.u32 v2, $0x3;
	v39 =	vbroadcast v0, $0x0;
	v38 =	vld [tilespmem:s24+$0xFFFFFF00];
	v37 =	vshll.u32 v37, v1  }
0x308: {  	v3 =	vshrl.u32 v3, $0x3;
	v0 =	vld [tilespmem:s24+$0xC0];
	v2 =	vshll.u32 v2, v1;
	v41 =	vbroadcast v37, $0x0  }
0x309: {  	s28 =	simm.s32 $0x3;
	v3 =	vshll.u32 v3, v1;
	v42 =	vld [tilespmem:s24+$0xFFFFFF40];
	v21 =	vbroadcast v2, $0x0;
	v44 =	vadd.s32 v52, v39  }
0x30a: {  	v33 =	vmov s28;
	s28 =	simm.s32 $0x6;
	v45 =	vld [tilespmem:s24+$0xFFFFFF80];
	v37 =	vbroadcast v3, $0x0;
	v2 =	vadd.s32 v62, v41  }
0x30b: {  	v36 =	vmov s28;
	v46 =	vadd.s32 v8, v21  }
0x30c: {  	v33 =	vshrl.u32 v33, $0x3;
	v48 =	vadd.s32 v54, v37;
	v38 =	vmul.f32 $8.000000000e+00, v38  }
0x30d: {  	v35 =	vshrl.u32 v35, $0x3;
	v34 =	vshrl.u32 v34, $0x3;
	v0 =	vmul.f32 $8.000000000e+00, v0  }
0x30e: {  	v36 =	vshrl.u32 v36, $0x3;
	v47 =	vld [tilespmem:s24+$0xFFFFFFC0];
	v34 =	vshll.u32 v34, v1;
	v42 =	vmul.f32 $8.000000000e+00, v42;
	[tilespmem:v44+s17+$0x0] =	vst.idx.msk $0xffff, v38  }
0x30f: {  	v43 =	vshll.u32 v35, v1;
	v49 =	vld [tilespmem:s24+$0x0];
	v35 =	vbroadcast v34, $0x0;
	[tilespmem:v2+s17+$0x0] =	vst.idx.msk $0xffff, v0;
	v2 =	vmul.f32 $8.000000000e+00, v45  }
0x310: {  	v33 =	vshll.u32 v33, v1;
	v51 =	vld [tilespmem:s24+$0x40];
	v3 =	vshll.u32 v36, v1;
	[tilespmem:v46+s17+$0x0] =	vst.idx.msk $0xffff, v42  }
0x311: {  	v22 =	vmovc v58;
	v36 =	vbroadcast v33, $0x0;
	v33 =	vbroadcast v43, $0x0;
	v43 =	vadd.s32 v58, v35;
	v58 =	vld [tilespmem:s24+$0x80];
	[tilespmem:v48+s17+$0x0] =	vst.idx.msk $0xffff, v2  }
0x312: {  	v34 =	vbroadcast v3, $0x0;
	v6 =	vld [tilespmem:$0x1FFD0]  }
0x313: {  	v50 =	vadd.s32 v55, v36  }
0x314: {  	v32 =	vmov v62;
	v30 =	vmov v60;
	v60 =	vadd.s32 v60, v34;
	v62 =	vld [tilespmem:s24+$0xFFFFFF50]  }
0x315: {  	v3 =	vadd.s32 v59, v33;
	v38 =	vld [tilespmem:s24+$0xD0];
	v2 =	vmul.f32 $8.000000000e+00, v49  }
0x316: {  	v26 =	vmovc v59;
	v59 =	vmul.f32 $8.000000000e+00, v47;
	v63 =	vmul.f32 $8.000000000e+00, v51;
	v51 =	vadd.s32 v10, v21;
	v44 =	vld [tilespmem:s24+$0xFFFFFF10]  }
0x317: {  	[tilespmem:v43+s17+$0x0] =	vst.idx.msk $0xffff, v2;
	v2 =	vmul.f32 $8.000000000e+00, v58;
	v48 =	vadd.s32 v6, v41  }
0x318: {  	v14 =	vmov v54;
	v54 =	vld [tilespmem:s24+$0xFFFFFF90];
	[tilespmem:v50+s17+$0x0] =	vst.idx.msk $0xffff, v59;
	v6 =	vmov v53;
	v53 =	vadd.s32 v53, v39  }
0x319: {  	v4 =	vmov v52;
	v13 =	vmov v55;
	s26 =	simm.s32 $0x8;
	v55 =	vld [tilespmem:s24+$0xFFFFFFD0];
	[tilespmem:v60+s17+$0x0] =	vst.idx.msk $0xffff, v2;
	v60 =	vmul.f32 $8.000000000e+00, v62  }
0x31a: {  	v15 =	vmovc v56;
	v19 =	vmovc v57;
	v52 =	vadd.s32 v56, v37;
	v0 =	vmov s26;
	[tilespmem:v3+s17+$0x0] =	vst.idx.msk $0xffff, v63;
	v56 =	vld [tilespmem:s24+$0x10];
	v3 =	vmul.f32 $8.000000000e+00, v38  }
0x31b: {  	s26 =	simm.s32 $0x9;
	v45 =	vadd.s32 v12, v21;
	v42 =	vmul.f32 $8.000000000e+00, v44;
	v44 =	vadd.s32 v57, v36;
	v57 =	vld [tilespmem:s24+$0x50];
	[tilespmem:v51+s17+$0x0] =	vst.idx.msk $0xffff, v60  }
0x31c: {  	v0 =	vshrl.u32 v0, $0x3;
	v46 =	vmov s26;
	s26 =	simm.s32 $0xA;
	v62 =	vadd.s32 v24, v35;
	v63 =	vld [tilespmem:s24+$0x90];
	[tilespmem:v48+s17+$0x0] =	vst.idx.msk $0xffff, v3  }
0x31d: {  	v49 =	vmov s26;
	s26 =	simm.s32 $0xB;
	[tilespmem:v53+s17+$0x0] =	vst.idx.msk $0xffff, v42;
	v3 =	vmul.f32 $8.000000000e+00, v54;
	v42 =	vadd.s32 v28, v33;
	v54 =	vld [tilespmem:s24+$0xFFFFFF60]  }
0x31e: {  	v50 =	vmov s26;
	s26 =	simm.s32 $0xC;
	v51 =	vadd.s32 v61, v34;
	v40 =	vmul.f32 $8.000000000e+00, v55;
	v48 =	vld [tilespmem:s24+$0xE0]  }
0x31f: {  	v0 =	vshll.u32 v0, v1;
	v43 =	vmov s26;
	v53 =	vld [tilespmem:s24+$0xFFFFFF20];
	[tilespmem:v52+s17+$0x0] =	vst.idx.msk $0xffff, v3;
	v3 =	vmul.f32 $8.000000000e+00, v56  }
0x320: {  	s26 =	simm.s32 $0xD;
	v59 =	vshrl.u32 v50, $0x3;
	[tilespmem:v44+s17+$0x0] =	vst.idx.msk $0xffff, v40;
	v44 =	vmul.f32 $8.000000000e+00, v57;
	v52 =	vadd.s32 v9, v41  }
0x321: {  	v50 =	vadd.s32 v5, v39;
	v38 =	vmov s26;
	v55 =	vld [tilespmem:s24+$0xFFFFFFA0];
	[tilespmem:v62+s17+$0x0] =	vst.idx.msk $0xffff, v3;
	v3 =	vmul.f32 $8.000000000e+00, v63  }
0x322: {  	s26 =	simm.s32 $0xE;
	v58 =	vshrl.u32 v38, $0x3;
	v38 =	vbroadcast v0, $0x0;
	v57 =	vld [tilespmem:s24+$0xFFFFFFE0];
	[tilespmem:v42+s17+$0x0] =	vst.idx.msk $0xffff, v44;
	v0 =	vmul.f32 $8.000000000e+00, v54  }
0x323: {  	v31 =	vmovc v61;
	v2 =	vmov s26;
	v60 =	vadd.s32 v16, v37;
	v61 =	vld [tilespmem:s24+$0x20];
	v56 =	vmul.f32 $8.000000000e+00, v48;
	[tilespmem:v51+s17+$0x0] =	vst.idx.msk $0xffff, v3  }
0x324: {  	v42 =	vshrl.u32 v2, $0x3;
	v2 =	vmul.f32 $8.000000000e+00, v53;
	v63 =	vld [tilespmem:s24+$0x60];
	[tilespmem:v45+s17+$0x0] =	vst.idx.msk $0xffff, v0  }
0x325: {  	v62 =	vadd.s32 v18, v36;
	v40 =	vld [tilespmem:s24+$0xA0];
	[tilespmem:v52+s17+$0x0] =	vst.idx.msk $0xffff, v56  }
0x326: {  	[tilespmem:v50+s17+$0x0] =	vst.idx.msk $0xffff, v2;
	v2 =	vmul.f32 $8.000000000e+00, v55;
	v52 =	vld [tilespmem:s24+$0xFFFFFF70]  }
0x327: {  	v3 =	vadd.s32 v20, v35;
	v56 =	vld [tilespmem:s24+$0xF0]  }
0x328: {  	v11 =	vmov v10;
	v0 =	vmul.f32 $8.000000000e+00, v57;
	v50 =	vld [tilespmem:s24+$0xFFFFFF30];
	[tilespmem:v60+s17+$0x0] =	vst.idx.msk $0xffff, v2  }
0x329: {  	v10 =	vmovc v18;
	v49 =	vshrl.u32 v49, $0x3;
	v18 =	vmovc v25;
	v55 =	vadd.s32 v25, v33;
	v25 =	vmov v9;
	v9 =	vld [tilespmem:$0x1FFF0]  }
0x32a: {  	v44 =	vshll.u32 v49, v1;
	v2 =	vmul.f32 $8.000000000e+00, v61;
	v49 =	vld [tilespmem:s24+$0xFFFFFFB0];
	[tilespmem:v62+s17+$0x0] =	vst.idx.msk $0xffff, v0  }
0x32b: {  	v17 =	vmov v20;
	v20 =	vld [tilespmem:$0x1FE40]  }
0x32c: {  	v54 =	vld [tilespmem:s24+$0xFFFFFFF0];
	[tilespmem:v3+s17+$0x0] =	vst.idx.msk $0xffff, v2  }
0x32d: {  	v46 =	vshrl.u32 v46, $0x3;
	v43 =	vshrl.u32 v43, $0x3;
	v51 =	vadd.s32 v29, v34;
	v29 =	vld [tilespmem:$0x1FE60]  }
0x32e: {  	v23 =	vmovc v24;
	v27 =	vmovc v28;
	v47 =	vshll.u32 v46, v1;
	v46 =	vshll.u32 v43, v1;
	v24 =	vmov v17;
	v17 =	vld [tilespmem:$0x1FEC0]  }
0x32f: {  	v43 =	vshll.u32 v58, v1;
	v28 =	vmovc v18;
	v48 =	vadd.s32 v7, v39;
	v53 =	vadd.s32 v9, v41;
	v9 =	vld [tilespmem:$0x1FE90]  }
0x330: {  	v7 =	vmovc v6;
	v6 =	vmovc v4;
	v45 =	vshll.u32 v59, v1;
	v18 =	vmov v13;
	v39 =	vmul.f32 $8.000000000e+00, v63;
	v13 =	vld [tilespmem:$0x1FEF0]  }
0x331: {  	s28 =	simm.s32 $0xF;
	s26 =	simm.s32 $0x10;
	v40 =	vmul.f32 $8.000000000e+00, v40;
	v41 =	vadd.s32 v20, v21;
	v20 =	vmovc v10;
	v10 =	vmovc v8;
	v8 =	vmov v5;
	v21 =	vld [tilespmem:$0x1FF20]  }
.LBB2_15:
0x332: {  	_ = 	snop  }
0x333: {  	v0 =	vmov s28;
	v3 =	vld [tilespmem:s24+$0x30]  }
0x334: {  	v2 =	vadd.s32 v29, v37;
	v36 =	vadd.s32 v9, v36;
	v4 =	vld [tilespmem:$0x1FFD0];
	[tilespmem:v55+s17+$0x0] =	vst.idx.msk $0xffff, v39;
	v63 =	vmul.f32 $8.000000000e+00, v56  }
0x335: {  	v35 =	vadd.s32 v17, v35;
	v0 =	vshrl.u32 v0, $0x3;
	[tilespmem:v51+s17+$0x0] =	vst.idx.msk $0xffff, v40;
	v57 =	vld [tilespmem:s24+$0x70];
	v56 =	vmul.f32 $8.000000000e+00, v50  }
0x336: {  	v33 =	vadd.s32 v13, v33;
	v0 =	vshll.u32 v0, v1;
	v59 =	vld [tilespmem:s24+$0xB0];
	s24 =	sadd.s32 $0x200, s24;
	v58 =	vmul.f32 $8.000000000e+00, v52;
	[tilespmem:v53+s17+$0x0] =	vst.idx.msk $0xffff, v63  }
0x337: {  	v42 =	vshll.u32 v42, v1;
	v40 =	vbroadcast v0, $0x0;
	v0 =	vmul.f32 $8.000000000e+00, v49;
	[tilespmem:v48+s17+$0x0] =	vst.idx.msk $0xffff, v56;
	v53 =	vld [tilespmem:s24+$0xC0]  }
0x338: {  	v34 =	vadd.s32 v21, v34;
	v39 =	vmov v38;
	v61 =	vmul.f32 $8.000000000e+00, v54;
	[tilespmem:v41+s17+$0x0] =	vst.idx.msk $0xffff, v58;
	v38 =	vld [tilespmem:s24+$0xFFFFFF00]  }
0x339: {  	v41 =	vbroadcast v47, $0x0;
	v63 =	vadd.s32 v32, v40;
	[tilespmem:v2+s17+$0x0] =	vst.idx.msk $0xffff, v0;
	v0 =	vmul.f32 $8.000000000e+00, v3;
	v62 =	vld [tilespmem:s24+$0xFFFFFF40]  }
0x33a: {  	v37 =	vbroadcast v44, $0x0;
	v2 =	vadd.s32 v6, v39;
	[tilespmem:v36+s17+$0x0] =	vst.idx.msk $0xffff, v61;
	v3 =	vld [tilespmem:s24+$0xFFFFFF80];
	v60 =	vmul.f32 $8.000000000e+00, v57  }
0x33b: {  	v36 =	vbroadcast v45, $0x0;
	v61 =	vld [tilespmem:s24+$0xFFFFFFC0];
	v48 =	vadd.s32 v10, v41;
	[tilespmem:v35+s17+$0x0] =	vst.idx.msk $0xffff, v0;
	v0 =	vmul.f32 $8.000000000e+00, v59  }
0x33c: {  	v45 =	vadd.s32 v14, v37;
	v35 =	vbroadcast v46, $0x0;
	v51 =	vld [tilespmem:s24+$0x0];
	[tilespmem:v33+s17+$0x0] =	vst.idx.msk $0xffff, v60;
	v56 =	vmul.f32 $8.000000000e+00, v53  }
0x33d: {  	v44 =	vadd.s32 v18, v36;
	v33 =	vbroadcast v43, $0x0;
	v57 =	vld [tilespmem:s24+$0x40];
	[tilespmem:v34+s17+$0x0] =	vst.idx.msk $0xffff, v0;
	v38 =	vmul.f32 $8.000000000e+00, v38  }
0x33e: {  	v58 =	vadd.s32 v22, v35;
	v34 =	vbroadcast v42, $0x0;
	v59 =	vld [tilespmem:s24+$0x80];
	v0 =	vmul.f32 $8.000000000e+00, v62;
	[tilespmem:v63+s17+$0x0] =	vst.idx.msk $0xffff, v56  }
0x33f: {  	[tilespmem:v2+s17+$0x0] =	vst.idx.msk $0xffff, v38;
	v2 =	vmul.f32 $8.000000000e+00, v3;
	v3 =	vadd.s32 v26, v33;
	v63 =	vld [tilespmem:s24+$0xD0]  }
0x340: {  	v47 =	vadd.s32 v30, v34;
	[tilespmem:v48+s17+$0x0] =	vst.idx.msk $0xffff, v0;
	v0 =	vmul.f32 $8.000000000e+00, v61;
	v60 =	vld [tilespmem:s24+$0xFFFFFF10]  }
0x341: {  	v61 =	vld [tilespmem:s24+$0xFFFFFF50];
	[tilespmem:v45+s17+$0x0] =	vst.idx.msk $0xffff, v2;
	v2 =	vmul.f32 $8.000000000e+00, v51;
	v45 =	vadd.s32 v4, v40  }
0x342: {  	v62 =	vmov s26;
	v53 =	vadd.s32 v7, v39;
	[tilespmem:v44+s17+$0x0] =	vst.idx.msk $0xffff, v0;
	v0 =	vmul.f32 $8.000000000e+00, v57  }
0x343: {  	v52 =	vadd.s32 v11, v41;
	v42 =	vshrl.u32 v62, $0x3;
	v62 =	vld [tilespmem:s24+$0xFFFFFF90];
	[tilespmem:v58+s17+$0x0] =	vst.idx.msk $0xffff, v2;
	v2 =	vmul.f32 $8.000000000e+00, v59  }
0x344: {  	s28 =	sadd.s32 $0x1, s26;
	v55 =	vld [tilespmem:s24+$0xFFFFFFD0];
	[tilespmem:v3+s17+$0x0] =	vst.idx.msk $0xffff, v0;
	v0 =	vmul.f32 $8.000000000e+00, v63  }
0x345: {  	v49 =	vadd.s32 v15, v37;
	v48 =	vmov s28;
	s28 =	sadd.s32 $0x2, s26;
	v56 =	vld [tilespmem:s24+$0x10];
	v63 =	vmul.f32 $8.000000000e+00, v60;
	[tilespmem:v47+s17+$0x0] =	vst.idx.msk $0xffff, v2  }
0x346: {  	v51 =	vmov s28;
	s28 =	sadd.s32 $0x3, s26;
	v60 =	vadd.s32 v19, v36;
	v57 =	vld [tilespmem:s24+$0x50];
	v61 =	vmul.f32 $8.000000000e+00, v61;
	[tilespmem:v45+s17+$0x0] =	vst.idx.msk $0xffff, v0  }
0x347: {  	v50 =	vadd.s32 v23, v35;
	v44 =	vmov s28;
	v58 =	vld [tilespmem:s24+$0x90];
	[tilespmem:v53+s17+$0x0] =	vst.idx.msk $0xffff, v63  }
0x348: {  	s28 =	sadd.s32 $0x4, s26;
	v0 =	vshll.u32 v42, v1;
	v62 =	vmul.f32 $8.000000000e+00, v62;
	v42 =	vadd.s32 v27, v33;
	[tilespmem:v52+s17+$0x0] =	vst.idx.msk $0xffff, v61;
	v53 =	vld [tilespmem:s24+$0xFFFFFF20]  }
0x349: {  	v43 =	vmov s28;
	v63 =	vmul.f32 $8.000000000e+00, v55;
	v52 =	vadd.s32 v31, v34;
	v54 =	vld [tilespmem:s24+$0xFFFFFF60]  }
0x34a: {  	s28 =	sadd.s32 $0x5, s26;
	v59 =	vshrl.u32 v44, $0x3;
	v44 =	vadd.s32 v8, v39;
	v45 =	vld [tilespmem:s24+$0xE0];
	[tilespmem:v49+s17+$0x0] =	vst.idx.msk $0xffff, v62;
	v38 =	vmul.f32 $8.000000000e+00, v56  }
0x34b: {  	v3 =	vmov s28;
	s28 =	sadd.s32 $0x6, s26;
	v55 =	vld [tilespmem:s24+$0xFFFFFFA0];
	[tilespmem:v60+s17+$0x0] =	vst.idx.msk $0xffff, v63;
	v46 =	vmul.f32 $8.000000000e+00, v57;
	v57 =	vadd.s32 v12, v41  }
0x34c: {  	v2 =	vmov s28;
	v49 =	vadd.s32 v25, v40;
	v60 =	vld [tilespmem:s24+$0xFFFFFFE0];
	[tilespmem:v50+s17+$0x0] =	vst.idx.msk $0xffff, v38;
	v50 =	vmul.f32 $8.000000000e+00, v58  }
0x34d: {  	v58 =	vadd.s32 v16, v37;
	v61 =	vld [tilespmem:s24+$0x20];
	[tilespmem:v42+s17+$0x0] =	vst.idx.msk $0xffff, v46;
	v42 =	vshrl.u32 v2, $0x3;
	v2 =	vmul.f32 $8.000000000e+00, v53  }
0x34e: {  	v62 =	vadd.s32 v20, v36;
	v38 =	vbroadcast v0, $0x0;
	v63 =	vld [tilespmem:s24+$0x60];
	[tilespmem:v52+s17+$0x0] =	vst.idx.msk $0xffff, v50;
	v0 =	vmul.f32 $8.000000000e+00, v54  }
0x34f: {  	v45 =	vmul.f32 $8.000000000e+00, v45;
	v5 =	vld [tilespmem:s24+$0xA0];
	[tilespmem:v44+s17+$0x0] =	vst.idx.msk $0xffff, v2  }
0x350: {  	v2 =	vmul.f32 $8.000000000e+00, v55;
	[tilespmem:v57+s17+$0x0] =	vst.idx.msk $0xffff, v0;
	v57 =	vld [tilespmem:$0x1FF10]  }
0x351: {  	[tilespmem:v49+s17+$0x0] =	vst.idx.msk $0xffff, v45;
	v0 =	vmul.f32 $8.000000000e+00, v60;
	v60 =	vld [tilespmem:$0x1FFF0]  }
0x352: {  	[tilespmem:v58+s17+$0x0] =	vst.idx.msk $0xffff, v2;
	v2 =	vmul.f32 $8.000000000e+00, v61;
	v61 =	vld [tilespmem:$0x1FE20]  }
0x353: {  	p2 =	slt.u32 s26, $0x78;
	v48 =	vshrl.u32 v48, $0x3;
	v4 =	vadd.s32 v24, v35;
	[tilespmem:v62+s17+$0x0] =	vst.idx.msk $0xffff, v0;
	v0 =	vld [tilespmem:$0x1FE40]  }
.Ltmp10:
0x354: {  	v51 =	vshrl.u32 v51, $0x3;
	v43 =	vshrl.u32 v43, $0x3;
	v3 =	vshrl.u32 v3, $0x3;
	v56 =	vld [tilespmem:s24+$0xF0];
	(pc) =	sbr.rel @p2 .LBB2_15-.Ltmp10, $4  }
0x355: {  	v47 =	vshll.u32 v48, v1;
	v46 =	vshll.u32 v43, v1;
	v43 =	vshll.u32 v3, v1;
	v50 =	vld [tilespmem:s24+$0xFFFFFF30]  }
0x356: {  	v55 =	vadd.s32 v28, v33;
	v44 =	vshll.u32 v51, v1;
	v45 =	vshll.u32 v59, v1;
	v52 =	vld [tilespmem:s24+$0xFFFFFF70]  }
0x357: {  	v49 =	vld [tilespmem:s24+$0xFFFFFFB0];
	v51 =	vadd.s32 v57, v34;
	v53 =	vadd.s32 v60, v40;
	v40 =	vmul.f32 $8.000000000e+00, v5  }
0x358: {  	s28 =	sadd.s32 $0x7, s26;
	s26 =	sadd.s32 $0x8, s26;
	v54 =	vld [tilespmem:s24+$0xFFFFFFF0];
	[tilespmem:v4+s17+$0x0] =	vst.idx.msk $0xffff, v2;
	v48 =	vadd.s32 v61, v39;
	v39 =	vmul.f32 $8.000000000e+00, v63;
	v41 =	vadd.s32 v0, v41  }
0x359: {  	_ =	sdelay $0x3  }
0x35a: {  	v0 =	vmov s28;
	v2 =	vadd.s32 v29, v37;
	v3 =	vld [tilespmem:s24+$0x30];
	v4 =	vmul.f32 $8.000000000e+00, v56;
	[tilespmem:v55+s17+$0x0] =	vst.idx.msk $0xffff, v39  }
0x35b: {  	v36 =	vadd.s32 v9, v36;
	[tilespmem:v51+s17+$0x0] =	vst.idx.msk $0xffff, v40;
	v0 =	vshrl.u32 v0, $0x3;
	v5 =	vmul.f32 $8.000000000e+00, v50;
	v55 =	vld [tilespmem:s24+$0x70]  }
0x35c: {  	v35 =	vadd.s32 v17, v35;
	s28 =	sadd.s32 $0x200, s24;
	v40 =	vld [tilespmem:s24+$0xB0];
	v0 =	vshll.u32 v0, v1;
	v56 =	vmul.f32 $8.000000000e+00, v52;
	[tilespmem:v53+s17+$0x0] =	vst.idx.msk $0xffff, v4  }
0x35d: {  	v33 =	vadd.s32 v13, v33;
	v57 =	vld [tilespmem:s28+$0xC0];
	v0 =	vbroadcast v0, $0x0;
	[tilespmem:v48+s17+$0x0] =	vst.idx.msk $0xffff, v5;
	v58 =	vmul.f32 $8.000000000e+00, v49  }
0x35e: {  	v34 =	vadd.s32 v21, v34;
	v59 =	vld [tilespmem:s28+$0xFFFFFF00];
	[tilespmem:v41+s17+$0x0] =	vst.idx.msk $0xffff, v56;
	v60 =	vmul.f32 $8.000000000e+00, v54  }
0x35f: {  	v47 =	vbroadcast v47, $0x0;
	v61 =	vld [tilespmem:s28+$0xFFFFFF40];
	v62 =	vadd.s32 v32, v0;
	[tilespmem:v2+s17+$0x0] =	vst.idx.msk $0xffff, v58;
	v2 =	vmul.f32 $8.000000000e+00, v3  }
0x360: {  	v44 =	vbroadcast v44, $0x0;
	v63 =	vld [tilespmem:s28+$0xFFFFFF80];
	v3 =	vadd.s32 v6, v38;
	[tilespmem:v36+s17+$0x0] =	vst.idx.msk $0xffff, v60;
	v51 =	vmul.f32 $8.000000000e+00, v55  }
0x361: {  	v52 =	vadd.s32 v10, v47;
	[tilespmem:v35+s17+$0x0] =	vst.idx.msk $0xffff, v2;
	v2 =	vmul.f32 $8.000000000e+00, v40  }
0x362: {  	v54 =	vadd.s32 v14, v44;
	v4 =	vmul.f32 $8.000000000e+00, v57;
	[tilespmem:v33+s17+$0x0] =	vst.idx.msk $0xffff, v51  }
0x363: {  	v56 =	vmul.f32 $8.000000000e+00, v59;
	[tilespmem:v34+s17+$0x0] =	vst.idx.msk $0xffff, v2  }
0x364: {  	v45 =	vbroadcast v45, $0x0;
	v53 =	vld [tilespmem:s28+$0xFFFFFFC0];
	v2 =	vmul.f32 $8.000000000e+00, v61;
	[tilespmem:v62+s17+$0x0] =	vst.idx.msk $0xffff, v4  }
0x365: {  	v58 =	vld [tilespmem:s28+$0x40];
	[tilespmem:v3+s17+$0x0] =	vst.idx.msk $0xffff, v56;
	v3 =	vmul.f32 $8.000000000e+00, v63  }
0x366: {  	v46 =	vbroadcast v46, $0x0;
	v57 =	vadd.s32 v18, v45;
	v55 =	vld [tilespmem:s28+$0x0];
	[tilespmem:v52+s17+$0x0] =	vst.idx.msk $0xffff, v2  }
0x367: {  	v42 =	vshll.u32 v42, v1;
	v43 =	vbroadcast v43, $0x0;
	v60 =	vld [tilespmem:s28+$0x80];
	[tilespmem:v54+s17+$0x0] =	vst.idx.msk $0xffff, v3  }
0x368: {  	v42 =	vbroadcast v42, $0x0;
	v59 =	vadd.s32 v22, v46;
	v14 =	vld [tilespmem:$0x1FFD0]  }
0x369: {  	v61 =	vadd.s32 v26, v43;
	v33 =	vld [tilespmem:s28+$0xFFFFFF10];
	v2 =	vmul.f32 $8.000000000e+00, v53  }
0x36a: {  	v63 =	vadd.s32 v30, v42;
	v10 =	vld [tilespmem:s28+$0xFFFFFF50]  }
0x36b: {  	v22 =	vadd.s32 v7, v38;
	v62 =	vld [tilespmem:s28+$0xD0];
	v3 =	vmul.f32 $8.000000000e+00, v55;
	[tilespmem:v57+s17+$0x0] =	vst.idx.msk $0xffff, v2  }
0x36c: {  	v30 =	vadd.s32 v11, v47;
	v2 =	vmul.f32 $8.000000000e+00, v58;
	v52 =	vld [tilespmem:s28+$0xFFFFFFD0]  }
0x36d: {  	v26 =	vld [tilespmem:s28+$0xFFFFFF90];
	[tilespmem:v59+s17+$0x0] =	vst.idx.msk $0xffff, v3;
	v3 =	vmul.f32 $8.000000000e+00, v60;
	v18 =	vadd.s32 v14, v0  }
0x36e: {  	v56 =	vadd.s32 v19, v45;
	[tilespmem:v61+s17+$0x0] =	vst.idx.msk $0xffff, v2;
	v55 =	vmul.f32 $8.000000000e+00, v33  }
0x36f: {  	v53 =	vadd.s32 v15, v44;
	v57 =	vld [tilespmem:s28+$0x50];
	[tilespmem:v63+s17+$0x0] =	vst.idx.msk $0xffff, v3;
	v3 =	vmul.f32 $8.000000000e+00, v10  }
0x370: {  	v54 =	vld [tilespmem:s28+$0x10];
	v2 =	vmul.f32 $8.000000000e+00, v62;
	[tilespmem:v22+s17+$0x0] =	vst.idx.msk $0xffff, v55  }
0x371: {  	v60 =	vadd.s32 v27, v43;
	v40 =	vld [tilespmem:s28+$0xFFFFFF20];
	[tilespmem:v30+s17+$0x0] =	vst.idx.msk $0xffff, v3;
	v3 =	vmul.f32 $8.000000000e+00, v52  }
0x372: {  	v58 =	vadd.s32 v23, v46;
	v59 =	vld [tilespmem:s28+$0x90];
	[tilespmem:v18+s17+$0x0] =	vst.idx.msk $0xffff, v2;
	v2 =	vmul.f32 $8.000000000e+00, v26  }
0x373: {  	v10 =	vadd.s32 v8, v38;
	[tilespmem:v56+s17+$0x0] =	vst.idx.msk $0xffff, v3;
	v35 =	vld [tilespmem:s28+$0xE0]  }
0x374: {  	v61 =	vadd.s32 v31, v42;
	v62 =	vld [tilespmem:s28+$0xFFFFFF60];
	v3 =	vmul.f32 $8.000000000e+00, v57;
	[tilespmem:v53+s17+$0x0] =	vst.idx.msk $0xffff, v2  }
0x375: {  	v63 =	vadd.s32 v25, v0;
	v2 =	vmul.f32 $8.000000000e+00, v54;
	v11 =	vld [tilespmem:s28+$0xFFFFFFA0]  }
0x376: {  	v14 =	vadd.s32 v12, v47;
	[tilespmem:v60+s17+$0x0] =	vst.idx.msk $0xffff, v3;
	v22 =	vmul.f32 $8.000000000e+00, v40  }
0x377: {  	v15 =	vld [tilespmem:s28+$0xFFFFFFE0];
	v18 =	vadd.s32 v16, v44;
	[tilespmem:v58+s17+$0x0] =	vst.idx.msk $0xffff, v2;
	v2 =	vmul.f32 $8.000000000e+00, v59  }
0x378: {  	[tilespmem:v10+s17+$0x0] =	vst.idx.msk $0xffff, v22;
	v3 =	vmul.f32 $8.000000000e+00, v35  }
0x379: {  	v23 =	vadd.s32 v20, v45;
	v25 =	vld [tilespmem:s28+$0x60];
	[tilespmem:v61+s17+$0x0] =	vst.idx.msk $0xffff, v2;
	v2 =	vmul.f32 $8.000000000e+00, v62  }
0x37a: {  	v19 =	vld [tilespmem:s28+$0x20];
	[tilespmem:v63+s17+$0x0] =	vst.idx.msk $0xffff, v3;
	v3 =	vmul.f32 $8.000000000e+00, v11  }
0x37b: {  	v27 =	vld [tilespmem:s28+$0xA0];
	[tilespmem:v14+s17+$0x0] =	vst.idx.msk $0xffff, v2  }
0x37c: {  	v2 =	vmul.f32 $8.000000000e+00, v15;
	v5 =	vld [tilespmem:$0x1FF10];
	[tilespmem:v18+s17+$0x0] =	vst.idx.msk $0xffff, v3  }
0x37d: {  	v49 =	vld [tilespmem:$0x1FFF0]  }
0x37e: {  	v50 =	vld [tilespmem:$0x1FE20];
	[tilespmem:v23+s17+$0x0] =	vst.idx.msk $0xffff, v2  }
0x37f: {  	v26 =	vadd.s32 v24, v46;
	v53 =	vld [tilespmem:$0x1FE40]  }
0x380: {  	v30 =	vadd.s32 v28, v43;
	v34 =	vld [tilespmem:s28+$0xF0]  }
0x381: {  	v41 =	vld [tilespmem:s28+$0xFFFFFF30];
	v5 =	vadd.s32 v5, v42  }
0x382: {  	v31 =	vld [tilespmem:s28+$0xFFFFFF70];
	v3 =	vmul.f32 $8.000000000e+00, v19;
	v0 =	vadd.s32 v49, v0  }
0x383: {  	v52 =	vld [tilespmem:s28+$0xFFFFFFB0];
	v2 =	vmul.f32 $8.000000000e+00, v25;
	v51 =	vadd.s32 v50, v38  }
0x384: {  	v55 =	vld [tilespmem:s28+$0xFFFFFFF0];
	[tilespmem:v26+s17+$0x0] =	vst.idx.msk $0xffff, v3;
	v3 =	vmul.f32 $8.000000000e+00, v27;
	v54 =	vadd.s32 v53, v47  }
0x385: {  	v56 =	vadd.s32 v29, v44;
	v57 =	vld [tilespmem:s28+$0x30];
	[tilespmem:v30+s17+$0x0] =	vst.idx.msk $0xffff, v2;
	v2 =	vmul.f32 $8.000000000e+00, v34  }
0x386: {  	v59 =	vadd.s32 v9, v45;
	v58 =	vmul.f32 $8.000000000e+00, v41;
	v60 =	vld [tilespmem:s28+$0x70];
	[tilespmem:v5+s17+$0x0] =	vst.idx.msk $0xffff, v3  }
0x387: {  	v61 =	vadd.s32 v17, v46;
	v3 =	vmul.f32 $8.000000000e+00, v31;
	v62 =	vld [tilespmem:s28+$0xB0];
	[tilespmem:v0+s17+$0x0] =	vst.idx.msk $0xffff, v2  }
0x388: {  	[tilespmem:v51+s17+$0x0] =	vst.idx.msk $0xffff, v58;
	v0 =	vmul.f32 $8.000000000e+00, v52;
	v2 =	vadd.s32 v13, v43  }
0x389: {  	v63 =	vadd.s32 v21, v42;
	[tilespmem:v54+s17+$0x0] =	vst.idx.msk $0xffff, v3;
	v3 =	vmul.f32 $8.000000000e+00, v55  }
0x38a: {  	[tilespmem:v56+s17+$0x0] =	vst.idx.msk $0xffff, v0;
	v0 =	vmul.f32 $8.000000000e+00, v57  }
0x38b: {  	[tilespmem:v59+s17+$0x0] =	vst.idx.msk $0xffff, v3;
	v3 =	vmul.f32 $8.000000000e+00, v60  }
0x38c: {  	[tilespmem:v61+s17+$0x0] =	vst.idx.msk $0xffff, v0;
	v0 =	vmul.f32 $8.000000000e+00, v62  }
0x38d: {  	[tilespmem:v2+s17+$0x0] =	vst.idx.msk $0xffff, v3  }
0x38e: {  	[tilespmem:v63+s17+$0x0] =	vst.idx.msk $0xffff, v0  }
0x38f: {  	s26 =	rddreg [dreg:$0x14]  }
0x390: {  	s24 =	sadd.s32 s23, s26  }
0x391: {  	[hbm4b:s24+s3] =	stream.linear.scatter [tilespmem:s17], [sflag:$0x7], $0x80, $0x38;
	[tilespmem:$0x16C00] =	vst v63  }
0x392: {  	s28 =	simm.s32 $0x12888;
	s26 =	sadd.s32 $0x10, s24  }
0x393: {  	[hbm4b:s26+s3] =	stream.linear.scatter [tilespmem:s28], [sflag:$0x7], $0x80, $0x38;
	[tilespmem:$0x16C00] =	vst v63  }
0x394: {  	s26 =	sadd.s32 $0x20, s24;
	s28 =	simm.s32 $0x12910  }
0x395: {  	[hbm4b:s26+s3] =	stream.linear.scatter [tilespmem:s28], [sflag:$0x7], $0x80, $0x38;
	[tilespmem:$0x16C00] =	vst v63  }
0x396: {  	s26 =	sadd.s32 $0x30, s24;
	s28 =	simm.s32 $0x12998  }
0x397: {  	[hbm4b:s26+s3] =	stream.linear.scatter [tilespmem:s28], [sflag:$0x7], $0x80, $0x38;
	[tilespmem:$0x16C00] =	vst v63  }
0x398: {  	s26 =	sadd.s32 $0x40, s24;
	s28 =	simm.s32 $0x12A20  }
0x399: {  	[hbm4b:s26+s3] =	stream.linear.scatter [tilespmem:s28], [sflag:$0x7], $0x80, $0x38;
	[tilespmem:$0x16C00] =	vst v63  }
0x39a: {  	s26 =	sadd.s32 $0x50, s24;
	s28 =	simm.s32 $0x12AA8  }
0x39b: {  	[hbm4b:s26+s3] =	stream.linear.scatter [tilespmem:s28], [sflag:$0x7], $0x80, $0x38;
	[tilespmem:$0x16C00] =	vst v63  }
0x39c: {  	s26 =	sadd.s32 $0x60, s24;
	s28 =	simm.s32 $0x12B30  }
0x39d: {  	[hbm4b:s26+s3] =	stream.linear.scatter [tilespmem:s28], [sflag:$0x7], $0x80, $0x38;
	[tilespmem:$0x16C00] =	vst v63  }
0x39e: {  	s24 =	sadd.s32 $0x70, s24;
	s28 =	simm.s32 $0x12BB8;
	s26 =	rddreg [dreg:$0x15]  }
0x39f: {  	[hbm4b:s24+s3] =	stream.linear.scatter [tilespmem:s28], [sflag:$0x7], $0x80, $0x38;
	[tilespmem:$0x16C00] =	vst v63  }
0x3a0: {  	s24 =	sadd.s32 s23, s26;
	s28 =	simm.s32 $0x12C40  }
0x3a1: {  	[hbm4b:s24+s3] =	stream.linear.scatter [tilespmem:s28], [sflag:$0x7], $0x80, $0x38;
	[tilespmem:$0x16C00] =	vst v63  }
0x3a2: {  	s26 =	sadd.s32 $0x10, s24;
	s28 =	simm.s32 $0x12CC8  }
0x3a3: {  	[hbm4b:s26+s3] =	stream.linear.scatter [tilespmem:s28], [sflag:$0x7], $0x80, $0x38;
	[tilespmem:$0x16C00] =	vst v63  }
0x3a4: {  	s26 =	sadd.s32 $0x20, s24;
	s28 =	simm.s32 $0x12D50  }
0x3a5: {  	[hbm4b:s26+s3] =	stream.linear.scatter [tilespmem:s28], [sflag:$0x7], $0x80, $0x38;
	[tilespmem:$0x16C00] =	vst v63  }
0x3a6: {  	s26 =	sadd.s32 $0x30, s24;
	s28 =	simm.s32 $0x12DD8  }
0x3a7: {  	[hbm4b:s26+s3] =	stream.linear.scatter [tilespmem:s28], [sflag:$0x7], $0x80, $0x38;
	[tilespmem:$0x16C00] =	vst v63  }
0x3a8: {  	s26 =	sadd.s32 $0x40, s24;
	s28 =	simm.s32 $0x12E60  }
0x3a9: {  	[hbm4b:s26+s3] =	stream.linear.scatter [tilespmem:s28], [sflag:$0x7], $0x80, $0x38;
	[tilespmem:$0x16C00] =	vst v63  }
0x3aa: {  	s26 =	sadd.s32 $0x50, s24;
	s28 =	simm.s32 $0x12EE8  }
0x3ab: {  	[hbm4b:s26+s3] =	stream.linear.scatter [tilespmem:s28], [sflag:$0x7], $0x80, $0x38;
	[tilespmem:$0x16C00] =	vst v63  }
0x3ac: {  	s26 =	sadd.s32 $0x60, s24;
	s28 =	simm.s32 $0x12F70  }
0x3ad: {  	[hbm4b:s26+s3] =	stream.linear.scatter [tilespmem:s28], [sflag:$0x7], $0x80, $0x38;
	[tilespmem:$0x16C00] =	vst v63  }
0x3ae: {  	s24 =	sadd.s32 $0x70, s24;
	s28 =	simm.s32 $0x12FF8;
	s26 =	rddreg [dreg:$0x16]  }
0x3af: {  	[hbm4b:s24+s3] =	stream.linear.scatter [tilespmem:s28], [sflag:$0x7], $0x80, $0x38;
	[tilespmem:$0x16C00] =	vst v63  }
0x3b0: {  	s24 =	sadd.s32 s23, s26;
	s28 =	simm.s32 $0x13080  }
0x3b1: {  	[hbm4b:s24+s3] =	stream.linear.scatter [tilespmem:s28], [sflag:$0x7], $0x80, $0x38;
	[tilespmem:$0x16C00] =	vst v63  }
0x3b2: {  	s26 =	sadd.s32 $0x10, s24;
	s28 =	simm.s32 $0x13108  }
0x3b3: {  	[hbm4b:s26+s3] =	stream.linear.scatter [tilespmem:s28], [sflag:$0x7], $0x80, $0x38;
	[tilespmem:$0x16C00] =	vst v63  }
0x3b4: {  	s26 =	sadd.s32 $0x20, s24;
	s28 =	simm.s32 $0x13190  }
0x3b5: {  	[hbm4b:s26+s3] =	stream.linear.scatter [tilespmem:s28], [sflag:$0x7], $0x80, $0x38;
	[tilespmem:$0x16C00] =	vst v63  }
0x3b6: {  	s26 =	sadd.s32 $0x30, s24;
	s28 =	simm.s32 $0x13218  }
0x3b7: {  	[hbm4b:s26+s3] =	stream.linear.scatter [tilespmem:s28], [sflag:$0x7], $0x80, $0x38;
	[tilespmem:$0x16C00] =	vst v63  }
0x3b8: {  	s26 =	sadd.s32 $0x40, s24;
	s28 =	simm.s32 $0x132A0  }
0x3b9: {  	[hbm4b:s26+s3] =	stream.linear.scatter [tilespmem:s28], [sflag:$0x7], $0x80, $0x38;
	[tilespmem:$0x16C00] =	vst v63  }
0x3ba: {  	s26 =	sadd.s32 $0x50, s24;
	s28 =	simm.s32 $0x13328  }
0x3bb: {  	[hbm4b:s26+s3] =	stream.linear.scatter [tilespmem:s28], [sflag:$0x7], $0x80, $0x38;
	[tilespmem:$0x16C00] =	vst v63  }
0x3bc: {  	s26 =	sadd.s32 $0x60, s24;
	s28 =	simm.s32 $0x133B0  }
0x3bd: {  	[hbm4b:s26+s3] =	stream.linear.scatter [tilespmem:s28], [sflag:$0x7], $0x80, $0x38;
	[tilespmem:$0x16C00] =	vst v63  }
0x3be: {  	s24 =	sadd.s32 $0x70, s24;
	s28 =	simm.s32 $0x13438;
	s26 =	rddreg [dreg:$0x18]  }
0x3bf: {  	[hbm4b:s24+s3] =	stream.linear.scatter [tilespmem:s28], [sflag:$0x7], $0x80, $0x38;
	[tilespmem:$0x16C00] =	vst v63  }
0x3c0: {  	s24 =	sadd.s32 s23, s26;
	s28 =	simm.s32 $0x134C0  }
0x3c1: {  	[hbm4b:s24+s3] =	stream.linear.scatter [tilespmem:s28], [sflag:$0x7], $0x80, $0x38;
	[tilespmem:$0x16C00] =	vst v63  }
0x3c2: {  	s26 =	sadd.s32 $0x10, s24;
	s28 =	simm.s32 $0x13548  }
0x3c3: {  	[hbm4b:s26+s3] =	stream.linear.scatter [tilespmem:s28], [sflag:$0x7], $0x80, $0x38;
	[tilespmem:$0x16C00] =	vst v63  }
0x3c4: {  	s26 =	sadd.s32 $0x20, s24;
	s28 =	simm.s32 $0x135D0  }
0x3c5: {  	[hbm4b:s26+s3] =	stream.linear.scatter [tilespmem:s28], [sflag:$0x7], $0x80, $0x38;
	[tilespmem:$0x16C00] =	vst v63  }
0x3c6: {  	s26 =	sadd.s32 $0x30, s24;
	s28 =	simm.s32 $0x13658  }
0x3c7: {  	[hbm4b:s26+s3] =	stream.linear.scatter [tilespmem:s28], [sflag:$0x7], $0x80, $0x38;
	[tilespmem:$0x16C00] =	vst v63  }
0x3c8: {  	s26 =	sadd.s32 $0x40, s24;
	s28 =	simm.s32 $0x136E0  }
0x3c9: {  	[hbm4b:s26+s3] =	stream.linear.scatter [tilespmem:s28], [sflag:$0x7], $0x80, $0x38;
	[tilespmem:$0x16C00] =	vst v63  }
0x3ca: {  	s26 =	sadd.s32 $0x50, s24;
	s28 =	simm.s32 $0x13768  }
0x3cb: {  	[hbm4b:s26+s3] =	stream.linear.scatter [tilespmem:s28], [sflag:$0x7], $0x80, $0x38;
	[tilespmem:$0x16C00] =	vst v63  }
0x3cc: {  	s26 =	sadd.s32 $0x60, s24;
	s28 =	simm.s32 $0x137F0  }
0x3cd: {  	[hbm4b:s26+s3] =	stream.linear.scatter [tilespmem:s28], [sflag:$0x7], $0x80, $0x38;
	[tilespmem:$0x16C00] =	vst v63  }
0x3ce: {  	s24 =	sadd.s32 $0x70, s24;
	s28 =	simm.s32 $0x13878;
	s26 =	rddreg [dreg:$0x19]  }
0x3cf: {  	[hbm4b:s24+s3] =	stream.linear.scatter [tilespmem:s28], [sflag:$0x7], $0x80, $0x38;
	[tilespmem:$0x16C00] =	vst v63  }
0x3d0: {  	s24 =	sadd.s32 s23, s26;
	s28 =	simm.s32 $0x13900  }
0x3d1: {  	[hbm4b:s24+s3] =	stream.linear.scatter [tilespmem:s28], [sflag:$0x7], $0x80, $0x38;
	[tilespmem:$0x16C00] =	vst v63  }
0x3d2: {  	s26 =	sadd.s32 $0x10, s24;
	s28 =	simm.s32 $0x13988  }
0x3d3: {  	[hbm4b:s26+s3] =	stream.linear.scatter [tilespmem:s28], [sflag:$0x7], $0x80, $0x38;
	[tilespmem:$0x16C00] =	vst v63  }
0x3d4: {  	s26 =	sadd.s32 $0x20, s24;
	s28 =	simm.s32 $0x13A10  }
0x3d5: {  	[hbm4b:s26+s3] =	stream.linear.scatter [tilespmem:s28], [sflag:$0x7], $0x80, $0x38;
	[tilespmem:$0x16C00] =	vst v63  }
0x3d6: {  	s26 =	sadd.s32 $0x30, s24;
	s28 =	simm.s32 $0x13A98  }
0x3d7: {  	[hbm4b:s26+s3] =	stream.linear.scatter [tilespmem:s28], [sflag:$0x7], $0x80, $0x38;
	[tilespmem:$0x16C00] =	vst v63  }
0x3d8: {  	s26 =	sadd.s32 $0x40, s24;
	s28 =	simm.s32 $0x13B20  }
0x3d9: {  	[hbm4b:s26+s3] =	stream.linear.scatter [tilespmem:s28], [sflag:$0x7], $0x80, $0x38;
	[tilespmem:$0x16C00] =	vst v63  }
0x3da: {  	s26 =	sadd.s32 $0x50, s24;
	s28 =	simm.s32 $0x13BA8  }
0x3db: {  	[hbm4b:s26+s3] =	stream.linear.scatter [tilespmem:s28], [sflag:$0x7], $0x80, $0x38;
	[tilespmem:$0x16C00] =	vst v63  }
0x3dc: {  	s26 =	sadd.s32 $0x60, s24;
	s28 =	simm.s32 $0x13C30  }
0x3dd: {  	[hbm4b:s26+s3] =	stream.linear.scatter [tilespmem:s28], [sflag:$0x7], $0x80, $0x38;
	[tilespmem:$0x16C00] =	vst v63  }
0x3de: {  	s24 =	sadd.s32 $0x70, s24;
	s28 =	simm.s32 $0x13CB8;
	s26 =	rddreg [dreg:$0x1a]  }
0x3df: {  	[hbm4b:s24+s3] =	stream.linear.scatter [tilespmem:s28], [sflag:$0x7], $0x80, $0x38;
	[tilespmem:$0x16C00] =	vst v63  }
0x3e0: {  	s24 =	sadd.s32 s23, s26;
	s28 =	simm.s32 $0x13D40  }
0x3e1: {  	[hbm4b:s24+s3] =	stream.linear.scatter [tilespmem:s28], [sflag:$0x7], $0x80, $0x38;
	[tilespmem:$0x16C00] =	vst v63  }
0x3e2: {  	s26 =	sadd.s32 $0x10, s24;
	s28 =	simm.s32 $0x13DC8  }
0x3e3: {  	[hbm4b:s26+s3] =	stream.linear.scatter [tilespmem:s28], [sflag:$0x7], $0x80, $0x38;
	[tilespmem:$0x16C00] =	vst v63  }
0x3e4: {  	s26 =	sadd.s32 $0x20, s24;
	s28 =	simm.s32 $0x13E50  }
0x3e5: {  	[hbm4b:s26+s3] =	stream.linear.scatter [tilespmem:s28], [sflag:$0x7], $0x80, $0x38;
	[tilespmem:$0x16C00] =	vst v63  }
0x3e6: {  	s26 =	sadd.s32 $0x30, s24;
	s28 =	simm.s32 $0x13ED8  }
0x3e7: {  	[hbm4b:s26+s3] =	stream.linear.scatter [tilespmem:s28], [sflag:$0x7], $0x80, $0x38;
	[tilespmem:$0x16C00] =	vst v63  }
0x3e8: {  	s26 =	sadd.s32 $0x40, s24;
	s28 =	simm.s32 $0x13F60  }
0x3e9: {  	[hbm4b:s26+s3] =	stream.linear.scatter [tilespmem:s28], [sflag:$0x7], $0x80, $0x38;
	[tilespmem:$0x16C00] =	vst v63  }
0x3ea: {  	s26 =	sadd.s32 $0x50, s24;
	s28 =	simm.s32 $0x13FE8  }
0x3eb: {  	[hbm4b:s26+s3] =	stream.linear.scatter [tilespmem:s28], [sflag:$0x7], $0x80, $0x38;
	[tilespmem:$0x16C00] =	vst v63  }
0x3ec: {  	s26 =	sadd.s32 $0x60, s24;
	s28 =	simm.s32 $0x14070  }
0x3ed: {  	[hbm4b:s26+s3] =	stream.linear.scatter [tilespmem:s28], [sflag:$0x7], $0x80, $0x38;
	[tilespmem:$0x16C00] =	vst v63  }
0x3ee: {  	s24 =	sadd.s32 $0x70, s24;
	s28 =	simm.s32 $0x140F8  }
0x3ef: {  	[hbm4b:s24+s3] =	stream.linear.scatter [tilespmem:s28], [sflag:$0x7], $0x80, $0x38;
	[tilespmem:$0x16C00] =	vst v63  }
0x3f0: {  	s24 =	sadd.s32 s23, s30;
	s28 =	simm.s32 $0x14180  }
0x3f1: {  	[hbm4b:s24+s3] =	stream.linear.scatter [tilespmem:s28], [sflag:$0x7], $0x80, $0x38;
	[tilespmem:$0x16C00] =	vst v63  }
0x3f2: {  	s26 =	sadd.s32 $0x10, s24;
	s28 =	simm.s32 $0x14208  }
0x3f3: {  	[hbm4b:s26+s3] =	stream.linear.scatter [tilespmem:s28], [sflag:$0x7], $0x80, $0x38;
	[tilespmem:$0x16C00] =	vst v63  }
0x3f4: {  	s26 =	sadd.s32 $0x20, s24;
	s28 =	simm.s32 $0x14290  }
0x3f5: {  	[hbm4b:s26+s3] =	stream.linear.scatter [tilespmem:s28], [sflag:$0x7], $0x80, $0x38;
	[tilespmem:$0x16C00] =	vst v63  }
0x3f6: {  	s26 =	sadd.s32 $0x30, s24;
	s28 =	simm.s32 $0x14318  }
0x3f7: {  	[hbm4b:s26+s3] =	stream.linear.scatter [tilespmem:s28], [sflag:$0x7], $0x80, $0x38;
	[tilespmem:$0x16C00] =	vst v63  }
0x3f8: {  	s26 =	sadd.s32 $0x40, s24;
	s28 =	simm.s32 $0x143A0  }
0x3f9: {  	[hbm4b:s26+s3] =	stream.linear.scatter [tilespmem:s28], [sflag:$0x7], $0x80, $0x38;
	[tilespmem:$0x16C00] =	vst v63  }
0x3fa: {  	s26 =	sadd.s32 $0x50, s24;
	s28 =	simm.s32 $0x14428  }
0x3fb: {  	[hbm4b:s26+s3] =	stream.linear.scatter [tilespmem:s28], [sflag:$0x7], $0x80, $0x38;
	[tilespmem:$0x16C00] =	vst v63  }
0x3fc: {  	s26 =	sadd.s32 $0x60, s24;
	s28 =	simm.s32 $0x144B0  }
0x3fd: {  	[hbm4b:s26+s3] =	stream.linear.scatter [tilespmem:s28], [sflag:$0x7], $0x80, $0x38;
	[tilespmem:$0x16C00] =	vst v63  }
0x3fe: {  	s24 =	sadd.s32 $0x70, s24;
	s28 =	simm.s32 $0x14538  }
0x3ff: {  	[hbm4b:s24+s3] =	stream.linear.scatter [tilespmem:s28], [sflag:$0x7], $0x80, $0x38;
	[tilespmem:$0x16C00] =	vst v63  }
0x400: {  	s24 =	sadd.s32 s23, s31;
	s28 =	simm.s32 $0x145C0  }
0x401: {  	[hbm4b:s24+s3] =	stream.linear.scatter [tilespmem:s28], [sflag:$0x7], $0x80, $0x38;
	[tilespmem:$0x16C00] =	vst v63  }
0x402: {  	s26 =	sadd.s32 $0x10, s24;
	s28 =	simm.s32 $0x14648  }
0x403: {  	[hbm4b:s26+s3] =	stream.linear.scatter [tilespmem:s28], [sflag:$0x7], $0x80, $0x38;
	[tilespmem:$0x16C00] =	vst v63  }
0x404: {  	s26 =	sadd.s32 $0x20, s24;
	s28 =	simm.s32 $0x146D0  }
0x405: {  	[hbm4b:s26+s3] =	stream.linear.scatter [tilespmem:s28], [sflag:$0x7], $0x80, $0x38;
	[tilespmem:$0x16C00] =	vst v63  }
0x406: {  	s26 =	sadd.s32 $0x30, s24;
	s28 =	simm.s32 $0x14758  }
0x407: {  	[hbm4b:s26+s3] =	stream.linear.scatter [tilespmem:s28], [sflag:$0x7], $0x80, $0x38;
	[tilespmem:$0x16C00] =	vst v63  }
0x408: {  	s26 =	sadd.s32 $0x40, s24;
	s28 =	simm.s32 $0x147E0  }
0x409: {  	[hbm4b:s26+s3] =	stream.linear.scatter [tilespmem:s28], [sflag:$0x7], $0x80, $0x38;
	[tilespmem:$0x16C00] =	vst v63  }
0x40a: {  	s26 =	sadd.s32 $0x50, s24;
	s28 =	simm.s32 $0x14868  }
0x40b: {  	[hbm4b:s26+s3] =	stream.linear.scatter [tilespmem:s28], [sflag:$0x7], $0x80, $0x38;
	[tilespmem:$0x16C00] =	vst v63  }
.Ltmp11:
0x40c: {  	_ = 	snop;
	(pc) =	sbr.rel @p1 .LBB2_18-.Ltmp11, $4  }
0x40d: {  	s26 =	sadd.s32 $0x60, s24;
	s28 =	simm.s32 $0x148F0  }
0x40e: {  	[hbm4b:s26+s3] =	stream.linear.scatter [tilespmem:s28], [sflag:$0x7], $0x80, $0x38;
	[tilespmem:$0x16C00] =	vst v63  }
0x40f: {  	s24 =	sadd.s32 $0x70, s24;
	s28 =	simm.s32 $0x14978  }
0x410: {  	[hbm4b:s24+s3] =	stream.linear.scatter [tilespmem:s28], [sflag:$0x7], $0x80, $0x38;
	[tilespmem:$0x16C00] =	vst v63  }
.Ltmp12:
0x411: {  	(pc) =	sbr.rel .LBB2_19-.Ltmp12, $4  }
0x412: {  	_ = 	snop  }
0x413: {  	_ =	swait.ge [sflag:s18], $0x2000  }
0x414: {  	[sflag:s18] =	ssyncset.done $0x0  }
0x415: {  	[sflag:s18] =	ssyncadd.s32 $0xFFFFE000  }
.LBB2_18:
0x416: {  	s24 =	sadd.s32 $0x300, s22  }
.Ltmp13:
0x417: {  	s26 =	simm.s32 $0xA400;
	s24 =	sand.u32 $0xFF00, s24;
	(pc) =	sbr.rel @p0 .LBB2_20-.Ltmp13, $4  }
0x418: {  	[tilespmem:s26], [sflag:$0x3] =	stream.indirect.gather [hbm4b:s5+s9], $0x40, s24, s9, $0xb8;
	[tilespmem:$0x16C00] =	vst v63  }
0x419: {  	_ =	swait.ge [sflag:s18], $0x2000  }
0x41a: {  	[sflag:s18] =	ssyncset.done $0x0  }
0x41b: {  	[sflag:s18] =	ssyncadd.s32 $0xFFFFE000  }
.LBB2_19:
0x41c: {  	_ =	swait.ge [sflag:s19], $0x400  }
0x41d: {  	[sflag:s19] =	ssyncset.done $0x0  }
0x41e: {  	[sflag:s19] =	ssyncadd.s32 $0xFFFFFC00  }
0x41f: {  	_ =	swait.ge [sflag:s19], $0x400  }
0x420: {  	[sflag:s19] =	ssyncset.done $0x0  }
0x421: {  	[sflag:s19] =	ssyncadd.s32 $0xFFFFFC00  }
0x422: {  	_ =	swait.ge [sflag:s19], $0x400  }
0x423: {  	[sflag:s19] =	ssyncset.done $0x0  }
0x424: {  	[sflag:s19] =	ssyncadd.s32 $0xFFFFFC00  }
0x425: {  	_ =	swait.ge [sflag:s19], $0x400  }
0x426: {  	[sflag:s19] =	ssyncset.done $0x0  }
0x427: {  	[sflag:s19] =	ssyncadd.s32 $0xFFFFFC00  }
0x428: {  	_ =	swait.ge [sflag:s19], $0x400  }
0x429: {  	[sflag:s19] =	ssyncset.done $0x0  }
0x42a: {  	[sflag:s19] =	ssyncadd.s32 $0xFFFFFC00  }
0x42b: {  	_ =	swait.ge [sflag:s19], $0x400  }
0x42c: {  	[sflag:s19] =	ssyncset.done $0x0  }
0x42d: {  	[sflag:s19] =	ssyncadd.s32 $0xFFFFFC00  }
0x42e: {  	_ =	swait.ge [sflag:s19], $0x400  }
0x42f: {  	[sflag:s19] =	ssyncset.done $0x0  }
0x430: {  	[sflag:s19] =	ssyncadd.s32 $0xFFFFFC00  }
0x431: {  	_ =	swait.ge [sflag:s19], $0x400  }
0x432: {  	[sflag:s19] =	ssyncset.done $0x0  }
0x433: {  	[sflag:s19] =	ssyncadd.s32 $0xFFFFFC00  }
.LBB2_20:
0x434: {  	s24 =	simm.s32 $0x0;
	s26 =	simm.s32 $0x2  }
0x435: {  	s28 =	simm.s32 $0x3;
	v28 =	vld [tilespmem:$0x1FFC0];
	v0 =	vmov s24;
	s24 =	simm.s32 $0x1;
	v3 =	vmov s26  }
0x436: {  	v27 =	vld [tilespmem:$0x1FF30];
	v4 =	vmov s28;
	s26 =	simm.s32 $0x5;
	v0 =	vshrl.u32 v0, $0x3;
	v2 =	vmov s24  }
0x437: {  	v31 =	vld [tilespmem:$0x1FF40];
	s24 =	simm.s32 $0x4;
	v33 =	vmov s26;
	s26 =	simm.s32 $0x7;
	v3 =	vshrl.u32 v3, $0x3;
	v4 =	vshrl.u32 v4, $0x3  }
0x438: {  	v6 =	vld [tilespmem:$0x1FF80];
	v5 =	vmov s24;
	v0 =	vshll.u32 v0, v1;
	v35 =	vmov s26;
	s24 =	simm.s32 $0xC500  }
0x439: {  	v2 =	vshrl.u32 v2, $0x3;
	v4 =	vshll.u32 v4, v1;
	v35 =	vshrl.u32 v35, $0x3;
	v38 =	vld [tilespmem:s24+$0xFFFFFF00]  }
0x43a: {  	v39 =	vbroadcast v0, $0x0;
	v36 =	vbroadcast v4, $0x0;
	v4 =	vld [tilespmem:$0x1FF60];
	v35 =	vshll.u32 v35, v1  }
0x43b: {  	v3 =	vshll.u32 v3, v1;
	v0 =	vld [tilespmem:s24+$0xC0];
	v2 =	vshll.u32 v2, v1;
	v41 =	vbroadcast v35, $0x0  }
0x43c: {  	v5 =	vshrl.u32 v5, $0x3;
	v42 =	vld [tilespmem:s24+$0xFFFFFF40];
	v40 =	vbroadcast v2, $0x0;
	v43 =	vadd.s32 v27, v39  }
0x43d: {  	v44 =	vld [tilespmem:s24+$0xFFFFFF80];
	v37 =	vbroadcast v3, $0x0;
	v5 =	vshll.u32 v5, v1;
	v2 =	vadd.s32 v28, v41  }
0x43e: {  	v35 =	vbroadcast v5, $0x0;
	v45 =	vadd.s32 v31, v40  }
0x43f: {  	s28 =	simm.s32 $0x6;
	v57 =	vadd.s32 v6, v36;
	v6 =	vld [tilespmem:$0x1FF90];
	v4 =	vadd.s32 v4, v37;
	v5 =	vmul.f32 $8.000000000e+00, v38  }
0x440: {  	v34 =	vmov s28;
	v0 =	vmul.f32 $8.000000000e+00, v0  }
0x441: {  	v34 =	vshrl.u32 v34, $0x3;
	v42 =	vmul.f32 $8.000000000e+00, v42;
	[tilespmem:v43+s20+$0x0] =	vst.idx.msk $0xffff, v5  }
0x442: {  	v3 =	vshll.u32 v34, v1;
	v46 =	vld [tilespmem:s24+$0xFFFFFFC0];
	[tilespmem:v2+s20+$0x0] =	vst.idx.msk $0xffff, v0;
	v2 =	vmul.f32 $8.000000000e+00, v44  }
0x443: {  	v34 =	vbroadcast v3, $0x0;
	v3 =	vld [tilespmem:$0x1FFA0];
	[tilespmem:v45+s20+$0x0] =	vst.idx.msk $0xffff, v42  }
0x444: {  	v49 =	vadd.s32 v6, v35;
	v6 =	vld [tilespmem:$0x1FFB0];
	[tilespmem:v4+s20+$0x0] =	vst.idx.msk $0xffff, v2  }
0x445: {  	v7 =	vld [tilespmem:$0x1FE00];
	_ =	sdelay $0x1  }
0x446: {  	v47 =	vld [tilespmem:s24+$0x0];
	v58 =	vmul.f32 $8.000000000e+00, v46  }
0x447: {  	v48 =	vld [tilespmem:s24+$0x40]  }
0x448: {  	v19 =	vld [tilespmem:$0x1FFD0];
	[tilespmem:v57+s20+$0x0] =	vst.idx.msk $0xffff, v58  }
0x449: {  	v33 =	vshrl.u32 v33, $0x3;
	v59 =	vadd.s32 v6, v34;
	v6 =	vmovc v7;
	v51 =	vadd.s32 v7, v39;
	v7 =	vld [tilespmem:$0x1FE30]  }
0x44a: {  	v33 =	vshll.u32 v33, v1  }
0x44b: {  	v33 =	vbroadcast v33, $0x0;
	v2 =	vmul.f32 $8.000000000e+00, v47;
	_ =	sdelay $0x1  }
0x44c: {  	v50 =	vld [tilespmem:s24+$0x80];
	v3 =	vadd.s32 v3, v33;
	[tilespmem:v49+s20+$0x0] =	vst.idx.msk $0xffff, v2  }
0x44d: {  	v61 =	vmul.f32 $8.000000000e+00, v48;
	v10 =	vmov v7;
	v48 =	vadd.s32 v7, v40;
	v7 =	vld [tilespmem:$0x1FE50];
	_ =	sdelay $0x2  }
0x44e: {  	v43 =	vld [tilespmem:s24+$0xFFFFFF10]  }
0x44f: {  	v5 =	vld [tilespmem:s24+$0xD0];
	[tilespmem:v3+s20+$0x0] =	vst.idx.msk $0xffff, v61  }
0x450: {  	v2 =	vmul.f32 $8.000000000e+00, v50;
	v13 =	vmov v7;
	v50 =	vadd.s32 v7, v37;
	v7 =	vld [tilespmem:$0x1FE70];
	_ =	sdelay $0x1  }
0x451: {  	v60 =	vld [tilespmem:s24+$0xFFFFFF50];
	v4 =	vadd.s32 v19, v41;
	_ =	sdelay $0x1  }
0x452: {  	[tilespmem:v59+s20+$0x0] =	vst.idx.msk $0xffff, v2  }
0x453: {  	v62 =	vmul.f32 $8.000000000e+00, v43;
	v3 =	vmul.f32 $8.000000000e+00, v5;
	v26 =	vmovc v7;
	v43 =	vadd.s32 v7, v36;
	v7 =	vld [tilespmem:$0x1FEA0]  }
0x454: {  	v52 =	vld [tilespmem:s24+$0xFFFFFF90]  }
0x455: {  	v63 =	vmul.f32 $8.000000000e+00, v60;
	[tilespmem:v4+s20+$0x0] =	vst.idx.msk $0xffff, v3  }
0x456: {  	[tilespmem:v51+s20+$0x0] =	vst.idx.msk $0xffff, v62  }
0x457: {  	v4 =	vld [tilespmem:$0x1FED0];
	[tilespmem:v48+s20+$0x0] =	vst.idx.msk $0xffff, v63  }
0x458: {  	v30 =	vmov v7;
	v60 =	vadd.s32 v7, v35;
	v7 =	vld [tilespmem:$0x1FF00]  }
0x459: {  	v53 =	vld [tilespmem:s24+$0xFFFFFFD0];
	v3 =	vmul.f32 $8.000000000e+00, v52  }
0x45a: {  	v54 =	vld [tilespmem:s24+$0x10]  }
0x45b: {  	v55 =	vld [tilespmem:s24+$0x50];
	[tilespmem:v50+s20+$0x0] =	vst.idx.msk $0xffff, v3  }
0x45c: {  	s26 =	simm.s32 $0x8;
	v17 =	vld [tilespmem:$0x1FFE0]  }
0x45d: {  	v0 =	vmov s26;
	s26 =	simm.s32 $0x9;
	v32 =	vmov v7;
	v48 =	vadd.s32 v7, v34;
	v7 =	vld [tilespmem:$0x1FE10]  }
0x45e: {  	v45 =	vmov s26;
	s26 =	simm.s32 $0xA;
	v56 =	vld [tilespmem:s24+$0x90]  }
0x45f: {  	v47 =	vmov s26;
	s26 =	simm.s32 $0xB;
	v62 =	vmul.f32 $8.000000000e+00, v53;
	v61 =	vld [tilespmem:s24+$0xE0];
	v8 =	vmovc v4;
	v4 =	vadd.s32 v4, v33  }
0x460: {  	v42 =	vmov s26;
	v51 =	vld [tilespmem:s24+$0xFFFFFF20]  }
0x461: {  	s26 =	simm.s32 $0xC;
	v52 =	vshrl.u32 v47, $0x3;
	v47 =	vld [tilespmem:s24+$0xFFFFFF60];
	v3 =	vmul.f32 $8.000000000e+00, v54;
	[tilespmem:v43+s20+$0x0] =	vst.idx.msk $0xffff, v62;
	v50 =	vadd.s32 v17, v41  }
0x462: {  	v49 =	vmov s26;
	s26 =	simm.s32 $0xD;
	v63 =	vmul.f32 $8.000000000e+00, v55;
	v18 =	vld [tilespmem:$0x1FF50];
	v54 =	vadd.s32 v7, v39  }
0x463: {  	v5 =	vmov s26;
	s26 =	simm.s32 $0xE;
	v57 =	vld [tilespmem:s24+$0xFFFFFFA0];
	[tilespmem:v60+s20+$0x0] =	vst.idx.msk $0xffff, v3;
	v3 =	vmul.f32 $8.000000000e+00, v56  }
0x464: {  	v2 =	vmov s26;
	v20 =	vld [tilespmem:$0x1FF70];
	[tilespmem:v4+s20+$0x0] =	vst.idx.msk $0xffff, v63;
	v4 =	vmul.f32 $8.000000000e+00, v61  }
0x465: {  	v53 =	vshrl.u32 v42, $0x3;
	v42 =	vshrl.u32 v2, $0x3;
	v2 =	vmul.f32 $8.000000000e+00, v51;
	v23 =	vmovc v7;
	v7 =	vld [tilespmem:$0x1FE80];
	[tilespmem:v48+s20+$0x0] =	vst.idx.msk $0xffff, v3  }
0x466: {  	v3 =	vld [tilespmem:$0x1FEB0];
	[tilespmem:v50+s20+$0x0] =	vst.idx.msk $0xffff, v4  }
0x467: {  	v43 =	vshrl.u32 v49, $0x3;
	v58 =	vld [tilespmem:s24+$0xFFFFFFE0];
	v49 =	vadd.s32 v18, v40;
	[tilespmem:v54+s20+$0x0] =	vst.idx.msk $0xffff, v2  }
0x468: {  	v0 =	vshrl.u32 v0, $0x3;
	v4 =	vld [tilespmem:$0x1FEE0]  }
0x469: {  	v0 =	vshll.u32 v0, v1;
	v59 =	vld [tilespmem:s24+$0x20]  }
0x46a: {  	v38 =	vbroadcast v0, $0x0;
	v0 =	vmul.f32 $8.000000000e+00, v47;
	v61 =	vld [tilespmem:s24+$0x60];
	v46 =	vadd.s32 v20, v37  }
0x46b: {  	v62 =	vld [tilespmem:s24+$0xA0]  }
0x46c: {  	v56 =	vld [tilespmem:s24+$0xF0];
	[tilespmem:v49+s20+$0x0] =	vst.idx.msk $0xffff, v0  }
0x46d: {  	v60 =	vadd.s32 v7, v36;
	v2 =	vmul.f32 $8.000000000e+00, v57;
	v11 =	vmovc v4;
	v55 =	vadd.s32 v4, v33;
	v4 =	vld [tilespmem:$0x1FF10]  }
0x46e: {  	v50 =	vld [tilespmem:s24+$0xFFFFFF30]  }
0x46f: {  	v44 =	vshll.u32 v52, v1;
	v14 =	vmov v3;
	v3 =	vadd.s32 v3, v35;
	v52 =	vld [tilespmem:s24+$0xFFFFFF70];
	[tilespmem:v46+s20+$0x0] =	vst.idx.msk $0xffff, v2  }
0x470: {  	v0 =	vmul.f32 $8.000000000e+00, v58;
	v22 =	vld [tilespmem:$0x1FE20]  }
0x471: {  	v49 =	vld [tilespmem:s24+$0xFFFFFFB0]  }
0x472: {  	v2 =	vmul.f32 $8.000000000e+00, v59;
	v15 =	vmov v4;
	v51 =	vadd.s32 v4, v34;
	v4 =	vld [tilespmem:$0x1FFF0];
	[tilespmem:v60+s20+$0x0] =	vst.idx.msk $0xffff, v0  }
0x473: {  	v0 =	vld [tilespmem:$0x1FE40]  }
0x474: {  	v54 =	vld [tilespmem:s24+$0xFFFFFFF0];
	[tilespmem:v3+s20+$0x0] =	vst.idx.msk $0xffff, v2  }
0x475: {  	v24 =	vld [tilespmem:$0x1FE60]  }
0x476: {  	v45 =	vshrl.u32 v45, $0x3;
	v5 =	vshrl.u32 v5, $0x3;
	v21 =	vld [tilespmem:$0x1FE90]  }
0x477: {  	v47 =	vshll.u32 v45, v1;
	v45 =	vshll.u32 v53, v1;
	v46 =	vshll.u32 v43, v1;
	v25 =	vld [tilespmem:$0x1FEC0]  }
0x478: {  	v12 =	vmovc v7;
	v43 =	vshll.u32 v5, v1;
	v48 =	vadd.s32 v22, v39;
	v39 =	vmul.f32 $8.000000000e+00, v61;
	v29 =	vld [tilespmem:$0x1FEF0]  }
0x479: {  	s28 =	simm.s32 $0xF;
	s26 =	simm.s32 $0x10;
	v7 =	vld [tilespmem:$0x1FF20];
	v16 =	vmovc v4;
	v53 =	vadd.s32 v4, v41;
	v9 =	vmovc v0;
	v41 =	vadd.s32 v0, v40;
	v40 =	vmul.f32 $8.000000000e+00, v62  }
.LBB2_21:
0x47a: {  	_ = 	snop  }
0x47b: {  	v0 =	vmov s28;
	v2 =	vadd.s32 v24, v37;
	v3 =	vld [tilespmem:s24+$0x30]  }
0x47c: {  	v62 =	vld [tilespmem:$0x1FF80];
	[tilespmem:v55+s20+$0x0] =	vst.idx.msk $0xffff, v39;
	v0 =	vshrl.u32 v0, $0x3;
	v5 =	vmul.f32 $8.000000000e+00, v50  }
0x47d: {  	[tilespmem:v51+s20+$0x0] =	vst.idx.msk $0xffff, v40;
	v55 =	vld [tilespmem:s24+$0x70];
	v0 =	vshll.u32 v0, v1;
	v4 =	vmul.f32 $8.000000000e+00, v56  }
0x47e: {  	v36 =	vadd.s32 v21, v36;
	v57 =	vld [tilespmem:s24+$0xB0];
	s24 =	sadd.s32 $0x200, s24;
	v40 =	vbroadcast v0, $0x0;
	v0 =	vmul.f32 $8.000000000e+00, v49;
	[tilespmem:v48+s20+$0x0] =	vst.idx.msk $0xffff, v5  }
0x47f: {  	[tilespmem:v53+s20+$0x0] =	vst.idx.msk $0xffff, v4;
	v5 =	vadd.s32 v29, v33;
	v58 =	vld [tilespmem:s24+$0xFFFFFF00]  }
0x480: {  	v35 =	vadd.s32 v25, v35;
	v39 =	vmov v38;
	v56 =	vmul.f32 $8.000000000e+00, v52;
	[tilespmem:v2+s20+$0x0] =	vst.idx.msk $0xffff, v0;
	v4 =	vld [tilespmem:s24+$0xC0]  }
0x481: {  	v59 =	vmul.f32 $8.000000000e+00, v54;
	v0 =	vmul.f32 $8.000000000e+00, v3;
	v2 =	vadd.s32 v27, v39;
	v3 =	vld [tilespmem:s24+$0xFFFFFF80]  }
0x482: {  	v61 =	vadd.s32 v28, v40;
	[tilespmem:v41+s20+$0x0] =	vst.idx.msk $0xffff, v56;
	v53 =	vld [tilespmem:$0x1FF60];
	v38 =	vmul.f32 $8.000000000e+00, v55  }
0x483: {  	[tilespmem:v36+s20+$0x0] =	vst.idx.msk $0xffff, v59;
	v60 =	vld [tilespmem:s24+$0xFFFFFF40]  }
0x484: {  	v34 =	vadd.s32 v7, v34;
	v41 =	vbroadcast v47, $0x0;
	v48 =	vld [tilespmem:s24+$0xFFFFFFC0];
	[tilespmem:v5+s20+$0x0] =	vst.idx.msk $0xffff, v38;
	v5 =	vmul.f32 $8.000000000e+00, v58  }
0x485: {  	[tilespmem:v35+s20+$0x0] =	vst.idx.msk $0xffff, v0;
	v0 =	vmul.f32 $8.000000000e+00, v57;
	v57 =	vld [tilespmem:$0x1FF90];
	v4 =	vmul.f32 $8.000000000e+00, v4  }
0x486: {  	v37 =	vbroadcast v44, $0x0;
	[tilespmem:v2+s20+$0x0] =	vst.idx.msk $0xffff, v5;
	v2 =	vmul.f32 $8.000000000e+00, v3;
	v3 =	vld [tilespmem:$0x1FFA0]  }
0x487: {  	v36 =	vbroadcast v45, $0x0;
	v52 =	vadd.s32 v31, v41;
	[tilespmem:v61+s20+$0x0] =	vst.idx.msk $0xffff, v4;
	v61 =	vld [tilespmem:$0x1FFB0]  }
0x488: {  	v35 =	vbroadcast v46, $0x0;
	v55 =	vld [tilespmem:s24+$0x0];
	v54 =	vadd.s32 v53, v37  }
0x489: {  	v42 =	vshll.u32 v42, v1;
	v33 =	vbroadcast v43, $0x0;
	v63 =	vadd.s32 v62, v36;
	[tilespmem:v34+s20+$0x0] =	vst.idx.msk $0xffff, v0;
	v56 =	vld [tilespmem:s24+$0x40]  }
0x48a: {  	v34 =	vbroadcast v42, $0x0;
	v59 =	vld [tilespmem:s24+$0x80];
	v0 =	vmul.f32 $8.000000000e+00, v60;
	v58 =	vadd.s32 v57, v35  }
0x48b: {  	s28 =	sadd.s32 $0x1, s26;
	v51 =	vadd.s32 v6, v39;
	v49 =	vadd.s32 v13, v37;
	v5 =	vld [tilespmem:s24+$0xD0];
	v3 =	vadd.s32 v3, v33  }
0x48c: {  	v47 =	vmov s28;
	s28 =	sadd.s32 $0x2, s26;
	[tilespmem:v52+s20+$0x0] =	vst.idx.msk $0xffff, v0;
	v0 =	vmul.f32 $8.000000000e+00, v48;
	v60 =	vld [tilespmem:s24+$0xFFFFFF10];
	v44 =	vadd.s32 v61, v34  }
0x48d: {  	v45 =	vadd.s32 v19, v40;
	v50 =	vmov s28;
	v62 =	vld [tilespmem:s24+$0xFFFFFF50];
	[tilespmem:v54+s20+$0x0] =	vst.idx.msk $0xffff, v2;
	v2 =	vmul.f32 $8.000000000e+00, v55  }
0x48e: {  	v47 =	vshrl.u32 v47, $0x3;
	v46 =	vadd.s32 v10, v41;
	[tilespmem:v63+s20+$0x0] =	vst.idx.msk $0xffff, v0;
	v52 =	vld [tilespmem:s24+$0xFFFFFF90];
	v0 =	vmul.f32 $8.000000000e+00, v56  }
0x48f: {  	s28 =	sadd.s32 $0x3, s26;
	v50 =	vshrl.u32 v50, $0x3;
	v47 =	vshll.u32 v47, v1;
	v63 =	vld [tilespmem:s24+$0xFFFFFFD0];
	[tilespmem:v58+s20+$0x0] =	vst.idx.msk $0xffff, v2;
	v2 =	vmul.f32 $8.000000000e+00, v59  }
0x490: {  	v42 =	vadd.s32 v26, v36;
	v38 =	vmov s28;
	s28 =	sadd.s32 $0x4, s26;
	v54 =	vld [tilespmem:s24+$0x10];
	[tilespmem:v3+s20+$0x0] =	vst.idx.msk $0xffff, v0;
	v0 =	vmul.f32 $8.000000000e+00, v5  }
0x491: {  	v43 =	vmov s28;
	v4 =	vmov s26;
	v5 =	vmul.f32 $8.000000000e+00, v60;
	[tilespmem:v44+s20+$0x0] =	vst.idx.msk $0xffff, v2;
	v55 =	vld [tilespmem:s24+$0x50]  }
0x492: {  	v4 =	vshrl.u32 v4, $0x3;
	v61 =	vadd.s32 v30, v35;
	v60 =	vmul.f32 $8.000000000e+00, v62;
	v62 =	vld [tilespmem:s24+$0x90];
	[tilespmem:v45+s20+$0x0] =	vst.idx.msk $0xffff, v0  }
0x493: {  	v0 =	vshll.u32 v4, v1;
	[tilespmem:v51+s20+$0x0] =	vst.idx.msk $0xffff, v5;
	v4 =	vmul.f32 $8.000000000e+00, v52;
	v5 =	vadd.s32 v8, v33;
	v45 =	vld [tilespmem:s24+$0xE0]  }
0x494: {  	v53 =	vshrl.u32 v38, $0x3;
	v63 =	vmul.f32 $8.000000000e+00, v63;
	[tilespmem:v46+s20+$0x0] =	vst.idx.msk $0xffff, v60;
	v46 =	vadd.s32 v32, v34;
	v51 =	vld [tilespmem:s24+$0xFFFFFF20]  }
0x495: {  	v43 =	vshrl.u32 v43, $0x3;
	v52 =	vld [tilespmem:s24+$0xFFFFFF60];
	[tilespmem:v49+s20+$0x0] =	vst.idx.msk $0xffff, v4;
	v4 =	vmul.f32 $8.000000000e+00, v54;
	v49 =	vadd.s32 v17, v40  }
0x496: {  	s28 =	sadd.s32 $0x5, s26;
	v48 =	vadd.s32 v20, v37;
	[tilespmem:v42+s20+$0x0] =	vst.idx.msk $0xffff, v63;
	v54 =	vadd.s32 v23, v39;
	v57 =	vld [tilespmem:s24+$0xFFFFFFA0];
	v55 =	vmul.f32 $8.000000000e+00, v55  }
0x497: {  	v58 =	vadd.s32 v18, v41;
	v3 =	vmov s28;
	s28 =	sadd.s32 $0x6, s26;
	v59 =	vld [tilespmem:s24+$0xFFFFFFE0];
	[tilespmem:v61+s20+$0x0] =	vst.idx.msk $0xffff, v4;
	v4 =	vmul.f32 $8.000000000e+00, v62  }
0x498: {  	v41 =	vadd.s32 v9, v41;
	v2 =	vmov s28;
	v60 =	vld [tilespmem:s24+$0x20];
	[tilespmem:v5+s20+$0x0] =	vst.idx.msk $0xffff, v55;
	v5 =	vmul.f32 $8.000000000e+00, v45  }
0x499: {  	v42 =	vshrl.u32 v2, $0x3;
	v61 =	vadd.s32 v12, v36;
	v2 =	vmul.f32 $8.000000000e+00, v51;
	[tilespmem:v46+s20+$0x0] =	vst.idx.msk $0xffff, v4;
	v62 =	vld [tilespmem:s24+$0x60]  }
0x49a: {  	p0 =	slt.u32 s26, $0x78;
	v38 =	vbroadcast v0, $0x0;
	v0 =	vmul.f32 $8.000000000e+00, v52;
	v4 =	vadd.s32 v14, v35;
	v63 =	vld [tilespmem:s24+$0xA0];
	[tilespmem:v49+s20+$0x0] =	vst.idx.msk $0xffff, v5  }
.Ltmp14:
0x49b: {  	v44 =	vshll.u32 v50, v1;
	v3 =	vshrl.u32 v3, $0x3;
	[tilespmem:v54+s20+$0x0] =	vst.idx.msk $0xffff, v2;
	v2 =	vmul.f32 $8.000000000e+00, v57;
	v56 =	vld [tilespmem:s24+$0xF0];
	(pc) =	sbr.rel @p0 .LBB2_21-.Ltmp14, $4  }
0x49c: {  	v55 =	vadd.s32 v11, v33;
	v51 =	vadd.s32 v15, v34;
	[tilespmem:v58+s20+$0x0] =	vst.idx.msk $0xffff, v0;
	v0 =	vmul.f32 $8.000000000e+00, v59;
	v50 =	vld [tilespmem:s24+$0xFFFFFF30]  }
0x49d: {  	v45 =	vshll.u32 v53, v1;
	v53 =	vadd.s32 v16, v40;
	v52 =	vld [tilespmem:s24+$0xFFFFFF70];
	[tilespmem:v48+s20+$0x0] =	vst.idx.msk $0xffff, v2;
	v2 =	vmul.f32 $8.000000000e+00, v60  }
0x49e: {  	v46 =	vshll.u32 v43, v1;
	v43 =	vshll.u32 v3, v1;
	[tilespmem:v61+s20+$0x0] =	vst.idx.msk $0xffff, v0;
	v49 =	vld [tilespmem:s24+$0xFFFFFFB0]  }
0x49f: {  	s28 =	sadd.s32 $0x7, s26;
	s26 =	sadd.s32 $0x8, s26;
	v48 =	vadd.s32 v22, v39;
	v54 =	vld [tilespmem:s24+$0xFFFFFFF0];
	v39 =	vmul.f32 $8.000000000e+00, v62;
	[tilespmem:v4+s20+$0x0] =	vst.idx.msk $0xffff, v2;
	v40 =	vmul.f32 $8.000000000e+00, v63  }
0x4a0: {  	_ =	sdelay $0x3  }
0x4a1: {  	v2 =	vadd.s32 v24, v37;
	v3 =	vld [tilespmem:s24+$0x30];
	v4 =	vmul.f32 $8.000000000e+00, v56;
	[tilespmem:v55+s20+$0x0] =	vst.idx.msk $0xffff, v39  }
0x4a2: {  	v36 =	vadd.s32 v21, v36;
	v5 =	vmul.f32 $8.000000000e+00, v50;
	[tilespmem:v51+s20+$0x0] =	vst.idx.msk $0xffff, v40  }
0x4a3: {  	v35 =	vadd.s32 v25, v35;
	v62 =	vmul.f32 $8.000000000e+00, v52;
	[tilespmem:v53+s20+$0x0] =	vst.idx.msk $0xffff, v4  }
0x4a4: {  	[tilespmem:v48+s20+$0x0] =	vst.idx.msk $0xffff, v5;
	v52 =	vmul.f32 $8.000000000e+00, v49  }
0x4a5: {  	[tilespmem:v41+s20+$0x0] =	vst.idx.msk $0xffff, v62;
	v54 =	vmul.f32 $8.000000000e+00, v54  }
0x4a6: {  	v61 =	vld [tilespmem:s24+$0x70];
	[tilespmem:v2+s20+$0x0] =	vst.idx.msk $0xffff, v52;
	v2 =	vmul.f32 $8.000000000e+00, v3  }
0x4a7: {  	[tilespmem:v36+s20+$0x0] =	vst.idx.msk $0xffff, v54  }
0x4a8: {  	v33 =	vadd.s32 v29, v33;
	[tilespmem:v35+s20+$0x0] =	vst.idx.msk $0xffff, v2  }
0x4a9: {  	v57 =	vmov v24;
	v24 =	vld [tilespmem:$0x1FF60];
	_ =	sdelay $0x1  }
0x4aa: {  	v0 =	vmov s28;
	v40 =	vld [tilespmem:s24+$0xB0];
	v58 =	vmul.f32 $8.000000000e+00, v61  }
0x4ab: {  	s26 =	sadd.s32 $0x200, s24;
	v44 =	vbroadcast v44, $0x0;
	v0 =	vshrl.u32 v0, $0x3  }
0x4ac: {  	v34 =	vadd.s32 v7, v34;
	v63 =	vld [tilespmem:s26+$0xC0];
	v0 =	vshll.u32 v0, v1;
	[tilespmem:v33+s20+$0x0] =	vst.idx.msk $0xffff, v58  }
0x4ad: {  	v0 =	vbroadcast v0, $0x0;
	v61 =	vadd.s32 v24, v44;
	v24 =	vld [tilespmem:$0x1FF80]  }
0x4ae: {  	v53 =	vld [tilespmem:s26+$0xFFFFFF00]  }
0x4af: {  	v47 =	vbroadcast v47, $0x0;
	v55 =	vld [tilespmem:s26+$0xFFFFFF40];
	v49 =	vadd.s32 v28, v0;
	v2 =	vmul.f32 $8.000000000e+00, v40  }
0x4b0: {  	v45 =	vbroadcast v45, $0x0;
	v3 =	vadd.s32 v27, v38  }
0x4b1: {  	v59 =	vadd.s32 v31, v47;
	[tilespmem:v34+s20+$0x0] =	vst.idx.msk $0xffff, v2  }
0x4b2: {  	v4 =	vmul.f32 $8.000000000e+00, v63;
	v52 =	vadd.s32 v24, v45;
	v24 =	vld [tilespmem:$0x1FF90]  }
0x4b3: {  	v63 =	vmul.f32 $8.000000000e+00, v53  }
0x4b4: {  	v56 =	vld [tilespmem:s26+$0xFFFFFF80];
	v2 =	vmul.f32 $8.000000000e+00, v55;
	[tilespmem:v49+s20+$0x0] =	vst.idx.msk $0xffff, v4  }
0x4b5: {  	v46 =	vbroadcast v46, $0x0;
	v60 =	vld [tilespmem:s26+$0xFFFFFFC0];
	[tilespmem:v3+s20+$0x0] =	vst.idx.msk $0xffff, v63  }
0x4b6: {  	v4 =	vld [tilespmem:$0x1FFA0];
	[tilespmem:v59+s20+$0x0] =	vst.idx.msk $0xffff, v2  }
0x4b7: {  	v54 =	vadd.s32 v24, v46;
	v24 =	vld [tilespmem:$0x1FFB0]  }
0x4b8: {  	v62 =	vld [tilespmem:s26+$0x0]  }
0x4b9: {  	v42 =	vshll.u32 v42, v1;
	v43 =	vbroadcast v43, $0x0;
	v53 =	vld [tilespmem:s26+$0x40]  }
0x4ba: {  	v42 =	vbroadcast v42, $0x0;
	v55 =	vld [tilespmem:s26+$0x80]  }
0x4bb: {  	v3 =	vmul.f32 $8.000000000e+00, v56;
	v33 =	vld [tilespmem:s26+$0xFFFFFF10];
	v4 =	vadd.s32 v4, v43  }
0x4bc: {  	v56 =	vld [tilespmem:s26+$0xD0];
	v2 =	vmul.f32 $8.000000000e+00, v60;
	v58 =	vadd.s32 v24, v42  }
0x4bd: {  	v60 =	vadd.s32 v6, v38;
	v59 =	vld [tilespmem:s26+$0xFFFFFF50];
	[tilespmem:v61+s20+$0x0] =	vst.idx.msk $0xffff, v3;
	v3 =	vmul.f32 $8.000000000e+00, v62  }
0x4be: {  	v35 =	vadd.s32 v19, v0;
	[tilespmem:v52+s20+$0x0] =	vst.idx.msk $0xffff, v2;
	v2 =	vmul.f32 $8.000000000e+00, v53;
	v61 =	vld [tilespmem:s26+$0xFFFFFF90]  }
0x4bf: {  	v62 =	vadd.s32 v10, v47;
	v63 =	vld [tilespmem:s26+$0xFFFFFFD0];
	[tilespmem:v54+s20+$0x0] =	vst.idx.msk $0xffff, v3;
	v3 =	vmul.f32 $8.000000000e+00, v55  }
0x4c0: {  	v52 =	vadd.s32 v13, v44;
	v54 =	vmul.f32 $8.000000000e+00, v33;
	v53 =	vld [tilespmem:s26+$0x10];
	[tilespmem:v4+s20+$0x0] =	vst.idx.msk $0xffff, v2  }
0x4c1: {  	v55 =	vadd.s32 v26, v45;
	v2 =	vmul.f32 $8.000000000e+00, v56;
	v56 =	vld [tilespmem:s26+$0x50];
	[tilespmem:v58+s20+$0x0] =	vst.idx.msk $0xffff, v3  }
0x4c2: {  	[tilespmem:v60+s20+$0x0] =	vst.idx.msk $0xffff, v54;
	v3 =	vmul.f32 $8.000000000e+00, v59;
	v58 =	vadd.s32 v30, v46;
	v59 =	vld [tilespmem:s26+$0x90]  }
0x4c3: {  	v60 =	vadd.s32 v8, v43;
	[tilespmem:v35+s20+$0x0] =	vst.idx.msk $0xffff, v2;
	v2 =	vmul.f32 $8.000000000e+00, v61;
	v40 =	vld [tilespmem:s26+$0xFFFFFF20]  }
0x4c4: {  	v61 =	vadd.s32 v32, v42;
	v35 =	vld [tilespmem:s26+$0xE0];
	[tilespmem:v62+s20+$0x0] =	vst.idx.msk $0xffff, v3;
	v3 =	vmul.f32 $8.000000000e+00, v63  }
0x4c5: {  	[tilespmem:v52+s20+$0x0] =	vst.idx.msk $0xffff, v2;
	v2 =	vmul.f32 $8.000000000e+00, v53;
	v63 =	vadd.s32 v23, v38;
	v62 =	vld [tilespmem:s26+$0xFFFFFF60]  }
0x4c6: {  	v34 =	vadd.s32 v17, v0;
	v52 =	vld [tilespmem:s26+$0xFFFFFFA0];
	[tilespmem:v55+s20+$0x0] =	vst.idx.msk $0xffff, v3;
	v3 =	vmul.f32 $8.000000000e+00, v56  }
0x4c7: {  	v53 =	vadd.s32 v18, v47;
	v54 =	vld [tilespmem:s26+$0xFFFFFFE0];
	[tilespmem:v58+s20+$0x0] =	vst.idx.msk $0xffff, v2;
	v2 =	vmul.f32 $8.000000000e+00, v59  }
0x4c8: {  	v55 =	vadd.s32 v20, v44;
	v58 =	vmul.f32 $8.000000000e+00, v40;
	v56 =	vld [tilespmem:s26+$0x20];
	[tilespmem:v60+s20+$0x0] =	vst.idx.msk $0xffff, v3  }
0x4c9: {  	v3 =	vmul.f32 $8.000000000e+00, v35;
	v59 =	vadd.s32 v12, v45;
	v60 =	vld [tilespmem:s26+$0x60];
	[tilespmem:v61+s20+$0x0] =	vst.idx.msk $0xffff, v2  }
0x4ca: {  	[tilespmem:v63+s20+$0x0] =	vst.idx.msk $0xffff, v58;
	v2 =	vmul.f32 $8.000000000e+00, v62;
	v61 =	vadd.s32 v14, v46;
	v62 =	vld [tilespmem:s26+$0xA0]  }
0x4cb: {  	v63 =	vadd.s32 v11, v43;
	[tilespmem:v34+s20+$0x0] =	vst.idx.msk $0xffff, v3;
	v3 =	vmul.f32 $8.000000000e+00, v52;
	v41 =	vld [tilespmem:s26+$0xFFFFFF30]  }
0x4cc: {  	v49 =	vadd.s32 v15, v42;
	v34 =	vld [tilespmem:s26+$0xF0];
	[tilespmem:v53+s20+$0x0] =	vst.idx.msk $0xffff, v2;
	v2 =	vmul.f32 $8.000000000e+00, v54  }
0x4cd: {  	v51 =	vadd.s32 v22, v38;
	[tilespmem:v55+s20+$0x0] =	vst.idx.msk $0xffff, v3;
	v50 =	vld [tilespmem:s26+$0xFFFFFF70];
	v3 =	vmul.f32 $8.000000000e+00, v56  }
0x4ce: {  	v0 =	vadd.s32 v16, v0;
	v52 =	vld [tilespmem:s26+$0xFFFFFFB0];
	[tilespmem:v59+s20+$0x0] =	vst.idx.msk $0xffff, v2;
	v2 =	vmul.f32 $8.000000000e+00, v60  }
0x4cf: {  	v53 =	vadd.s32 v9, v47;
	v54 =	vld [tilespmem:s26+$0xFFFFFFF0];
	[tilespmem:v61+s20+$0x0] =	vst.idx.msk $0xffff, v3;
	v3 =	vmul.f32 $8.000000000e+00, v62  }
0x4d0: {  	v55 =	vadd.s32 v57, v44;
	v58 =	vmul.f32 $8.000000000e+00, v41;
	v56 =	vld [tilespmem:s26+$0x30];
	[tilespmem:v63+s20+$0x0] =	vst.idx.msk $0xffff, v2  }
0x4d1: {  	v59 =	vadd.s32 v21, v45;
	v2 =	vmul.f32 $8.000000000e+00, v34;
	v60 =	vld [tilespmem:s26+$0x70];
	[tilespmem:v49+s20+$0x0] =	vst.idx.msk $0xffff, v3  }
0x4d2: {  	v61 =	vadd.s32 v25, v46;
	[tilespmem:v51+s20+$0x0] =	vst.idx.msk $0xffff, v58;
	v3 =	vmul.f32 $8.000000000e+00, v50;
	v62 =	vld [tilespmem:s26+$0xB0]  }
0x4d3: {  	[tilespmem:v0+s20+$0x0] =	vst.idx.msk $0xffff, v2;
	v0 =	vmul.f32 $8.000000000e+00, v52;
	v2 =	vadd.s32 v29, v43  }
0x4d4: {  	v63 =	vadd.s32 v7, v42;
	[tilespmem:v53+s20+$0x0] =	vst.idx.msk $0xffff, v3;
	v3 =	vmul.f32 $8.000000000e+00, v54  }
0x4d5: {  	[tilespmem:v55+s20+$0x0] =	vst.idx.msk $0xffff, v0;
	v0 =	vmul.f32 $8.000000000e+00, v56  }
0x4d6: {  	[tilespmem:v59+s20+$0x0] =	vst.idx.msk $0xffff, v3;
	v3 =	vmul.f32 $8.000000000e+00, v60  }
0x4d7: {  	[tilespmem:v61+s20+$0x0] =	vst.idx.msk $0xffff, v0;
	v0 =	vmul.f32 $8.000000000e+00, v62  }
0x4d8: {  	[tilespmem:v2+s20+$0x0] =	vst.idx.msk $0xffff, v3  }
0x4d9: {  	s24 =	sadd.s32 s23, s0;
	[tilespmem:v63+s20+$0x0] =	vst.idx.msk $0xffff, v0  }
0x4da: {  	[hbm4b:s24+s3] =	stream.linear.scatter [tilespmem:s20], [sflag:$0x8], $0x80, $0x38;
	[tilespmem:$0x16C00] =	vst v63  }
0x4db: {  	s28 =	simm.s32 $0x14A88;
	s26 =	sadd.s32 $0x10, s24  }
0x4dc: {  	[hbm4b:s26+s3] =	stream.linear.scatter [tilespmem:s28], [sflag:$0x8], $0x80, $0x38;
	[tilespmem:$0x16C00] =	vst v63  }
0x4dd: {  	s26 =	sadd.s32 $0x20, s24;
	s28 =	simm.s32 $0x14B10  }
0x4de: {  	[hbm4b:s26+s3] =	stream.linear.scatter [tilespmem:s28], [sflag:$0x8], $0x80, $0x38;
	[tilespmem:$0x16C00] =	vst v63  }
0x4df: {  	s26 =	sadd.s32 $0x30, s24;
	s28 =	simm.s32 $0x14B98  }
0x4e0: {  	[hbm4b:s26+s3] =	stream.linear.scatter [tilespmem:s28], [sflag:$0x8], $0x80, $0x38;
	[tilespmem:$0x16C00] =	vst v63  }
0x4e1: {  	s26 =	sadd.s32 $0x40, s24;
	s28 =	simm.s32 $0x14C20  }
0x4e2: {  	[hbm4b:s26+s3] =	stream.linear.scatter [tilespmem:s28], [sflag:$0x8], $0x80, $0x38;
	[tilespmem:$0x16C00] =	vst v63  }
0x4e3: {  	s26 =	sadd.s32 $0x50, s24;
	s28 =	simm.s32 $0x14CA8  }
0x4e4: {  	[hbm4b:s26+s3] =	stream.linear.scatter [tilespmem:s28], [sflag:$0x8], $0x80, $0x38;
	[tilespmem:$0x16C00] =	vst v63  }
0x4e5: {  	s26 =	sadd.s32 $0x60, s24;
	s28 =	simm.s32 $0x14D30  }
0x4e6: {  	[hbm4b:s26+s3] =	stream.linear.scatter [tilespmem:s28], [sflag:$0x8], $0x80, $0x38;
	[tilespmem:$0x16C00] =	vst v63  }
0x4e7: {  	s24 =	sadd.s32 $0x70, s24;
	s28 =	simm.s32 $0x14DB8  }
0x4e8: {  	[hbm4b:s24+s3] =	stream.linear.scatter [tilespmem:s28], [sflag:$0x8], $0x80, $0x38;
	[tilespmem:$0x16C00] =	vst v63  }
0x4e9: {  	s24 =	sadd.s32 s23, s1;
	s28 =	simm.s32 $0x14E40  }
0x4ea: {  	[hbm4b:s24+s3] =	stream.linear.scatter [tilespmem:s28], [sflag:$0x8], $0x80, $0x38;
	[tilespmem:$0x16C00] =	vst v63  }
0x4eb: {  	s26 =	sadd.s32 $0x10, s24;
	s28 =	simm.s32 $0x14EC8  }
0x4ec: {  	[hbm4b:s26+s3] =	stream.linear.scatter [tilespmem:s28], [sflag:$0x8], $0x80, $0x38;
	[tilespmem:$0x16C00] =	vst v63  }
0x4ed: {  	s26 =	sadd.s32 $0x20, s24;
	s28 =	simm.s32 $0x14F50  }
0x4ee: {  	[hbm4b:s26+s3] =	stream.linear.scatter [tilespmem:s28], [sflag:$0x8], $0x80, $0x38;
	[tilespmem:$0x16C00] =	vst v63  }
0x4ef: {  	s26 =	sadd.s32 $0x30, s24;
	s28 =	simm.s32 $0x14FD8  }
0x4f0: {  	[hbm4b:s26+s3] =	stream.linear.scatter [tilespmem:s28], [sflag:$0x8], $0x80, $0x38;
	[tilespmem:$0x16C00] =	vst v63  }
0x4f1: {  	s26 =	sadd.s32 $0x40, s24;
	s28 =	simm.s32 $0x15060  }
0x4f2: {  	[hbm4b:s26+s3] =	stream.linear.scatter [tilespmem:s28], [sflag:$0x8], $0x80, $0x38;
	[tilespmem:$0x16C00] =	vst v63  }
0x4f3: {  	s26 =	sadd.s32 $0x50, s24;
	s28 =	simm.s32 $0x150E8  }
0x4f4: {  	[hbm4b:s26+s3] =	stream.linear.scatter [tilespmem:s28], [sflag:$0x8], $0x80, $0x38;
	[tilespmem:$0x16C00] =	vst v63  }
0x4f5: {  	s26 =	sadd.s32 $0x60, s24;
	s28 =	simm.s32 $0x15170  }
0x4f6: {  	[hbm4b:s26+s3] =	stream.linear.scatter [tilespmem:s28], [sflag:$0x8], $0x80, $0x38;
	[tilespmem:$0x16C00] =	vst v63  }
0x4f7: {  	s24 =	sadd.s32 $0x70, s24;
	s28 =	simm.s32 $0x151F8  }
0x4f8: {  	[hbm4b:s24+s3] =	stream.linear.scatter [tilespmem:s28], [sflag:$0x8], $0x80, $0x38;
	[tilespmem:$0x16C00] =	vst v63  }
0x4f9: {  	s24 =	sadd.s32 s23, s6;
	s28 =	simm.s32 $0x15280  }
0x4fa: {  	[hbm4b:s24+s3] =	stream.linear.scatter [tilespmem:s28], [sflag:$0x8], $0x80, $0x38;
	[tilespmem:$0x16C00] =	vst v63  }
0x4fb: {  	s26 =	sadd.s32 $0x10, s24;
	s28 =	simm.s32 $0x15308  }
0x4fc: {  	[hbm4b:s26+s3] =	stream.linear.scatter [tilespmem:s28], [sflag:$0x8], $0x80, $0x38;
	[tilespmem:$0x16C00] =	vst v63  }
0x4fd: {  	s26 =	sadd.s32 $0x20, s24;
	s28 =	simm.s32 $0x15390  }
0x4fe: {  	[hbm4b:s26+s3] =	stream.linear.scatter [tilespmem:s28], [sflag:$0x8], $0x80, $0x38;
	[tilespmem:$0x16C00] =	vst v63  }
0x4ff: {  	s26 =	sadd.s32 $0x30, s24;
	s28 =	simm.s32 $0x15418  }
0x500: {  	[hbm4b:s26+s3] =	stream.linear.scatter [tilespmem:s28], [sflag:$0x8], $0x80, $0x38;
	[tilespmem:$0x16C00] =	vst v63  }
0x501: {  	s26 =	sadd.s32 $0x40, s24;
	s28 =	simm.s32 $0x154A0  }
0x502: {  	[hbm4b:s26+s3] =	stream.linear.scatter [tilespmem:s28], [sflag:$0x8], $0x80, $0x38;
	[tilespmem:$0x16C00] =	vst v63  }
0x503: {  	s26 =	sadd.s32 $0x50, s24;
	s28 =	simm.s32 $0x15528  }
0x504: {  	[hbm4b:s26+s3] =	stream.linear.scatter [tilespmem:s28], [sflag:$0x8], $0x80, $0x38;
	[tilespmem:$0x16C00] =	vst v63  }
0x505: {  	s26 =	sadd.s32 $0x60, s24;
	s28 =	simm.s32 $0x155B0  }
0x506: {  	[hbm4b:s26+s3] =	stream.linear.scatter [tilespmem:s28], [sflag:$0x8], $0x80, $0x38;
	[tilespmem:$0x16C00] =	vst v63  }
0x507: {  	s24 =	sadd.s32 $0x70, s24;
	s28 =	simm.s32 $0x15638  }
0x508: {  	[hbm4b:s24+s3] =	stream.linear.scatter [tilespmem:s28], [sflag:$0x8], $0x80, $0x38;
	[tilespmem:$0x16C00] =	vst v63  }
0x509: {  	s24 =	sadd.s32 s23, s25;
	s28 =	simm.s32 $0x156C0  }
0x50a: {  	[hbm4b:s24+s3] =	stream.linear.scatter [tilespmem:s28], [sflag:$0x8], $0x80, $0x38;
	[tilespmem:$0x16C00] =	vst v63  }
0x50b: {  	s26 =	sadd.s32 $0x10, s24;
	s28 =	simm.s32 $0x15748  }
0x50c: {  	[hbm4b:s26+s3] =	stream.linear.scatter [tilespmem:s28], [sflag:$0x8], $0x80, $0x38;
	[tilespmem:$0x16C00] =	vst v63  }
0x50d: {  	s26 =	sadd.s32 $0x20, s24;
	s28 =	simm.s32 $0x157D0  }
0x50e: {  	[hbm4b:s26+s3] =	stream.linear.scatter [tilespmem:s28], [sflag:$0x8], $0x80, $0x38;
	[tilespmem:$0x16C00] =	vst v63  }
0x50f: {  	s26 =	sadd.s32 $0x30, s24;
	s28 =	simm.s32 $0x15858  }
0x510: {  	[hbm4b:s26+s3] =	stream.linear.scatter [tilespmem:s28], [sflag:$0x8], $0x80, $0x38;
	[tilespmem:$0x16C00] =	vst v63  }
0x511: {  	s26 =	sadd.s32 $0x40, s24;
	s28 =	simm.s32 $0x158E0  }
0x512: {  	[hbm4b:s26+s3] =	stream.linear.scatter [tilespmem:s28], [sflag:$0x8], $0x80, $0x38;
	[tilespmem:$0x16C00] =	vst v63  }
0x513: {  	s26 =	sadd.s32 $0x50, s24;
	s28 =	simm.s32 $0x15968  }
0x514: {  	[hbm4b:s26+s3] =	stream.linear.scatter [tilespmem:s28], [sflag:$0x8], $0x80, $0x38;
	[tilespmem:$0x16C00] =	vst v63  }
0x515: {  	s26 =	sadd.s32 $0x60, s24;
	s28 =	simm.s32 $0x159F0  }
0x516: {  	[hbm4b:s26+s3] =	stream.linear.scatter [tilespmem:s28], [sflag:$0x8], $0x80, $0x38;
	[tilespmem:$0x16C00] =	vst v63  }
0x517: {  	s24 =	sadd.s32 $0x70, s24;
	s28 =	simm.s32 $0x15A78  }
0x518: {  	[hbm4b:s24+s3] =	stream.linear.scatter [tilespmem:s28], [sflag:$0x8], $0x80, $0x38;
	[tilespmem:$0x16C00] =	vst v63  }
0x519: {  	s24 =	sadd.s32 s23, s2;
	s28 =	simm.s32 $0x15B00  }
0x51a: {  	[hbm4b:s24+s3] =	stream.linear.scatter [tilespmem:s28], [sflag:$0x8], $0x80, $0x38;
	[tilespmem:$0x16C00] =	vst v63  }
0x51b: {  	s26 =	sadd.s32 $0x10, s24;
	s28 =	simm.s32 $0x15B88  }
0x51c: {  	[hbm4b:s26+s3] =	stream.linear.scatter [tilespmem:s28], [sflag:$0x8], $0x80, $0x38;
	[tilespmem:$0x16C00] =	vst v63  }
0x51d: {  	s26 =	sadd.s32 $0x20, s24;
	s28 =	simm.s32 $0x15C10  }
0x51e: {  	[hbm4b:s26+s3] =	stream.linear.scatter [tilespmem:s28], [sflag:$0x8], $0x80, $0x38;
	[tilespmem:$0x16C00] =	vst v63  }
0x51f: {  	s26 =	sadd.s32 $0x30, s24;
	s28 =	simm.s32 $0x15C98  }
0x520: {  	[hbm4b:s26+s3] =	stream.linear.scatter [tilespmem:s28], [sflag:$0x8], $0x80, $0x38;
	[tilespmem:$0x16C00] =	vst v63  }
0x521: {  	s26 =	sadd.s32 $0x40, s24;
	s28 =	simm.s32 $0x15D20  }
0x522: {  	[hbm4b:s26+s3] =	stream.linear.scatter [tilespmem:s28], [sflag:$0x8], $0x80, $0x38;
	[tilespmem:$0x16C00] =	vst v63  }
0x523: {  	s26 =	sadd.s32 $0x50, s24;
	s28 =	simm.s32 $0x15DA8  }
0x524: {  	[hbm4b:s26+s3] =	stream.linear.scatter [tilespmem:s28], [sflag:$0x8], $0x80, $0x38;
	[tilespmem:$0x16C00] =	vst v63  }
0x525: {  	s26 =	sadd.s32 $0x60, s24;
	s28 =	simm.s32 $0x15E30  }
0x526: {  	[hbm4b:s26+s3] =	stream.linear.scatter [tilespmem:s28], [sflag:$0x8], $0x80, $0x38;
	[tilespmem:$0x16C00] =	vst v63  }
0x527: {  	s24 =	sadd.s32 $0x70, s24;
	s28 =	simm.s32 $0x15EB8  }
0x528: {  	[hbm4b:s24+s3] =	stream.linear.scatter [tilespmem:s28], [sflag:$0x8], $0x80, $0x38;
	[tilespmem:$0x16C00] =	vst v63  }
0x529: {  	s24 =	sadd.s32 s23, s4;
	s28 =	simm.s32 $0x15F40  }
0x52a: {  	[hbm4b:s24+s3] =	stream.linear.scatter [tilespmem:s28], [sflag:$0x8], $0x80, $0x38;
	[tilespmem:$0x16C00] =	vst v63  }
0x52b: {  	s26 =	sadd.s32 $0x10, s24;
	s28 =	simm.s32 $0x15FC8  }
0x52c: {  	[hbm4b:s26+s3] =	stream.linear.scatter [tilespmem:s28], [sflag:$0x8], $0x80, $0x38;
	[tilespmem:$0x16C00] =	vst v63  }
0x52d: {  	s26 =	sadd.s32 $0x20, s24;
	s28 =	simm.s32 $0x16050  }
0x52e: {  	[hbm4b:s26+s3] =	stream.linear.scatter [tilespmem:s28], [sflag:$0x8], $0x80, $0x38;
	[tilespmem:$0x16C00] =	vst v63  }
0x52f: {  	s26 =	sadd.s32 $0x30, s24;
	s28 =	simm.s32 $0x160D8  }
0x530: {  	[hbm4b:s26+s3] =	stream.linear.scatter [tilespmem:s28], [sflag:$0x8], $0x80, $0x38;
	[tilespmem:$0x16C00] =	vst v63  }
0x531: {  	s26 =	sadd.s32 $0x40, s24;
	s28 =	simm.s32 $0x16160  }
0x532: {  	[hbm4b:s26+s3] =	stream.linear.scatter [tilespmem:s28], [sflag:$0x8], $0x80, $0x38;
	[tilespmem:$0x16C00] =	vst v63  }
0x533: {  	s26 =	sadd.s32 $0x50, s24;
	s28 =	simm.s32 $0x161E8  }
0x534: {  	[hbm4b:s26+s3] =	stream.linear.scatter [tilespmem:s28], [sflag:$0x8], $0x80, $0x38;
	[tilespmem:$0x16C00] =	vst v63  }
0x535: {  	s26 =	sadd.s32 $0x60, s24;
	s28 =	simm.s32 $0x16270  }
0x536: {  	[hbm4b:s26+s3] =	stream.linear.scatter [tilespmem:s28], [sflag:$0x8], $0x80, $0x38;
	[tilespmem:$0x16C00] =	vst v63  }
0x537: {  	s24 =	sadd.s32 $0x70, s24;
	s28 =	simm.s32 $0x162F8  }
0x538: {  	[hbm4b:s24+s3] =	stream.linear.scatter [tilespmem:s28], [sflag:$0x8], $0x80, $0x38;
	[tilespmem:$0x16C00] =	vst v63  }
0x539: {  	s24 =	sadd.s32 s23, s7;
	s28 =	simm.s32 $0x16380  }
0x53a: {  	[hbm4b:s24+s3] =	stream.linear.scatter [tilespmem:s28], [sflag:$0x8], $0x80, $0x38;
	[tilespmem:$0x16C00] =	vst v63  }
0x53b: {  	s26 =	sadd.s32 $0x10, s24;
	s28 =	simm.s32 $0x16408  }
0x53c: {  	[hbm4b:s26+s3] =	stream.linear.scatter [tilespmem:s28], [sflag:$0x8], $0x80, $0x38;
	[tilespmem:$0x16C00] =	vst v63  }
0x53d: {  	s26 =	sadd.s32 $0x20, s24;
	s28 =	simm.s32 $0x16490  }
0x53e: {  	[hbm4b:s26+s3] =	stream.linear.scatter [tilespmem:s28], [sflag:$0x8], $0x80, $0x38;
	[tilespmem:$0x16C00] =	vst v63  }
0x53f: {  	s26 =	sadd.s32 $0x30, s24;
	s28 =	simm.s32 $0x16518  }
0x540: {  	[hbm4b:s26+s3] =	stream.linear.scatter [tilespmem:s28], [sflag:$0x8], $0x80, $0x38;
	[tilespmem:$0x16C00] =	vst v63  }
0x541: {  	s26 =	sadd.s32 $0x40, s24;
	s28 =	simm.s32 $0x165A0  }
0x542: {  	[hbm4b:s26+s3] =	stream.linear.scatter [tilespmem:s28], [sflag:$0x8], $0x80, $0x38;
	[tilespmem:$0x16C00] =	vst v63  }
0x543: {  	s26 =	sadd.s32 $0x50, s24;
	s28 =	simm.s32 $0x16628  }
0x544: {  	[hbm4b:s26+s3] =	stream.linear.scatter [tilespmem:s28], [sflag:$0x8], $0x80, $0x38;
	[tilespmem:$0x16C00] =	vst v63  }
0x545: {  	s26 =	sadd.s32 $0x60, s24;
	s28 =	simm.s32 $0x166B0  }
0x546: {  	[hbm4b:s26+s3] =	stream.linear.scatter [tilespmem:s28], [sflag:$0x8], $0x80, $0x38;
	[tilespmem:$0x16C00] =	vst v63  }
0x547: {  	s24 =	sadd.s32 $0x70, s24;
	s28 =	simm.s32 $0x16738  }
0x548: {  	[hbm4b:s24+s3] =	stream.linear.scatter [tilespmem:s28], [sflag:$0x8], $0x80, $0x38;
	[tilespmem:$0x16C00] =	vst v63  }
0x549: {  	s23 =	sadd.s32 s23, s8;
	s28 =	simm.s32 $0x167C0  }
0x54a: {  	[hbm4b:s23+s3] =	stream.linear.scatter [tilespmem:s28], [sflag:$0x8], $0x80, $0x38;
	[tilespmem:$0x16C00] =	vst v63  }
0x54b: {  	s26 =	sadd.s32 $0x10, s23;
	s28 =	simm.s32 $0x16848  }
0x54c: {  	[hbm4b:s26+s3] =	stream.linear.scatter [tilespmem:s28], [sflag:$0x8], $0x80, $0x38;
	[tilespmem:$0x16C00] =	vst v63  }
0x54d: {  	s26 =	sadd.s32 $0x20, s23;
	s28 =	simm.s32 $0x168D0  }
0x54e: {  	[hbm4b:s26+s3] =	stream.linear.scatter [tilespmem:s28], [sflag:$0x8], $0x80, $0x38;
	[tilespmem:$0x16C00] =	vst v63  }
0x54f: {  	s26 =	sadd.s32 $0x30, s23;
	s28 =	simm.s32 $0x16958  }
0x550: {  	[hbm4b:s26+s3] =	stream.linear.scatter [tilespmem:s28], [sflag:$0x8], $0x80, $0x38;
	[tilespmem:$0x16C00] =	vst v63  }
0x551: {  	s26 =	sadd.s32 $0x40, s23;
	s28 =	simm.s32 $0x169E0  }
0x552: {  	[hbm4b:s26+s3] =	stream.linear.scatter [tilespmem:s28], [sflag:$0x8], $0x80, $0x38;
	[tilespmem:$0x16C00] =	vst v63  }
0x553: {  	p0 =	seq.s32 s21, $0x31;
	s26 =	sadd.s32 $0x50, s23;
	s28 =	simm.s32 $0x16A68  }
0x554: {  	[hbm4b:s26+s3] =	stream.linear.scatter [tilespmem:s28], [sflag:$0x8], $0x80, $0x38;
	[tilespmem:$0x16C00] =	vst v63  }
.Ltmp15:
0x555: {  	_ = 	snop;
	(pc) =	sbr.rel @p0 .LBB2_24-.Ltmp15, $4  }
0x556: {  	s26 =	sadd.s32 $0x60, s23;
	s28 =	simm.s32 $0x16AF0  }
0x557: {  	v31 =	vmov v57;
	[hbm4b:s26+s3] =	stream.linear.scatter [tilespmem:s28], [sflag:$0x8], $0x80, $0x38;
	[tilespmem:$0x16C00] =	vst v63  }
0x558: {  	v28 =	vmovc v23;
	v17 =	vmovc v6;
	v21 =	vmov v13;
	v41 =	vmov v8;
	v25 =	vmov v15;
	s23 =	sadd.s32 $0x70, s23;
	s28 =	simm.s32 $0x16B78  }
0x559: {  	v29 =	vmovc v11;
	v11 =	vmovc v16;
	v63 =	vmov v32;
	v0 =	vmov v10;
	v10 =	vmov v12;
	[hbm4b:s23+s3] =	stream.linear.scatter [tilespmem:s28], [sflag:$0x8], $0x80, $0x38;
	[tilespmem:$0x16C00] =	vst v63  }
0x55a: {  	v15 =	vld [tilespmem:$0x1FF30]  }
0x55b: {  	v12 =	vld [tilespmem:$0x1FE20]  }
0x55c: {  	v9 =	vld [tilespmem:$0x1FF40]  }
0x55d: {  	v16 =	vld [tilespmem:$0x1FF50]  }
0x55e: {  	v13 =	vld [tilespmem:$0x1FF60]  }
0x55f: {  	v8 =	vld [tilespmem:$0x1FF70]  }
0x560: {  	v24 =	vld [tilespmem:$0x1FF80]  }
0x561: {  	v54 =	vld [tilespmem:$0x1FF90]  }
0x562: {  	v5 =	vld [tilespmem:$0x1FEC0]  }
.Ltmp16:
0x563: {  	v32 =	vld [tilespmem:$0x1FFA0];
	(pc) =	sbr.rel .LBB2_2-.Ltmp16, $4  }
0x564: {  	v19 =	vld [tilespmem:$0x1FFB0]  }
0x565: {  	s22 =	sadd.s32 $0x380, s22;
	v18 =	vld [tilespmem:$0x1FFC0]  }
0x566: {  	s23 =	simm.s32 $0xC400;
	s21 =	sadd.s32 $0x1, s21;
	v22 =	vld [tilespmem:$0x1FFD0];
	s22 =	sand.u32 $0xFF80, s22  }
0x567: {  	v23 =	vld [tilespmem:$0x1FFE0];
	v59 =	vmov v0;
	[tilespmem:s23], [sflag:$0x4] =	stream.indirect.gather [hbm4b:s5+s9], $0x40, s22, s9, $0xb8  }
.LBB2_25:
0x568: {  	_ =	sfence.sel $0x180000  }
0x569: {  	[bflag:$0x0] =	sbarrier.arrive $0xFFFF  }
0x56a: {  	_ =	strace $0x90000047  }
0x56b: {  	s0 =	stileid.u32;
	[bflag:$0x2] =	sbarrier.arrive $0xFFFF  }
0x56c: {  	p0 =	sne.s32 s0, $0x0;
	s0 =	rddreg [dreg:$0x3]  }
0x56d: {  	s0 =	sadd.s32 @!p0 $0x100000, s0  }
0x56e: {  	[sflag:s0] =	ssyncadd.tile.s32 @!p0 $0x1;
	_ =	shalt  }
.Lfunc_end2:
_tile_overlayer_lowered:
.L_overlay_start_2:
0x56f: {  	(tag) =	ssettag $0x2  }
0x570: {  	s0 =	rddreg [dreg:$0x0];
	s2 =	stileid.u32  }
0x571: {  	s1 =	rddreg [dreg:$0x1];
	p0 =	sne.s32 s2, $0x0  }
0x572: {  	s3 =	rddreg [dreg:$0x2];
	[bflag:$0x3] =	sbarrier.arrive $0xFFFF;
	s2 =	simm.s32 @!p0 $0x1C09  }
0x573: {  	[timem:s3], [sflag:s2] =	dma.local @!p0 [hbm:s0], s1  }
0x574: {  	s0 =	simm.s32 @!p0 $0x9  }
0x575: {  	_ =	swait.ge @!p0 [sflag:s0], s1  }
0x576: {  	s1 =	ssub.s32 @!p0 $0x0, s1;
	[sflag:s0] =	ssyncset.done @!p0 $0x0  }
0x577: {  	[sflag:s0] =	ssyncadd.s32 @!p0 s1  }
0x578: {  	[bflag:$0x3] =	sbarrier.arrive $0xFFFF  }
0x579: {  	_ =	shalt  }

</sc_bundles>
